<compile_context>
chip_gen: v7x
topology: tpu7x:2x2x1
jax: 0.10.2.dev20260603
libtpu: 0.0.44.dev20260713+nightly
codegen_flags: <defaults>
</compile_context>

<pallas_src>
import functools

import jax
import jax.numpy as jnp
from jax import lax
from jax.experimental import pallas as pl
from jax.experimental.pallas import tpu as pltpu
from jax.experimental.pallas import tpu_sc as plsc

_VB = 65536
_VT_BLOCKS = 13
_SC_LANES = 16


def _sc_worker(x_hbm, max_out, idx_out, buf0, buf1, outv, outi, sem0, sem1,
               *, B, VT, CH, CHUNKS, VSC_END):
    w = lax.axis_index("s") * 2 + lax.axis_index("c")

    @pl.when(w < B)
    def _():
        bufs = (buf0, buf1)
        sems = (sem0, sem1)
        off0, len0 = CHUNKS[0]
        h_next = pltpu.async_copy(x_hbm.at[w, 0, pl.ds(off0, len0)],
                                  buf0.at[pl.ds(0, len0)], sem0)
        best_m = jnp.full((_SC_LANES,), -jnp.inf, jnp.float32)
        best_off = jnp.full((_SC_LANES,), VT, jnp.int32)
        for k, (off, ln) in enumerate(CHUNKS):
            h_cur = h_next
            if k + 1 < len(CHUNKS):
                noff, nln = CHUNKS[k + 1]
                nb = (k + 1) % 2
                h_next = pltpu.async_copy(
                    x_hbm.at[w, 0, pl.ds(noff, nln)],
                    bufs[nb].at[pl.ds(0, nln)], sems[nb])
            h_cur.wait()
            buf = bufs[k % 2]
            U = 16
            step = _SC_LANES * U
            ninf = jnp.full((_SC_LANES,), -jnp.inf, jnp.float32)

            def body(j, carry, buf=buf):
                vs = list(carry)
                for u in range(U):
                    vs[u] = jnp.maximum(
                        vs[u], buf[pl.ds(j * step + u * _SC_LANES, _SC_LANES)])
                return tuple(vs)

            vs = lax.fori_loop(0, ln // step, body, (ninf,) * U)
            vm = functools.reduce(jnp.maximum, vs)
            nrem = (ln % step) // _SC_LANES

            def body_r(j, vmc, buf=buf, base=(ln // step) * step):
                return jnp.maximum(vmc, buf[pl.ds(base + j * _SC_LANES, _SC_LANES)])

            if nrem:
                vm = lax.fori_loop(0, nrem, body_r, vm)
            upd = vm > best_m
            best_off = jnp.where(upd, jnp.int32(off), best_off)
            best_m = jnp.maximum(best_m, vm)

        outv[...] = best_m
        outi[...] = best_off
        pltpu.sync_copy(outv, max_out.at[w])
        pltpu.sync_copy(outi, idx_out.at[w])


_SC_CH = 28672


def _merge_sc(scm_ref, scoff_ref, woff_out, *, B, CH, VSC_END):
    big = jnp.int32(2**31 - 1)
    scm = scm_ref[...]
    m = jnp.max(scm, axis=1, keepdims=True)
    woff = jnp.min(jnp.where(scm == m, scoff_ref[...], big), axis=1, keepdims=True)
    woff_out[...] = jnp.minimum(woff, VSC_END - CH)


def _sc_partial(logits, B, VT, VSC_END):
    CH = _SC_CH
    chunks = []
    off = VT
    while off < VSC_END:
        ln = min(CH, VSC_END - off)
        chunks.append((off, ln))
        off += ln
    mesh = plsc.VectorSubcoreMesh(core_axis_name="c", subcore_axis_name="s",
                                  num_cores=2)
    f = pl.kernel(
        functools.partial(_sc_worker, B=B, VT=VT, CH=CH, CHUNKS=tuple(chunks),
                          VSC_END=VSC_END),
        out_type=(
            jax.ShapeDtypeStruct((B, _SC_LANES), jnp.float32),
            jax.ShapeDtypeStruct((B, _SC_LANES), jnp.int32),
        ),
        mesh=mesh,
        scratch_types=[
            pltpu.VMEM((CH,), jnp.float32),
            pltpu.VMEM((CH,), jnp.float32),
            pltpu.VMEM((_SC_LANES,), jnp.float32),
            pltpu.VMEM((_SC_LANES,), jnp.int32),
            pltpu.SemaphoreType.DMA,
            pltpu.SemaphoreType.DMA,
        ],
    )
    return f(logits)


def _pass_a(x_ref, bid_out, max_out, vmax_ref, vbid_ref, *, B, V, NB):
    i = pl.program_id(0)

    @pl.when(i == 0)
    def _init():
        vmax_ref[...] = jnp.full((B, 1), -jnp.inf, jnp.float32)
        vbid_ref[...] = jnp.zeros((B, 1), jnp.int32)

    def _update(bmax):
        better = bmax > vmax_ref[...]
        vbid_ref[...] = jnp.where(better, i, vbid_ref[...])
        vmax_ref[...] = jnp.where(better, bmax, vmax_ref[...])

    @pl.when(i < NB - 1)
    def _full():
        _update(jnp.max(x_ref[...].reshape(B, _VB), axis=1, keepdims=True))

    @pl.when(i == NB - 1)
    def _tail():
        rem = V - (NB - 1) * _VB
        lidx = jax.lax.broadcasted_iota(jnp.int32, (B, _VB), 1)
        x = jnp.where(lidx < rem, x_ref[...].reshape(B, _VB), -jnp.inf)
        _update(jnp.max(x, axis=1, keepdims=True))
        bid_out[...] = vbid_ref[...]
        max_out[...] = vmax_ref[...]


def _pass_b(bid_sref, woff_sref, gi_ref, x_any, bidv_ref, max_ref, lti_ref,
            am_ref, gt_ref, scm_ref, woffv_ref,
            tok_out, lti_out, am_out, gt_out, gi_out, xbuf, tbuf, scbuf, sem,
            *, B, V, S):
    amax = ((V - _VB) // 128) * 128
    tw = 128 + (V % 128 or 128)
    toff = V - tw
    copies = []
    for b in range(B):
        off = pl.multiple_of(jnp.minimum(bid_sref[b] * _VB, amax), 128)
        copies.append(pltpu.make_async_copy(
            x_any.at[b, 0, pl.ds(off, _VB)], xbuf.at[b], sem))
        copies.append(pltpu.make_async_copy(
            x_any.at[b, 0, pl.ds(toff, tw)], tbuf.at[b], sem))
        woff = pl.multiple_of(woff_sref[b], 128)
        copies.append(pltpu.make_async_copy(
            x_any.at[b, 0, pl.ds(woff, _SC_CH)], scbuf.at[b], sem))
    for c in copies:
        c.start()
    for c in copies:
        c.wait()

    big = jnp.int32(2**31 - 1)
    x = xbuf[...]
    base = jnp.minimum(bidv_ref[...] * _VB, amax)
    lidx = jax.lax.broadcasted_iota(jnp.int32, (B, _VB), 1)
    cand = jnp.where(x == max_ref[...], lidx + base, big)
    tc_tok = jnp.min(cand, axis=1, keepdims=True)
    t = tbuf[...]
    tmax = jnp.max(t, axis=1, keepdims=True)
    tidx = jax.lax.broadcasted_iota(jnp.int32, (B, tw), 1) + toff
    cand2 = jnp.where(t == tmax, tidx, big)
    t_tok = jnp.min(cand2, axis=1, keepdims=True)
    sc_m = jnp.max(scm_ref[...], axis=1, keepdims=True)
    xs = scbuf[...]
    sidx = jax.lax.broadcasted_iota(jnp.int32, (B, _SC_CH), 1) + woffv_ref[...]
    sc_i = jnp.min(jnp.where(xs == sc_m, sidx, big), axis=1, keepdims=True)
    v1 = jnp.maximum(max_ref[...], sc_m)
    tok1 = jnp.where(max_ref[...] >= sc_m, tc_tok, sc_i)
    tokens = jnp.where(v1 >= tmax, tok1, t_tok)
    tok_out[...] = tokens
    lti = jnp.minimum(lti_ref[...] + 1, S - 1)
    lti_out[...] = lti
    scol = jax.lax.broadcasted_iota(jnp.int32, (B, S), 1)
    am_out[...] = jnp.where(scol == lti, 1, am_ref[...])
    gi = gi_ref[0]
    gt_out[...] = jnp.where(scol == gi, tokens, gt_ref[...])
    gi_out[0] = jnp.minimum(gi + 1, S - 1)


def kernel(logits, last_token_index, attention_mask, generated_tokens, generated_index):
    B, _, V = logits.shape
    S = generated_tokens.shape[1]
    VT = _VT_BLOCKS * _VB
    VSC_END = (V // 128) * 128
    NB = VT // _VB

    sc_max, sc_off = _sc_partial(logits, B, VT, VSC_END)
    woff = pl.pallas_call(
        functools.partial(_merge_sc, B=B, CH=_SC_CH, VSC_END=VSC_END),
        out_shape=jax.ShapeDtypeStruct((B, 1), jnp.int32),
    )(sc_max, sc_off)

    bid, vmax = pl.pallas_call(
        functools.partial(_pass_a, B=B, V=VT, NB=NB),
        grid=(NB,),
        in_specs=[pl.BlockSpec((B, 1, _VB), lambda i: (0, 0, i))],
        out_specs=[
            pl.BlockSpec((B, 1), lambda i: (0, 0)),
            pl.BlockSpec((B, 1), lambda i: (0, 0)),
        ],
        out_shape=(
            jax.ShapeDtypeStruct((B, 1), jnp.int32),
            jax.ShapeDtypeStruct((B, 1), jnp.float32),
        ),
        scratch_shapes=[
            pltpu.VMEM((B, 1), jnp.float32),
            pltpu.VMEM((B, 1), jnp.int32),
        ],
        compiler_params=pltpu.CompilerParams(
            dimension_semantics=("arbitrary",),
        ),
    )(logits)

    const = lambda i, bid_ref, woff_ref, gi_ref: (0, 0)
    grid_spec = pltpu.PrefetchScalarGridSpec(
        num_scalar_prefetch=3,
        grid=(1,),
        in_specs=[
            pl.BlockSpec(memory_space=pl.ANY),
            pl.BlockSpec((B, 1), const),
            pl.BlockSpec((B, 1), const),
            pl.BlockSpec((B, 1), const),
            pl.BlockSpec((B, S), const),
            pl.BlockSpec((B, S), const),
            pl.BlockSpec((B, _SC_LANES), const),
            pl.BlockSpec((B, 1), const),
        ],
        out_specs=[
            pl.BlockSpec((B, 1), const),
            pl.BlockSpec((B, 1), const),
            pl.BlockSpec((B, S), const),
            pl.BlockSpec((B, S), const),
            pl.BlockSpec(memory_space=pltpu.SMEM),
        ],
        scratch_shapes=[
            pltpu.VMEM((B, _VB), jnp.float32),
            pltpu.VMEM((B, 128 + (V % 128 or 128)), jnp.float32),
            pltpu.VMEM((B, _SC_CH), jnp.float32),
            pltpu.SemaphoreType.DMA,
        ],
    )
    tok, lti, am, gt, gi = pl.pallas_call(
        functools.partial(_pass_b, B=B, V=V, S=S),
        grid_spec=grid_spec,
        out_shape=(
            jax.ShapeDtypeStruct((B, 1), jnp.int32),
            jax.ShapeDtypeStruct((B, 1), jnp.int32),
            jax.ShapeDtypeStruct((B, S), attention_mask.dtype),
            jax.ShapeDtypeStruct((B, S), generated_tokens.dtype),
            jax.ShapeDtypeStruct((1,), jnp.int32),
        ),
        compiler_params=pltpu.CompilerParams(
            dimension_semantics=("arbitrary",),
        ),
    )(bid.reshape(B), woff.reshape(B), generated_index, logits, bid, vmax,
      last_token_index, attention_mask, generated_tokens, sc_max, woff)
    return tok, lti, am, gt, gi

# --- scband reference (transcript-rebuilt; emitter-appended) ---
"""Pipeline reference for scband-postprocess-with-sampling-33457795235912 (READ-ONLY COPY).

The authoritative reference and input builder live on the scoring server;
editing this copy changes nothing except your own understanding.
"""

import jax, jax.numpy as jnp
import numpy as np

B, V, S = 32, 1000000, 8192

def setup_inputs(seed: int = 0) -> dict:
    key = jax.random.key(seed)
    k1, k2 = jax.random.split(key)
    logits = jax.random.normal(k1, (B, 1, V), dtype=jnp.float32)
    last_token_index = jax.random.randint(k2, (B, 1), 0, 8191, dtype=jnp.int32)
    attention_mask = jnp.zeros((B, S), dtype=jnp.int32)
    generated_tokens = jnp.zeros((B, S), dtype=jnp.int32)
    generated_index = jnp.zeros((1,), dtype=jnp.int32)
    return {
        "logits": logits,
        "last_token_index": last_token_index,
        "attention_mask": attention_mask,
        "generated_tokens": generated_tokens,
        "generated_index": generated_index,
    }

def reference(logits, last_token_index, attention_mask, generated_tokens, generated_index):
    batch_size = logits.shape[0]
    max_seq_length = generated_tokens.shape[1]
    # 1. Greedy sampling: argmax over vocab dimension
    tokens = jnp.argmax(logits[:, 0, :], axis=-1).astype(generated_tokens.dtype)  # (B,)
    # 2. Increment last_token_index, clamp to max_seq_length - 1
    lti = jnp.minimum(last_token_index + 1, max_seq_length - 1)  # (B, 1)
    # 3. Scatter 1 into attention_mask at updated last_token_index (batched scatter-overwrite)
    rows = jnp.arange(batch_size)
    attention_mask = attention_mask.at[rows, lti[:, 0]].set(jnp.ones((batch_size,), dtype=attention_mask.dtype))
    # 4. Scatter sampled tokens into generated_tokens at column generated_index
    gi = generated_index[0]
    generated_tokens = generated_tokens.at[rows, gi].set(tokens)
    # 5. Increment generated_index, clamp
    generated_index = jnp.minimum(generated_index + 1, max_seq_length - 1)
    return (tokens.reshape(batch_size, 1), lti, attention_mask, generated_tokens, generated_index)

if __name__ == "__main__":
    import jax
    _d = setup_inputs()
    print(jax.jit(kernel)(*tuple(_d.values())))

</pallas_src>

<mosaic_0001>
#map = affine_map<(d0, d1) -> (0, 0, 0)>
#map1 = affine_map<(d0, d1) -> (0, 0)>
module attributes {stable_mosaic.version = 14 : i64} {
  func.func @_sc_worker(%arg0: i32, %arg1: i32, %arg2: memref<32x1x1000000xf32, #tpu.memory_space<hbm>>, %arg3: memref<32x16xf32, #tpu.memory_space<hbm>>, %arg4: memref<32x16xi32, #tpu.memory_space<hbm>>, %arg5: memref<28672xf32, #tpu.memory_space<vmem>>, %arg6: memref<28672xf32, #tpu.memory_space<vmem>>, %arg7: memref<16xf32, #tpu.memory_space<vmem>>, %arg8: memref<16xi32, #tpu.memory_space<vmem>>, %arg9: memref<!tpu.dma_semaphore, #tpu.memory_space<semaphore_mem>>, %arg10: memref<!tpu.dma_semaphore, #tpu.memory_space<semaphore_mem>>) attributes {dimension_semantics = [#tpu.dimension_semantics<core_parallel>, #tpu.dimension_semantics<subcore_parallel>], iteration_bounds = array<i64: 2, 16>, scalar_prefetch = 0 : i64, scratch_operands = 6 : i64, tpu.core_type = #tpu.core_type<sc_vector_subcore>, window_params = [{transform_indices = #map}, {transform_indices = #map1}, {transform_indices = #map1}]} {
    %mul3A = arith.constant 2 : i32
    %mul3A_0 = arith.muli %arg1, %mul3A : i32
    %add3A = arith.addi %mul3A_0, %arg0 : i32
    %lt3A = arith.constant 32 : i32
    %lt3A_1 = arith.cmpi slt, %add3A, %lt3A : i32
    %convert_element_type3A = arith.extui %lt3A_1 : i1 to i32
    %cond3A = arith.constant 0 : i32
    %cond3A_2 = arith.cmpi ne, %convert_element_type3A, %cond3A : i32
    scf.if %cond3A_2 {
      %dma_start3A = arith.constant 0 : i32
      %dma_start3A_3 = arith.constant 0 : i32
      %dma_start3A_4 = tpu.memref_slice %arg5[%dma_start3A_3] : memref<28672xf32, #tpu.memory_space<vmem>> -> memref<28672xf32, #tpu.memory_space<vmem>>
      %dma_start3A_5 = arith.constant 851968 : i32
      %dma_start3A_6 = tpu.memref_slice %arg2[%add3A, %dma_start3A, %dma_start3A_5] : memref<32x1x1000000xf32, #tpu.memory_space<hbm>> -> memref<1x1x28672xf32, #tpu.memory_space<hbm>>
      %dma_start3A_7 = tpu.memref_squeeze %dma_start3A_6 : memref<1x1x28672xf32, #tpu.memory_space<hbm>> -> memref<28672xf32, #tpu.memory_space<hbm>>
      %dma_start3A_8 = arith.constant 0 : i32
      %dma_start3A_9 = tpu.memref_slice %arg5[%dma_start3A_8] : memref<28672xf32, #tpu.memory_space<vmem>> -> memref<28672xf32, #tpu.memory_space<vmem>>
      %dma_start3A_10 = arith.constant 851968 : i32
      %dma_start3A_11 = tpu.memref_slice %arg2[%add3A, %dma_start3A, %dma_start3A_10] : memref<32x1x1000000xf32, #tpu.memory_space<hbm>> -> memref<1x1x28672xf32, #tpu.memory_space<hbm>>
      %dma_start3A_12 = tpu.memref_squeeze %dma_start3A_11 : memref<1x1x28672xf32, #tpu.memory_space<hbm>> -> memref<28672xf32, #tpu.memory_space<hbm>>
      tpu.enqueue_dma source(%dma_start3A_12 : memref<28672xf32, #tpu.memory_space<hbm>>) target(%dma_start3A_9 : memref<28672xf32, #tpu.memory_space<vmem>>) target_semaphore(%arg9 : memref<!tpu.dma_semaphore, #tpu.memory_space<semaphore_mem>>)
      %broadcast_in_dim3A = arith.constant 0xFF800000 : f32
      %broadcast_in_dim3A_13 = vector.broadcast %broadcast_in_dim3A : f32 to vector<16xf32>
      %broadcast_in_dim3A_14 = arith.constant 851968 : i32
      %broadcast_in_dim3A_15 = vector.broadcast %broadcast_in_dim3A_14 : i32 to vector<16xi32>
      %dma_start3A_16 = arith.constant 0 : i32
      %dma_start3A_17 = arith.constant 0 : i32
      %dma_start3A_18 = tpu.memref_slice %arg6[%dma_start3A_17] : memref<28672xf32, #tpu.memory_space<vmem>> -> memref<28672xf32, #tpu.memory_space<vmem>>
      %dma_start3A_19 = arith.constant 880640 : i32
      %dma_start3A_20 = tpu.memref_slice %arg2[%add3A, %dma_start3A_16, %dma_start3A_19] : memref<32x1x1000000xf32, #tpu.memory_space<hbm>> -> memref<1x1x28672xf32, #tpu.memory_space<hbm>>
      %dma_start3A_21 = tpu.memref_squeeze %dma_start3A_20 : memref<1x1x28672xf32, #tpu.memory_space<hbm>> -> memref<28672xf32, #tpu.memory_space<hbm>>
      %dma_start3A_22 = arith.constant 0 : i32
      %dma_start3A_23 = tpu.memref_slice %arg6[%dma_start3A_22] : memref<28672xf32, #tpu.memory_space<vmem>> -> memref<28672xf32, #tpu.memory_space<vmem>>
      %dma_start3A_24 = arith.constant 880640 : i32
      %dma_start3A_25 = tpu.memref_slice %arg2[%add3A, %dma_start3A_16, %dma_start3A_24] : memref<32x1x1000000xf32, #tpu.memory_space<hbm>> -> memref<1x1x28672xf32, #tpu.memory_space<hbm>>
      %dma_start3A_26 = tpu.memref_squeeze %dma_start3A_25 : memref<1x1x28672xf32, #tpu.memory_space<hbm>> -> memref<28672xf32, #tpu.memory_space<hbm>>
      tpu.enqueue_dma source(%dma_start3A_26 : memref<28672xf32, #tpu.memory_space<hbm>>) target(%dma_start3A_23 : memref<28672xf32, #tpu.memory_space<vmem>>) target_semaphore(%arg10 : memref<!tpu.dma_semaphore, #tpu.memory_space<semaphore_mem>>)
      %dma_wait3A = arith.constant 0 : i32
      %dma_wait3A_27 = arith.constant 0 : i32
      %dma_wait3A_28 = tpu.memref_slice %arg5[%dma_wait3A_27] : memref<28672xf32, #tpu.memory_space<vmem>> -> memref<28672xf32, #tpu.memory_space<vmem>>
      %dma_wait3A_29 = arith.constant 851968 : i32
      %dma_wait3A_30 = tpu.memref_slice %arg2[%add3A, %dma_wait3A, %dma_wait3A_29] : memref<32x1x1000000xf32, #tpu.memory_space<hbm>> -> memref<1x1x28672xf32, #tpu.memory_space<hbm>>
      %dma_wait3A_31 = tpu.memref_squeeze %dma_wait3A_30 : memref<1x1x28672xf32, #tpu.memory_space<hbm>> -> memref<28672xf32, #tpu.memory_space<hbm>>
      %dma_wait3A_32 = arith.constant 0 : i32
      %dma_wait3A_33 = tpu.memref_slice %arg5[%dma_wait3A_32] : memref<28672xf32, #tpu.memory_space<vmem>> -> memref<28672xf32, #tpu.memory_space<vmem>>
      %dma_wait3A_34 = arith.constant 851968 : i32
      %dma_wait3A_35 = tpu.memref_slice %arg2[%add3A, %dma_wait3A, %dma_wait3A_34] : memref<32x1x1000000xf32, #tpu.memory_space<hbm>> -> memref<1x1x28672xf32, #tpu.memory_space<hbm>>
      %dma_wait3A_36 = tpu.memref_squeeze %dma_wait3A_35 : memref<1x1x28672xf32, #tpu.memory_space<hbm>> -> memref<28672xf32, #tpu.memory_space<hbm>>
      tpu.wait_dma2 semaphore(%arg9 : memref<!tpu.dma_semaphore, #tpu.memory_space<semaphore_mem>>) src(%dma_wait3A_36 : memref<28672xf32, #tpu.memory_space<hbm>>) dst(%dma_wait3A_33 : memref<28672xf32, #tpu.memory_space<vmem>>)
      %broadcast_in_dim3A_37 = arith.constant 0xFF800000 : f32
      %broadcast_in_dim3A_38 = vector.broadcast %broadcast_in_dim3A_37 : f32 to vector<16xf32>
      %scan3A = arith.constant 0 : i32
      %scan3A_39 = arith.constant 112 : i32
      %scan3A_40 = arith.addi %scan3A, %scan3A_39 : i32
      %scan3A_41 = arith.constant 1 : i32
      %scan3A_42:16 = scf.for %scan3A_306 = %scan3A to %scan3A_40 step %scan3A_41 iter_args(%scan3A_307 = %broadcast_in_dim3A_38, %scan3A_308 = %broadcast_in_dim3A_38, %scan3A_309 = %broadcast_in_dim3A_38, %scan3A_310 = %broadcast_in_dim3A_38, %scan3A_311 = %broadcast_in_dim3A_38, %scan3A_312 = %broadcast_in_dim3A_38, %scan3A_313 = %broadcast_in_dim3A_38, %scan3A_314 = %broadcast_in_dim3A_38, %scan3A_315 = %broadcast_in_dim3A_38, %scan3A_316 = %broadcast_in_dim3A_38, %scan3A_317 = %broadcast_in_dim3A_38, %scan3A_318 = %broadcast_in_dim3A_38, %scan3A_319 = %broadcast_in_dim3A_38, %scan3A_320 = %broadcast_in_dim3A_38, %scan3A_321 = %broadcast_in_dim3A_38, %scan3A_322 = %broadcast_in_dim3A_38) -> (vector<16xf32>, vector<16xf32>, vector<16xf32>, vector<16xf32>, vector<16xf32>, vector<16xf32>, vector<16xf32>, vector<16xf32>, vector<16xf32>, vector<16xf32>, vector<16xf32>, vector<16xf32>, vector<16xf32>, vector<16xf32>, vector<16xf32>, vector<16xf32>)  : i32 {
        %mul3A_323 = arith.constant 256 : i32
        %mul3A_324 = arith.muli %scan3A_306, %mul3A_323 : i32
        %add3A_325 = arith.constant 0 : i32
        %add3A_326 = arith.addi %mul3A_324, %add3A_325 : i32
        %get3A = arith.index_cast %add3A_326 : i32 to index
        %get3A_327 = tpu.vector_load %arg5[%get3A] {strides = array<i32>} : memref<28672xf32, #tpu.memory_space<vmem>>, vector<16xf32>,
        %get3A_328 = vector.shape_cast %get3A_327 : vector<16xf32> to vector<16xf32>
        %max3A_329 = arith.maximumf %scan3A_307, %get3A_328 : vector<16xf32>
        %mul3A_330 = arith.constant 256 : i32
        %mul3A_331 = arith.muli %scan3A_306, %mul3A_330 : i32
        %add3A_332 = arith.constant 16 : i32
        %add3A_333 = arith.addi %mul3A_331, %add3A_332 : i32
        %get3A_334 = arith.index_cast %add3A_333 : i32 to index
        %get3A_335 = tpu.vector_load %arg5[%get3A_334] {strides = array<i32>} : memref<28672xf32, #tpu.memory_space<vmem>>, vector<16xf32>,
        %get3A_336 = vector.shape_cast %get3A_335 : vector<16xf32> to vector<16xf32>
        %max3A_337 = arith.maximumf %scan3A_308, %get3A_336 : vector<16xf32>
        %mul3A_338 = arith.constant 256 : i32
        %mul3A_339 = arith.muli %scan3A_306, %mul3A_338 : i32
        %add3A_340 = arith.constant 32 : i32
        %add3A_341 = arith.addi %mul3A_339, %add3A_340 : i32
        %get3A_342 = arith.index_cast %add3A_341 : i32 to index
        %get3A_343 = tpu.vector_load %arg5[%get3A_342] {strides = array<i32>} : memref<28672xf32, #tpu.memory_space<vmem>>, vector<16xf32>,
        %get3A_344 = vector.shape_cast %get3A_343 : vector<16xf32> to vector<16xf32>
        %max3A_345 = arith.maximumf %scan3A_309, %get3A_344 : vector<16xf32>
        %mul3A_346 = arith.constant 256 : i32
        %mul3A_347 = arith.muli %scan3A_306, %mul3A_346 : i32
        %add3A_348 = arith.constant 48 : i32
        %add3A_349 = arith.addi %mul3A_347, %add3A_348 : i32
        %get3A_350 = arith.index_cast %add3A_349 : i32 to index
        %get3A_351 = tpu.vector_load %arg5[%get3A_350] {strides = array<i32>} : memref<28672xf32, #tpu.memory_space<vmem>>, vector<16xf32>,
        %get3A_352 = vector.shape_cast %get3A_351 : vector<16xf32> to vector<16xf32>
        %max3A_353 = arith.maximumf %scan3A_310, %get3A_352 : vector<16xf32>
        %mul3A_354 = arith.constant 256 : i32
        %mul3A_355 = arith.muli %scan3A_306, %mul3A_354 : i32
        %add3A_356 = arith.constant 64 : i32
        %add3A_357 = arith.addi %mul3A_355, %add3A_356 : i32
        %get3A_358 = arith.index_cast %add3A_357 : i32 to index
        %get3A_359 = tpu.vector_load %arg5[%get3A_358] {strides = array<i32>} : memref<28672xf32, #tpu.memory_space<vmem>>, vector<16xf32>,
        %get3A_360 = vector.shape_cast %get3A_359 : vector<16xf32> to vector<16xf32>
        %max3A_361 = arith.maximumf %scan3A_311, %get3A_360 : vector<16xf32>
        %mul3A_362 = arith.constant 256 : i32
        %mul3A_363 = arith.muli %scan3A_306, %mul3A_362 : i32
        %add3A_364 = arith.constant 80 : i32
        %add3A_365 = arith.addi %mul3A_363, %add3A_364 : i32
        %get3A_366 = arith.index_cast %add3A_365 : i32 to index
        %get3A_367 = tpu.vector_load %arg5[%get3A_366] {strides = array<i32>} : memref<28672xf32, #tpu.memory_space<vmem>>, vector<16xf32>,
        %get3A_368 = vector.shape_cast %get3A_367 : vector<16xf32> to vector<16xf32>
        %max3A_369 = arith.maximumf %scan3A_312, %get3A_368 : vector<16xf32>
        %mul3A_370 = arith.constant 256 : i32
        %mul3A_371 = arith.muli %scan3A_306, %mul3A_370 : i32
        %add3A_372 = arith.constant 96 : i32
        %add3A_373 = arith.addi %mul3A_371, %add3A_372 : i32
        %get3A_374 = arith.index_cast %add3A_373 : i32 to index
        %get3A_375 = tpu.vector_load %arg5[%get3A_374] {strides = array<i32>} : memref<28672xf32, #tpu.memory_space<vmem>>, vector<16xf32>,
        %get3A_376 = vector.shape_cast %get3A_375 : vector<16xf32> to vector<16xf32>
        %max3A_377 = arith.maximumf %scan3A_313, %get3A_376 : vector<16xf32>
        %mul3A_378 = arith.constant 256 : i32
        %mul3A_379 = arith.muli %scan3A_306, %mul3A_378 : i32
        %add3A_380 = arith.constant 112 : i32
        %add3A_381 = arith.addi %mul3A_379, %add3A_380 : i32
        %get3A_382 = arith.index_cast %add3A_381 : i32 to index
        %get3A_383 = tpu.vector_load %arg5[%get3A_382] {strides = array<i32>} : memref<28672xf32, #tpu.memory_space<vmem>>, vector<16xf32>,
        %get3A_384 = vector.shape_cast %get3A_383 : vector<16xf32> to vector<16xf32>
        %max3A_385 = arith.maximumf %scan3A_314, %get3A_384 : vector<16xf32>
        %mul3A_386 = arith.constant 256 : i32
        %mul3A_387 = arith.muli %scan3A_306, %mul3A_386 : i32
        %add3A_388 = arith.constant 128 : i32
        %add3A_389 = arith.addi %mul3A_387, %add3A_388 : i32
        %get3A_390 = arith.index_cast %add3A_389 : i32 to index
        %get3A_391 = tpu.vector_load %arg5[%get3A_390] {strides = array<i32>} : memref<28672xf32, #tpu.memory_space<vmem>>, vector<16xf32>,
        %get3A_392 = vector.shape_cast %get3A_391 : vector<16xf32> to vector<16xf32>
        %max3A_393 = arith.maximumf %scan3A_315, %get3A_392 : vector<16xf32>
        %mul3A_394 = arith.constant 256 : i32
        %mul3A_395 = arith.muli %scan3A_306, %mul3A_394 : i32
        %add3A_396 = arith.constant 144 : i32
        %add3A_397 = arith.addi %mul3A_395, %add3A_396 : i32
        %get3A_398 = arith.index_cast %add3A_397 : i32 to index
        %get3A_399 = tpu.vector_load %arg5[%get3A_398] {strides = array<i32>} : memref<28672xf32, #tpu.memory_space<vmem>>, vector<16xf32>,
        %get3A_400 = vector.shape_cast %get3A_399 : vector<16xf32> to vector<16xf32>
        %max3A_401 = arith.maximumf %scan3A_316, %get3A_400 : vector<16xf32>
        %mul3A_402 = arith.constant 256 : i32
        %mul3A_403 = arith.muli %scan3A_306, %mul3A_402 : i32
        %add3A_404 = arith.constant 160 : i32
        %add3A_405 = arith.addi %mul3A_403, %add3A_404 : i32
        %get3A_406 = arith.index_cast %add3A_405 : i32 to index
        %get3A_407 = tpu.vector_load %arg5[%get3A_406] {strides = array<i32>} : memref<28672xf32, #tpu.memory_space<vmem>>, vector<16xf32>,
        %get3A_408 = vector.shape_cast %get3A_407 : vector<16xf32> to vector<16xf32>
        %max3A_409 = arith.maximumf %scan3A_317, %get3A_408 : vector<16xf32>
        %mul3A_410 = arith.constant 256 : i32
        %mul3A_411 = arith.muli %scan3A_306, %mul3A_410 : i32
        %add3A_412 = arith.constant 176 : i32
        %add3A_413 = arith.addi %mul3A_411, %add3A_412 : i32
        %get3A_414 = arith.index_cast %add3A_413 : i32 to index
        %get3A_415 = tpu.vector_load %arg5[%get3A_414] {strides = array<i32>} : memref<28672xf32, #tpu.memory_space<vmem>>, vector<16xf32>,
        %get3A_416 = vector.shape_cast %get3A_415 : vector<16xf32> to vector<16xf32>
        %max3A_417 = arith.maximumf %scan3A_318, %get3A_416 : vector<16xf32>
        %mul3A_418 = arith.constant 256 : i32
        %mul3A_419 = arith.muli %scan3A_306, %mul3A_418 : i32
        %add3A_420 = arith.constant 192 : i32
        %add3A_421 = arith.addi %mul3A_419, %add3A_420 : i32
        %get3A_422 = arith.index_cast %add3A_421 : i32 to index
        %get3A_423 = tpu.vector_load %arg5[%get3A_422] {strides = array<i32>} : memref<28672xf32, #tpu.memory_space<vmem>>, vector<16xf32>,
        %get3A_424 = vector.shape_cast %get3A_423 : vector<16xf32> to vector<16xf32>
        %max3A_425 = arith.maximumf %scan3A_319, %get3A_424 : vector<16xf32>
        %mul3A_426 = arith.constant 256 : i32
        %mul3A_427 = arith.muli %scan3A_306, %mul3A_426 : i32
        %add3A_428 = arith.constant 208 : i32
        %add3A_429 = arith.addi %mul3A_427, %add3A_428 : i32
        %get3A_430 = arith.index_cast %add3A_429 : i32 to index
        %get3A_431 = tpu.vector_load %arg5[%get3A_430] {strides = array<i32>} : memref<28672xf32, #tpu.memory_space<vmem>>, vector<16xf32>,
        %get3A_432 = vector.shape_cast %get3A_431 : vector<16xf32> to vector<16xf32>
        %max3A_433 = arith.maximumf %scan3A_320, %get3A_432 : vector<16xf32>
        %mul3A_434 = arith.constant 256 : i32
        %mul3A_435 = arith.muli %scan3A_306, %mul3A_434 : i32
        %add3A_436 = arith.constant 224 : i32
        %add3A_437 = arith.addi %mul3A_435, %add3A_436 : i32
        %get3A_438 = arith.index_cast %add3A_437 : i32 to index
        %get3A_439 = tpu.vector_load %arg5[%get3A_438] {strides = array<i32>} : memref<28672xf32, #tpu.memory_space<vmem>>, vector<16xf32>,
        %get3A_440 = vector.shape_cast %get3A_439 : vector<16xf32> to vector<16xf32>
        %max3A_441 = arith.maximumf %scan3A_321, %get3A_440 : vector<16xf32>
        %mul3A_442 = arith.constant 256 : i32
        %mul3A_443 = arith.muli %scan3A_306, %mul3A_442 : i32
        %add3A_444 = arith.constant 240 : i32
        %add3A_445 = arith.addi %mul3A_443, %add3A_444 : i32
        %get3A_446 = arith.index_cast %add3A_445 : i32 to index
        %get3A_447 = tpu.vector_load %arg5[%get3A_446] {strides = array<i32>} : memref<28672xf32, #tpu.memory_space<vmem>>, vector<16xf32>,
        %get3A_448 = vector.shape_cast %get3A_447 : vector<16xf32> to vector<16xf32>
        %max3A_449 = arith.maximumf %scan3A_322, %get3A_448 : vector<16xf32>
        scf.yield %max3A_329, %max3A_337, %max3A_345, %max3A_353, %max3A_361, %max3A_369, %max3A_377, %max3A_385, %max3A_393, %max3A_401, %max3A_409, %max3A_417, %max3A_425, %max3A_433, %max3A_441, %max3A_449 : vector<16xf32>, vector<16xf32>, vector<16xf32>, vector<16xf32>, vector<16xf32>, vector<16xf32>, vector<16xf32>, vector<16xf32>, vector<16xf32>, vector<16xf32>, vector<16xf32>, vector<16xf32>, vector<16xf32>, vector<16xf32>, vector<16xf32>, vector<16xf32>
      }
      %scan3A_43 = arith.constant 112 : i32
      %max3A = arith.maximumf %scan3A_42#0, %scan3A_42#1 : vector<16xf32>
      %max3A_44 = arith.maximumf %max3A, %scan3A_42#2 : vector<16xf32>
      %max3A_45 = arith.maximumf %max3A_44, %scan3A_42#3 : vector<16xf32>
      %max3A_46 = arith.maximumf %max3A_45, %scan3A_42#4 : vector<16xf32>
      %max3A_47 = arith.maximumf %max3A_46, %scan3A_42#5 : vector<16xf32>
      %max3A_48 = arith.maximumf %max3A_47, %scan3A_42#6 : vector<16xf32>
      %max3A_49 = arith.maximumf %max3A_48, %scan3A_42#7 : vector<16xf32>
      %max3A_50 = arith.maximumf %max3A_49, %scan3A_42#8 : vector<16xf32>
      %max3A_51 = arith.maximumf %max3A_50, %scan3A_42#9 : vector<16xf32>
      %max3A_52 = arith.maximumf %max3A_51, %scan3A_42#10 : vector<16xf32>
      %max3A_53 = arith.maximumf %max3A_52, %scan3A_42#11 : vector<16xf32>
      %max3A_54 = arith.maximumf %max3A_53, %scan3A_42#12 : vector<16xf32>
      %max3A_55 = arith.maximumf %max3A_54, %scan3A_42#13 : vector<16xf32>
      %max3A_56 = arith.maximumf %max3A_55, %scan3A_42#14 : vector<16xf32>
      %max3A_57 = arith.maximumf %max3A_56, %scan3A_42#15 : vector<16xf32>
      %gt3A = arith.cmpf ogt, %max3A_57, %broadcast_in_dim3A_13 : vector<16xf32>
      %jit3A = arith.constant 851968 : i32
      %broadcast_in_dim3A_58 = vector.broadcast %jit3A : i32 to vector<16xi32>
      %select_n3A = arith.select %gt3A, %broadcast_in_dim3A_58, %broadcast_in_dim3A_15 : vector<16xi1>, vector<16xi32>
      %max3A_59 = arith.maximumf %broadcast_in_dim3A_13, %max3A_57 : vector<16xf32>
      %dma_start3A_60 = arith.constant 0 : i32
      %dma_start3A_61 = arith.constant 0 : i32
      %dma_start3A_62 = tpu.memref_slice %arg5[%dma_start3A_61] : memref<28672xf32, #tpu.memory_space<vmem>> -> memref<28672xf32, #tpu.memory_space<vmem>>
      %dma_start3A_63 = arith.constant 909312 : i32
      %dma_start3A_64 = tpu.memref_slice %arg2[%add3A, %dma_start3A_60, %dma_start3A_63] : memref<32x1x1000000xf32, #tpu.memory_space<hbm>> -> memref<1x1x28672xf32, #tpu.memory_space<hbm>>
      %dma_start3A_65 = tpu.memref_squeeze %dma_start3A_64 : memref<1x1x28672xf32, #tpu.memory_space<hbm>> -> memref<28672xf32, #tpu.memory_space<hbm>>
      %dma_start3A_66 = arith.constant 0 : i32
      %dma_start3A_67 = tpu.memref_slice %arg5[%dma_start3A_66] : memref<28672xf32, #tpu.memory_space<vmem>> -> memref<28672xf32, #tpu.memory_space<vmem>>
      %dma_start3A_68 = arith.constant 909312 : i32
      %dma_start3A_69 = tpu.memref_slice %arg2[%add3A, %dma_start3A_60, %dma_start3A_68] : memref<32x1x1000000xf32, #tpu.memory_space<hbm>> -> memref<1x1x28672xf32, #tpu.memory_space<hbm>>
      %dma_start3A_70 = tpu.memref_squeeze %dma_start3A_69 : memref<1x1x28672xf32, #tpu.memory_space<hbm>> -> memref<28672xf32, #tpu.memory_space<hbm>>
      tpu.enqueue_dma source(%dma_start3A_70 : memref<28672xf32, #tpu.memory_space<hbm>>) target(%dma_start3A_67 : memref<28672xf32, #tpu.memory_space<vmem>>) target_semaphore(%arg9 : memref<!tpu.dma_semaphore, #tpu.memory_space<semaphore_mem>>)
      %dma_wait3A_71 = arith.constant 0 : i32
      %dma_wait3A_72 = arith.constant 0 : i32
      %dma_wait3A_73 = tpu.memref_slice %arg6[%dma_wait3A_72] : memref<28672xf32, #tpu.memory_space<vmem>> -> memref<28672xf32, #tpu.memory_space<vmem>>
      %dma_wait3A_74 = arith.constant 880640 : i32
      %dma_wait3A_75 = tpu.memref_slice %arg2[%add3A, %dma_wait3A_71, %dma_wait3A_74] : memref<32x1x1000000xf32, #tpu.memory_space<hbm>> -> memref<1x1x28672xf32, #tpu.memory_space<hbm>>
      %dma_wait3A_76 = tpu.memref_squeeze %dma_wait3A_75 : memref<1x1x28672xf32, #tpu.memory_space<hbm>> -> memref<28672xf32, #tpu.memory_space<hbm>>
      %dma_wait3A_77 = arith.constant 0 : i32
      %dma_wait3A_78 = tpu.memref_slice %arg6[%dma_wait3A_77] : memref<28672xf32, #tpu.memory_space<vmem>> -> memref<28672xf32, #tpu.memory_space<vmem>>
      %dma_wait3A_79 = arith.constant 880640 : i32
      %dma_wait3A_80 = tpu.memref_slice %arg2[%add3A, %dma_wait3A_71, %dma_wait3A_79] : memref<32x1x1000000xf32, #tpu.memory_space<hbm>> -> memref<1x1x28672xf32, #tpu.memory_space<hbm>>
      %dma_wait3A_81 = tpu.memref_squeeze %dma_wait3A_80 : memref<1x1x28672xf32, #tpu.memory_space<hbm>> -> memref<28672xf32, #tpu.memory_space<hbm>>
      tpu.wait_dma2 semaphore(%arg10 : memref<!tpu.dma_semaphore, #tpu.memory_space<semaphore_mem>>) src(%dma_wait3A_81 : memref<28672xf32, #tpu.memory_space<hbm>>) dst(%dma_wait3A_78 : memref<28672xf32, #tpu.memory_space<vmem>>)
      %broadcast_in_dim3A_82 = arith.constant 0xFF800000 : f32
      %broadcast_in_dim3A_83 = vector.broadcast %broadcast_in_dim3A_82 : f32 to vector<16xf32>
      %scan3A_84 = arith.constant 0 : i32
      %scan3A_85 = arith.constant 112 : i32
      %scan3A_86 = arith.addi %scan3A_84, %scan3A_85 : i32
      %scan3A_87 = arith.constant 1 : i32
      %scan3A_88:16 = scf.for %scan3A_306 = %scan3A_84 to %scan3A_86 step %scan3A_87 iter_args(%scan3A_307 = %broadcast_in_dim3A_83, %scan3A_308 = %broadcast_in_dim3A_83, %scan3A_309 = %broadcast_in_dim3A_83, %scan3A_310 = %broadcast_in_dim3A_83, %scan3A_311 = %broadcast_in_dim3A_83, %scan3A_312 = %broadcast_in_dim3A_83, %scan3A_313 = %broadcast_in_dim3A_83, %scan3A_314 = %broadcast_in_dim3A_83, %scan3A_315 = %broadcast_in_dim3A_83, %scan3A_316 = %broadcast_in_dim3A_83, %scan3A_317 = %broadcast_in_dim3A_83, %scan3A_318 = %broadcast_in_dim3A_83, %scan3A_319 = %broadcast_in_dim3A_83, %scan3A_320 = %broadcast_in_dim3A_83, %scan3A_321 = %broadcast_in_dim3A_83, %scan3A_322 = %broadcast_in_dim3A_83) -> (vector<16xf32>, vector<16xf32>, vector<16xf32>, vector<16xf32>, vector<16xf32>, vector<16xf32>, vector<16xf32>, vector<16xf32>, vector<16xf32>, vector<16xf32>, vector<16xf32>, vector<16xf32>, vector<16xf32>, vector<16xf32>, vector<16xf32>, vector<16xf32>)  : i32 {
        %mul3A_323 = arith.constant 256 : i32
        %mul3A_324 = arith.muli %scan3A_306, %mul3A_323 : i32
        %add3A_325 = arith.constant 0 : i32
        %add3A_326 = arith.addi %mul3A_324, %add3A_325 : i32
        %get3A = arith.index_cast %add3A_326 : i32 to index
        %get3A_327 = tpu.vector_load %arg6[%get3A] {strides = array<i32>} : memref<28672xf32, #tpu.memory_space<vmem>>, vector<16xf32>,
        %get3A_328 = vector.shape_cast %get3A_327 : vector<16xf32> to vector<16xf32>
        %max3A_329 = arith.maximumf %scan3A_307, %get3A_328 : vector<16xf32>
        %mul3A_330 = arith.constant 256 : i32
        %mul3A_331 = arith.muli %scan3A_306, %mul3A_330 : i32
        %add3A_332 = arith.constant 16 : i32
        %add3A_333 = arith.addi %mul3A_331, %add3A_332 : i32
        %get3A_334 = arith.index_cast %add3A_333 : i32 to index
        %get3A_335 = tpu.vector_load %arg6[%get3A_334] {strides = array<i32>} : memref<28672xf32, #tpu.memory_space<vmem>>, vector<16xf32>,
        %get3A_336 = vector.shape_cast %get3A_335 : vector<16xf32> to vector<16xf32>
        %max3A_337 = arith.maximumf %scan3A_308, %get3A_336 : vector<16xf32>
        %mul3A_338 = arith.constant 256 : i32
        %mul3A_339 = arith.muli %scan3A_306, %mul3A_338 : i32
        %add3A_340 = arith.constant 32 : i32
        %add3A_341 = arith.addi %mul3A_339, %add3A_340 : i32
        %get3A_342 = arith.index_cast %add3A_341 : i32 to index
        %get3A_343 = tpu.vector_load %arg6[%get3A_342] {strides = array<i32>} : memref<28672xf32, #tpu.memory_space<vmem>>, vector<16xf32>,
        %get3A_344 = vector.shape_cast %get3A_343 : vector<16xf32> to vector<16xf32>
        %max3A_345 = arith.maximumf %scan3A_309, %get3A_344 : vector<16xf32>
        %mul3A_346 = arith.constant 256 : i32
        %mul3A_347 = arith.muli %scan3A_306, %mul3A_346 : i32
        %add3A_348 = arith.constant 48 : i32
        %add3A_349 = arith.addi %mul3A_347, %add3A_348 : i32
        %get3A_350 = arith.index_cast %add3A_349 : i32 to index
        %get3A_351 = tpu.vector_load %arg6[%get3A_350] {strides = array<i32>} : memref<28672xf32, #tpu.memory_space<vmem>>, vector<16xf32>,
        %get3A_352 = vector.shape_cast %get3A_351 : vector<16xf32> to vector<16xf32>
        %max3A_353 = arith.maximumf %scan3A_310, %get3A_352 : vector<16xf32>
        %mul3A_354 = arith.constant 256 : i32
        %mul3A_355 = arith.muli %scan3A_306, %mul3A_354 : i32
        %add3A_356 = arith.constant 64 : i32
        %add3A_357 = arith.addi %mul3A_355, %add3A_356 : i32
        %get3A_358 = arith.index_cast %add3A_357 : i32 to index
        %get3A_359 = tpu.vector_load %arg6[%get3A_358] {strides = array<i32>} : memref<28672xf32, #tpu.memory_space<vmem>>, vector<16xf32>,
        %get3A_360 = vector.shape_cast %get3A_359 : vector<16xf32> to vector<16xf32>
        %max3A_361 = arith.maximumf %scan3A_311, %get3A_360 : vector<16xf32>
        %mul3A_362 = arith.constant 256 : i32
        %mul3A_363 = arith.muli %scan3A_306, %mul3A_362 : i32
        %add3A_364 = arith.constant 80 : i32
        %add3A_365 = arith.addi %mul3A_363, %add3A_364 : i32
        %get3A_366 = arith.index_cast %add3A_365 : i32 to index
        %get3A_367 = tpu.vector_load %arg6[%get3A_366] {strides = array<i32>} : memref<28672xf32, #tpu.memory_space<vmem>>, vector<16xf32>,
        %get3A_368 = vector.shape_cast %get3A_367 : vector<16xf32> to vector<16xf32>
        %max3A_369 = arith.maximumf %scan3A_312, %get3A_368 : vector<16xf32>
        %mul3A_370 = arith.constant 256 : i32
        %mul3A_371 = arith.muli %scan3A_306, %mul3A_370 : i32
        %add3A_372 = arith.constant 96 : i32
        %add3A_373 = arith.addi %mul3A_371, %add3A_372 : i32
        %get3A_374 = arith.index_cast %add3A_373 : i32 to index
        %get3A_375 = tpu.vector_load %arg6[%get3A_374] {strides = array<i32>} : memref<28672xf32, #tpu.memory_space<vmem>>, vector<16xf32>,
        %get3A_376 = vector.shape_cast %get3A_375 : vector<16xf32> to vector<16xf32>
        %max3A_377 = arith.maximumf %scan3A_313, %get3A_376 : vector<16xf32>
        %mul3A_378 = arith.constant 256 : i32
        %mul3A_379 = arith.muli %scan3A_306, %mul3A_378 : i32
        %add3A_380 = arith.constant 112 : i32
        %add3A_381 = arith.addi %mul3A_379, %add3A_380 : i32
        %get3A_382 = arith.index_cast %add3A_381 : i32 to index
        %get3A_383 = tpu.vector_load %arg6[%get3A_382] {strides = array<i32>} : memref<28672xf32, #tpu.memory_space<vmem>>, vector<16xf32>,
        %get3A_384 = vector.shape_cast %get3A_383 : vector<16xf32> to vector<16xf32>
        %max3A_385 = arith.maximumf %scan3A_314, %get3A_384 : vector<16xf32>
        %mul3A_386 = arith.constant 256 : i32
        %mul3A_387 = arith.muli %scan3A_306, %mul3A_386 : i32
        %add3A_388 = arith.constant 128 : i32
        %add3A_389 = arith.addi %mul3A_387, %add3A_388 : i32
        %get3A_390 = arith.index_cast %add3A_389 : i32 to index
        %get3A_391 = tpu.vector_load %arg6[%get3A_390] {strides = array<i32>} : memref<28672xf32, #tpu.memory_space<vmem>>, vector<16xf32>,
        %get3A_392 = vector.shape_cast %get3A_391 : vector<16xf32> to vector<16xf32>
        %max3A_393 = arith.maximumf %scan3A_315, %get3A_392 : vector<16xf32>
        %mul3A_394 = arith.constant 256 : i32
        %mul3A_395 = arith.muli %scan3A_306, %mul3A_394 : i32
        %add3A_396 = arith.constant 144 : i32
        %add3A_397 = arith.addi %mul3A_395, %add3A_396 : i32
        %get3A_398 = arith.index_cast %add3A_397 : i32 to index
        %get3A_399 = tpu.vector_load %arg6[%get3A_398] {strides = array<i32>} : memref<28672xf32, #tpu.memory_space<vmem>>, vector<16xf32>,
        %get3A_400 = vector.shape_cast %get3A_399 : vector<16xf32> to vector<16xf32>
        %max3A_401 = arith.maximumf %scan3A_316, %get3A_400 : vector<16xf32>
        %mul3A_402 = arith.constant 256 : i32
        %mul3A_403 = arith.muli %scan3A_306, %mul3A_402 : i32
        %add3A_404 = arith.constant 160 : i32
        %add3A_405 = arith.addi %mul3A_403, %add3A_404 : i32
        %get3A_406 = arith.index_cast %add3A_405 : i32 to index
        %get3A_407 = tpu.vector_load %arg6[%get3A_406] {strides = array<i32>} : memref<28672xf32, #tpu.memory_space<vmem>>, vector<16xf32>,
        %get3A_408 = vector.shape_cast %get3A_407 : vector<16xf32> to vector<16xf32>
        %max3A_409 = arith.maximumf %scan3A_317, %get3A_408 : vector<16xf32>
        %mul3A_410 = arith.constant 256 : i32
        %mul3A_411 = arith.muli %scan3A_306, %mul3A_410 : i32
        %add3A_412 = arith.constant 176 : i32
        %add3A_413 = arith.addi %mul3A_411, %add3A_412 : i32
        %get3A_414 = arith.index_cast %add3A_413 : i32 to index
        %get3A_415 = tpu.vector_load %arg6[%get3A_414] {strides = array<i32>} : memref<28672xf32, #tpu.memory_space<vmem>>, vector<16xf32>,
        %get3A_416 = vector.shape_cast %get3A_415 : vector<16xf32> to vector<16xf32>
        %max3A_417 = arith.maximumf %scan3A_318, %get3A_416 : vector<16xf32>
        %mul3A_418 = arith.constant 256 : i32
        %mul3A_419 = arith.muli %scan3A_306, %mul3A_418 : i32
        %add3A_420 = arith.constant 192 : i32
        %add3A_421 = arith.addi %mul3A_419, %add3A_420 : i32
        %get3A_422 = arith.index_cast %add3A_421 : i32 to index
        %get3A_423 = tpu.vector_load %arg6[%get3A_422] {strides = array<i32>} : memref<28672xf32, #tpu.memory_space<vmem>>, vector<16xf32>,
        %get3A_424 = vector.shape_cast %get3A_423 : vector<16xf32> to vector<16xf32>
        %max3A_425 = arith.maximumf %scan3A_319, %get3A_424 : vector<16xf32>
        %mul3A_426 = arith.constant 256 : i32
        %mul3A_427 = arith.muli %scan3A_306, %mul3A_426 : i32
        %add3A_428 = arith.constant 208 : i32
        %add3A_429 = arith.addi %mul3A_427, %add3A_428 : i32
        %get3A_430 = arith.index_cast %add3A_429 : i32 to index
        %get3A_431 = tpu.vector_load %arg6[%get3A_430] {strides = array<i32>} : memref<28672xf32, #tpu.memory_space<vmem>>, vector<16xf32>,
        %get3A_432 = vector.shape_cast %get3A_431 : vector<16xf32> to vector<16xf32>
        %max3A_433 = arith.maximumf %scan3A_320, %get3A_432 : vector<16xf32>
        %mul3A_434 = arith.constant 256 : i32
        %mul3A_435 = arith.muli %scan3A_306, %mul3A_434 : i32
        %add3A_436 = arith.constant 224 : i32
        %add3A_437 = arith.addi %mul3A_435, %add3A_436 : i32
        %get3A_438 = arith.index_cast %add3A_437 : i32 to index
        %get3A_439 = tpu.vector_load %arg6[%get3A_438] {strides = array<i32>} : memref<28672xf32, #tpu.memory_space<vmem>>, vector<16xf32>,
        %get3A_440 = vector.shape_cast %get3A_439 : vector<16xf32> to vector<16xf32>
        %max3A_441 = arith.maximumf %scan3A_321, %get3A_440 : vector<16xf32>
        %mul3A_442 = arith.constant 256 : i32
        %mul3A_443 = arith.muli %scan3A_306, %mul3A_442 : i32
        %add3A_444 = arith.constant 240 : i32
        %add3A_445 = arith.addi %mul3A_443, %add3A_444 : i32
        %get3A_446 = arith.index_cast %add3A_445 : i32 to index
        %get3A_447 = tpu.vector_load %arg6[%get3A_446] {strides = array<i32>} : memref<28672xf32, #tpu.memory_space<vmem>>, vector<16xf32>,
        %get3A_448 = vector.shape_cast %get3A_447 : vector<16xf32> to vector<16xf32>
        %max3A_449 = arith.maximumf %scan3A_322, %get3A_448 : vector<16xf32>
        scf.yield %max3A_329, %max3A_337, %max3A_345, %max3A_353, %max3A_361, %max3A_369, %max3A_377, %max3A_385, %max3A_393, %max3A_401, %max3A_409, %max3A_417, %max3A_425, %max3A_433, %max3A_441, %max3A_449 : vector<16xf32>, vector<16xf32>, vector<16xf32>, vector<16xf32>, vector<16xf32>, vector<16xf32>, vector<16xf32>, vector<16xf32>, vector<16xf32>, vector<16xf32>, vector<16xf32>, vector<16xf32>, vector<16xf32>, vector<16xf32>, vector<16xf32>, vector<16xf32>
      }
      %scan3A_89 = arith.constant 112 : i32
      %max3A_90 = arith.maximumf %scan3A_88#0, %scan3A_88#1 : vector<16xf32>
      %max3A_91 = arith.maximumf %max3A_90, %scan3A_88#2 : vector<16xf32>
      %max3A_92 = arith.maximumf %max3A_91, %scan3A_88#3 : vector<16xf32>
      %max3A_93 = arith.maximumf %max3A_92, %scan3A_88#4 : vector<16xf32>
      %max3A_94 = arith.maximumf %max3A_93, %scan3A_88#5 : vector<16xf32>
      %max3A_95 = arith.maximumf %max3A_94, %scan3A_88#6 : vector<16xf32>
      %max3A_96 = arith.maximumf %max3A_95, %scan3A_88#7 : vector<16xf32>
      %max3A_97 = arith.maximumf %max3A_96, %scan3A_88#8 : vector<16xf32>
      %max3A_98 = arith.maximumf %max3A_97, %scan3A_88#9 : vector<16xf32>
      %max3A_99 = arith.maximumf %max3A_98, %scan3A_88#10 : vector<16xf32>
      %max3A_100 = arith.maximumf %max3A_99, %scan3A_88#11 : vector<16xf32>
      %max3A_101 = arith.maximumf %max3A_100, %scan3A_88#12 : vector<16xf32>
      %max3A_102 = arith.maximumf %max3A_101, %scan3A_88#13 : vector<16xf32>
      %max3A_103 = arith.maximumf %max3A_102, %scan3A_88#14 : vector<16xf32>
      %max3A_104 = arith.maximumf %max3A_103, %scan3A_88#15 : vector<16xf32>
      %gt3A_105 = arith.cmpf ogt, %max3A_104, %max3A_59 : vector<16xf32>
      %jit3A_106 = arith.constant 880640 : i32
      %broadcast_in_dim3A_107 = vector.broadcast %jit3A_106 : i32 to vector<16xi32>
      %select_n3A_108 = arith.select %gt3A_105, %broadcast_in_dim3A_107, %select_n3A : vector<16xi1>, vector<16xi32>
      %max3A_109 = arith.maximumf %max3A_59, %max3A_104 : vector<16xf32>
      %dma_start3A_110 = arith.constant 0 : i32
      %dma_start3A_111 = arith.constant 0 : i32
      %dma_start3A_112 = tpu.memref_slice %arg6[%dma_start3A_111] : memref<28672xf32, #tpu.memory_space<vmem>> -> memref<28672xf32, #tpu.memory_space<vmem>>
      %dma_start3A_113 = arith.constant 937984 : i32
      %dma_start3A_114 = tpu.memref_slice %arg2[%add3A, %dma_start3A_110, %dma_start3A_113] : memref<32x1x1000000xf32, #tpu.memory_space<hbm>> -> memref<1x1x28672xf32, #tpu.memory_space<hbm>>
      %dma_start3A_115 = tpu.memref_squeeze %dma_start3A_114 : memref<1x1x28672xf32, #tpu.memory_space<hbm>> -> memref<28672xf32, #tpu.memory_space<hbm>>
      %dma_start3A_116 = arith.constant 0 : i32
      %dma_start3A_117 = tpu.memref_slice %arg6[%dma_start3A_116] : memref<28672xf32, #tpu.memory_space<vmem>> -> memref<28672xf32, #tpu.memory_space<vmem>>
      %dma_start3A_118 = arith.constant 937984 : i32
      %dma_start3A_119 = tpu.memref_slice %arg2[%add3A, %dma_start3A_110, %dma_start3A_118] : memref<32x1x1000000xf32, #tpu.memory_space<hbm>> -> memref<1x1x28672xf32, #tpu.memory_space<hbm>>
      %dma_start3A_120 = tpu.memref_squeeze %dma_start3A_119 : memref<1x1x28672xf32, #tpu.memory_space<hbm>> -> memref<28672xf32, #tpu.memory_space<hbm>>
      tpu.enqueue_dma source(%dma_start3A_120 : memref<28672xf32, #tpu.memory_space<hbm>>) target(%dma_start3A_117 : memref<28672xf32, #tpu.memory_space<vmem>>) target_semaphore(%arg10 : memref<!tpu.dma_semaphore, #tpu.memory_space<semaphore_mem>>)
      %dma_wait3A_121 = arith.constant 0 : i32
      %dma_wait3A_122 = arith.constant 0 : i32
      %dma_wait3A_123 = tpu.memref_slice %arg5[%dma_wait3A_122] : memref<28672xf32, #tpu.memory_space<vmem>> -> memref<28672xf32, #tpu.memory_space<vmem>>
      %dma_wait3A_124 = arith.constant 909312 : i32
      %dma_wait3A_125 = tpu.memref_slice %arg2[%add3A, %dma_wait3A_121, %dma_wait3A_124] : memref<32x1x1000000xf32, #tpu.memory_space<hbm>> -> memref<1x1x28672xf32, #tpu.memory_space<hbm>>
      %dma_wait3A_126 = tpu.memref_squeeze %dma_wait3A_125 : memref<1x1x28672xf32, #tpu.memory_space<hbm>> -> memref<28672xf32, #tpu.memory_space<hbm>>
      %dma_wait3A_127 = arith.constant 0 : i32
      %dma_wait3A_128 = tpu.memref_slice %arg5[%dma_wait3A_127] : memref<28672xf32, #tpu.memory_space<vmem>> -> memref<28672xf32, #tpu.memory_space<vmem>>
      %dma_wait3A_129 = arith.constant 909312 : i32
      %dma_wait3A_130 = tpu.memref_slice %arg2[%add3A, %dma_wait3A_121, %dma_wait3A_129] : memref<32x1x1000000xf32, #tpu.memory_space<hbm>> -> memref<1x1x28672xf32, #tpu.memory_space<hbm>>
      %dma_wait3A_131 = tpu.memref_squeeze %dma_wait3A_130 : memref<1x1x28672xf32, #tpu.memory_space<hbm>> -> memref<28672xf32, #tpu.memory_space<hbm>>
      tpu.wait_dma2 semaphore(%arg9 : memref<!tpu.dma_semaphore, #tpu.memory_space<semaphore_mem>>) src(%dma_wait3A_131 : memref<28672xf32, #tpu.memory_space<hbm>>) dst(%dma_wait3A_128 : memref<28672xf32, #tpu.memory_space<vmem>>)
      %broadcast_in_dim3A_132 = arith.constant 0xFF800000 : f32
      %broadcast_in_dim3A_133 = vector.broadcast %broadcast_in_dim3A_132 : f32 to vector<16xf32>
      %scan3A_134 = arith.constant 0 : i32
      %scan3A_135 = arith.constant 112 : i32
      %scan3A_136 = arith.addi %scan3A_134, %scan3A_135 : i32
      %scan3A_137 = arith.constant 1 : i32
      %scan3A_138:16 = scf.for %scan3A_306 = %scan3A_134 to %scan3A_136 step %scan3A_137 iter_args(%scan3A_307 = %broadcast_in_dim3A_133, %scan3A_308 = %broadcast_in_dim3A_133, %scan3A_309 = %broadcast_in_dim3A_133, %scan3A_310 = %broadcast_in_dim3A_133, %scan3A_311 = %broadcast_in_dim3A_133, %scan3A_312 = %broadcast_in_dim3A_133, %scan3A_313 = %broadcast_in_dim3A_133, %scan3A_314 = %broadcast_in_dim3A_133, %scan3A_315 = %broadcast_in_dim3A_133, %scan3A_316 = %broadcast_in_dim3A_133, %scan3A_317 = %broadcast_in_dim3A_133, %scan3A_318 = %broadcast_in_dim3A_133, %scan3A_319 = %broadcast_in_dim3A_133, %scan3A_320 = %broadcast_in_dim3A_133, %scan3A_321 = %broadcast_in_dim3A_133, %scan3A_322 = %broadcast_in_dim3A_133) -> (vector<16xf32>, vector<16xf32>, vector<16xf32>, vector<16xf32>, vector<16xf32>, vector<16xf32>, vector<16xf32>, vector<16xf32>, vector<16xf32>, vector<16xf32>, vector<16xf32>, vector<16xf32>, vector<16xf32>, vector<16xf32>, vector<16xf32>, vector<16xf32>)  : i32 {
        %mul3A_323 = arith.constant 256 : i32
        %mul3A_324 = arith.muli %scan3A_306, %mul3A_323 : i32
        %add3A_325 = arith.constant 0 : i32
        %add3A_326 = arith.addi %mul3A_324, %add3A_325 : i32
        %get3A = arith.index_cast %add3A_326 : i32 to index
        %get3A_327 = tpu.vector_load %arg5[%get3A] {strides = array<i32>} : memref<28672xf32, #tpu.memory_space<vmem>>, vector<16xf32>,
        %get3A_328 = vector.shape_cast %get3A_327 : vector<16xf32> to vector<16xf32>
        %max3A_329 = arith.maximumf %scan3A_307, %get3A_328 : vector<16xf32>
        %mul3A_330 = arith.constant 256 : i32
        %mul3A_331 = arith.muli %scan3A_306, %mul3A_330 : i32
        %add3A_332 = arith.constant 16 : i32
        %add3A_333 = arith.addi %mul3A_331, %add3A_332 : i32
        %get3A_334 = arith.index_cast %add3A_333 : i32 to index
        %get3A_335 = tpu.vector_load %arg5[%get3A_334] {strides = array<i32>} : memref<28672xf32, #tpu.memory_space<vmem>>, vector<16xf32>,
        %get3A_336 = vector.shape_cast %get3A_335 : vector<16xf32> to vector<16xf32>
        %max3A_337 = arith.maximumf %scan3A_308, %get3A_336 : vector<16xf32>
        %mul3A_338 = arith.constant 256 : i32
        %mul3A_339 = arith.muli %scan3A_306, %mul3A_338 : i32
        %add3A_340 = arith.constant 32 : i32
        %add3A_341 = arith.addi %mul3A_339, %add3A_340 : i32
        %get3A_342 = arith.index_cast %add3A_341 : i32 to index
        %get3A_343 = tpu.vector_load %arg5[%get3A_342] {strides = array<i32>} : memref<28672xf32, #tpu.memory_space<vmem>>, vector<16xf32>,
        %get3A_344 = vector.shape_cast %get3A_343 : vector<16xf32> to vector<16xf32>
        %max3A_345 = arith.maximumf %scan3A_309, %get3A_344 : vector<16xf32>
        %mul3A_346 = arith.constant 256 : i32
        %mul3A_347 = arith.muli %scan3A_306, %mul3A_346 : i32
        %add3A_348 = arith.constant 48 : i32
        %add3A_349 = arith.addi %mul3A_347, %add3A_348 : i32
        %get3A_350 = arith.index_cast %add3A_349 : i32 to index
        %get3A_351 = tpu.vector_load %arg5[%get3A_350] {strides = array<i32>} : memref<28672xf32, #tpu.memory_space<vmem>>, vector<16xf32>,
        %get3A_352 = vector.shape_cast %get3A_351 : vector<16xf32> to vector<16xf32>
        %max3A_353 = arith.maximumf %scan3A_310, %get3A_352 : vector<16xf32>
        %mul3A_354 = arith.constant 256 : i32
        %mul3A_355 = arith.muli %scan3A_306, %mul3A_354 : i32
        %add3A_356 = arith.constant 64 : i32
        %add3A_357 = arith.addi %mul3A_355, %add3A_356 : i32
        %get3A_358 = arith.index_cast %add3A_357 : i32 to index
        %get3A_359 = tpu.vector_load %arg5[%get3A_358] {strides = array<i32>} : memref<28672xf32, #tpu.memory_space<vmem>>, vector<16xf32>,
        %get3A_360 = vector.shape_cast %get3A_359 : vector<16xf32> to vector<16xf32>
        %max3A_361 = arith.maximumf %scan3A_311, %get3A_360 : vector<16xf32>
        %mul3A_362 = arith.constant 256 : i32
        %mul3A_363 = arith.muli %scan3A_306, %mul3A_362 : i32
        %add3A_364 = arith.constant 80 : i32
        %add3A_365 = arith.addi %mul3A_363, %add3A_364 : i32
        %get3A_366 = arith.index_cast %add3A_365 : i32 to index
        %get3A_367 = tpu.vector_load %arg5[%get3A_366] {strides = array<i32>} : memref<28672xf32, #tpu.memory_space<vmem>>, vector<16xf32>,
        %get3A_368 = vector.shape_cast %get3A_367 : vector<16xf32> to vector<16xf32>
        %max3A_369 = arith.maximumf %scan3A_312, %get3A_368 : vector<16xf32>
        %mul3A_370 = arith.constant 256 : i32
        %mul3A_371 = arith.muli %scan3A_306, %mul3A_370 : i32
        %add3A_372 = arith.constant 96 : i32
        %add3A_373 = arith.addi %mul3A_371, %add3A_372 : i32
        %get3A_374 = arith.index_cast %add3A_373 : i32 to index
        %get3A_375 = tpu.vector_load %arg5[%get3A_374] {strides = array<i32>} : memref<28672xf32, #tpu.memory_space<vmem>>, vector<16xf32>,
        %get3A_376 = vector.shape_cast %get3A_375 : vector<16xf32> to vector<16xf32>
        %max3A_377 = arith.maximumf %scan3A_313, %get3A_376 : vector<16xf32>
        %mul3A_378 = arith.constant 256 : i32
        %mul3A_379 = arith.muli %scan3A_306, %mul3A_378 : i32
        %add3A_380 = arith.constant 112 : i32
        %add3A_381 = arith.addi %mul3A_379, %add3A_380 : i32
        %get3A_382 = arith.index_cast %add3A_381 : i32 to index
        %get3A_383 = tpu.vector_load %arg5[%get3A_382] {strides = array<i32>} : memref<28672xf32, #tpu.memory_space<vmem>>, vector<16xf32>,
        %get3A_384 = vector.shape_cast %get3A_383 : vector<16xf32> to vector<16xf32>
        %max3A_385 = arith.maximumf %scan3A_314, %get3A_384 : vector<16xf32>
        %mul3A_386 = arith.constant 256 : i32
        %mul3A_387 = arith.muli %scan3A_306, %mul3A_386 : i32
        %add3A_388 = arith.constant 128 : i32
        %add3A_389 = arith.addi %mul3A_387, %add3A_388 : i32
        %get3A_390 = arith.index_cast %add3A_389 : i32 to index
        %get3A_391 = tpu.vector_load %arg5[%get3A_390] {strides = array<i32>} : memref<28672xf32, #tpu.memory_space<vmem>>, vector<16xf32>,
        %get3A_392 = vector.shape_cast %get3A_391 : vector<16xf32> to vector<16xf32>
        %max3A_393 = arith.maximumf %scan3A_315, %get3A_392 : vector<16xf32>
        %mul3A_394 = arith.constant 256 : i32
        %mul3A_395 = arith.muli %scan3A_306, %mul3A_394 : i32
        %add3A_396 = arith.constant 144 : i32
        %add3A_397 = arith.addi %mul3A_395, %add3A_396 : i32
        %get3A_398 = arith.index_cast %add3A_397 : i32 to index
        %get3A_399 = tpu.vector_load %arg5[%get3A_398] {strides = array<i32>} : memref<28672xf32, #tpu.memory_space<vmem>>, vector<16xf32>,
        %get3A_400 = vector.shape_cast %get3A_399 : vector<16xf32> to vector<16xf32>
        %max3A_401 = arith.maximumf %scan3A_316, %get3A_400 : vector<16xf32>
        %mul3A_402 = arith.constant 256 : i32
        %mul3A_403 = arith.muli %scan3A_306, %mul3A_402 : i32
        %add3A_404 = arith.constant 160 : i32
        %add3A_405 = arith.addi %mul3A_403, %add3A_404 : i32
        %get3A_406 = arith.index_cast %add3A_405 : i32 to index
        %get3A_407 = tpu.vector_load %arg5[%get3A_406] {strides = array<i32>} : memref<28672xf32, #tpu.memory_space<vmem>>, vector<16xf32>,
        %get3A_408 = vector.shape_cast %get3A_407 : vector<16xf32> to vector<16xf32>
        %max3A_409 = arith.maximumf %scan3A_317, %get3A_408 : vector<16xf32>
        %mul3A_410 = arith.constant 256 : i32
        %mul3A_411 = arith.muli %scan3A_306, %mul3A_410 : i32
        %add3A_412 = arith.constant 176 : i32
        %add3A_413 = arith.addi %mul3A_411, %add3A_412 : i32
        %get3A_414 = arith.index_cast %add3A_413 : i32 to index
        %get3A_415 = tpu.vector_load %arg5[%get3A_414] {strides = array<i32>} : memref<28672xf32, #tpu.memory_space<vmem>>, vector<16xf32>,
        %get3A_416 = vector.shape_cast %get3A_415 : vector<16xf32> to vector<16xf32>
        %max3A_417 = arith.maximumf %scan3A_318, %get3A_416 : vector<16xf32>
        %mul3A_418 = arith.constant 256 : i32
        %mul3A_419 = arith.muli %scan3A_306, %mul3A_418 : i32
        %add3A_420 = arith.constant 192 : i32
        %add3A_421 = arith.addi %mul3A_419, %add3A_420 : i32
        %get3A_422 = arith.index_cast %add3A_421 : i32 to index
        %get3A_423 = tpu.vector_load %arg5[%get3A_422] {strides = array<i32>} : memref<28672xf32, #tpu.memory_space<vmem>>, vector<16xf32>,
        %get3A_424 = vector.shape_cast %get3A_423 : vector<16xf32> to vector<16xf32>
        %max3A_425 = arith.maximumf %scan3A_319, %get3A_424 : vector<16xf32>
        %mul3A_426 = arith.constant 256 : i32
        %mul3A_427 = arith.muli %scan3A_306, %mul3A_426 : i32
        %add3A_428 = arith.constant 208 : i32
        %add3A_429 = arith.addi %mul3A_427, %add3A_428 : i32
        %get3A_430 = arith.index_cast %add3A_429 : i32 to index
        %get3A_431 = tpu.vector_load %arg5[%get3A_430] {strides = array<i32>} : memref<28672xf32, #tpu.memory_space<vmem>>, vector<16xf32>,
        %get3A_432 = vector.shape_cast %get3A_431 : vector<16xf32> to vector<16xf32>
        %max3A_433 = arith.maximumf %scan3A_320, %get3A_432 : vector<16xf32>
        %mul3A_434 = arith.constant 256 : i32
        %mul3A_435 = arith.muli %scan3A_306, %mul3A_434 : i32
        %add3A_436 = arith.constant 224 : i32
        %add3A_437 = arith.addi %mul3A_435, %add3A_436 : i32
        %get3A_438 = arith.index_cast %add3A_437 : i32 to index
        %get3A_439 = tpu.vector_load %arg5[%get3A_438] {strides = array<i32>} : memref<28672xf32, #tpu.memory_space<vmem>>, vector<16xf32>,
        %get3A_440 = vector.shape_cast %get3A_439 : vector<16xf32> to vector<16xf32>
        %max3A_441 = arith.maximumf %scan3A_321, %get3A_440 : vector<16xf32>
        %mul3A_442 = arith.constant 256 : i32
        %mul3A_443 = arith.muli %scan3A_306, %mul3A_442 : i32
        %add3A_444 = arith.constant 240 : i32
        %add3A_445 = arith.addi %mul3A_443, %add3A_444 : i32
        %get3A_446 = arith.index_cast %add3A_445 : i32 to index
        %get3A_447 = tpu.vector_load %arg5[%get3A_446] {strides = array<i32>} : memref<28672xf32, #tpu.memory_space<vmem>>, vector<16xf32>,
        %get3A_448 = vector.shape_cast %get3A_447 : vector<16xf32> to vector<16xf32>
        %max3A_449 = arith.maximumf %scan3A_322, %get3A_448 : vector<16xf32>
        scf.yield %max3A_329, %max3A_337, %max3A_345, %max3A_353, %max3A_361, %max3A_369, %max3A_377, %max3A_385, %max3A_393, %max3A_401, %max3A_409, %max3A_417, %max3A_425, %max3A_433, %max3A_441, %max3A_449 : vector<16xf32>, vector<16xf32>, vector<16xf32>, vector<16xf32>, vector<16xf32>, vector<16xf32>, vector<16xf32>, vector<16xf32>, vector<16xf32>, vector<16xf32>, vector<16xf32>, vector<16xf32>, vector<16xf32>, vector<16xf32>, vector<16xf32>, vector<16xf32>
      }
      %scan3A_139 = arith.constant 112 : i32
      %max3A_140 = arith.maximumf %scan3A_138#0, %scan3A_138#1 : vector<16xf32>
      %max3A_141 = arith.maximumf %max3A_140, %scan3A_138#2 : vector<16xf32>
      %max3A_142 = arith.maximumf %max3A_141, %scan3A_138#3 : vector<16xf32>
      %max3A_143 = arith.maximumf %max3A_142, %scan3A_138#4 : vector<16xf32>
      %max3A_144 = arith.maximumf %max3A_143, %scan3A_138#5 : vector<16xf32>
      %max3A_145 = arith.maximumf %max3A_144, %scan3A_138#6 : vector<16xf32>
      %max3A_146 = arith.maximumf %max3A_145, %scan3A_138#7 : vector<16xf32>
      %max3A_147 = arith.maximumf %max3A_146, %scan3A_138#8 : vector<16xf32>
      %max3A_148 = arith.maximumf %max3A_147, %scan3A_138#9 : vector<16xf32>
      %max3A_149 = arith.maximumf %max3A_148, %scan3A_138#10 : vector<16xf32>
      %max3A_150 = arith.maximumf %max3A_149, %scan3A_138#11 : vector<16xf32>
      %max3A_151 = arith.maximumf %max3A_150, %scan3A_138#12 : vector<16xf32>
      %max3A_152 = arith.maximumf %max3A_151, %scan3A_138#13 : vector<16xf32>
      %max3A_153 = arith.maximumf %max3A_152, %scan3A_138#14 : vector<16xf32>
      %max3A_154 = arith.maximumf %max3A_153, %scan3A_138#15 : vector<16xf32>
      %gt3A_155 = arith.cmpf ogt, %max3A_154, %max3A_109 : vector<16xf32>
      %jit3A_156 = arith.constant 909312 : i32
      %broadcast_in_dim3A_157 = vector.broadcast %jit3A_156 : i32 to vector<16xi32>
      %select_n3A_158 = arith.select %gt3A_155, %broadcast_in_dim3A_157, %select_n3A_108 : vector<16xi1>, vector<16xi32>
      %max3A_159 = arith.maximumf %max3A_109, %max3A_154 : vector<16xf32>
      %dma_start3A_160 = arith.constant 0 : i32
      %dma_start3A_161 = arith.constant 0 : i32
      %dma_start3A_162 = tpu.memref_slice %arg5[%dma_start3A_161] : memref<28672xf32, #tpu.memory_space<vmem>> -> memref<28672xf32, #tpu.memory_space<vmem>>
      %dma_start3A_163 = arith.constant 966656 : i32
      %dma_start3A_164 = tpu.memref_slice %arg2[%add3A, %dma_start3A_160, %dma_start3A_163] : memref<32x1x1000000xf32, #tpu.memory_space<hbm>> -> memref<1x1x28672xf32, #tpu.memory_space<hbm>>
      %dma_start3A_165 = tpu.memref_squeeze %dma_start3A_164 : memref<1x1x28672xf32, #tpu.memory_space<hbm>> -> memref<28672xf32, #tpu.memory_space<hbm>>
      %dma_start3A_166 = arith.constant 0 : i32
      %dma_start3A_167 = tpu.memref_slice %arg5[%dma_start3A_166] : memref<28672xf32, #tpu.memory_space<vmem>> -> memref<28672xf32, #tpu.memory_space<vmem>>
      %dma_start3A_168 = arith.constant 966656 : i32
      %dma_start3A_169 = tpu.memref_slice %arg2[%add3A, %dma_start3A_160, %dma_start3A_168] : memref<32x1x1000000xf32, #tpu.memory_space<hbm>> -> memref<1x1x28672xf32, #tpu.memory_space<hbm>>
      %dma_start3A_170 = tpu.memref_squeeze %dma_start3A_169 : memref<1x1x28672xf32, #tpu.memory_space<hbm>> -> memref<28672xf32, #tpu.memory_space<hbm>>
      tpu.enqueue_dma source(%dma_start3A_170 : memref<28672xf32, #tpu.memory_space<hbm>>) target(%dma_start3A_167 : memref<28672xf32, #tpu.memory_space<vmem>>) target_semaphore(%arg9 : memref<!tpu.dma_semaphore, #tpu.memory_space<semaphore_mem>>)
      %dma_wait3A_171 = arith.constant 0 : i32
      %dma_wait3A_172 = arith.constant 0 : i32
      %dma_wait3A_173 = tpu.memref_slice %arg6[%dma_wait3A_172] : memref<28672xf32, #tpu.memory_space<vmem>> -> memref<28672xf32, #tpu.memory_space<vmem>>
      %dma_wait3A_174 = arith.constant 937984 : i32
      %dma_wait3A_175 = tpu.memref_slice %arg2[%add3A, %dma_wait3A_171, %dma_wait3A_174] : memref<32x1x1000000xf32, #tpu.memory_space<hbm>> -> memref<1x1x28672xf32, #tpu.memory_space<hbm>>
      %dma_wait3A_176 = tpu.memref_squeeze %dma_wait3A_175 : memref<1x1x28672xf32, #tpu.memory_space<hbm>> -> memref<28672xf32, #tpu.memory_space<hbm>>
      %dma_wait3A_177 = arith.constant 0 : i32
      %dma_wait3A_178 = tpu.memref_slice %arg6[%dma_wait3A_177] : memref<28672xf32, #tpu.memory_space<vmem>> -> memref<28672xf32, #tpu.memory_space<vmem>>
      %dma_wait3A_179 = arith.constant 937984 : i32
      %dma_wait3A_180 = tpu.memref_slice %arg2[%add3A, %dma_wait3A_171, %dma_wait3A_179] : memref<32x1x1000000xf32, #tpu.memory_space<hbm>> -> memref<1x1x28672xf32, #tpu.memory_space<hbm>>
      %dma_wait3A_181 = tpu.memref_squeeze %dma_wait3A_180 : memref<1x1x28672xf32, #tpu.memory_space<hbm>> -> memref<28672xf32, #tpu.memory_space<hbm>>
      tpu.wait_dma2 semaphore(%arg10 : memref<!tpu.dma_semaphore, #tpu.memory_space<semaphore_mem>>) src(%dma_wait3A_181 : memref<28672xf32, #tpu.memory_space<hbm>>) dst(%dma_wait3A_178 : memref<28672xf32, #tpu.memory_space<vmem>>)
      %broadcast_in_dim3A_182 = arith.constant 0xFF800000 : f32
      %broadcast_in_dim3A_183 = vector.broadcast %broadcast_in_dim3A_182 : f32 to vector<16xf32>
      %scan3A_184 = arith.constant 0 : i32
      %scan3A_185 = arith.constant 112 : i32
      %scan3A_186 = arith.addi %scan3A_184, %scan3A_185 : i32
      %scan3A_187 = arith.constant 1 : i32
      %scan3A_188:16 = scf.for %scan3A_306 = %scan3A_184 to %scan3A_186 step %scan3A_187 iter_args(%scan3A_307 = %broadcast_in_dim3A_183, %scan3A_308 = %broadcast_in_dim3A_183, %scan3A_309 = %broadcast_in_dim3A_183, %scan3A_310 = %broadcast_in_dim3A_183, %scan3A_311 = %broadcast_in_dim3A_183, %scan3A_312 = %broadcast_in_dim3A_183, %scan3A_313 = %broadcast_in_dim3A_183, %scan3A_314 = %broadcast_in_dim3A_183, %scan3A_315 = %broadcast_in_dim3A_183, %scan3A_316 = %broadcast_in_dim3A_183, %scan3A_317 = %broadcast_in_dim3A_183, %scan3A_318 = %broadcast_in_dim3A_183, %scan3A_319 = %broadcast_in_dim3A_183, %scan3A_320 = %broadcast_in_dim3A_183, %scan3A_321 = %broadcast_in_dim3A_183, %scan3A_322 = %broadcast_in_dim3A_183) -> (vector<16xf32>, vector<16xf32>, vector<16xf32>, vector<16xf32>, vector<16xf32>, vector<16xf32>, vector<16xf32>, vector<16xf32>, vector<16xf32>, vector<16xf32>, vector<16xf32>, vector<16xf32>, vector<16xf32>, vector<16xf32>, vector<16xf32>, vector<16xf32>)  : i32 {
        %mul3A_323 = arith.constant 256 : i32
        %mul3A_324 = arith.muli %scan3A_306, %mul3A_323 : i32
        %add3A_325 = arith.constant 0 : i32
        %add3A_326 = arith.addi %mul3A_324, %add3A_325 : i32
        %get3A = arith.index_cast %add3A_326 : i32 to index
        %get3A_327 = tpu.vector_load %arg6[%get3A] {strides = array<i32>} : memref<28672xf32, #tpu.memory_space<vmem>>, vector<16xf32>,
        %get3A_328 = vector.shape_cast %get3A_327 : vector<16xf32> to vector<16xf32>
        %max3A_329 = arith.maximumf %scan3A_307, %get3A_328 : vector<16xf32>
        %mul3A_330 = arith.constant 256 : i32
        %mul3A_331 = arith.muli %scan3A_306, %mul3A_330 : i32
        %add3A_332 = arith.constant 16 : i32
        %add3A_333 = arith.addi %mul3A_331, %add3A_332 : i32
        %get3A_334 = arith.index_cast %add3A_333 : i32 to index
        %get3A_335 = tpu.vector_load %arg6[%get3A_334] {strides = array<i32>} : memref<28672xf32, #tpu.memory_space<vmem>>, vector<16xf32>,
        %get3A_336 = vector.shape_cast %get3A_335 : vector<16xf32> to vector<16xf32>
        %max3A_337 = arith.maximumf %scan3A_308, %get3A_336 : vector<16xf32>
        %mul3A_338 = arith.constant 256 : i32
        %mul3A_339 = arith.muli %scan3A_306, %mul3A_338 : i32
        %add3A_340 = arith.constant 32 : i32
        %add3A_341 = arith.addi %mul3A_339, %add3A_340 : i32
        %get3A_342 = arith.index_cast %add3A_341 : i32 to index
        %get3A_343 = tpu.vector_load %arg6[%get3A_342] {strides = array<i32>} : memref<28672xf32, #tpu.memory_space<vmem>>, vector<16xf32>,
        %get3A_344 = vector.shape_cast %get3A_343 : vector<16xf32> to vector<16xf32>
        %max3A_345 = arith.maximumf %scan3A_309, %get3A_344 : vector<16xf32>
        %mul3A_346 = arith.constant 256 : i32
        %mul3A_347 = arith.muli %scan3A_306, %mul3A_346 : i32
        %add3A_348 = arith.constant 48 : i32
        %add3A_349 = arith.addi %mul3A_347, %add3A_348 : i32
        %get3A_350 = arith.index_cast %add3A_349 : i32 to index
        %get3A_351 = tpu.vector_load %arg6[%get3A_350] {strides = array<i32>} : memref<28672xf32, #tpu.memory_space<vmem>>, vector<16xf32>,
        %get3A_352 = vector.shape_cast %get3A_351 : vector<16xf32> to vector<16xf32>
        %max3A_353 = arith.maximumf %scan3A_310, %get3A_352 : vector<16xf32>
        %mul3A_354 = arith.constant 256 : i32
        %mul3A_355 = arith.muli %scan3A_306, %mul3A_354 : i32
        %add3A_356 = arith.constant 64 : i32
        %add3A_357 = arith.addi %mul3A_355, %add3A_356 : i32
        %get3A_358 = arith.index_cast %add3A_357 : i32 to index
        %get3A_359 = tpu.vector_load %arg6[%get3A_358] {strides = array<i32>} : memref<28672xf32, #tpu.memory_space<vmem>>, vector<16xf32>,
        %get3A_360 = vector.shape_cast %get3A_359 : vector<16xf32> to vector<16xf32>
        %max3A_361 = arith.maximumf %scan3A_311, %get3A_360 : vector<16xf32>
        %mul3A_362 = arith.constant 256 : i32
        %mul3A_363 = arith.muli %scan3A_306, %mul3A_362 : i32
        %add3A_364 = arith.constant 80 : i32
        %add3A_365 = arith.addi %mul3A_363, %add3A_364 : i32
        %get3A_366 = arith.index_cast %add3A_365 : i32 to index
        %get3A_367 = tpu.vector_load %arg6[%get3A_366] {strides = array<i32>} : memref<28672xf32, #tpu.memory_space<vmem>>, vector<16xf32>,
        %get3A_368 = vector.shape_cast %get3A_367 : vector<16xf32> to vector<16xf32>
        %max3A_369 = arith.maximumf %scan3A_312, %get3A_368 : vector<16xf32>
        %mul3A_370 = arith.constant 256 : i32
        %mul3A_371 = arith.muli %scan3A_306, %mul3A_370 : i32
        %add3A_372 = arith.constant 96 : i32
        %add3A_373 = arith.addi %mul3A_371, %add3A_372 : i32
        %get3A_374 = arith.index_cast %add3A_373 : i32 to index
        %get3A_375 = tpu.vector_load %arg6[%get3A_374] {strides = array<i32>} : memref<28672xf32, #tpu.memory_space<vmem>>, vector<16xf32>,
        %get3A_376 = vector.shape_cast %get3A_375 : vector<16xf32> to vector<16xf32>
        %max3A_377 = arith.maximumf %scan3A_313, %get3A_376 : vector<16xf32>
        %mul3A_378 = arith.constant 256 : i32
        %mul3A_379 = arith.muli %scan3A_306, %mul3A_378 : i32
        %add3A_380 = arith.constant 112 : i32
        %add3A_381 = arith.addi %mul3A_379, %add3A_380 : i32
        %get3A_382 = arith.index_cast %add3A_381 : i32 to index
        %get3A_383 = tpu.vector_load %arg6[%get3A_382] {strides = array<i32>} : memref<28672xf32, #tpu.memory_space<vmem>>, vector<16xf32>,
        %get3A_384 = vector.shape_cast %get3A_383 : vector<16xf32> to vector<16xf32>
        %max3A_385 = arith.maximumf %scan3A_314, %get3A_384 : vector<16xf32>
        %mul3A_386 = arith.constant 256 : i32
        %mul3A_387 = arith.muli %scan3A_306, %mul3A_386 : i32
        %add3A_388 = arith.constant 128 : i32
        %add3A_389 = arith.addi %mul3A_387, %add3A_388 : i32
        %get3A_390 = arith.index_cast %add3A_389 : i32 to index
        %get3A_391 = tpu.vector_load %arg6[%get3A_390] {strides = array<i32>} : memref<28672xf32, #tpu.memory_space<vmem>>, vector<16xf32>,
        %get3A_392 = vector.shape_cast %get3A_391 : vector<16xf32> to vector<16xf32>
        %max3A_393 = arith.maximumf %scan3A_315, %get3A_392 : vector<16xf32>
        %mul3A_394 = arith.constant 256 : i32
        %mul3A_395 = arith.muli %scan3A_306, %mul3A_394 : i32
        %add3A_396 = arith.constant 144 : i32
        %add3A_397 = arith.addi %mul3A_395, %add3A_396 : i32
        %get3A_398 = arith.index_cast %add3A_397 : i32 to index
        %get3A_399 = tpu.vector_load %arg6[%get3A_398] {strides = array<i32>} : memref<28672xf32, #tpu.memory_space<vmem>>, vector<16xf32>,
        %get3A_400 = vector.shape_cast %get3A_399 : vector<16xf32> to vector<16xf32>
        %max3A_401 = arith.maximumf %scan3A_316, %get3A_400 : vector<16xf32>
        %mul3A_402 = arith.constant 256 : i32
        %mul3A_403 = arith.muli %scan3A_306, %mul3A_402 : i32
        %add3A_404 = arith.constant 160 : i32
        %add3A_405 = arith.addi %mul3A_403, %add3A_404 : i32
        %get3A_406 = arith.index_cast %add3A_405 : i32 to index
        %get3A_407 = tpu.vector_load %arg6[%get3A_406] {strides = array<i32>} : memref<28672xf32, #tpu.memory_space<vmem>>, vector<16xf32>,
        %get3A_408 = vector.shape_cast %get3A_407 : vector<16xf32> to vector<16xf32>
        %max3A_409 = arith.maximumf %scan3A_317, %get3A_408 : vector<16xf32>
        %mul3A_410 = arith.constant 256 : i32
        %mul3A_411 = arith.muli %scan3A_306, %mul3A_410 : i32
        %add3A_412 = arith.constant 176 : i32
        %add3A_413 = arith.addi %mul3A_411, %add3A_412 : i32
        %get3A_414 = arith.index_cast %add3A_413 : i32 to index
        %get3A_415 = tpu.vector_load %arg6[%get3A_414] {strides = array<i32>} : memref<28672xf32, #tpu.memory_space<vmem>>, vector<16xf32>,
        %get3A_416 = vector.shape_cast %get3A_415 : vector<16xf32> to vector<16xf32>
        %max3A_417 = arith.maximumf %scan3A_318, %get3A_416 : vector<16xf32>
        %mul3A_418 = arith.constant 256 : i32
        %mul3A_419 = arith.muli %scan3A_306, %mul3A_418 : i32
        %add3A_420 = arith.constant 192 : i32
        %add3A_421 = arith.addi %mul3A_419, %add3A_420 : i32
        %get3A_422 = arith.index_cast %add3A_421 : i32 to index
        %get3A_423 = tpu.vector_load %arg6[%get3A_422] {strides = array<i32>} : memref<28672xf32, #tpu.memory_space<vmem>>, vector<16xf32>,
        %get3A_424 = vector.shape_cast %get3A_423 : vector<16xf32> to vector<16xf32>
        %max3A_425 = arith.maximumf %scan3A_319, %get3A_424 : vector<16xf32>
        %mul3A_426 = arith.constant 256 : i32
        %mul3A_427 = arith.muli %scan3A_306, %mul3A_426 : i32
        %add3A_428 = arith.constant 208 : i32
        %add3A_429 = arith.addi %mul3A_427, %add3A_428 : i32
        %get3A_430 = arith.index_cast %add3A_429 : i32 to index
        %get3A_431 = tpu.vector_load %arg6[%get3A_430] {strides = array<i32>} : memref<28672xf32, #tpu.memory_space<vmem>>, vector<16xf32>,
        %get3A_432 = vector.shape_cast %get3A_431 : vector<16xf32> to vector<16xf32>
        %max3A_433 = arith.maximumf %scan3A_320, %get3A_432 : vector<16xf32>
        %mul3A_434 = arith.constant 256 : i32
        %mul3A_435 = arith.muli %scan3A_306, %mul3A_434 : i32
        %add3A_436 = arith.constant 224 : i32
        %add3A_437 = arith.addi %mul3A_435, %add3A_436 : i32
        %get3A_438 = arith.index_cast %add3A_437 : i32 to index
        %get3A_439 = tpu.vector_load %arg6[%get3A_438] {strides = array<i32>} : memref<28672xf32, #tpu.memory_space<vmem>>, vector<16xf32>,
        %get3A_440 = vector.shape_cast %get3A_439 : vector<16xf32> to vector<16xf32>
        %max3A_441 = arith.maximumf %scan3A_321, %get3A_440 : vector<16xf32>
        %mul3A_442 = arith.constant 256 : i32
        %mul3A_443 = arith.muli %scan3A_306, %mul3A_442 : i32
        %add3A_444 = arith.constant 240 : i32
        %add3A_445 = arith.addi %mul3A_443, %add3A_444 : i32
        %get3A_446 = arith.index_cast %add3A_445 : i32 to index
        %get3A_447 = tpu.vector_load %arg6[%get3A_446] {strides = array<i32>} : memref<28672xf32, #tpu.memory_space<vmem>>, vector<16xf32>,
        %get3A_448 = vector.shape_cast %get3A_447 : vector<16xf32> to vector<16xf32>
        %max3A_449 = arith.maximumf %scan3A_322, %get3A_448 : vector<16xf32>
        scf.yield %max3A_329, %max3A_337, %max3A_345, %max3A_353, %max3A_361, %max3A_369, %max3A_377, %max3A_385, %max3A_393, %max3A_401, %max3A_409, %max3A_417, %max3A_425, %max3A_433, %max3A_441, %max3A_449 : vector<16xf32>, vector<16xf32>, vector<16xf32>, vector<16xf32>, vector<16xf32>, vector<16xf32>, vector<16xf32>, vector<16xf32>, vector<16xf32>, vector<16xf32>, vector<16xf32>, vector<16xf32>, vector<16xf32>, vector<16xf32>, vector<16xf32>, vector<16xf32>
      }
      %scan3A_189 = arith.constant 112 : i32
      %max3A_190 = arith.maximumf %scan3A_188#0, %scan3A_188#1 : vector<16xf32>
      %max3A_191 = arith.maximumf %max3A_190, %scan3A_188#2 : vector<16xf32>
      %max3A_192 = arith.maximumf %max3A_191, %scan3A_188#3 : vector<16xf32>
      %max3A_193 = arith.maximumf %max3A_192, %scan3A_188#4 : vector<16xf32>
      %max3A_194 = arith.maximumf %max3A_193, %scan3A_188#5 : vector<16xf32>
      %max3A_195 = arith.maximumf %max3A_194, %scan3A_188#6 : vector<16xf32>
      %max3A_196 = arith.maximumf %max3A_195, %scan3A_188#7 : vector<16xf32>
      %max3A_197 = arith.maximumf %max3A_196, %scan3A_188#8 : vector<16xf32>
      %max3A_198 = arith.maximumf %max3A_197, %scan3A_188#9 : vector<16xf32>
      %max3A_199 = arith.maximumf %max3A_198, %scan3A_188#10 : vector<16xf32>
      %max3A_200 = arith.maximumf %max3A_199, %scan3A_188#11 : vector<16xf32>
      %max3A_201 = arith.maximumf %max3A_200, %scan3A_188#12 : vector<16xf32>
      %max3A_202 = arith.maximumf %max3A_201, %scan3A_188#13 : vector<16xf32>
      %max3A_203 = arith.maximumf %max3A_202, %scan3A_188#14 : vector<16xf32>
      %max3A_204 = arith.maximumf %max3A_203, %scan3A_188#15 : vector<16xf32>
      %gt3A_205 = arith.cmpf ogt, %max3A_204, %max3A_159 : vector<16xf32>
      %jit3A_206 = arith.constant 937984 : i32
      %broadcast_in_dim3A_207 = vector.broadcast %jit3A_206 : i32 to vector<16xi32>
      %select_n3A_208 = arith.select %gt3A_205, %broadcast_in_dim3A_207, %select_n3A_158 : vector<16xi1>, vector<16xi32>
      %max3A_209 = arith.maximumf %max3A_159, %max3A_204 : vector<16xf32>
      %dma_start3A_210 = arith.constant 0 : i32
      %dma_start3A_211 = arith.constant 0 : i32
      %dma_start3A_212 = tpu.memref_slice %arg6[%dma_start3A_211] : memref<28672xf32, #tpu.memory_space<vmem>> -> memref<4608xf32, #tpu.memory_space<vmem>>
      %dma_start3A_213 = arith.constant 995328 : i32
      %dma_start3A_214 = tpu.memref_slice %arg2[%add3A, %dma_start3A_210, %dma_start3A_213] : memref<32x1x1000000xf32, #tpu.memory_space<hbm>> -> memref<1x1x4608xf32, #tpu.memory_space<hbm>>
      %dma_start3A_215 = tpu.memref_squeeze %dma_start3A_214 : memref<1x1x4608xf32, #tpu.memory_space<hbm>> -> memref<4608xf32, #tpu.memory_space<hbm>>
      %dma_start3A_216 = arith.constant 0 : i32
      %dma_start3A_217 = tpu.memref_slice %arg6[%dma_start3A_216] : memref<28672xf32, #tpu.memory_space<vmem>> -> memref<4608xf32, #tpu.memory_space<vmem>>
      %dma_start3A_218 = arith.constant 995328 : i32
      %dma_start3A_219 = tpu.memref_slice %arg2[%add3A, %dma_start3A_210, %dma_start3A_218] : memref<32x1x1000000xf32, #tpu.memory_space<hbm>> -> memref<1x1x4608xf32, #tpu.memory_space<hbm>>
      %dma_start3A_220 = tpu.memref_squeeze %dma_start3A_219 : memref<1x1x4608xf32, #tpu.memory_space<hbm>> -> memref<4608xf32, #tpu.memory_space<hbm>>
      tpu.enqueue_dma source(%dma_start3A_220 : memref<4608xf32, #tpu.memory_space<hbm>>) target(%dma_start3A_217 : memref<4608xf32, #tpu.memory_space<vmem>>) target_semaphore(%arg10 : memref<!tpu.dma_semaphore, #tpu.memory_space<semaphore_mem>>)
      %dma_wait3A_221 = arith.constant 0 : i32
      %dma_wait3A_222 = arith.constant 0 : i32
      %dma_wait3A_223 = tpu.memref_slice %arg5[%dma_wait3A_222] : memref<28672xf32, #tpu.memory_space<vmem>> -> memref<28672xf32, #tpu.memory_space<vmem>>
      %dma_wait3A_224 = arith.constant 966656 : i32
      %dma_wait3A_225 = tpu.memref_slice %arg2[%add3A, %dma_wait3A_221, %dma_wait3A_224] : memref<32x1x1000000xf32, #tpu.memory_space<hbm>> -> memref<1x1x28672xf32, #tpu.memory_space<hbm>>
      %dma_wait3A_226 = tpu.memref_squeeze %dma_wait3A_225 : memref<1x1x28672xf32, #tpu.memory_space<hbm>> -> memref<28672xf32, #tpu.memory_space<hbm>>
      %dma_wait3A_227 = arith.constant 0 : i32
      %dma_wait3A_228 = tpu.memref_slice %arg5[%dma_wait3A_227] : memref<28672xf32, #tpu.memory_space<vmem>> -> memref<28672xf32, #tpu.memory_space<vmem>>
      %dma_wait3A_229 = arith.constant 966656 : i32
      %dma_wait3A_230 = tpu.memref_slice %arg2[%add3A, %dma_wait3A_221, %dma_wait3A_229] : memref<32x1x1000000xf32, #tpu.memory_space<hbm>> -> memref<1x1x28672xf32, #tpu.memory_space<hbm>>
      %dma_wait3A_231 = tpu.memref_squeeze %dma_wait3A_230 : memref<1x1x28672xf32, #tpu.memory_space<hbm>> -> memref<28672xf32, #tpu.memory_space<hbm>>
      tpu.wait_dma2 semaphore(%arg9 : memref<!tpu.dma_semaphore, #tpu.memory_space<semaphore_mem>>) src(%dma_wait3A_231 : memref<28672xf32, #tpu.memory_space<hbm>>) dst(%dma_wait3A_228 : memref<28672xf32, #tpu.memory_space<vmem>>)
      %broadcast_in_dim3A_232 = arith.constant 0xFF800000 : f32
      %broadcast_in_dim3A_233 = vector.broadcast %broadcast_in_dim3A_232 : f32 to vector<16xf32>
      %scan3A_234 = arith.constant 0 : i32
      %scan3A_235 = arith.constant 112 : i32
      %scan3A_236 = arith.addi %scan3A_234, %scan3A_235 : i32
      %scan3A_237 = arith.constant 1 : i32
      %scan3A_238:16 = scf.for %scan3A_306 = %scan3A_234 to %scan3A_236 step %scan3A_237 iter_args(%scan3A_307 = %broadcast_in_dim3A_233, %scan3A_308 = %broadcast_in_dim3A_233, %scan3A_309 = %broadcast_in_dim3A_233, %scan3A_310 = %broadcast_in_dim3A_233, %scan3A_311 = %broadcast_in_dim3A_233, %scan3A_312 = %broadcast_in_dim3A_233, %scan3A_313 = %broadcast_in_dim3A_233, %scan3A_314 = %broadcast_in_dim3A_233, %scan3A_315 = %broadcast_in_dim3A_233, %scan3A_316 = %broadcast_in_dim3A_233, %scan3A_317 = %broadcast_in_dim3A_233, %scan3A_318 = %broadcast_in_dim3A_233, %scan3A_319 = %broadcast_in_dim3A_233, %scan3A_320 = %broadcast_in_dim3A_233, %scan3A_321 = %broadcast_in_dim3A_233, %scan3A_322 = %broadcast_in_dim3A_233) -> (vector<16xf32>, vector<16xf32>, vector<16xf32>, vector<16xf32>, vector<16xf32>, vector<16xf32>, vector<16xf32>, vector<16xf32>, vector<16xf32>, vector<16xf32>, vector<16xf32>, vector<16xf32>, vector<16xf32>, vector<16xf32>, vector<16xf32>, vector<16xf32>)  : i32 {
        %mul3A_323 = arith.constant 256 : i32
        %mul3A_324 = arith.muli %scan3A_306, %mul3A_323 : i32
        %add3A_325 = arith.constant 0 : i32
        %add3A_326 = arith.addi %mul3A_324, %add3A_325 : i32
        %get3A = arith.index_cast %add3A_326 : i32 to index
        %get3A_327 = tpu.vector_load %arg5[%get3A] {strides = array<i32>} : memref<28672xf32, #tpu.memory_space<vmem>>, vector<16xf32>,
        %get3A_328 = vector.shape_cast %get3A_327 : vector<16xf32> to vector<16xf32>
        %max3A_329 = arith.maximumf %scan3A_307, %get3A_328 : vector<16xf32>
        %mul3A_330 = arith.constant 256 : i32
        %mul3A_331 = arith.muli %scan3A_306, %mul3A_330 : i32
        %add3A_332 = arith.constant 16 : i32
        %add3A_333 = arith.addi %mul3A_331, %add3A_332 : i32
        %get3A_334 = arith.index_cast %add3A_333 : i32 to index
        %get3A_335 = tpu.vector_load %arg5[%get3A_334] {strides = array<i32>} : memref<28672xf32, #tpu.memory_space<vmem>>, vector<16xf32>,
        %get3A_336 = vector.shape_cast %get3A_335 : vector<16xf32> to vector<16xf32>
        %max3A_337 = arith.maximumf %scan3A_308, %get3A_336 : vector<16xf32>
        %mul3A_338 = arith.constant 256 : i32
        %mul3A_339 = arith.muli %scan3A_306, %mul3A_338 : i32
        %add3A_340 = arith.constant 32 : i32
        %add3A_341 = arith.addi %mul3A_339, %add3A_340 : i32
        %get3A_342 = arith.index_cast %add3A_341 : i32 to index
        %get3A_343 = tpu.vector_load %arg5[%get3A_342] {strides = array<i32>} : memref<28672xf32, #tpu.memory_space<vmem>>, vector<16xf32>,
        %get3A_344 = vector.shape_cast %get3A_343 : vector<16xf32> to vector<16xf32>
        %max3A_345 = arith.maximumf %scan3A_309, %get3A_344 : vector<16xf32>
        %mul3A_346 = arith.constant 256 : i32
        %mul3A_347 = arith.muli %scan3A_306, %mul3A_346 : i32
        %add3A_348 = arith.constant 48 : i32
        %add3A_349 = arith.addi %mul3A_347, %add3A_348 : i32
        %get3A_350 = arith.index_cast %add3A_349 : i32 to index
        %get3A_351 = tpu.vector_load %arg5[%get3A_350] {strides = array<i32>} : memref<28672xf32, #tpu.memory_space<vmem>>, vector<16xf32>,
        %get3A_352 = vector.shape_cast %get3A_351 : vector<16xf32> to vector<16xf32>
        %max3A_353 = arith.maximumf %scan3A_310, %get3A_352 : vector<16xf32>
        %mul3A_354 = arith.constant 256 : i32
        %mul3A_355 = arith.muli %scan3A_306, %mul3A_354 : i32
        %add3A_356 = arith.constant 64 : i32
        %add3A_357 = arith.addi %mul3A_355, %add3A_356 : i32
        %get3A_358 = arith.index_cast %add3A_357 : i32 to index
        %get3A_359 = tpu.vector_load %arg5[%get3A_358] {strides = array<i32>} : memref<28672xf32, #tpu.memory_space<vmem>>, vector<16xf32>,
        %get3A_360 = vector.shape_cast %get3A_359 : vector<16xf32> to vector<16xf32>
        %max3A_361 = arith.maximumf %scan3A_311, %get3A_360 : vector<16xf32>
        %mul3A_362 = arith.constant 256 : i32
        %mul3A_363 = arith.muli %scan3A_306, %mul3A_362 : i32
        %add3A_364 = arith.constant 80 : i32
        %add3A_365 = arith.addi %mul3A_363, %add3A_364 : i32
        %get3A_366 = arith.index_cast %add3A_365 : i32 to index
        %get3A_367 = tpu.vector_load %arg5[%get3A_366] {strides = array<i32>} : memref<28672xf32, #tpu.memory_space<vmem>>, vector<16xf32>,
        %get3A_368 = vector.shape_cast %get3A_367 : vector<16xf32> to vector<16xf32>
        %max3A_369 = arith.maximumf %scan3A_312, %get3A_368 : vector<16xf32>
        %mul3A_370 = arith.constant 256 : i32
        %mul3A_371 = arith.muli %scan3A_306, %mul3A_370 : i32
        %add3A_372 = arith.constant 96 : i32
        %add3A_373 = arith.addi %mul3A_371, %add3A_372 : i32
        %get3A_374 = arith.index_cast %add3A_373 : i32 to index
        %get3A_375 = tpu.vector_load %arg5[%get3A_374] {strides = array<i32>} : memref<28672xf32, #tpu.memory_space<vmem>>, vector<16xf32>,
        %get3A_376 = vector.shape_cast %get3A_375 : vector<16xf32> to vector<16xf32>
        %max3A_377 = arith.maximumf %scan3A_313, %get3A_376 : vector<16xf32>
        %mul3A_378 = arith.constant 256 : i32
        %mul3A_379 = arith.muli %scan3A_306, %mul3A_378 : i32
        %add3A_380 = arith.constant 112 : i32
        %add3A_381 = arith.addi %mul3A_379, %add3A_380 : i32
        %get3A_382 = arith.index_cast %add3A_381 : i32 to index
        %get3A_383 = tpu.vector_load %arg5[%get3A_382] {strides = array<i32>} : memref<28672xf32, #tpu.memory_space<vmem>>, vector<16xf32>,
        %get3A_384 = vector.shape_cast %get3A_383 : vector<16xf32> to vector<16xf32>
        %max3A_385 = arith.maximumf %scan3A_314, %get3A_384 : vector<16xf32>
        %mul3A_386 = arith.constant 256 : i32
        %mul3A_387 = arith.muli %scan3A_306, %mul3A_386 : i32
        %add3A_388 = arith.constant 128 : i32
        %add3A_389 = arith.addi %mul3A_387, %add3A_388 : i32
        %get3A_390 = arith.index_cast %add3A_389 : i32 to index
        %get3A_391 = tpu.vector_load %arg5[%get3A_390] {strides = array<i32>} : memref<28672xf32, #tpu.memory_space<vmem>>, vector<16xf32>,
        %get3A_392 = vector.shape_cast %get3A_391 : vector<16xf32> to vector<16xf32>
        %max3A_393 = arith.maximumf %scan3A_315, %get3A_392 : vector<16xf32>
        %mul3A_394 = arith.constant 256 : i32
        %mul3A_395 = arith.muli %scan3A_306, %mul3A_394 : i32
        %add3A_396 = arith.constant 144 : i32
        %add3A_397 = arith.addi %mul3A_395, %add3A_396 : i32
        %get3A_398 = arith.index_cast %add3A_397 : i32 to index
        %get3A_399 = tpu.vector_load %arg5[%get3A_398] {strides = array<i32>} : memref<28672xf32, #tpu.memory_space<vmem>>, vector<16xf32>,
        %get3A_400 = vector.shape_cast %get3A_399 : vector<16xf32> to vector<16xf32>
        %max3A_401 = arith.maximumf %scan3A_316, %get3A_400 : vector<16xf32>
        %mul3A_402 = arith.constant 256 : i32
        %mul3A_403 = arith.muli %scan3A_306, %mul3A_402 : i32
        %add3A_404 = arith.constant 160 : i32
        %add3A_405 = arith.addi %mul3A_403, %add3A_404 : i32
        %get3A_406 = arith.index_cast %add3A_405 : i32 to index
        %get3A_407 = tpu.vector_load %arg5[%get3A_406] {strides = array<i32>} : memref<28672xf32, #tpu.memory_space<vmem>>, vector<16xf32>,
        %get3A_408 = vector.shape_cast %get3A_407 : vector<16xf32> to vector<16xf32>
        %max3A_409 = arith.maximumf %scan3A_317, %get3A_408 : vector<16xf32>
        %mul3A_410 = arith.constant 256 : i32
        %mul3A_411 = arith.muli %scan3A_306, %mul3A_410 : i32
        %add3A_412 = arith.constant 176 : i32
        %add3A_413 = arith.addi %mul3A_411, %add3A_412 : i32
        %get3A_414 = arith.index_cast %add3A_413 : i32 to index
        %get3A_415 = tpu.vector_load %arg5[%get3A_414] {strides = array<i32>} : memref<28672xf32, #tpu.memory_space<vmem>>, vector<16xf32>,
        %get3A_416 = vector.shape_cast %get3A_415 : vector<16xf32> to vector<16xf32>
        %max3A_417 = arith.maximumf %scan3A_318, %get3A_416 : vector<16xf32>
        %mul3A_418 = arith.constant 256 : i32
        %mul3A_419 = arith.muli %scan3A_306, %mul3A_418 : i32
        %add3A_420 = arith.constant 192 : i32
        %add3A_421 = arith.addi %mul3A_419, %add3A_420 : i32
        %get3A_422 = arith.index_cast %add3A_421 : i32 to index
        %get3A_423 = tpu.vector_load %arg5[%get3A_422] {strides = array<i32>} : memref<28672xf32, #tpu.memory_space<vmem>>, vector<16xf32>,
        %get3A_424 = vector.shape_cast %get3A_423 : vector<16xf32> to vector<16xf32>
        %max3A_425 = arith.maximumf %scan3A_319, %get3A_424 : vector<16xf32>
        %mul3A_426 = arith.constant 256 : i32
        %mul3A_427 = arith.muli %scan3A_306, %mul3A_426 : i32
        %add3A_428 = arith.constant 208 : i32
        %add3A_429 = arith.addi %mul3A_427, %add3A_428 : i32
        %get3A_430 = arith.index_cast %add3A_429 : i32 to index
        %get3A_431 = tpu.vector_load %arg5[%get3A_430] {strides = array<i32>} : memref<28672xf32, #tpu.memory_space<vmem>>, vector<16xf32>,
        %get3A_432 = vector.shape_cast %get3A_431 : vector<16xf32> to vector<16xf32>
        %max3A_433 = arith.maximumf %scan3A_320, %get3A_432 : vector<16xf32>
        %mul3A_434 = arith.constant 256 : i32
        %mul3A_435 = arith.muli %scan3A_306, %mul3A_434 : i32
        %add3A_436 = arith.constant 224 : i32
        %add3A_437 = arith.addi %mul3A_435, %add3A_436 : i32
        %get3A_438 = arith.index_cast %add3A_437 : i32 to index
        %get3A_439 = tpu.vector_load %arg5[%get3A_438] {strides = array<i32>} : memref<28672xf32, #tpu.memory_space<vmem>>, vector<16xf32>,
        %get3A_440 = vector.shape_cast %get3A_439 : vector<16xf32> to vector<16xf32>
        %max3A_441 = arith.maximumf %scan3A_321, %get3A_440 : vector<16xf32>
        %mul3A_442 = arith.constant 256 : i32
        %mul3A_443 = arith.muli %scan3A_306, %mul3A_442 : i32
        %add3A_444 = arith.constant 240 : i32
        %add3A_445 = arith.addi %mul3A_443, %add3A_444 : i32
        %get3A_446 = arith.index_cast %add3A_445 : i32 to index
        %get3A_447 = tpu.vector_load %arg5[%get3A_446] {strides = array<i32>} : memref<28672xf32, #tpu.memory_space<vmem>>, vector<16xf32>,
        %get3A_448 = vector.shape_cast %get3A_447 : vector<16xf32> to vector<16xf32>
        %max3A_449 = arith.maximumf %scan3A_322, %get3A_448 : vector<16xf32>
        scf.yield %max3A_329, %max3A_337, %max3A_345, %max3A_353, %max3A_361, %max3A_369, %max3A_377, %max3A_385, %max3A_393, %max3A_401, %max3A_409, %max3A_417, %max3A_425, %max3A_433, %max3A_441, %max3A_449 : vector<16xf32>, vector<16xf32>, vector<16xf32>, vector<16xf32>, vector<16xf32>, vector<16xf32>, vector<16xf32>, vector<16xf32>, vector<16xf32>, vector<16xf32>, vector<16xf32>, vector<16xf32>, vector<16xf32>, vector<16xf32>, vector<16xf32>, vector<16xf32>
      }
      %scan3A_239 = arith.constant 112 : i32
      %max3A_240 = arith.maximumf %scan3A_238#0, %scan3A_238#1 : vector<16xf32>
      %max3A_241 = arith.maximumf %max3A_240, %scan3A_238#2 : vector<16xf32>
      %max3A_242 = arith.maximumf %max3A_241, %scan3A_238#3 : vector<16xf32>
      %max3A_243 = arith.maximumf %max3A_242, %scan3A_238#4 : vector<16xf32>
      %max3A_244 = arith.maximumf %max3A_243, %scan3A_238#5 : vector<16xf32>
      %max3A_245 = arith.maximumf %max3A_244, %scan3A_238#6 : vector<16xf32>
      %max3A_246 = arith.maximumf %max3A_245, %scan3A_238#7 : vector<16xf32>
      %max3A_247 = arith.maximumf %max3A_246, %scan3A_238#8 : vector<16xf32>
      %max3A_248 = arith.maximumf %max3A_247, %scan3A_238#9 : vector<16xf32>
      %max3A_249 = arith.maximumf %max3A_248, %scan3A_238#10 : vector<16xf32>
      %max3A_250 = arith.maximumf %max3A_249, %scan3A_238#11 : vector<16xf32>
      %max3A_251 = arith.maximumf %max3A_250, %scan3A_238#12 : vector<16xf32>
      %max3A_252 = arith.maximumf %max3A_251, %scan3A_238#13 : vector<16xf32>
      %max3A_253 = arith.maximumf %max3A_252, %scan3A_238#14 : vector<16xf32>
      %max3A_254 = arith.maximumf %max3A_253, %scan3A_238#15 : vector<16xf32>
      %gt3A_255 = arith.cmpf ogt, %max3A_254, %max3A_209 : vector<16xf32>
      %jit3A_256 = arith.constant 966656 : i32
      %broadcast_in_dim3A_257 = vector.broadcast %jit3A_256 : i32 to vector<16xi32>
      %select_n3A_258 = arith.select %gt3A_255, %broadcast_in_dim3A_257, %select_n3A_208 : vector<16xi1>, vector<16xi32>
      %max3A_259 = arith.maximumf %max3A_209, %max3A_254 : vector<16xf32>
      %dma_wait3A_260 = arith.constant 0 : i32
      %dma_wait3A_261 = arith.constant 0 : i32
      %dma_wait3A_262 = tpu.memref_slice %arg6[%dma_wait3A_261] : memref<28672xf32, #tpu.memory_space<vmem>> -> memref<4608xf32, #tpu.memory_space<vmem>>
      %dma_wait3A_263 = arith.constant 995328 : i32
      %dma_wait3A_264 = tpu.memref_slice %arg2[%add3A, %dma_wait3A_260, %dma_wait3A_263] : memref<32x1x1000000xf32, #tpu.memory_space<hbm>> -> memref<1x1x4608xf32, #tpu.memory_space<hbm>>
      %dma_wait3A_265 = tpu.memref_squeeze %dma_wait3A_264 : memref<1x1x4608xf32, #tpu.memory_space<hbm>> -> memref<4608xf32, #tpu.memory_space<hbm>>
      %dma_wait3A_266 = arith.constant 0 : i32
      %dma_wait3A_267 = tpu.memref_slice %arg6[%dma_wait3A_266] : memref<28672xf32, #tpu.memory_space<vmem>> -> memref<4608xf32, #tpu.memory_space<vmem>>
      %dma_wait3A_268 = arith.constant 995328 : i32
      %dma_wait3A_269 = tpu.memref_slice %arg2[%add3A, %dma_wait3A_260, %dma_wait3A_268] : memref<32x1x1000000xf32, #tpu.memory_space<hbm>> -> memref<1x1x4608xf32, #tpu.memory_space<hbm>>
      %dma_wait3A_270 = tpu.memref_squeeze %dma_wait3A_269 : memref<1x1x4608xf32, #tpu.memory_space<hbm>> -> memref<4608xf32, #tpu.memory_space<hbm>>
      tpu.wait_dma2 semaphore(%arg10 : memref<!tpu.dma_semaphore, #tpu.memory_space<semaphore_mem>>) src(%dma_wait3A_270 : memref<4608xf32, #tpu.memory_space<hbm>>) dst(%dma_wait3A_267 : memref<4608xf32, #tpu.memory_space<vmem>>)
      %broadcast_in_dim3A_271 = arith.constant 0xFF800000 : f32
      %broadcast_in_dim3A_272 = vector.broadcast %broadcast_in_dim3A_271 : f32 to vector<16xf32>
      %scan3A_273 = arith.constant 0 : i32
      %scan3A_274 = arith.constant 18 : i32
      %scan3A_275 = arith.addi %scan3A_273, %scan3A_274 : i32
      %scan3A_276 = arith.constant 1 : i32
      %scan3A_277:16 = scf.for %scan3A_306 = %scan3A_273 to %scan3A_275 step %scan3A_276 iter_args(%scan3A_307 = %broadcast_in_dim3A_272, %scan3A_308 = %broadcast_in_dim3A_272, %scan3A_309 = %broadcast_in_dim3A_272, %scan3A_310 = %broadcast_in_dim3A_272, %scan3A_311 = %broadcast_in_dim3A_272, %scan3A_312 = %broadcast_in_dim3A_272, %scan3A_313 = %broadcast_in_dim3A_272, %scan3A_314 = %broadcast_in_dim3A_272, %scan3A_315 = %broadcast_in_dim3A_272, %scan3A_316 = %broadcast_in_dim3A_272, %scan3A_317 = %broadcast_in_dim3A_272, %scan3A_318 = %broadcast_in_dim3A_272, %scan3A_319 = %broadcast_in_dim3A_272, %scan3A_320 = %broadcast_in_dim3A_272, %scan3A_321 = %broadcast_in_dim3A_272, %scan3A_322 = %broadcast_in_dim3A_272) -> (vector<16xf32>, vector<16xf32>, vector<16xf32>, vector<16xf32>, vector<16xf32>, vector<16xf32>, vector<16xf32>, vector<16xf32>, vector<16xf32>, vector<16xf32>, vector<16xf32>, vector<16xf32>, vector<16xf32>, vector<16xf32>, vector<16xf32>, vector<16xf32>)  : i32 {
        %mul3A_323 = arith.constant 256 : i32
        %mul3A_324 = arith.muli %scan3A_306, %mul3A_323 : i32
        %add3A_325 = arith.constant 0 : i32
        %add3A_326 = arith.addi %mul3A_324, %add3A_325 : i32
        %get3A = arith.index_cast %add3A_326 : i32 to index
        %get3A_327 = tpu.vector_load %arg6[%get3A] {strides = array<i32>} : memref<28672xf32, #tpu.memory_space<vmem>>, vector<16xf32>,
        %get3A_328 = vector.shape_cast %get3A_327 : vector<16xf32> to vector<16xf32>
        %max3A_329 = arith.maximumf %scan3A_307, %get3A_328 : vector<16xf32>
        %mul3A_330 = arith.constant 256 : i32
        %mul3A_331 = arith.muli %scan3A_306, %mul3A_330 : i32
        %add3A_332 = arith.constant 16 : i32
        %add3A_333 = arith.addi %mul3A_331, %add3A_332 : i32
        %get3A_334 = arith.index_cast %add3A_333 : i32 to index
        %get3A_335 = tpu.vector_load %arg6[%get3A_334] {strides = array<i32>} : memref<28672xf32, #tpu.memory_space<vmem>>, vector<16xf32>,
        %get3A_336 = vector.shape_cast %get3A_335 : vector<16xf32> to vector<16xf32>
        %max3A_337 = arith.maximumf %scan3A_308, %get3A_336 : vector<16xf32>
        %mul3A_338 = arith.constant 256 : i32
        %mul3A_339 = arith.muli %scan3A_306, %mul3A_338 : i32
        %add3A_340 = arith.constant 32 : i32
        %add3A_341 = arith.addi %mul3A_339, %add3A_340 : i32
        %get3A_342 = arith.index_cast %add3A_341 : i32 to index
        %get3A_343 = tpu.vector_load %arg6[%get3A_342] {strides = array<i32>} : memref<28672xf32, #tpu.memory_space<vmem>>, vector<16xf32>,
        %get3A_344 = vector.shape_cast %get3A_343 : vector<16xf32> to vector<16xf32>
        %max3A_345 = arith.maximumf %scan3A_309, %get3A_344 : vector<16xf32>
        %mul3A_346 = arith.constant 256 : i32
        %mul3A_347 = arith.muli %scan3A_306, %mul3A_346 : i32
        %add3A_348 = arith.constant 48 : i32
        %add3A_349 = arith.addi %mul3A_347, %add3A_348 : i32
        %get3A_350 = arith.index_cast %add3A_349 : i32 to index
        %get3A_351 = tpu.vector_load %arg6[%get3A_350] {strides = array<i32>} : memref<28672xf32, #tpu.memory_space<vmem>>, vector<16xf32>,
        %get3A_352 = vector.shape_cast %get3A_351 : vector<16xf32> to vector<16xf32>
        %max3A_353 = arith.maximumf %scan3A_310, %get3A_352 : vector<16xf32>
        %mul3A_354 = arith.constant 256 : i32
        %mul3A_355 = arith.muli %scan3A_306, %mul3A_354 : i32
        %add3A_356 = arith.constant 64 : i32
        %add3A_357 = arith.addi %mul3A_355, %add3A_356 : i32
        %get3A_358 = arith.index_cast %add3A_357 : i32 to index
        %get3A_359 = tpu.vector_load %arg6[%get3A_358] {strides = array<i32>} : memref<28672xf32, #tpu.memory_space<vmem>>, vector<16xf32>,
        %get3A_360 = vector.shape_cast %get3A_359 : vector<16xf32> to vector<16xf32>
        %max3A_361 = arith.maximumf %scan3A_311, %get3A_360 : vector<16xf32>
        %mul3A_362 = arith.constant 256 : i32
        %mul3A_363 = arith.muli %scan3A_306, %mul3A_362 : i32
        %add3A_364 = arith.constant 80 : i32
        %add3A_365 = arith.addi %mul3A_363, %add3A_364 : i32
        %get3A_366 = arith.index_cast %add3A_365 : i32 to index
        %get3A_367 = tpu.vector_load %arg6[%get3A_366] {strides = array<i32>} : memref<28672xf32, #tpu.memory_space<vmem>>, vector<16xf32>,
        %get3A_368 = vector.shape_cast %get3A_367 : vector<16xf32> to vector<16xf32>
        %max3A_369 = arith.maximumf %scan3A_312, %get3A_368 : vector<16xf32>
        %mul3A_370 = arith.constant 256 : i32
        %mul3A_371 = arith.muli %scan3A_306, %mul3A_370 : i32
        %add3A_372 = arith.constant 96 : i32
        %add3A_373 = arith.addi %mul3A_371, %add3A_372 : i32
        %get3A_374 = arith.index_cast %add3A_373 : i32 to index
        %get3A_375 = tpu.vector_load %arg6[%get3A_374] {strides = array<i32>} : memref<28672xf32, #tpu.memory_space<vmem>>, vector<16xf32>,
        %get3A_376 = vector.shape_cast %get3A_375 : vector<16xf32> to vector<16xf32>
        %max3A_377 = arith.maximumf %scan3A_313, %get3A_376 : vector<16xf32>
        %mul3A_378 = arith.constant 256 : i32
        %mul3A_379 = arith.muli %scan3A_306, %mul3A_378 : i32
        %add3A_380 = arith.constant 112 : i32
        %add3A_381 = arith.addi %mul3A_379, %add3A_380 : i32
        %get3A_382 = arith.index_cast %add3A_381 : i32 to index
        %get3A_383 = tpu.vector_load %arg6[%get3A_382] {strides = array<i32>} : memref<28672xf32, #tpu.memory_space<vmem>>, vector<16xf32>,
        %get3A_384 = vector.shape_cast %get3A_383 : vector<16xf32> to vector<16xf32>
        %max3A_385 = arith.maximumf %scan3A_314, %get3A_384 : vector<16xf32>
        %mul3A_386 = arith.constant 256 : i32
        %mul3A_387 = arith.muli %scan3A_306, %mul3A_386 : i32
        %add3A_388 = arith.constant 128 : i32
        %add3A_389 = arith.addi %mul3A_387, %add3A_388 : i32
        %get3A_390 = arith.index_cast %add3A_389 : i32 to index
        %get3A_391 = tpu.vector_load %arg6[%get3A_390] {strides = array<i32>} : memref<28672xf32, #tpu.memory_space<vmem>>, vector<16xf32>,
        %get3A_392 = vector.shape_cast %get3A_391 : vector<16xf32> to vector<16xf32>
        %max3A_393 = arith.maximumf %scan3A_315, %get3A_392 : vector<16xf32>
        %mul3A_394 = arith.constant 256 : i32
        %mul3A_395 = arith.muli %scan3A_306, %mul3A_394 : i32
        %add3A_396 = arith.constant 144 : i32
        %add3A_397 = arith.addi %mul3A_395, %add3A_396 : i32
        %get3A_398 = arith.index_cast %add3A_397 : i32 to index
        %get3A_399 = tpu.vector_load %arg6[%get3A_398] {strides = array<i32>} : memref<28672xf32, #tpu.memory_space<vmem>>, vector<16xf32>,
        %get3A_400 = vector.shape_cast %get3A_399 : vector<16xf32> to vector<16xf32>
        %max3A_401 = arith.maximumf %scan3A_316, %get3A_400 : vector<16xf32>
        %mul3A_402 = arith.constant 256 : i32
        %mul3A_403 = arith.muli %scan3A_306, %mul3A_402 : i32
        %add3A_404 = arith.constant 160 : i32
        %add3A_405 = arith.addi %mul3A_403, %add3A_404 : i32
        %get3A_406 = arith.index_cast %add3A_405 : i32 to index
        %get3A_407 = tpu.vector_load %arg6[%get3A_406] {strides = array<i32>} : memref<28672xf32, #tpu.memory_space<vmem>>, vector<16xf32>,
        %get3A_408 = vector.shape_cast %get3A_407 : vector<16xf32> to vector<16xf32>
        %max3A_409 = arith.maximumf %scan3A_317, %get3A_408 : vector<16xf32>
        %mul3A_410 = arith.constant 256 : i32
        %mul3A_411 = arith.muli %scan3A_306, %mul3A_410 : i32
        %add3A_412 = arith.constant 176 : i32
        %add3A_413 = arith.addi %mul3A_411, %add3A_412 : i32
        %get3A_414 = arith.index_cast %add3A_413 : i32 to index
        %get3A_415 = tpu.vector_load %arg6[%get3A_414] {strides = array<i32>} : memref<28672xf32, #tpu.memory_space<vmem>>, vector<16xf32>,
        %get3A_416 = vector.shape_cast %get3A_415 : vector<16xf32> to vector<16xf32>
        %max3A_417 = arith.maximumf %scan3A_318, %get3A_416 : vector<16xf32>
        %mul3A_418 = arith.constant 256 : i32
        %mul3A_419 = arith.muli %scan3A_306, %mul3A_418 : i32
        %add3A_420 = arith.constant 192 : i32
        %add3A_421 = arith.addi %mul3A_419, %add3A_420 : i32
        %get3A_422 = arith.index_cast %add3A_421 : i32 to index
        %get3A_423 = tpu.vector_load %arg6[%get3A_422] {strides = array<i32>} : memref<28672xf32, #tpu.memory_space<vmem>>, vector<16xf32>,
        %get3A_424 = vector.shape_cast %get3A_423 : vector<16xf32> to vector<16xf32>
        %max3A_425 = arith.maximumf %scan3A_319, %get3A_424 : vector<16xf32>
        %mul3A_426 = arith.constant 256 : i32
        %mul3A_427 = arith.muli %scan3A_306, %mul3A_426 : i32
        %add3A_428 = arith.constant 208 : i32
        %add3A_429 = arith.addi %mul3A_427, %add3A_428 : i32
        %get3A_430 = arith.index_cast %add3A_429 : i32 to index
        %get3A_431 = tpu.vector_load %arg6[%get3A_430] {strides = array<i32>} : memref<28672xf32, #tpu.memory_space<vmem>>, vector<16xf32>,
        %get3A_432 = vector.shape_cast %get3A_431 : vector<16xf32> to vector<16xf32>
        %max3A_433 = arith.maximumf %scan3A_320, %get3A_432 : vector<16xf32>
        %mul3A_434 = arith.constant 256 : i32
        %mul3A_435 = arith.muli %scan3A_306, %mul3A_434 : i32
        %add3A_436 = arith.constant 224 : i32
        %add3A_437 = arith.addi %mul3A_435, %add3A_436 : i32
        %get3A_438 = arith.index_cast %add3A_437 : i32 to index
        %get3A_439 = tpu.vector_load %arg6[%get3A_438] {strides = array<i32>} : memref<28672xf32, #tpu.memory_space<vmem>>, vector<16xf32>,
        %get3A_440 = vector.shape_cast %get3A_439 : vector<16xf32> to vector<16xf32>
        %max3A_441 = arith.maximumf %scan3A_321, %get3A_440 : vector<16xf32>
        %mul3A_442 = arith.constant 256 : i32
        %mul3A_443 = arith.muli %scan3A_306, %mul3A_442 : i32
        %add3A_444 = arith.constant 240 : i32
        %add3A_445 = arith.addi %mul3A_443, %add3A_444 : i32
        %get3A_446 = arith.index_cast %add3A_445 : i32 to index
        %get3A_447 = tpu.vector_load %arg6[%get3A_446] {strides = array<i32>} : memref<28672xf32, #tpu.memory_space<vmem>>, vector<16xf32>,
        %get3A_448 = vector.shape_cast %get3A_447 : vector<16xf32> to vector<16xf32>
        %max3A_449 = arith.maximumf %scan3A_322, %get3A_448 : vector<16xf32>
        scf.yield %max3A_329, %max3A_337, %max3A_345, %max3A_353, %max3A_361, %max3A_369, %max3A_377, %max3A_385, %max3A_393, %max3A_401, %max3A_409, %max3A_417, %max3A_425, %max3A_433, %max3A_441, %max3A_449 : vector<16xf32>, vector<16xf32>, vector<16xf32>, vector<16xf32>, vector<16xf32>, vector<16xf32>, vector<16xf32>, vector<16xf32>, vector<16xf32>, vector<16xf32>, vector<16xf32>, vector<16xf32>, vector<16xf32>, vector<16xf32>, vector<16xf32>, vector<16xf32>
      }
      %scan3A_278 = arith.constant 18 : i32
      %max3A_279 = arith.maximumf %scan3A_277#0, %scan3A_277#1 : vector<16xf32>
      %max3A_280 = arith.maximumf %max3A_279, %scan3A_277#2 : vector<16xf32>
      %max3A_281 = arith.maximumf %max3A_280, %scan3A_277#3 : vector<16xf32>
      %max3A_282 = arith.maximumf %max3A_281, %scan3A_277#4 : vector<16xf32>
      %max3A_283 = arith.maximumf %max3A_282, %scan3A_277#5 : vector<16xf32>
      %max3A_284 = arith.maximumf %max3A_283, %scan3A_277#6 : vector<16xf32>
      %max3A_285 = arith.maximumf %max3A_284, %scan3A_277#7 : vector<16xf32>
      %max3A_286 = arith.maximumf %max3A_285, %scan3A_277#8 : vector<16xf32>
      %max3A_287 = arith.maximumf %max3A_286, %scan3A_277#9 : vector<16xf32>
      %max3A_288 = arith.maximumf %max3A_287, %scan3A_277#10 : vector<16xf32>
      %max3A_289 = arith.maximumf %max3A_288, %scan3A_277#11 : vector<16xf32>
      %max3A_290 = arith.maximumf %max3A_289, %scan3A_277#12 : vector<16xf32>
      %max3A_291 = arith.maximumf %max3A_290, %scan3A_277#13 : vector<16xf32>
      %max3A_292 = arith.maximumf %max3A_291, %scan3A_277#14 : vector<16xf32>
      %max3A_293 = arith.maximumf %max3A_292, %scan3A_277#15 : vector<16xf32>
      %gt3A_294 = arith.cmpf ogt, %max3A_293, %max3A_259 : vector<16xf32>
      %jit3A_295 = arith.constant 995328 : i32
      %broadcast_in_dim3A_296 = vector.broadcast %jit3A_295 : i32 to vector<16xi32>
      %select_n3A_297 = arith.select %gt3A_294, %broadcast_in_dim3A_296, %select_n3A_258 : vector<16xi1>, vector<16xi32>
      %max3A_298 = arith.maximumf %max3A_259, %max3A_293 : vector<16xf32>
      %swap3A = arith.constant 0 : index
      %swap3A_299 = tpu.vector_load %arg7[%swap3A] {strides = array<i32>} : memref<16xf32, #tpu.memory_space<vmem>>, vector<16xf32>,
      %swap3A_300 = vector.shape_cast %swap3A_299 : vector<16xf32> to vector<16xf32>
      %swap3A_301 = vector.shape_cast %max3A_298 : vector<16xf32> to vector<16xf32>
      tpu.vector_store %arg7[%swap3A], %swap3A_301 {strides = array<i32>} : memref<16xf32, #tpu.memory_space<vmem>>, vector<16xf32>,
      %swap3A_302 = arith.constant 0 : index
      %swap3A_303 = tpu.vector_load %arg8[%swap3A_302] {strides = array<i32>} : memref<16xi32, #tpu.memory_space<vmem>>, vector<16xi32>,
      %swap3A_304 = vector.shape_cast %swap3A_303 : vector<16xi32> to vector<16xi32>
      %swap3A_305 = vector.shape_cast %select_n3A_297 : vector<16xi32> to vector<16xi32>
      tpu.vector_store %arg8[%swap3A_302], %swap3A_305 {strides = array<i32>} : memref<16xi32, #tpu.memory_space<vmem>>, vector<16xi32>,
      "tpu.region"() ({
        %run_scoped3A = tpu.sem_alloc : memref<!tpu.dma_semaphore, #tpu.memory_space<semaphore_mem>>
        %dma_start3A_306 = arith.constant 0 : i32
        %dma_start3A_307 = tpu.memref_slice %arg3[%add3A, %dma_start3A_306] : memref<32x16xf32, #tpu.memory_space<hbm>> -> memref<1x16xf32, #tpu.memory_space<hbm>>
        %dma_start3A_308 = tpu.memref_squeeze %dma_start3A_307 : memref<1x16xf32, #tpu.memory_space<hbm>> -> memref<16xf32, #tpu.memory_space<hbm>>
        %dma_start3A_309 = arith.constant 0 : i32
        %dma_start3A_310 = tpu.memref_slice %arg3[%add3A, %dma_start3A_309] : memref<32x16xf32, #tpu.memory_space<hbm>> -> memref<1x16xf32, #tpu.memory_space<hbm>>
        %dma_start3A_311 = tpu.memref_squeeze %dma_start3A_310 : memref<1x16xf32, #tpu.memory_space<hbm>> -> memref<16xf32, #tpu.memory_space<hbm>>
        tpu.enqueue_dma source(%arg7 : memref<16xf32, #tpu.memory_space<vmem>>) target(%dma_start3A_311 : memref<16xf32, #tpu.memory_space<hbm>>) target_semaphore(%run_scoped3A : memref<!tpu.dma_semaphore, #tpu.memory_space<semaphore_mem>>)
        %dma_wait3A_312 = arith.constant 0 : i32
        %dma_wait3A_313 = tpu.memref_slice %arg3[%add3A, %dma_wait3A_312] : memref<32x16xf32, #tpu.memory_space<hbm>> -> memref<1x16xf32, #tpu.memory_space<hbm>>
        %dma_wait3A_314 = tpu.memref_squeeze %dma_wait3A_313 : memref<1x16xf32, #tpu.memory_space<hbm>> -> memref<16xf32, #tpu.memory_space<hbm>>
        %dma_wait3A_315 = arith.constant 0 : i32
        %dma_wait3A_316 = tpu.memref_slice %arg3[%add3A, %dma_wait3A_315] : memref<32x16xf32, #tpu.memory_space<hbm>> -> memref<1x16xf32, #tpu.memory_space<hbm>>
        %dma_wait3A_317 = tpu.memref_squeeze %dma_wait3A_316 : memref<1x16xf32, #tpu.memory_space<hbm>> -> memref<16xf32, #tpu.memory_space<hbm>>
        tpu.wait_dma2 semaphore(%run_scoped3A : memref<!tpu.dma_semaphore, #tpu.memory_space<semaphore_mem>>) src(%arg7 : memref<16xf32, #tpu.memory_space<vmem>>) dst(%dma_wait3A_317 : memref<16xf32, #tpu.memory_space<hbm>>)
        tpu.yield
      }) : () -> ()
      "tpu.region"() ({
        %run_scoped3A = tpu.sem_alloc : memref<!tpu.dma_semaphore, #tpu.memory_space<semaphore_mem>>
        %dma_start3A_306 = arith.constant 0 : i32
        %dma_start3A_307 = tpu.memref_slice %arg4[%add3A, %dma_start3A_306] : memref<32x16xi32, #tpu.memory_space<hbm>> -> memref<1x16xi32, #tpu.memory_space<hbm>>
        %dma_start3A_308 = tpu.memref_squeeze %dma_start3A_307 : memref<1x16xi32, #tpu.memory_space<hbm>> -> memref<16xi32, #tpu.memory_space<hbm>>
        %dma_start3A_309 = arith.constant 0 : i32
        %dma_start3A_310 = tpu.memref_slice %arg4[%add3A, %dma_start3A_309] : memref<32x16xi32, #tpu.memory_space<hbm>> -> memref<1x16xi32, #tpu.memory_space<hbm>>
        %dma_start3A_311 = tpu.memref_squeeze %dma_start3A_310 : memref<1x16xi32, #tpu.memory_space<hbm>> -> memref<16xi32, #tpu.memory_space<hbm>>
        tpu.enqueue_dma source(%arg8 : memref<16xi32, #tpu.memory_space<vmem>>) target(%dma_start3A_311 : memref<16xi32, #tpu.memory_space<hbm>>) target_semaphore(%run_scoped3A : memref<!tpu.dma_semaphore, #tpu.memory_space<semaphore_mem>>)
        %dma_wait3A_312 = arith.constant 0 : i32
        %dma_wait3A_313 = tpu.memref_slice %arg4[%add3A, %dma_wait3A_312] : memref<32x16xi32, #tpu.memory_space<hbm>> -> memref<1x16xi32, #tpu.memory_space<hbm>>
        %dma_wait3A_314 = tpu.memref_squeeze %dma_wait3A_313 : memref<1x16xi32, #tpu.memory_space<hbm>> -> memref<16xi32, #tpu.memory_space<hbm>>
        %dma_wait3A_315 = arith.constant 0 : i32
        %dma_wait3A_316 = tpu.memref_slice %arg4[%add3A, %dma_wait3A_315] : memref<32x16xi32, #tpu.memory_space<hbm>> -> memref<1x16xi32, #tpu.memory_space<hbm>>
        %dma_wait3A_317 = tpu.memref_squeeze %dma_wait3A_316 : memref<1x16xi32, #tpu.memory_space<hbm>> -> memref<16xi32, #tpu.memory_space<hbm>>
        tpu.wait_dma2 semaphore(%run_scoped3A : memref<!tpu.dma_semaphore, #tpu.memory_space<semaphore_mem>>) src(%arg8 : memref<16xi32, #tpu.memory_space<vmem>>) dst(%dma_wait3A_317 : memref<16xi32, #tpu.memory_space<hbm>>)
        tpu.yield
      }) : () -> ()
    } else {
    }
    return
  }
}

module attributes {stable_mosaic.version = 14 : i64} {
  func.func @_merge_sc(%arg0: memref<32x16xf32, #tpu.memory_space<vmem>>, %arg1: memref<32x16xi32, #tpu.memory_space<vmem>>, %arg2: memref<32x1xi32, #tpu.memory_space<vmem>>) attributes {dimension_semantics = [], scalar_prefetch = 0 : i64, scratch_operands = 0 : i64, tpu.core_type = #tpu.core_type<tc>} {
    %get3A = arith.constant 0 : index
    %get3A_0 = arith.constant 0 : index
    %get3A_1 = vector.load %arg0[%get3A, %get3A_0] : memref<32x16xf32, #tpu.memory_space<vmem>>, vector<32x16xf32>
    %reduce_max3A = arith.constant dense<0xFF800000> : vector<32xf32>
    %reduce_max3A_2 = vector.multi_reduction <maximumf>, %get3A_1, %reduce_max3A [1] : vector<32x16xf32> to vector<32xf32>
    %broadcast_in_dim3A = vector.shape_cast %reduce_max3A_2 : vector<32xf32> to vector<32x1xf32>
    %eq3A = vector.broadcast %broadcast_in_dim3A : vector<32x1xf32> to vector<32x16xf32>
    %eq3A_3 = arith.cmpf oeq, %get3A_1, %eq3A : vector<32x16xf32>
    %get3A_4 = arith.constant 0 : index
    %get3A_5 = arith.constant 0 : index
    %get3A_6 = vector.load %arg1[%get3A_4, %get3A_5] : memref<32x16xi32, #tpu.memory_space<vmem>>, vector<32x16xi32>
    %jit3A = arith.constant 2147483647 : i32
    %broadcast_in_dim3A_7 = vector.broadcast %jit3A : i32 to vector<32x16xi32>
    %select_n3A = arith.select %eq3A_3, %get3A_6, %broadcast_in_dim3A_7 : vector<32x16xi1>, vector<32x16xi32>
    %reduce_min3A = arith.constant dense<2147483647> : vector<32xi32>
    %reduce_min3A_8 = vector.multi_reduction <minsi>, %select_n3A, %reduce_min3A [1] : vector<32x16xi32> to vector<32xi32>
    %broadcast_in_dim3A_9 = vector.shape_cast %reduce_min3A_8 : vector<32xi32> to vector<32x1xi32>
    %min3A = arith.constant 971264 : i32
    %min3A_10 = vector.broadcast %min3A : i32 to vector<32x1xi32>
    %min3A_11 = arith.minsi %broadcast_in_dim3A_9, %min3A_10 : vector<32x1xi32>
    %swap3A = arith.constant 0 : index
    %swap3A_12 = arith.constant 0 : index
    %swap3A_13 = vector.load %arg2[%swap3A, %swap3A_12] : memref<32x1xi32, #tpu.memory_space<vmem>>, vector<32x1xi32>
    tpu.vector_store %arg2[%swap3A, %swap3A_12], %min3A_11 {strides = array<i32>} : memref<32x1xi32, #tpu.memory_space<vmem>>, vector<32x1xi32>,
    return
  }
}

module attributes {stable_mosaic.version = 14 : i64} {
  func.func @_pass_a(%arg0: i32, %arg1: memref<32x1x65536xf32, #tpu.memory_space<vmem>>, %arg2: memref<32x1xi32, #tpu.memory_space<vmem>>, %arg3: memref<32x1xf32, #tpu.memory_space<vmem>>, %arg4: memref<32x1xf32, #tpu.memory_space<vmem>>, %arg5: memref<32x1xi32, #tpu.memory_space<vmem>>) attributes {dimension_semantics = [#tpu.dimension_semantics<arbitrary>], iteration_bounds = array<i64: 13>, scalar_prefetch = 0 : i64, scratch_operands = 2 : i64, tpu.core_type = #tpu.core_type<tc>, window_params = [{transform_indices = @transform_0, window_bounds = array<i64: 32, 1, 65536>}, {pipeline_mode = #tpu.pipeline_mode<synchronous>, transform_indices = @transform_1, window_bounds = array<i64: 32, 1>}, {pipeline_mode = #tpu.pipeline_mode<synchronous>, transform_indices = @transform_2, window_bounds = array<i64: 32, 1>}]} {
    %eq3A = arith.constant 0 : i32
    %eq3A_0 = arith.cmpi eq, %arg0, %eq3A : i32
    %convert_element_type3A = arith.extui %eq3A_0 : i1 to i32
    %cond3A = arith.constant 0 : i32
    %cond3A_1 = arith.cmpi ne, %convert_element_type3A, %cond3A : i32
    scf.if %cond3A_1 {
      %broadcast_in_dim3A = arith.constant 0xFF800000 : f32
      %broadcast_in_dim3A_11 = vector.broadcast %broadcast_in_dim3A : f32 to vector<32x1xf32>
      %swap3A = arith.constant 0 : index
      %swap3A_12 = arith.constant 0 : index
      %swap3A_13 = vector.load %arg4[%swap3A, %swap3A_12] : memref<32x1xf32, #tpu.memory_space<vmem>>, vector<32x1xf32>
      tpu.vector_store %arg4[%swap3A, %swap3A_12], %broadcast_in_dim3A_11 {strides = array<i32>} : memref<32x1xf32, #tpu.memory_space<vmem>>, vector<32x1xf32>,
      %broadcast_in_dim3A_14 = arith.constant 0 : i32
      %broadcast_in_dim3A_15 = vector.broadcast %broadcast_in_dim3A_14 : i32 to vector<32x1xi32>
      %swap3A_16 = arith.constant 0 : index
      %swap3A_17 = arith.constant 0 : index
      %swap3A_18 = vector.load %arg5[%swap3A_16, %swap3A_17] : memref<32x1xi32, #tpu.memory_space<vmem>>, vector<32x1xi32>
      tpu.vector_store %arg5[%swap3A_16, %swap3A_17], %broadcast_in_dim3A_15 {strides = array<i32>} : memref<32x1xi32, #tpu.memory_space<vmem>>, vector<32x1xi32>,
    } else {
    }
    %lt3A = arith.constant 12 : i32
    %lt3A_2 = arith.cmpi slt, %arg0, %lt3A : i32
    %convert_element_type3A_3 = arith.extui %lt3A_2 : i1 to i32
    %cond3A_4 = arith.constant 0 : i32
    %cond3A_5 = arith.cmpi ne, %convert_element_type3A_3, %cond3A_4 : i32
    scf.if %cond3A_5 {
      %get3A = arith.constant 0 : index
      %get3A_11 = arith.constant 0 : index
      %get3A_12 = arith.constant 0 : index
      %get3A_13 = vector.load %arg1[%get3A, %get3A_11, %get3A_12] : memref<32x1x65536xf32, #tpu.memory_space<vmem>>, vector<32x1x65536xf32>
      %reshape3A = vector.shape_cast %get3A_13 : vector<32x1x65536xf32> to vector<32x65536xf32>
      %reduce_max3A = arith.constant dense<0xFF800000> : vector<32xf32>
      %reduce_max3A_14 = vector.multi_reduction <maximumf>, %reshape3A, %reduce_max3A [1] : vector<32x65536xf32> to vector<32xf32>
      %broadcast_in_dim3A = vector.shape_cast %reduce_max3A_14 : vector<32xf32> to vector<32x1xf32>
      %get3A_15 = arith.constant 0 : index
      %get3A_16 = arith.constant 0 : index
      %get3A_17 = vector.load %arg4[%get3A_15, %get3A_16] : memref<32x1xf32, #tpu.memory_space<vmem>>, vector<32x1xf32>
      %gt3A = arith.cmpf ogt, %broadcast_in_dim3A, %get3A_17 : vector<32x1xf32>
      %get3A_18 = arith.constant 0 : index
      %get3A_19 = arith.constant 0 : index
      %get3A_20 = vector.load %arg5[%get3A_18, %get3A_19] : memref<32x1xi32, #tpu.memory_space<vmem>>, vector<32x1xi32>
      %broadcast_in_dim3A_21 = vector.broadcast %arg0 : i32 to vector<32x1xi32>
      %select_n3A = arith.select %gt3A, %broadcast_in_dim3A_21, %get3A_20 : vector<32x1xi1>, vector<32x1xi32>
      %swap3A = arith.constant 0 : index
      %swap3A_22 = arith.constant 0 : index
      %swap3A_23 = vector.load %arg5[%swap3A, %swap3A_22] : memref<32x1xi32, #tpu.memory_space<vmem>>, vector<32x1xi32>
      tpu.vector_store %arg5[%swap3A, %swap3A_22], %select_n3A {strides = array<i32>} : memref<32x1xi32, #tpu.memory_space<vmem>>, vector<32x1xi32>,
      %get3A_24 = arith.constant 0 : index
      %get3A_25 = arith.constant 0 : index
      %get3A_26 = vector.load %arg4[%get3A_24, %get3A_25] : memref<32x1xf32, #tpu.memory_space<vmem>>, vector<32x1xf32>
      %select_n3A_27 = arith.select %gt3A, %broadcast_in_dim3A, %get3A_26 : vector<32x1xi1>, vector<32x1xf32>
      %swap3A_28 = arith.constant 0 : index
      %swap3A_29 = arith.constant 0 : index
      %swap3A_30 = vector.load %arg4[%swap3A_28, %swap3A_29] : memref<32x1xf32, #tpu.memory_space<vmem>>, vector<32x1xf32>
      tpu.vector_store %arg4[%swap3A_28, %swap3A_29], %select_n3A_27 {strides = array<i32>} : memref<32x1xf32, #tpu.memory_space<vmem>>, vector<32x1xf32>,
    } else {
    }
    %eq3A_6 = arith.constant 12 : i32
    %eq3A_7 = arith.cmpi eq, %arg0, %eq3A_6 : i32
    %convert_element_type3A_8 = arith.extui %eq3A_7 : i1 to i32
    %cond3A_9 = arith.constant 0 : i32
    %cond3A_10 = arith.cmpi ne, %convert_element_type3A_8, %cond3A_9 : i32
    scf.if %cond3A_10 {
      %iota3A = tpu.iota {dimensions = array<i32: 1>} : vector<32x65536xi32>
      %lt3A_11 = arith.constant 65536 : i32
      %lt3A_12 = vector.broadcast %lt3A_11 : i32 to vector<32x65536xi32>
      %lt3A_13 = arith.cmpi slt, %iota3A, %lt3A_12 : vector<32x65536xi32>
      %get3A = arith.constant 0 : index
      %get3A_14 = arith.constant 0 : index
      %get3A_15 = arith.constant 0 : index
      %get3A_16 = vector.load %arg1[%get3A, %get3A_14, %get3A_15] : memref<32x1x65536xf32, #tpu.memory_space<vmem>>, vector<32x1x65536xf32>
      %reshape3A = vector.shape_cast %get3A_16 : vector<32x1x65536xf32> to vector<32x65536xf32>
      %jit3A = arith.constant 0xFF800000 : f32
      %broadcast_in_dim3A = vector.broadcast %jit3A : f32 to vector<32x65536xf32>
      %select_n3A = arith.select %lt3A_13, %reshape3A, %broadcast_in_dim3A : vector<32x65536xi1>, vector<32x65536xf32>
      %reduce_max3A = arith.constant dense<0xFF800000> : vector<32xf32>
      %reduce_max3A_17 = vector.multi_reduction <maximumf>, %select_n3A, %reduce_max3A [1] : vector<32x65536xf32> to vector<32xf32>
      %broadcast_in_dim3A_18 = vector.shape_cast %reduce_max3A_17 : vector<32xf32> to vector<32x1xf32>
      %get3A_19 = arith.constant 0 : index
      %get3A_20 = arith.constant 0 : index
      %get3A_21 = vector.load %arg4[%get3A_19, %get3A_20] : memref<32x1xf32, #tpu.memory_space<vmem>>, vector<32x1xf32>
      %gt3A = arith.cmpf ogt, %broadcast_in_dim3A_18, %get3A_21 : vector<32x1xf32>
      %get3A_22 = arith.constant 0 : index
      %get3A_23 = arith.constant 0 : index
      %get3A_24 = vector.load %arg5[%get3A_22, %get3A_23] : memref<32x1xi32, #tpu.memory_space<vmem>>, vector<32x1xi32>
      %broadcast_in_dim3A_25 = vector.broadcast %arg0 : i32 to vector<32x1xi32>
      %select_n3A_26 = arith.select %gt3A, %broadcast_in_dim3A_25, %get3A_24 : vector<32x1xi1>, vector<32x1xi32>
      %swap3A = arith.constant 0 : index
      %swap3A_27 = arith.constant 0 : index
      %swap3A_28 = vector.load %arg5[%swap3A, %swap3A_27] : memref<32x1xi32, #tpu.memory_space<vmem>>, vector<32x1xi32>
      tpu.vector_store %arg5[%swap3A, %swap3A_27], %select_n3A_26 {strides = array<i32>} : memref<32x1xi32, #tpu.memory_space<vmem>>, vector<32x1xi32>,
      %get3A_29 = arith.constant 0 : index
      %get3A_30 = arith.constant 0 : index
      %get3A_31 = vector.load %arg4[%get3A_29, %get3A_30] : memref<32x1xf32, #tpu.memory_space<vmem>>, vector<32x1xf32>
      %select_n3A_32 = arith.select %gt3A, %broadcast_in_dim3A_18, %get3A_31 : vector<32x1xi1>, vector<32x1xf32>
      %swap3A_33 = arith.constant 0 : index
      %swap3A_34 = arith.constant 0 : index
      %swap3A_35 = vector.load %arg4[%swap3A_33, %swap3A_34] : memref<32x1xf32, #tpu.memory_space<vmem>>, vector<32x1xf32>
      tpu.vector_store %arg4[%swap3A_33, %swap3A_34], %select_n3A_32 {strides = array<i32>} : memref<32x1xf32, #tpu.memory_space<vmem>>, vector<32x1xf32>,
      %get3A_36 = arith.constant 0 : index
      %get3A_37 = arith.constant 0 : index
      %get3A_38 = vector.load %arg5[%get3A_36, %get3A_37] : memref<32x1xi32, #tpu.memory_space<vmem>>, vector<32x1xi32>
      %swap3A_39 = arith.constant 0 : index
      %swap3A_40 = arith.constant 0 : index
      %swap3A_41 = vector.load %arg2[%swap3A_39, %swap3A_40] : memref<32x1xi32, #tpu.memory_space<vmem>>, vector<32x1xi32>
      tpu.vector_store %arg2[%swap3A_39, %swap3A_40], %get3A_38 {strides = array<i32>} : memref<32x1xi32, #tpu.memory_space<vmem>>, vector<32x1xi32>,
      %get3A_42 = arith.constant 0 : index
      %get3A_43 = arith.constant 0 : index
      %get3A_44 = vector.load %arg4[%get3A_42, %get3A_43] : memref<32x1xf32, #tpu.memory_space<vmem>>, vector<32x1xf32>
      %swap3A_45 = arith.constant 0 : index
      %swap3A_46 = arith.constant 0 : index
      %swap3A_47 = vector.load %arg3[%swap3A_45, %swap3A_46] : memref<32x1xf32, #tpu.memory_space<vmem>>, vector<32x1xf32>
      tpu.vector_store %arg3[%swap3A_45, %swap3A_46], %get3A_44 {strides = array<i32>} : memref<32x1xf32, #tpu.memory_space<vmem>>, vector<32x1xf32>,
    } else {
    }
    return
  }
  func.func @transform_0(%arg0: i32) -> (i32, i32, i32) {
    %c0_i32 = arith.constant 0 : i32
    %c0_i32_0 = arith.constant 0 : i32
    %c0_i32_1 = arith.constant 0 : i32
    return %c0_i32, %c0_i32_0, %arg0 : i32, i32, i32
  }
  func.func @transform_1(%arg0: i32) -> (i32, i32) {
    %c0_i32 = arith.constant 0 : i32
    %c0_i32_0 = arith.constant 0 : i32
    %c0_i32_1 = arith.constant 0 : i32
    return %c0_i32, %c0_i32_0 : i32, i32
  }
  func.func @transform_2(%arg0: i32) -> (i32, i32) {
    %c0_i32 = arith.constant 0 : i32
    %c0_i32_0 = arith.constant 0 : i32
    %c0_i32_1 = arith.constant 0 : i32
    return %c0_i32, %c0_i32_0 : i32, i32
  }
}

module attributes {stable_mosaic.version = 14 : i64} {
  func.func @_pass_b(%arg0: i32, %arg1: memref<32xi32, #tpu.memory_space<smem>>, %arg2: memref<32xi32, #tpu.memory_space<smem>>, %arg3: memref<1xi32, #tpu.memory_space<smem>>, %arg4: memref<32x1x1000000xf32, #tpu.memory_space<any>>, %arg5: memref<32x1xi32, #tpu.memory_space<vmem>>, %arg6: memref<32x1xf32, #tpu.memory_space<vmem>>, %arg7: memref<32x1xi32, #tpu.memory_space<vmem>>, %arg8: memref<32x8192xi32, #tpu.memory_space<vmem>>, %arg9: memref<32x8192xi32, #tpu.memory_space<vmem>>, %arg10: memref<32x16xf32, #tpu.memory_space<vmem>>, %arg11: memref<32x1xi32, #tpu.memory_space<vmem>>, %arg12: memref<32x1xi32, #tpu.memory_space<vmem>>, %arg13: memref<32x1xi32, #tpu.memory_space<vmem>>, %arg14: memref<32x8192xi32, #tpu.memory_space<vmem>>, %arg15: memref<32x8192xi32, #tpu.memory_space<vmem>>, %arg16: memref<1xi32, #tpu.memory_space<smem>>, %arg17: memref<32x65536xf32, #tpu.memory_space<vmem>>, %arg18: memref<32x192xf32, #tpu.memory_space<vmem>>, %arg19: memref<32x28672xf32, #tpu.memory_space<vmem>>, %arg20: memref<!tpu.dma_semaphore, #tpu.memory_space<semaphore_mem>>) attributes {dimension_semantics = [#tpu.dimension_semantics<arbitrary>], iteration_bounds = array<i64: 1>, scalar_prefetch = 3 : i64, scratch_operands = 4 : i64, tpu.core_type = #tpu.core_type<tc>, window_params = [{}, {pipeline_mode = #tpu.pipeline_mode<synchronous>, transform_indices = @transform_1, window_bounds = array<i64: 32, 1>}, {pipeline_mode = #tpu.pipeline_mode<synchronous>, transform_indices = @transform_2, window_bounds = array<i64: 32, 1>}, {pipeline_mode = #tpu.pipeline_mode<synchronous>, transform_indices = @transform_3, window_bounds = array<i64: 32, 1>}, {pipeline_mode = #tpu.pipeline_mode<synchronous>, transform_indices = @transform_4, window_bounds = array<i64: 32, 8192>}, {pipeline_mode = #tpu.pipeline_mode<synchronous>, transform_indices = @transform_5, window_bounds = array<i64: 32, 8192>}, {pipeline_mode = #tpu.pipeline_mode<synchronous>, transform_indices = @transform_6, window_bounds = array<i64: 32, 16>}, {pipeline_mode = #tpu.pipeline_mode<synchronous>, transform_indices = @transform_7, window_bounds = array<i64: 32, 1>}, {pipeline_mode = #tpu.pipeline_mode<synchronous>, transform_indices = @transform_8, window_bounds = array<i64: 32, 1>}, {pipeline_mode = #tpu.pipeline_mode<synchronous>, transform_indices = @transform_9, window_bounds = array<i64: 32, 1>}, {pipeline_mode = #tpu.pipeline_mode<synchronous>, transform_indices = @transform_10, window_bounds = array<i64: 32, 8192>}, {pipeline_mode = #tpu.pipeline_mode<synchronous>, transform_indices = @transform_11, window_bounds = array<i64: 32, 8192>}, {transform_indices = @transform_12, window_bounds = array<i64: 1>}]} {
    %get3A = arith.constant 0 : index
    %get3A_0 = memref.load %arg1[%get3A] : memref<32xi32, #tpu.memory_space<smem>>
    %mul3A = arith.constant 65536 : i32
    %mul3A_1 = arith.muli %get3A_0, %mul3A : i32
    %min3A = arith.constant 934400 : i32
    %min3A_2 = arith.minsi %mul3A_1, %min3A : i32
    %multiple_of3A = tpu.assume_multiple %min3A_2, 128 : i32
    %get3A_3 = arith.constant 0 : index
    %get3A_4 = memref.load %arg2[%get3A_3] : memref<32xi32, #tpu.memory_space<smem>>
    %multiple_of3A_5 = tpu.assume_multiple %get3A_4, 128 : i32
    %get3A_6 = arith.constant 1 : index
    %get3A_7 = memref.load %arg1[%get3A_6] : memref<32xi32, #tpu.memory_space<smem>>
    %mul3A_8 = arith.constant 65536 : i32
    %mul3A_9 = arith.muli %get3A_7, %mul3A_8 : i32
    %min3A_10 = arith.constant 934400 : i32
    %min3A_11 = arith.minsi %mul3A_9, %min3A_10 : i32
    %multiple_of3A_12 = tpu.assume_multiple %min3A_11, 128 : i32
    %get3A_13 = arith.constant 1 : index
    %get3A_14 = memref.load %arg2[%get3A_13] : memref<32xi32, #tpu.memory_space<smem>>
    %multiple_of3A_15 = tpu.assume_multiple %get3A_14, 128 : i32
    %get3A_16 = arith.constant 2 : index
    %get3A_17 = memref.load %arg1[%get3A_16] : memref<32xi32, #tpu.memory_space<smem>>
    %mul3A_18 = arith.constant 65536 : i32
    %mul3A_19 = arith.muli %get3A_17, %mul3A_18 : i32
    %min3A_20 = arith.constant 934400 : i32
    %min3A_21 = arith.minsi %mul3A_19, %min3A_20 : i32
    %multiple_of3A_22 = tpu.assume_multiple %min3A_21, 128 : i32
    %get3A_23 = arith.constant 2 : index
    %get3A_24 = memref.load %arg2[%get3A_23] : memref<32xi32, #tpu.memory_space<smem>>
    %multiple_of3A_25 = tpu.assume_multiple %get3A_24, 128 : i32
    %get3A_26 = arith.constant 3 : index
    %get3A_27 = memref.load %arg1[%get3A_26] : memref<32xi32, #tpu.memory_space<smem>>
    %mul3A_28 = arith.constant 65536 : i32
    %mul3A_29 = arith.muli %get3A_27, %mul3A_28 : i32
    %min3A_30 = arith.constant 934400 : i32
    %min3A_31 = arith.minsi %mul3A_29, %min3A_30 : i32
    %multiple_of3A_32 = tpu.assume_multiple %min3A_31, 128 : i32
    %get3A_33 = arith.constant 3 : index
    %get3A_34 = memref.load %arg2[%get3A_33] : memref<32xi32, #tpu.memory_space<smem>>
    %multiple_of3A_35 = tpu.assume_multiple %get3A_34, 128 : i32
    %get3A_36 = arith.constant 4 : index
    %get3A_37 = memref.load %arg1[%get3A_36] : memref<32xi32, #tpu.memory_space<smem>>
    %mul3A_38 = arith.constant 65536 : i32
    %mul3A_39 = arith.muli %get3A_37, %mul3A_38 : i32
    %min3A_40 = arith.constant 934400 : i32
    %min3A_41 = arith.minsi %mul3A_39, %min3A_40 : i32
    %multiple_of3A_42 = tpu.assume_multiple %min3A_41, 128 : i32
    %get3A_43 = arith.constant 4 : index
    %get3A_44 = memref.load %arg2[%get3A_43] : memref<32xi32, #tpu.memory_space<smem>>
    %multiple_of3A_45 = tpu.assume_multiple %get3A_44, 128 : i32
    %get3A_46 = arith.constant 5 : index
    %get3A_47 = memref.load %arg1[%get3A_46] : memref<32xi32, #tpu.memory_space<smem>>
    %mul3A_48 = arith.constant 65536 : i32
    %mul3A_49 = arith.muli %get3A_47, %mul3A_48 : i32
    %min3A_50 = arith.constant 934400 : i32
    %min3A_51 = arith.minsi %mul3A_49, %min3A_50 : i32
    %multiple_of3A_52 = tpu.assume_multiple %min3A_51, 128 : i32
    %get3A_53 = arith.constant 5 : index
    %get3A_54 = memref.load %arg2[%get3A_53] : memref<32xi32, #tpu.memory_space<smem>>
    %multiple_of3A_55 = tpu.assume_multiple %get3A_54, 128 : i32
    %get3A_56 = arith.constant 6 : index
    %get3A_57 = memref.load %arg1[%get3A_56] : memref<32xi32, #tpu.memory_space<smem>>
    %mul3A_58 = arith.constant 65536 : i32
    %mul3A_59 = arith.muli %get3A_57, %mul3A_58 : i32
    %min3A_60 = arith.constant 934400 : i32
    %min3A_61 = arith.minsi %mul3A_59, %min3A_60 : i32
    %multiple_of3A_62 = tpu.assume_multiple %min3A_61, 128 : i32
    %get3A_63 = arith.constant 6 : index
    %get3A_64 = memref.load %arg2[%get3A_63] : memref<32xi32, #tpu.memory_space<smem>>
    %multiple_of3A_65 = tpu.assume_multiple %get3A_64, 128 : i32
    %get3A_66 = arith.constant 7 : index
    %get3A_67 = memref.load %arg1[%get3A_66] : memref<32xi32, #tpu.memory_space<smem>>
    %mul3A_68 = arith.constant 65536 : i32
    %mul3A_69 = arith.muli %get3A_67, %mul3A_68 : i32
    %min3A_70 = arith.constant 934400 : i32
    %min3A_71 = arith.minsi %mul3A_69, %min3A_70 : i32
    %multiple_of3A_72 = tpu.assume_multiple %min3A_71, 128 : i32
    %get3A_73 = arith.constant 7 : index
    %get3A_74 = memref.load %arg2[%get3A_73] : memref<32xi32, #tpu.memory_space<smem>>
    %multiple_of3A_75 = tpu.assume_multiple %get3A_74, 128 : i32
    %get3A_76 = arith.constant 8 : index
    %get3A_77 = memref.load %arg1[%get3A_76] : memref<32xi32, #tpu.memory_space<smem>>
    %mul3A_78 = arith.constant 65536 : i32
    %mul3A_79 = arith.muli %get3A_77, %mul3A_78 : i32
    %min3A_80 = arith.constant 934400 : i32
    %min3A_81 = arith.minsi %mul3A_79, %min3A_80 : i32
    %multiple_of3A_82 = tpu.assume_multiple %min3A_81, 128 : i32
    %get3A_83 = arith.constant 8 : index
    %get3A_84 = memref.load %arg2[%get3A_83] : memref<32xi32, #tpu.memory_space<smem>>
    %multiple_of3A_85 = tpu.assume_multiple %get3A_84, 128 : i32
    %get3A_86 = arith.constant 9 : index
    %get3A_87 = memref.load %arg1[%get3A_86] : memref<32xi32, #tpu.memory_space<smem>>
    %mul3A_88 = arith.constant 65536 : i32
    %mul3A_89 = arith.muli %get3A_87, %mul3A_88 : i32
    %min3A_90 = arith.constant 934400 : i32
    %min3A_91 = arith.minsi %mul3A_89, %min3A_90 : i32
    %multiple_of3A_92 = tpu.assume_multiple %min3A_91, 128 : i32
    %get3A_93 = arith.constant 9 : index
    %get3A_94 = memref.load %arg2[%get3A_93] : memref<32xi32, #tpu.memory_space<smem>>
    %multiple_of3A_95 = tpu.assume_multiple %get3A_94, 128 : i32
    %get3A_96 = arith.constant 10 : index
    %get3A_97 = memref.load %arg1[%get3A_96] : memref<32xi32, #tpu.memory_space<smem>>
    %mul3A_98 = arith.constant 65536 : i32
    %mul3A_99 = arith.muli %get3A_97, %mul3A_98 : i32
    %min3A_100 = arith.constant 934400 : i32
    %min3A_101 = arith.minsi %mul3A_99, %min3A_100 : i32
    %multiple_of3A_102 = tpu.assume_multiple %min3A_101, 128 : i32
    %get3A_103 = arith.constant 10 : index
    %get3A_104 = memref.load %arg2[%get3A_103] : memref<32xi32, #tpu.memory_space<smem>>
    %multiple_of3A_105 = tpu.assume_multiple %get3A_104, 128 : i32
    %get3A_106 = arith.constant 11 : index
    %get3A_107 = memref.load %arg1[%get3A_106] : memref<32xi32, #tpu.memory_space<smem>>
    %mul3A_108 = arith.constant 65536 : i32
    %mul3A_109 = arith.muli %get3A_107, %mul3A_108 : i32
    %min3A_110 = arith.constant 934400 : i32
    %min3A_111 = arith.minsi %mul3A_109, %min3A_110 : i32
    %multiple_of3A_112 = tpu.assume_multiple %min3A_111, 128 : i32
    %get3A_113 = arith.constant 11 : index
    %get3A_114 = memref.load %arg2[%get3A_113] : memref<32xi32, #tpu.memory_space<smem>>
    %multiple_of3A_115 = tpu.assume_multiple %get3A_114, 128 : i32
    %get3A_116 = arith.constant 12 : index
    %get3A_117 = memref.load %arg1[%get3A_116] : memref<32xi32, #tpu.memory_space<smem>>
    %mul3A_118 = arith.constant 65536 : i32
    %mul3A_119 = arith.muli %get3A_117, %mul3A_118 : i32
    %min3A_120 = arith.constant 934400 : i32
    %min3A_121 = arith.minsi %mul3A_119, %min3A_120 : i32
    %multiple_of3A_122 = tpu.assume_multiple %min3A_121, 128 : i32
    %get3A_123 = arith.constant 12 : index
    %get3A_124 = memref.load %arg2[%get3A_123] : memref<32xi32, #tpu.memory_space<smem>>
    %multiple_of3A_125 = tpu.assume_multiple %get3A_124, 128 : i32
    %get3A_126 = arith.constant 13 : index
    %get3A_127 = memref.load %arg1[%get3A_126] : memref<32xi32, #tpu.memory_space<smem>>
    %mul3A_128 = arith.constant 65536 : i32
    %mul3A_129 = arith.muli %get3A_127, %mul3A_128 : i32
    %min3A_130 = arith.constant 934400 : i32
    %min3A_131 = arith.minsi %mul3A_129, %min3A_130 : i32
    %multiple_of3A_132 = tpu.assume_multiple %min3A_131, 128 : i32
    %get3A_133 = arith.constant 13 : index
    %get3A_134 = memref.load %arg2[%get3A_133] : memref<32xi32, #tpu.memory_space<smem>>
    %multiple_of3A_135 = tpu.assume_multiple %get3A_134, 128 : i32
    %get3A_136 = arith.constant 14 : index
    %get3A_137 = memref.load %arg1[%get3A_136] : memref<32xi32, #tpu.memory_space<smem>>
    %mul3A_138 = arith.constant 65536 : i32
    %mul3A_139 = arith.muli %get3A_137, %mul3A_138 : i32
    %min3A_140 = arith.constant 934400 : i32
    %min3A_141 = arith.minsi %mul3A_139, %min3A_140 : i32
    %multiple_of3A_142 = tpu.assume_multiple %min3A_141, 128 : i32
    %get3A_143 = arith.constant 14 : index
    %get3A_144 = memref.load %arg2[%get3A_143] : memref<32xi32, #tpu.memory_space<smem>>
    %multiple_of3A_145 = tpu.assume_multiple %get3A_144, 128 : i32
    %get3A_146 = arith.constant 15 : index
    %get3A_147 = memref.load %arg1[%get3A_146] : memref<32xi32, #tpu.memory_space<smem>>
    %mul3A_148 = arith.constant 65536 : i32
    %mul3A_149 = arith.muli %get3A_147, %mul3A_148 : i32
    %min3A_150 = arith.constant 934400 : i32
    %min3A_151 = arith.minsi %mul3A_149, %min3A_150 : i32
    %multiple_of3A_152 = tpu.assume_multiple %min3A_151, 128 : i32
    %get3A_153 = arith.constant 15 : index
    %get3A_154 = memref.load %arg2[%get3A_153] : memref<32xi32, #tpu.memory_space<smem>>
    %multiple_of3A_155 = tpu.assume_multiple %get3A_154, 128 : i32
    %get3A_156 = arith.constant 16 : index
    %get3A_157 = memref.load %arg1[%get3A_156] : memref<32xi32, #tpu.memory_space<smem>>
    %mul3A_158 = arith.constant 65536 : i32
    %mul3A_159 = arith.muli %get3A_157, %mul3A_158 : i32
    %min3A_160 = arith.constant 934400 : i32
    %min3A_161 = arith.minsi %mul3A_159, %min3A_160 : i32
    %multiple_of3A_162 = tpu.assume_multiple %min3A_161, 128 : i32
    %get3A_163 = arith.constant 16 : index
    %get3A_164 = memref.load %arg2[%get3A_163] : memref<32xi32, #tpu.memory_space<smem>>
    %multiple_of3A_165 = tpu.assume_multiple %get3A_164, 128 : i32
    %get3A_166 = arith.constant 17 : index
    %get3A_167 = memref.load %arg1[%get3A_166] : memref<32xi32, #tpu.memory_space<smem>>
    %mul3A_168 = arith.constant 65536 : i32
    %mul3A_169 = arith.muli %get3A_167, %mul3A_168 : i32
    %min3A_170 = arith.constant 934400 : i32
    %min3A_171 = arith.minsi %mul3A_169, %min3A_170 : i32
    %multiple_of3A_172 = tpu.assume_multiple %min3A_171, 128 : i32
    %get3A_173 = arith.constant 17 : index
    %get3A_174 = memref.load %arg2[%get3A_173] : memref<32xi32, #tpu.memory_space<smem>>
    %multiple_of3A_175 = tpu.assume_multiple %get3A_174, 128 : i32
    %get3A_176 = arith.constant 18 : index
    %get3A_177 = memref.load %arg1[%get3A_176] : memref<32xi32, #tpu.memory_space<smem>>
    %mul3A_178 = arith.constant 65536 : i32
    %mul3A_179 = arith.muli %get3A_177, %mul3A_178 : i32
    %min3A_180 = arith.constant 934400 : i32
    %min3A_181 = arith.minsi %mul3A_179, %min3A_180 : i32
    %multiple_of3A_182 = tpu.assume_multiple %min3A_181, 128 : i32
    %get3A_183 = arith.constant 18 : index
    %get3A_184 = memref.load %arg2[%get3A_183] : memref<32xi32, #tpu.memory_space<smem>>
    %multiple_of3A_185 = tpu.assume_multiple %get3A_184, 128 : i32
    %get3A_186 = arith.constant 19 : index
    %get3A_187 = memref.load %arg1[%get3A_186] : memref<32xi32, #tpu.memory_space<smem>>
    %mul3A_188 = arith.constant 65536 : i32
    %mul3A_189 = arith.muli %get3A_187, %mul3A_188 : i32
    %min3A_190 = arith.constant 934400 : i32
    %min3A_191 = arith.minsi %mul3A_189, %min3A_190 : i32
    %multiple_of3A_192 = tpu.assume_multiple %min3A_191, 128 : i32
    %get3A_193 = arith.constant 19 : index
    %get3A_194 = memref.load %arg2[%get3A_193] : memref<32xi32, #tpu.memory_space<smem>>
    %multiple_of3A_195 = tpu.assume_multiple %get3A_194, 128 : i32
    %get3A_196 = arith.constant 20 : index
    %get3A_197 = memref.load %arg1[%get3A_196] : memref<32xi32, #tpu.memory_space<smem>>
    %mul3A_198 = arith.constant 65536 : i32
    %mul3A_199 = arith.muli %get3A_197, %mul3A_198 : i32
    %min3A_200 = arith.constant 934400 : i32
    %min3A_201 = arith.minsi %mul3A_199, %min3A_200 : i32
    %multiple_of3A_202 = tpu.assume_multiple %min3A_201, 128 : i32
    %get3A_203 = arith.constant 20 : index
    %get3A_204 = memref.load %arg2[%get3A_203] : memref<32xi32, #tpu.memory_space<smem>>
    %multiple_of3A_205 = tpu.assume_multiple %get3A_204, 128 : i32
    %get3A_206 = arith.constant 21 : index
    %get3A_207 = memref.load %arg1[%get3A_206] : memref<32xi32, #tpu.memory_space<smem>>
    %mul3A_208 = arith.constant 65536 : i32
    %mul3A_209 = arith.muli %get3A_207, %mul3A_208 : i32
    %min3A_210 = arith.constant 934400 : i32
    %min3A_211 = arith.minsi %mul3A_209, %min3A_210 : i32
    %multiple_of3A_212 = tpu.assume_multiple %min3A_211, 128 : i32
    %get3A_213 = arith.constant 21 : index
    %get3A_214 = memref.load %arg2[%get3A_213] : memref<32xi32, #tpu.memory_space<smem>>
    %multiple_of3A_215 = tpu.assume_multiple %get3A_214, 128 : i32
    %get3A_216 = arith.constant 22 : index
    %get3A_217 = memref.load %arg1[%get3A_216] : memref<32xi32, #tpu.memory_space<smem>>
    %mul3A_218 = arith.constant 65536 : i32
    %mul3A_219 = arith.muli %get3A_217, %mul3A_218 : i32
    %min3A_220 = arith.constant 934400 : i32
    %min3A_221 = arith.minsi %mul3A_219, %min3A_220 : i32
    %multiple_of3A_222 = tpu.assume_multiple %min3A_221, 128 : i32
    %get3A_223 = arith.constant 22 : index
    %get3A_224 = memref.load %arg2[%get3A_223] : memref<32xi32, #tpu.memory_space<smem>>
    %multiple_of3A_225 = tpu.assume_multiple %get3A_224, 128 : i32
    %get3A_226 = arith.constant 23 : index
    %get3A_227 = memref.load %arg1[%get3A_226] : memref<32xi32, #tpu.memory_space<smem>>
    %mul3A_228 = arith.constant 65536 : i32
    %mul3A_229 = arith.muli %get3A_227, %mul3A_228 : i32
    %min3A_230 = arith.constant 934400 : i32
    %min3A_231 = arith.minsi %mul3A_229, %min3A_230 : i32
    %multiple_of3A_232 = tpu.assume_multiple %min3A_231, 128 : i32
    %get3A_233 = arith.constant 23 : index
    %get3A_234 = memref.load %arg2[%get3A_233] : memref<32xi32, #tpu.memory_space<smem>>
    %multiple_of3A_235 = tpu.assume_multiple %get3A_234, 128 : i32
    %get3A_236 = arith.constant 24 : index
    %get3A_237 = memref.load %arg1[%get3A_236] : memref<32xi32, #tpu.memory_space<smem>>
    %mul3A_238 = arith.constant 65536 : i32
    %mul3A_239 = arith.muli %get3A_237, %mul3A_238 : i32
    %min3A_240 = arith.constant 934400 : i32
    %min3A_241 = arith.minsi %mul3A_239, %min3A_240 : i32
    %multiple_of3A_242 = tpu.assume_multiple %min3A_241, 128 : i32
    %get3A_243 = arith.constant 24 : index
    %get3A_244 = memref.load %arg2[%get3A_243] : memref<32xi32, #tpu.memory_space<smem>>
    %multiple_of3A_245 = tpu.assume_multiple %get3A_244, 128 : i32
    %get3A_246 = arith.constant 25 : index
    %get3A_247 = memref.load %arg1[%get3A_246] : memref<32xi32, #tpu.memory_space<smem>>
    %mul3A_248 = arith.constant 65536 : i32
    %mul3A_249 = arith.muli %get3A_247, %mul3A_248 : i32
    %min3A_250 = arith.constant 934400 : i32
    %min3A_251 = arith.minsi %mul3A_249, %min3A_250 : i32
    %multiple_of3A_252 = tpu.assume_multiple %min3A_251, 128 : i32
    %get3A_253 = arith.constant 25 : index
    %get3A_254 = memref.load %arg2[%get3A_253] : memref<32xi32, #tpu.memory_space<smem>>
    %multiple_of3A_255 = tpu.assume_multiple %get3A_254, 128 : i32
    %get3A_256 = arith.constant 26 : index
    %get3A_257 = memref.load %arg1[%get3A_256] : memref<32xi32, #tpu.memory_space<smem>>
    %mul3A_258 = arith.constant 65536 : i32
    %mul3A_259 = arith.muli %get3A_257, %mul3A_258 : i32
    %min3A_260 = arith.constant 934400 : i32
    %min3A_261 = arith.minsi %mul3A_259, %min3A_260 : i32
    %multiple_of3A_262 = tpu.assume_multiple %min3A_261, 128 : i32
    %get3A_263 = arith.constant 26 : index
    %get3A_264 = memref.load %arg2[%get3A_263] : memref<32xi32, #tpu.memory_space<smem>>
    %multiple_of3A_265 = tpu.assume_multiple %get3A_264, 128 : i32
    %get3A_266 = arith.constant 27 : index
    %get3A_267 = memref.load %arg1[%get3A_266] : memref<32xi32, #tpu.memory_space<smem>>
    %mul3A_268 = arith.constant 65536 : i32
    %mul3A_269 = arith.muli %get3A_267, %mul3A_268 : i32
    %min3A_270 = arith.constant 934400 : i32
    %min3A_271 = arith.minsi %mul3A_269, %min3A_270 : i32
    %multiple_of3A_272 = tpu.assume_multiple %min3A_271, 128 : i32
    %get3A_273 = arith.constant 27 : index
    %get3A_274 = memref.load %arg2[%get3A_273] : memref<32xi32, #tpu.memory_space<smem>>
    %multiple_of3A_275 = tpu.assume_multiple %get3A_274, 128 : i32
    %get3A_276 = arith.constant 28 : index
    %get3A_277 = memref.load %arg1[%get3A_276] : memref<32xi32, #tpu.memory_space<smem>>
    %mul3A_278 = arith.constant 65536 : i32
    %mul3A_279 = arith.muli %get3A_277, %mul3A_278 : i32
    %min3A_280 = arith.constant 934400 : i32
    %min3A_281 = arith.minsi %mul3A_279, %min3A_280 : i32
    %multiple_of3A_282 = tpu.assume_multiple %min3A_281, 128 : i32
    %get3A_283 = arith.constant 28 : index
    %get3A_284 = memref.load %arg2[%get3A_283] : memref<32xi32, #tpu.memory_space<smem>>
    %multiple_of3A_285 = tpu.assume_multiple %get3A_284, 128 : i32
    %get3A_286 = arith.constant 29 : index
    %get3A_287 = memref.load %arg1[%get3A_286] : memref<32xi32, #tpu.memory_space<smem>>
    %mul3A_288 = arith.constant 65536 : i32
    %mul3A_289 = arith.muli %get3A_287, %mul3A_288 : i32
    %min3A_290 = arith.constant 934400 : i32
    %min3A_291 = arith.minsi %mul3A_289, %min3A_290 : i32
    %multiple_of3A_292 = tpu.assume_multiple %min3A_291, 128 : i32
    %get3A_293 = arith.constant 29 : index
    %get3A_294 = memref.load %arg2[%get3A_293] : memref<32xi32, #tpu.memory_space<smem>>
    %multiple_of3A_295 = tpu.assume_multiple %get3A_294, 128 : i32
    %get3A_296 = arith.constant 30 : index
    %get3A_297 = memref.load %arg1[%get3A_296] : memref<32xi32, #tpu.memory_space<smem>>
    %mul3A_298 = arith.constant 65536 : i32
    %mul3A_299 = arith.muli %get3A_297, %mul3A_298 : i32
    %min3A_300 = arith.constant 934400 : i32
    %min3A_301 = arith.minsi %mul3A_299, %min3A_300 : i32
    %multiple_of3A_302 = tpu.assume_multiple %min3A_301, 128 : i32
    %get3A_303 = arith.constant 30 : index
    %get3A_304 = memref.load %arg2[%get3A_303] : memref<32xi32, #tpu.memory_space<smem>>
    %multiple_of3A_305 = tpu.assume_multiple %get3A_304, 128 : i32
    %get3A_306 = arith.constant 31 : index
    %get3A_307 = memref.load %arg1[%get3A_306] : memref<32xi32, #tpu.memory_space<smem>>
    %mul3A_308 = arith.constant 65536 : i32
    %mul3A_309 = arith.muli %get3A_307, %mul3A_308 : i32
    %min3A_310 = arith.constant 934400 : i32
    %min3A_311 = arith.minsi %mul3A_309, %min3A_310 : i32
    %multiple_of3A_312 = tpu.assume_multiple %min3A_311, 128 : i32
    %get3A_313 = arith.constant 31 : index
    %get3A_314 = memref.load %arg2[%get3A_313] : memref<32xi32, #tpu.memory_space<smem>>
    %multiple_of3A_315 = tpu.assume_multiple %get3A_314, 128 : i32
    %dma_start3A = arith.constant 0 : i32
    %dma_start3A_316 = arith.constant 0 : i32
    %dma_start3A_317 = arith.constant 0 : i32
    %dma_start3A_318 = arith.constant 0 : i32
    %dma_start3A_319 = tpu.memref_slice %arg17[%dma_start3A_317, %dma_start3A_318] : memref<32x65536xf32, #tpu.memory_space<vmem>> -> memref<1x65536xf32, #tpu.memory_space<vmem>>
    %dma_start3A_320 = tpu.memref_squeeze %dma_start3A_319 : memref<1x65536xf32, #tpu.memory_space<vmem>> -> memref<65536xf32, #tpu.memory_space<vmem>>
    %dma_start3A_321 = tpu.memref_slice %arg4[%dma_start3A, %dma_start3A_316, %multiple_of3A] : memref<32x1x1000000xf32, #tpu.memory_space<any>> -> memref<1x1x65536xf32, #tpu.memory_space<any>>
    %dma_start3A_322 = tpu.memref_squeeze %dma_start3A_321 : memref<1x1x65536xf32, #tpu.memory_space<any>> -> memref<65536xf32, #tpu.memory_space<any>>
    tpu.enqueue_dma source(%dma_start3A_322 : memref<65536xf32, #tpu.memory_space<any>>) target(%dma_start3A_320 : memref<65536xf32, #tpu.memory_space<vmem>>) target_semaphore(%arg20 : memref<!tpu.dma_semaphore, #tpu.memory_space<semaphore_mem>>)
    %dma_start3A_323 = arith.constant 0 : i32
    %dma_start3A_324 = arith.constant 0 : i32
    %dma_start3A_325 = arith.constant 0 : i32
    %dma_start3A_326 = arith.constant 0 : i32
    %dma_start3A_327 = tpu.memref_slice %arg18[%dma_start3A_325, %dma_start3A_326] : memref<32x192xf32, #tpu.memory_space<vmem>> -> memref<1x192xf32, #tpu.memory_space<vmem>>
    %dma_start3A_328 = tpu.memref_squeeze %dma_start3A_327 : memref<1x192xf32, #tpu.memory_space<vmem>> -> memref<192xf32, #tpu.memory_space<vmem>>
    %dma_start3A_329 = arith.constant 999808 : i32
    %dma_start3A_330 = tpu.memref_slice %arg4[%dma_start3A_323, %dma_start3A_324, %dma_start3A_329] : memref<32x1x1000000xf32, #tpu.memory_space<any>> -> memref<1x1x192xf32, #tpu.memory_space<any>>
    %dma_start3A_331 = tpu.memref_squeeze %dma_start3A_330 : memref<1x1x192xf32, #tpu.memory_space<any>> -> memref<192xf32, #tpu.memory_space<any>>
    tpu.enqueue_dma source(%dma_start3A_331 : memref<192xf32, #tpu.memory_space<any>>) target(%dma_start3A_328 : memref<192xf32, #tpu.memory_space<vmem>>) target_semaphore(%arg20 : memref<!tpu.dma_semaphore, #tpu.memory_space<semaphore_mem>>)
    %dma_start3A_332 = arith.constant 0 : i32
    %dma_start3A_333 = arith.constant 0 : i32
    %dma_start3A_334 = arith.constant 0 : i32
    %dma_start3A_335 = arith.constant 0 : i32
    %dma_start3A_336 = tpu.memref_slice %arg19[%dma_start3A_334, %dma_start3A_335] : memref<32x28672xf32, #tpu.memory_space<vmem>> -> memref<1x28672xf32, #tpu.memory_space<vmem>>
    %dma_start3A_337 = tpu.memref_squeeze %dma_start3A_336 : memref<1x28672xf32, #tpu.memory_space<vmem>> -> memref<28672xf32, #tpu.memory_space<vmem>>
    %dma_start3A_338 = tpu.memref_slice %arg4[%dma_start3A_332, %dma_start3A_333, %multiple_of3A_5] : memref<32x1x1000000xf32, #tpu.memory_space<any>> -> memref<1x1x28672xf32, #tpu.memory_space<any>>
    %dma_start3A_339 = tpu.memref_squeeze %dma_start3A_338 : memref<1x1x28672xf32, #tpu.memory_space<any>> -> memref<28672xf32, #tpu.memory_space<any>>
    tpu.enqueue_dma source(%dma_start3A_339 : memref<28672xf32, #tpu.memory_space<any>>) target(%dma_start3A_337 : memref<28672xf32, #tpu.memory_space<vmem>>) target_semaphore(%arg20 : memref<!tpu.dma_semaphore, #tpu.memory_space<semaphore_mem>>)
    %dma_start3A_340 = arith.constant 1 : i32
    %dma_start3A_341 = arith.constant 0 : i32
    %dma_start3A_342 = arith.constant 1 : i32
    %dma_start3A_343 = arith.constant 0 : i32
    %dma_start3A_344 = tpu.memref_slice %arg17[%dma_start3A_342, %dma_start3A_343] : memref<32x65536xf32, #tpu.memory_space<vmem>> -> memref<1x65536xf32, #tpu.memory_space<vmem>>
    %dma_start3A_345 = tpu.memref_squeeze %dma_start3A_344 : memref<1x65536xf32, #tpu.memory_space<vmem>> -> memref<65536xf32, #tpu.memory_space<vmem>>
    %dma_start3A_346 = tpu.memref_slice %arg4[%dma_start3A_340, %dma_start3A_341, %multiple_of3A_12] : memref<32x1x1000000xf32, #tpu.memory_space<any>> -> memref<1x1x65536xf32, #tpu.memory_space<any>>
    %dma_start3A_347 = tpu.memref_squeeze %dma_start3A_346 : memref<1x1x65536xf32, #tpu.memory_space<any>> -> memref<65536xf32, #tpu.memory_space<any>>
    tpu.enqueue_dma source(%dma_start3A_347 : memref<65536xf32, #tpu.memory_space<any>>) target(%dma_start3A_345 : memref<65536xf32, #tpu.memory_space<vmem>>) target_semaphore(%arg20 : memref<!tpu.dma_semaphore, #tpu.memory_space<semaphore_mem>>)
    %dma_start3A_348 = arith.constant 1 : i32
    %dma_start3A_349 = arith.constant 0 : i32
    %dma_start3A_350 = arith.constant 1 : i32
    %dma_start3A_351 = arith.constant 0 : i32
    %dma_start3A_352 = tpu.memref_slice %arg18[%dma_start3A_350, %dma_start3A_351] : memref<32x192xf32, #tpu.memory_space<vmem>> -> memref<1x192xf32, #tpu.memory_space<vmem>>
    %dma_start3A_353 = tpu.memref_squeeze %dma_start3A_352 : memref<1x192xf32, #tpu.memory_space<vmem>> -> memref<192xf32, #tpu.memory_space<vmem>>
    %dma_start3A_354 = arith.constant 999808 : i32
    %dma_start3A_355 = tpu.memref_slice %arg4[%dma_start3A_348, %dma_start3A_349, %dma_start3A_354] : memref<32x1x1000000xf32, #tpu.memory_space<any>> -> memref<1x1x192xf32, #tpu.memory_space<any>>
    %dma_start3A_356 = tpu.memref_squeeze %dma_start3A_355 : memref<1x1x192xf32, #tpu.memory_space<any>> -> memref<192xf32, #tpu.memory_space<any>>
    tpu.enqueue_dma source(%dma_start3A_356 : memref<192xf32, #tpu.memory_space<any>>) target(%dma_start3A_353 : memref<192xf32, #tpu.memory_space<vmem>>) target_semaphore(%arg20 : memref<!tpu.dma_semaphore, #tpu.memory_space<semaphore_mem>>)
    %dma_start3A_357 = arith.constant 1 : i32
    %dma_start3A_358 = arith.constant 0 : i32
    %dma_start3A_359 = arith.constant 1 : i32
    %dma_start3A_360 = arith.constant 0 : i32
    %dma_start3A_361 = tpu.memref_slice %arg19[%dma_start3A_359, %dma_start3A_360] : memref<32x28672xf32, #tpu.memory_space<vmem>> -> memref<1x28672xf32, #tpu.memory_space<vmem>>
    %dma_start3A_362 = tpu.memref_squeeze %dma_start3A_361 : memref<1x28672xf32, #tpu.memory_space<vmem>> -> memref<28672xf32, #tpu.memory_space<vmem>>
    %dma_start3A_363 = tpu.memref_slice %arg4[%dma_start3A_357, %dma_start3A_358, %multiple_of3A_15] : memref<32x1x1000000xf32, #tpu.memory_space<any>> -> memref<1x1x28672xf32, #tpu.memory_space<any>>
    %dma_start3A_364 = tpu.memref_squeeze %dma_start3A_363 : memref<1x1x28672xf32, #tpu.memory_space<any>> -> memref<28672xf32, #tpu.memory_space<any>>
    tpu.enqueue_dma source(%dma_start3A_364 : memref<28672xf32, #tpu.memory_space<any>>) target(%dma_start3A_362 : memref<28672xf32, #tpu.memory_space<vmem>>) target_semaphore(%arg20 : memref<!tpu.dma_semaphore, #tpu.memory_space<semaphore_mem>>)
    %dma_start3A_365 = arith.constant 2 : i32
    %dma_start3A_366 = arith.constant 0 : i32
    %dma_start3A_367 = arith.constant 2 : i32
    %dma_start3A_368 = arith.constant 0 : i32
    %dma_start3A_369 = tpu.memref_slice %arg17[%dma_start3A_367, %dma_start3A_368] : memref<32x65536xf32, #tpu.memory_space<vmem>> -> memref<1x65536xf32, #tpu.memory_space<vmem>>
    %dma_start3A_370 = tpu.memref_squeeze %dma_start3A_369 : memref<1x65536xf32, #tpu.memory_space<vmem>> -> memref<65536xf32, #tpu.memory_space<vmem>>
    %dma_start3A_371 = tpu.memref_slice %arg4[%dma_start3A_365, %dma_start3A_366, %multiple_of3A_22] : memref<32x1x1000000xf32, #tpu.memory_space<any>> -> memref<1x1x65536xf32, #tpu.memory_space<any>>
    %dma_start3A_372 = tpu.memref_squeeze %dma_start3A_371 : memref<1x1x65536xf32, #tpu.memory_space<any>> -> memref<65536xf32, #tpu.memory_space<any>>
    tpu.enqueue_dma source(%dma_start3A_372 : memref<65536xf32, #tpu.memory_space<any>>) target(%dma_start3A_370 : memref<65536xf32, #tpu.memory_space<vmem>>) target_semaphore(%arg20 : memref<!tpu.dma_semaphore, #tpu.memory_space<semaphore_mem>>)
    %dma_start3A_373 = arith.constant 2 : i32
    %dma_start3A_374 = arith.constant 0 : i32
    %dma_start3A_375 = arith.constant 2 : i32
    %dma_start3A_376 = arith.constant 0 : i32
    %dma_start3A_377 = tpu.memref_slice %arg18[%dma_start3A_375, %dma_start3A_376] : memref<32x192xf32, #tpu.memory_space<vmem>> -> memref<1x192xf32, #tpu.memory_space<vmem>>
    %dma_start3A_378 = tpu.memref_squeeze %dma_start3A_377 : memref<1x192xf32, #tpu.memory_space<vmem>> -> memref<192xf32, #tpu.memory_space<vmem>>
    %dma_start3A_379 = arith.constant 999808 : i32
    %dma_start3A_380 = tpu.memref_slice %arg4[%dma_start3A_373, %dma_start3A_374, %dma_start3A_379] : memref<32x1x1000000xf32, #tpu.memory_space<any>> -> memref<1x1x192xf32, #tpu.memory_space<any>>
    %dma_start3A_381 = tpu.memref_squeeze %dma_start3A_380 : memref<1x1x192xf32, #tpu.memory_space<any>> -> memref<192xf32, #tpu.memory_space<any>>
    tpu.enqueue_dma source(%dma_start3A_381 : memref<192xf32, #tpu.memory_space<any>>) target(%dma_start3A_378 : memref<192xf32, #tpu.memory_space<vmem>>) target_semaphore(%arg20 : memref<!tpu.dma_semaphore, #tpu.memory_space<semaphore_mem>>)
    %dma_start3A_382 = arith.constant 2 : i32
    %dma_start3A_383 = arith.constant 0 : i32
    %dma_start3A_384 = arith.constant 2 : i32
    %dma_start3A_385 = arith.constant 0 : i32
    %dma_start3A_386 = tpu.memref_slice %arg19[%dma_start3A_384, %dma_start3A_385] : memref<32x28672xf32, #tpu.memory_space<vmem>> -> memref<1x28672xf32, #tpu.memory_space<vmem>>
    %dma_start3A_387 = tpu.memref_squeeze %dma_start3A_386 : memref<1x28672xf32, #tpu.memory_space<vmem>> -> memref<28672xf32, #tpu.memory_space<vmem>>
    %dma_start3A_388 = tpu.memref_slice %arg4[%dma_start3A_382, %dma_start3A_383, %multiple_of3A_25] : memref<32x1x1000000xf32, #tpu.memory_space<any>> -> memref<1x1x28672xf32, #tpu.memory_space<any>>
    %dma_start3A_389 = tpu.memref_squeeze %dma_start3A_388 : memref<1x1x28672xf32, #tpu.memory_space<any>> -> memref<28672xf32, #tpu.memory_space<any>>
    tpu.enqueue_dma source(%dma_start3A_389 : memref<28672xf32, #tpu.memory_space<any>>) target(%dma_start3A_387 : memref<28672xf32, #tpu.memory_space<vmem>>) target_semaphore(%arg20 : memref<!tpu.dma_semaphore, #tpu.memory_space<semaphore_mem>>)
    %dma_start3A_390 = arith.constant 3 : i32
    %dma_start3A_391 = arith.constant 0 : i32
    %dma_start3A_392 = arith.constant 3 : i32
    %dma_start3A_393 = arith.constant 0 : i32
    %dma_start3A_394 = tpu.memref_slice %arg17[%dma_start3A_392, %dma_start3A_393] : memref<32x65536xf32, #tpu.memory_space<vmem>> -> memref<1x65536xf32, #tpu.memory_space<vmem>>
    %dma_start3A_395 = tpu.memref_squeeze %dma_start3A_394 : memref<1x65536xf32, #tpu.memory_space<vmem>> -> memref<65536xf32, #tpu.memory_space<vmem>>
    %dma_start3A_396 = tpu.memref_slice %arg4[%dma_start3A_390, %dma_start3A_391, %multiple_of3A_32] : memref<32x1x1000000xf32, #tpu.memory_space<any>> -> memref<1x1x65536xf32, #tpu.memory_space<any>>
    %dma_start3A_397 = tpu.memref_squeeze %dma_start3A_396 : memref<1x1x65536xf32, #tpu.memory_space<any>> -> memref<65536xf32, #tpu.memory_space<any>>
    tpu.enqueue_dma source(%dma_start3A_397 : memref<65536xf32, #tpu.memory_space<any>>) target(%dma_start3A_395 : memref<65536xf32, #tpu.memory_space<vmem>>) target_semaphore(%arg20 : memref<!tpu.dma_semaphore, #tpu.memory_space<semaphore_mem>>)
    %dma_start3A_398 = arith.constant 3 : i32
    %dma_start3A_399 = arith.constant 0 : i32
    %dma_start3A_400 = arith.constant 3 : i32
    %dma_start3A_401 = arith.constant 0 : i32
    %dma_start3A_402 = tpu.memref_slice %arg18[%dma_start3A_400, %dma_start3A_401] : memref<32x192xf32, #tpu.memory_space<vmem>> -> memref<1x192xf32, #tpu.memory_space<vmem>>
    %dma_start3A_403 = tpu.memref_squeeze %dma_start3A_402 : memref<1x192xf32, #tpu.memory_space<vmem>> -> memref<192xf32, #tpu.memory_space<vmem>>
    %dma_start3A_404 = arith.constant 999808 : i32
    %dma_start3A_405 = tpu.memref_slice %arg4[%dma_start3A_398, %dma_start3A_399, %dma_start3A_404] : memref<32x1x1000000xf32, #tpu.memory_space<any>> -> memref<1x1x192xf32, #tpu.memory_space<any>>
    %dma_start3A_406 = tpu.memref_squeeze %dma_start3A_405 : memref<1x1x192xf32, #tpu.memory_space<any>> -> memref<192xf32, #tpu.memory_space<any>>
    tpu.enqueue_dma source(%dma_start3A_406 : memref<192xf32, #tpu.memory_space<any>>) target(%dma_start3A_403 : memref<192xf32, #tpu.memory_space<vmem>>) target_semaphore(%arg20 : memref<!tpu.dma_semaphore, #tpu.memory_space<semaphore_mem>>)
    %dma_start3A_407 = arith.constant 3 : i32
    %dma_start3A_408 = arith.constant 0 : i32
    %dma_start3A_409 = arith.constant 3 : i32
    %dma_start3A_410 = arith.constant 0 : i32
    %dma_start3A_411 = tpu.memref_slice %arg19[%dma_start3A_409, %dma_start3A_410] : memref<32x28672xf32, #tpu.memory_space<vmem>> -> memref<1x28672xf32, #tpu.memory_space<vmem>>
    %dma_start3A_412 = tpu.memref_squeeze %dma_start3A_411 : memref<1x28672xf32, #tpu.memory_space<vmem>> -> memref<28672xf32, #tpu.memory_space<vmem>>
    %dma_start3A_413 = tpu.memref_slice %arg4[%dma_start3A_407, %dma_start3A_408, %multiple_of3A_35] : memref<32x1x1000000xf32, #tpu.memory_space<any>> -> memref<1x1x28672xf32, #tpu.memory_space<any>>
    %dma_start3A_414 = tpu.memref_squeeze %dma_start3A_413 : memref<1x1x28672xf32, #tpu.memory_space<any>> -> memref<28672xf32, #tpu.memory_space<any>>
    tpu.enqueue_dma source(%dma_start3A_414 : memref<28672xf32, #tpu.memory_space<any>>) target(%dma_start3A_412 : memref<28672xf32, #tpu.memory_space<vmem>>) target_semaphore(%arg20 : memref<!tpu.dma_semaphore, #tpu.memory_space<semaphore_mem>>)
    %dma_start3A_415 = arith.constant 4 : i32
    %dma_start3A_416 = arith.constant 0 : i32
    %dma_start3A_417 = arith.constant 4 : i32
    %dma_start3A_418 = arith.constant 0 : i32
    %dma_start3A_419 = tpu.memref_slice %arg17[%dma_start3A_417, %dma_start3A_418] : memref<32x65536xf32, #tpu.memory_space<vmem>> -> memref<1x65536xf32, #tpu.memory_space<vmem>>
    %dma_start3A_420 = tpu.memref_squeeze %dma_start3A_419 : memref<1x65536xf32, #tpu.memory_space<vmem>> -> memref<65536xf32, #tpu.memory_space<vmem>>
    %dma_start3A_421 = tpu.memref_slice %arg4[%dma_start3A_415, %dma_start3A_416, %multiple_of3A_42] : memref<32x1x1000000xf32, #tpu.memory_space<any>> -> memref<1x1x65536xf32, #tpu.memory_space<any>>
    %dma_start3A_422 = tpu.memref_squeeze %dma_start3A_421 : memref<1x1x65536xf32, #tpu.memory_space<any>> -> memref<65536xf32, #tpu.memory_space<any>>
    tpu.enqueue_dma source(%dma_start3A_422 : memref<65536xf32, #tpu.memory_space<any>>) target(%dma_start3A_420 : memref<65536xf32, #tpu.memory_space<vmem>>) target_semaphore(%arg20 : memref<!tpu.dma_semaphore, #tpu.memory_space<semaphore_mem>>)
    %dma_start3A_423 = arith.constant 4 : i32
    %dma_start3A_424 = arith.constant 0 : i32
    %dma_start3A_425 = arith.constant 4 : i32
    %dma_start3A_426 = arith.constant 0 : i32
    %dma_start3A_427 = tpu.memref_slice %arg18[%dma_start3A_425, %dma_start3A_426] : memref<32x192xf32, #tpu.memory_space<vmem>> -> memref<1x192xf32, #tpu.memory_space<vmem>>
    %dma_start3A_428 = tpu.memref_squeeze %dma_start3A_427 : memref<1x192xf32, #tpu.memory_space<vmem>> -> memref<192xf32, #tpu.memory_space<vmem>>
    %dma_start3A_429 = arith.constant 999808 : i32
    %dma_start3A_430 = tpu.memref_slice %arg4[%dma_start3A_423, %dma_start3A_424, %dma_start3A_429] : memref<32x1x1000000xf32, #tpu.memory_space<any>> -> memref<1x1x192xf32, #tpu.memory_space<any>>
    %dma_start3A_431 = tpu.memref_squeeze %dma_start3A_430 : memref<1x1x192xf32, #tpu.memory_space<any>> -> memref<192xf32, #tpu.memory_space<any>>
    tpu.enqueue_dma source(%dma_start3A_431 : memref<192xf32, #tpu.memory_space<any>>) target(%dma_start3A_428 : memref<192xf32, #tpu.memory_space<vmem>>) target_semaphore(%arg20 : memref<!tpu.dma_semaphore, #tpu.memory_space<semaphore_mem>>)
    %dma_start3A_432 = arith.constant 4 : i32
    %dma_start3A_433 = arith.constant 0 : i32
    %dma_start3A_434 = arith.constant 4 : i32
    %dma_start3A_435 = arith.constant 0 : i32
    %dma_start3A_436 = tpu.memref_slice %arg19[%dma_start3A_434, %dma_start3A_435] : memref<32x28672xf32, #tpu.memory_space<vmem>> -> memref<1x28672xf32, #tpu.memory_space<vmem>>
    %dma_start3A_437 = tpu.memref_squeeze %dma_start3A_436 : memref<1x28672xf32, #tpu.memory_space<vmem>> -> memref<28672xf32, #tpu.memory_space<vmem>>
    %dma_start3A_438 = tpu.memref_slice %arg4[%dma_start3A_432, %dma_start3A_433, %multiple_of3A_45] : memref<32x1x1000000xf32, #tpu.memory_space<any>> -> memref<1x1x28672xf32, #tpu.memory_space<any>>
    %dma_start3A_439 = tpu.memref_squeeze %dma_start3A_438 : memref<1x1x28672xf32, #tpu.memory_space<any>> -> memref<28672xf32, #tpu.memory_space<any>>
    tpu.enqueue_dma source(%dma_start3A_439 : memref<28672xf32, #tpu.memory_space<any>>) target(%dma_start3A_437 : memref<28672xf32, #tpu.memory_space<vmem>>) target_semaphore(%arg20 : memref<!tpu.dma_semaphore, #tpu.memory_space<semaphore_mem>>)
    %dma_start3A_440 = arith.constant 5 : i32
    %dma_start3A_441 = arith.constant 0 : i32
    %dma_start3A_442 = arith.constant 5 : i32
    %dma_start3A_443 = arith.constant 0 : i32
    %dma_start3A_444 = tpu.memref_slice %arg17[%dma_start3A_442, %dma_start3A_443] : memref<32x65536xf32, #tpu.memory_space<vmem>> -> memref<1x65536xf32, #tpu.memory_space<vmem>>
    %dma_start3A_445 = tpu.memref_squeeze %dma_start3A_444 : memref<1x65536xf32, #tpu.memory_space<vmem>> -> memref<65536xf32, #tpu.memory_space<vmem>>
    %dma_start3A_446 = tpu.memref_slice %arg4[%dma_start3A_440, %dma_start3A_441, %multiple_of3A_52] : memref<32x1x1000000xf32, #tpu.memory_space<any>> -> memref<1x1x65536xf32, #tpu.memory_space<any>>
    %dma_start3A_447 = tpu.memref_squeeze %dma_start3A_446 : memref<1x1x65536xf32, #tpu.memory_space<any>> -> memref<65536xf32, #tpu.memory_space<any>>
    tpu.enqueue_dma source(%dma_start3A_447 : memref<65536xf32, #tpu.memory_space<any>>) target(%dma_start3A_445 : memref<65536xf32, #tpu.memory_space<vmem>>) target_semaphore(%arg20 : memref<!tpu.dma_semaphore, #tpu.memory_space<semaphore_mem>>)
    %dma_start3A_448 = arith.constant 5 : i32
    %dma_start3A_449 = arith.constant 0 : i32
    %dma_start3A_450 = arith.constant 5 : i32
    %dma_start3A_451 = arith.constant 0 : i32
    %dma_start3A_452 = tpu.memref_slice %arg18[%dma_start3A_450, %dma_start3A_451] : memref<32x192xf32, #tpu.memory_space<vmem>> -> memref<1x192xf32, #tpu.memory_space<vmem>>
    %dma_start3A_453 = tpu.memref_squeeze %dma_start3A_452 : memref<1x192xf32, #tpu.memory_space<vmem>> -> memref<192xf32, #tpu.memory_space<vmem>>
    %dma_start3A_454 = arith.constant 999808 : i32
    %dma_start3A_455 = tpu.memref_slice %arg4[%dma_start3A_448, %dma_start3A_449, %dma_start3A_454] : memref<32x1x1000000xf32, #tpu.memory_space<any>> -> memref<1x1x192xf32, #tpu.memory_space<any>>
    %dma_start3A_456 = tpu.memref_squeeze %dma_start3A_455 : memref<1x1x192xf32, #tpu.memory_space<any>> -> memref<192xf32, #tpu.memory_space<any>>
    tpu.enqueue_dma source(%dma_start3A_456 : memref<192xf32, #tpu.memory_space<any>>) target(%dma_start3A_453 : memref<192xf32, #tpu.memory_space<vmem>>) target_semaphore(%arg20 : memref<!tpu.dma_semaphore, #tpu.memory_space<semaphore_mem>>)
    %dma_start3A_457 = arith.constant 5 : i32
    %dma_start3A_458 = arith.constant 0 : i32
    %dma_start3A_459 = arith.constant 5 : i32
    %dma_start3A_460 = arith.constant 0 : i32
    %dma_start3A_461 = tpu.memref_slice %arg19[%dma_start3A_459, %dma_start3A_460] : memref<32x28672xf32, #tpu.memory_space<vmem>> -> memref<1x28672xf32, #tpu.memory_space<vmem>>
    %dma_start3A_462 = tpu.memref_squeeze %dma_start3A_461 : memref<1x28672xf32, #tpu.memory_space<vmem>> -> memref<28672xf32, #tpu.memory_space<vmem>>
    %dma_start3A_463 = tpu.memref_slice %arg4[%dma_start3A_457, %dma_start3A_458, %multiple_of3A_55] : memref<32x1x1000000xf32, #tpu.memory_space<any>> -> memref<1x1x28672xf32, #tpu.memory_space<any>>
    %dma_start3A_464 = tpu.memref_squeeze %dma_start3A_463 : memref<1x1x28672xf32, #tpu.memory_space<any>> -> memref<28672xf32, #tpu.memory_space<any>>
    tpu.enqueue_dma source(%dma_start3A_464 : memref<28672xf32, #tpu.memory_space<any>>) target(%dma_start3A_462 : memref<28672xf32, #tpu.memory_space<vmem>>) target_semaphore(%arg20 : memref<!tpu.dma_semaphore, #tpu.memory_space<semaphore_mem>>)
    %dma_start3A_465 = arith.constant 6 : i32
    %dma_start3A_466 = arith.constant 0 : i32
    %dma_start3A_467 = arith.constant 6 : i32
    %dma_start3A_468 = arith.constant 0 : i32
    %dma_start3A_469 = tpu.memref_slice %arg17[%dma_start3A_467, %dma_start3A_468] : memref<32x65536xf32, #tpu.memory_space<vmem>> -> memref<1x65536xf32, #tpu.memory_space<vmem>>
    %dma_start3A_470 = tpu.memref_squeeze %dma_start3A_469 : memref<1x65536xf32, #tpu.memory_space<vmem>> -> memref<65536xf32, #tpu.memory_space<vmem>>
    %dma_start3A_471 = tpu.memref_slice %arg4[%dma_start3A_465, %dma_start3A_466, %multiple_of3A_62] : memref<32x1x1000000xf32, #tpu.memory_space<any>> -> memref<1x1x65536xf32, #tpu.memory_space<any>>
    %dma_start3A_472 = tpu.memref_squeeze %dma_start3A_471 : memref<1x1x65536xf32, #tpu.memory_space<any>> -> memref<65536xf32, #tpu.memory_space<any>>
    tpu.enqueue_dma source(%dma_start3A_472 : memref<65536xf32, #tpu.memory_space<any>>) target(%dma_start3A_470 : memref<65536xf32, #tpu.memory_space<vmem>>) target_semaphore(%arg20 : memref<!tpu.dma_semaphore, #tpu.memory_space<semaphore_mem>>)
    %dma_start3A_473 = arith.constant 6 : i32
    %dma_start3A_474 = arith.constant 0 : i32
    %dma_start3A_475 = arith.constant 6 : i32
    %dma_start3A_476 = arith.constant 0 : i32
    %dma_start3A_477 = tpu.memref_slice %arg18[%dma_start3A_475, %dma_start3A_476] : memref<32x192xf32, #tpu.memory_space<vmem>> -> memref<1x192xf32, #tpu.memory_space<vmem>>
    %dma_start3A_478 = tpu.memref_squeeze %dma_start3A_477 : memref<1x192xf32, #tpu.memory_space<vmem>> -> memref<192xf32, #tpu.memory_space<vmem>>
    %dma_start3A_479 = arith.constant 999808 : i32
    %dma_start3A_480 = tpu.memref_slice %arg4[%dma_start3A_473, %dma_start3A_474, %dma_start3A_479] : memref<32x1x1000000xf32, #tpu.memory_space<any>> -> memref<1x1x192xf32, #tpu.memory_space<any>>
    %dma_start3A_481 = tpu.memref_squeeze %dma_start3A_480 : memref<1x1x192xf32, #tpu.memory_space<any>> -> memref<192xf32, #tpu.memory_space<any>>
    tpu.enqueue_dma source(%dma_start3A_481 : memref<192xf32, #tpu.memory_space<any>>) target(%dma_start3A_478 : memref<192xf32, #tpu.memory_space<vmem>>) target_semaphore(%arg20 : memref<!tpu.dma_semaphore, #tpu.memory_space<semaphore_mem>>)
    %dma_start3A_482 = arith.constant 6 : i32
    %dma_start3A_483 = arith.constant 0 : i32
    %dma_start3A_484 = arith.constant 6 : i32
    %dma_start3A_485 = arith.constant 0 : i32
    %dma_start3A_486 = tpu.memref_slice %arg19[%dma_start3A_484, %dma_start3A_485] : memref<32x28672xf32, #tpu.memory_space<vmem>> -> memref<1x28672xf32, #tpu.memory_space<vmem>>
    %dma_start3A_487 = tpu.memref_squeeze %dma_start3A_486 : memref<1x28672xf32, #tpu.memory_space<vmem>> -> memref<28672xf32, #tpu.memory_space<vmem>>
    %dma_start3A_488 = tpu.memref_slice %arg4[%dma_start3A_482, %dma_start3A_483, %multiple_of3A_65] : memref<32x1x1000000xf32, #tpu.memory_space<any>> -> memref<1x1x28672xf32, #tpu.memory_space<any>>
    %dma_start3A_489 = tpu.memref_squeeze %dma_start3A_488 : memref<1x1x28672xf32, #tpu.memory_space<any>> -> memref<28672xf32, #tpu.memory_space<any>>
    tpu.enqueue_dma source(%dma_start3A_489 : memref<28672xf32, #tpu.memory_space<any>>) target(%dma_start3A_487 : memref<28672xf32, #tpu.memory_space<vmem>>) target_semaphore(%arg20 : memref<!tpu.dma_semaphore, #tpu.memory_space<semaphore_mem>>)
    %dma_start3A_490 = arith.constant 7 : i32
    %dma_start3A_491 = arith.constant 0 : i32
    %dma_start3A_492 = arith.constant 7 : i32
    %dma_start3A_493 = arith.constant 0 : i32
    %dma_start3A_494 = tpu.memref_slice %arg17[%dma_start3A_492, %dma_start3A_493] : memref<32x65536xf32, #tpu.memory_space<vmem>> -> memref<1x65536xf32, #tpu.memory_space<vmem>>
    %dma_start3A_495 = tpu.memref_squeeze %dma_start3A_494 : memref<1x65536xf32, #tpu.memory_space<vmem>> -> memref<65536xf32, #tpu.memory_space<vmem>>
    %dma_start3A_496 = tpu.memref_slice %arg4[%dma_start3A_490, %dma_start3A_491, %multiple_of3A_72] : memref<32x1x1000000xf32, #tpu.memory_space<any>> -> memref<1x1x65536xf32, #tpu.memory_space<any>>
    %dma_start3A_497 = tpu.memref_squeeze %dma_start3A_496 : memref<1x1x65536xf32, #tpu.memory_space<any>> -> memref<65536xf32, #tpu.memory_space<any>>
    tpu.enqueue_dma source(%dma_start3A_497 : memref<65536xf32, #tpu.memory_space<any>>) target(%dma_start3A_495 : memref<65536xf32, #tpu.memory_space<vmem>>) target_semaphore(%arg20 : memref<!tpu.dma_semaphore, #tpu.memory_space<semaphore_mem>>)
    %dma_start3A_498 = arith.constant 7 : i32
    %dma_start3A_499 = arith.constant 0 : i32
    %dma_start3A_500 = arith.constant 7 : i32
    %dma_start3A_501 = arith.constant 0 : i32
    %dma_start3A_502 = tpu.memref_slice %arg18[%dma_start3A_500, %dma_start3A_501] : memref<32x192xf32, #tpu.memory_space<vmem>> -> memref<1x192xf32, #tpu.memory_space<vmem>>
    %dma_start3A_503 = tpu.memref_squeeze %dma_start3A_502 : memref<1x192xf32, #tpu.memory_space<vmem>> -> memref<192xf32, #tpu.memory_space<vmem>>
    %dma_start3A_504 = arith.constant 999808 : i32
    %dma_start3A_505 = tpu.memref_slice %arg4[%dma_start3A_498, %dma_start3A_499, %dma_start3A_504] : memref<32x1x1000000xf32, #tpu.memory_space<any>> -> memref<1x1x192xf32, #tpu.memory_space<any>>
    %dma_start3A_506 = tpu.memref_squeeze %dma_start3A_505 : memref<1x1x192xf32, #tpu.memory_space<any>> -> memref<192xf32, #tpu.memory_space<any>>
    tpu.enqueue_dma source(%dma_start3A_506 : memref<192xf32, #tpu.memory_space<any>>) target(%dma_start3A_503 : memref<192xf32, #tpu.memory_space<vmem>>) target_semaphore(%arg20 : memref<!tpu.dma_semaphore, #tpu.memory_space<semaphore_mem>>)
    %dma_start3A_507 = arith.constant 7 : i32
    %dma_start3A_508 = arith.constant 0 : i32
    %dma_start3A_509 = arith.constant 7 : i32
    %dma_start3A_510 = arith.constant 0 : i32
    %dma_start3A_511 = tpu.memref_slice %arg19[%dma_start3A_509, %dma_start3A_510] : memref<32x28672xf32, #tpu.memory_space<vmem>> -> memref<1x28672xf32, #tpu.memory_space<vmem>>
    %dma_start3A_512 = tpu.memref_squeeze %dma_start3A_511 : memref<1x28672xf32, #tpu.memory_space<vmem>> -> memref<28672xf32, #tpu.memory_space<vmem>>
    %dma_start3A_513 = tpu.memref_slice %arg4[%dma_start3A_507, %dma_start3A_508, %multiple_of3A_75] : memref<32x1x1000000xf32, #tpu.memory_space<any>> -> memref<1x1x28672xf32, #tpu.memory_space<any>>
    %dma_start3A_514 = tpu.memref_squeeze %dma_start3A_513 : memref<1x1x28672xf32, #tpu.memory_space<any>> -> memref<28672xf32, #tpu.memory_space<any>>
    tpu.enqueue_dma source(%dma_start3A_514 : memref<28672xf32, #tpu.memory_space<any>>) target(%dma_start3A_512 : memref<28672xf32, #tpu.memory_space<vmem>>) target_semaphore(%arg20 : memref<!tpu.dma_semaphore, #tpu.memory_space<semaphore_mem>>)
    %dma_start3A_515 = arith.constant 8 : i32
    %dma_start3A_516 = arith.constant 0 : i32
    %dma_start3A_517 = arith.constant 8 : i32
    %dma_start3A_518 = arith.constant 0 : i32
    %dma_start3A_519 = tpu.memref_slice %arg17[%dma_start3A_517, %dma_start3A_518] : memref<32x65536xf32, #tpu.memory_space<vmem>> -> memref<1x65536xf32, #tpu.memory_space<vmem>>
    %dma_start3A_520 = tpu.memref_squeeze %dma_start3A_519 : memref<1x65536xf32, #tpu.memory_space<vmem>> -> memref<65536xf32, #tpu.memory_space<vmem>>
    %dma_start3A_521 = tpu.memref_slice %arg4[%dma_start3A_515, %dma_start3A_516, %multiple_of3A_82] : memref<32x1x1000000xf32, #tpu.memory_space<any>> -> memref<1x1x65536xf32, #tpu.memory_space<any>>
    %dma_start3A_522 = tpu.memref_squeeze %dma_start3A_521 : memref<1x1x65536xf32, #tpu.memory_space<any>> -> memref<65536xf32, #tpu.memory_space<any>>
    tpu.enqueue_dma source(%dma_start3A_522 : memref<65536xf32, #tpu.memory_space<any>>) target(%dma_start3A_520 : memref<65536xf32, #tpu.memory_space<vmem>>) target_semaphore(%arg20 : memref<!tpu.dma_semaphore, #tpu.memory_space<semaphore_mem>>)
    %dma_start3A_523 = arith.constant 8 : i32
    %dma_start3A_524 = arith.constant 0 : i32
    %dma_start3A_525 = arith.constant 8 : i32
    %dma_start3A_526 = arith.constant 0 : i32
    %dma_start3A_527 = tpu.memref_slice %arg18[%dma_start3A_525, %dma_start3A_526] : memref<32x192xf32, #tpu.memory_space<vmem>> -> memref<1x192xf32, #tpu.memory_space<vmem>>
    %dma_start3A_528 = tpu.memref_squeeze %dma_start3A_527 : memref<1x192xf32, #tpu.memory_space<vmem>> -> memref<192xf32, #tpu.memory_space<vmem>>
    %dma_start3A_529 = arith.constant 999808 : i32
    %dma_start3A_530 = tpu.memref_slice %arg4[%dma_start3A_523, %dma_start3A_524, %dma_start3A_529] : memref<32x1x1000000xf32, #tpu.memory_space<any>> -> memref<1x1x192xf32, #tpu.memory_space<any>>
    %dma_start3A_531 = tpu.memref_squeeze %dma_start3A_530 : memref<1x1x192xf32, #tpu.memory_space<any>> -> memref<192xf32, #tpu.memory_space<any>>
    tpu.enqueue_dma source(%dma_start3A_531 : memref<192xf32, #tpu.memory_space<any>>) target(%dma_start3A_528 : memref<192xf32, #tpu.memory_space<vmem>>) target_semaphore(%arg20 : memref<!tpu.dma_semaphore, #tpu.memory_space<semaphore_mem>>)
    %dma_start3A_532 = arith.constant 8 : i32
    %dma_start3A_533 = arith.constant 0 : i32
    %dma_start3A_534 = arith.constant 8 : i32
    %dma_start3A_535 = arith.constant 0 : i32
    %dma_start3A_536 = tpu.memref_slice %arg19[%dma_start3A_534, %dma_start3A_535] : memref<32x28672xf32, #tpu.memory_space<vmem>> -> memref<1x28672xf32, #tpu.memory_space<vmem>>
    %dma_start3A_537 = tpu.memref_squeeze %dma_start3A_536 : memref<1x28672xf32, #tpu.memory_space<vmem>> -> memref<28672xf32, #tpu.memory_space<vmem>>
    %dma_start3A_538 = tpu.memref_slice %arg4[%dma_start3A_532, %dma_start3A_533, %multiple_of3A_85] : memref<32x1x1000000xf32, #tpu.memory_space<any>> -> memref<1x1x28672xf32, #tpu.memory_space<any>>
    %dma_start3A_539 = tpu.memref_squeeze %dma_start3A_538 : memref<1x1x28672xf32, #tpu.memory_space<any>> -> memref<28672xf32, #tpu.memory_space<any>>
    tpu.enqueue_dma source(%dma_start3A_539 : memref<28672xf32, #tpu.memory_space<any>>) target(%dma_start3A_537 : memref<28672xf32, #tpu.memory_space<vmem>>) target_semaphore(%arg20 : memref<!tpu.dma_semaphore, #tpu.memory_space<semaphore_mem>>)
    %dma_start3A_540 = arith.constant 9 : i32
    %dma_start3A_541 = arith.constant 0 : i32
    %dma_start3A_542 = arith.constant 9 : i32
    %dma_start3A_543 = arith.constant 0 : i32
    %dma_start3A_544 = tpu.memref_slice %arg17[%dma_start3A_542, %dma_start3A_543] : memref<32x65536xf32, #tpu.memory_space<vmem>> -> memref<1x65536xf32, #tpu.memory_space<vmem>>
    %dma_start3A_545 = tpu.memref_squeeze %dma_start3A_544 : memref<1x65536xf32, #tpu.memory_space<vmem>> -> memref<65536xf32, #tpu.memory_space<vmem>>
    %dma_start3A_546 = tpu.memref_slice %arg4[%dma_start3A_540, %dma_start3A_541, %multiple_of3A_92] : memref<32x1x1000000xf32, #tpu.memory_space<any>> -> memref<1x1x65536xf32, #tpu.memory_space<any>>
    %dma_start3A_547 = tpu.memref_squeeze %dma_start3A_546 : memref<1x1x65536xf32, #tpu.memory_space<any>> -> memref<65536xf32, #tpu.memory_space<any>>
    tpu.enqueue_dma source(%dma_start3A_547 : memref<65536xf32, #tpu.memory_space<any>>) target(%dma_start3A_545 : memref<65536xf32, #tpu.memory_space<vmem>>) target_semaphore(%arg20 : memref<!tpu.dma_semaphore, #tpu.memory_space<semaphore_mem>>)
    %dma_start3A_548 = arith.constant 9 : i32
    %dma_start3A_549 = arith.constant 0 : i32
    %dma_start3A_550 = arith.constant 9 : i32
    %dma_start3A_551 = arith.constant 0 : i32
    %dma_start3A_552 = tpu.memref_slice %arg18[%dma_start3A_550, %dma_start3A_551] : memref<32x192xf32, #tpu.memory_space<vmem>> -> memref<1x192xf32, #tpu.memory_space<vmem>>
    %dma_start3A_553 = tpu.memref_squeeze %dma_start3A_552 : memref<1x192xf32, #tpu.memory_space<vmem>> -> memref<192xf32, #tpu.memory_space<vmem>>
    %dma_start3A_554 = arith.constant 999808 : i32
    %dma_start3A_555 = tpu.memref_slice %arg4[%dma_start3A_548, %dma_start3A_549, %dma_start3A_554] : memref<32x1x1000000xf32, #tpu.memory_space<any>> -> memref<1x1x192xf32, #tpu.memory_space<any>>
    %dma_start3A_556 = tpu.memref_squeeze %dma_start3A_555 : memref<1x1x192xf32, #tpu.memory_space<any>> -> memref<192xf32, #tpu.memory_space<any>>
    tpu.enqueue_dma source(%dma_start3A_556 : memref<192xf32, #tpu.memory_space<any>>) target(%dma_start3A_553 : memref<192xf32, #tpu.memory_space<vmem>>) target_semaphore(%arg20 : memref<!tpu.dma_semaphore, #tpu.memory_space<semaphore_mem>>)
    %dma_start3A_557 = arith.constant 9 : i32
    %dma_start3A_558 = arith.constant 0 : i32
    %dma_start3A_559 = arith.constant 9 : i32
    %dma_start3A_560 = arith.constant 0 : i32
    %dma_start3A_561 = tpu.memref_slice %arg19[%dma_start3A_559, %dma_start3A_560] : memref<32x28672xf32, #tpu.memory_space<vmem>> -> memref<1x28672xf32, #tpu.memory_space<vmem>>
    %dma_start3A_562 = tpu.memref_squeeze %dma_start3A_561 : memref<1x28672xf32, #tpu.memory_space<vmem>> -> memref<28672xf32, #tpu.memory_space<vmem>>
    %dma_start3A_563 = tpu.memref_slice %arg4[%dma_start3A_557, %dma_start3A_558, %multiple_of3A_95] : memref<32x1x1000000xf32, #tpu.memory_space<any>> -> memref<1x1x28672xf32, #tpu.memory_space<any>>
    %dma_start3A_564 = tpu.memref_squeeze %dma_start3A_563 : memref<1x1x28672xf32, #tpu.memory_space<any>> -> memref<28672xf32, #tpu.memory_space<any>>
    tpu.enqueue_dma source(%dma_start3A_564 : memref<28672xf32, #tpu.memory_space<any>>) target(%dma_start3A_562 : memref<28672xf32, #tpu.memory_space<vmem>>) target_semaphore(%arg20 : memref<!tpu.dma_semaphore, #tpu.memory_space<semaphore_mem>>)
    %dma_start3A_565 = arith.constant 10 : i32
    %dma_start3A_566 = arith.constant 0 : i32
    %dma_start3A_567 = arith.constant 10 : i32
    %dma_start3A_568 = arith.constant 0 : i32
    %dma_start3A_569 = tpu.memref_slice %arg17[%dma_start3A_567, %dma_start3A_568] : memref<32x65536xf32, #tpu.memory_space<vmem>> -> memref<1x65536xf32, #tpu.memory_space<vmem>>
    %dma_start3A_570 = tpu.memref_squeeze %dma_start3A_569 : memref<1x65536xf32, #tpu.memory_space<vmem>> -> memref<65536xf32, #tpu.memory_space<vmem>>
    %dma_start3A_571 = tpu.memref_slice %arg4[%dma_start3A_565, %dma_start3A_566, %multiple_of3A_102] : memref<32x1x1000000xf32, #tpu.memory_space<any>> -> memref<1x1x65536xf32, #tpu.memory_space<any>>
    %dma_start3A_572 = tpu.memref_squeeze %dma_start3A_571 : memref<1x1x65536xf32, #tpu.memory_space<any>> -> memref<65536xf32, #tpu.memory_space<any>>
    tpu.enqueue_dma source(%dma_start3A_572 : memref<65536xf32, #tpu.memory_space<any>>) target(%dma_start3A_570 : memref<65536xf32, #tpu.memory_space<vmem>>) target_semaphore(%arg20 : memref<!tpu.dma_semaphore, #tpu.memory_space<semaphore_mem>>)
    %dma_start3A_573 = arith.constant 10 : i32
    %dma_start3A_574 = arith.constant 0 : i32
    %dma_start3A_575 = arith.constant 10 : i32
    %dma_start3A_576 = arith.constant 0 : i32
    %dma_start3A_577 = tpu.memref_slice %arg18[%dma_start3A_575, %dma_start3A_576] : memref<32x192xf32, #tpu.memory_space<vmem>> -> memref<1x192xf32, #tpu.memory_space<vmem>>
    %dma_start3A_578 = tpu.memref_squeeze %dma_start3A_577 : memref<1x192xf32, #tpu.memory_space<vmem>> -> memref<192xf32, #tpu.memory_space<vmem>>
    %dma_start3A_579 = arith.constant 999808 : i32
    %dma_start3A_580 = tpu.memref_slice %arg4[%dma_start3A_573, %dma_start3A_574, %dma_start3A_579] : memref<32x1x1000000xf32, #tpu.memory_space<any>> -> memref<1x1x192xf32, #tpu.memory_space<any>>
    %dma_start3A_581 = tpu.memref_squeeze %dma_start3A_580 : memref<1x1x192xf32, #tpu.memory_space<any>> -> memref<192xf32, #tpu.memory_space<any>>
    tpu.enqueue_dma source(%dma_start3A_581 : memref<192xf32, #tpu.memory_space<any>>) target(%dma_start3A_578 : memref<192xf32, #tpu.memory_space<vmem>>) target_semaphore(%arg20 : memref<!tpu.dma_semaphore, #tpu.memory_space<semaphore_mem>>)
    %dma_start3A_582 = arith.constant 10 : i32
    %dma_start3A_583 = arith.constant 0 : i32
    %dma_start3A_584 = arith.constant 10 : i32
    %dma_start3A_585 = arith.constant 0 : i32
    %dma_start3A_586 = tpu.memref_slice %arg19[%dma_start3A_584, %dma_start3A_585] : memref<32x28672xf32, #tpu.memory_space<vmem>> -> memref<1x28672xf32, #tpu.memory_space<vmem>>
    %dma_start3A_587 = tpu.memref_squeeze %dma_start3A_586 : memref<1x28672xf32, #tpu.memory_space<vmem>> -> memref<28672xf32, #tpu.memory_space<vmem>>
    %dma_start3A_588 = tpu.memref_slice %arg4[%dma_start3A_582, %dma_start3A_583, %multiple_of3A_105] : memref<32x1x1000000xf32, #tpu.memory_space<any>> -> memref<1x1x28672xf32, #tpu.memory_space<any>>
    %dma_start3A_589 = tpu.memref_squeeze %dma_start3A_588 : memref<1x1x28672xf32, #tpu.memory_space<any>> -> memref<28672xf32, #tpu.memory_space<any>>
    tpu.enqueue_dma source(%dma_start3A_589 : memref<28672xf32, #tpu.memory_space<any>>) target(%dma_start3A_587 : memref<28672xf32, #tpu.memory_space<vmem>>) target_semaphore(%arg20 : memref<!tpu.dma_semaphore, #tpu.memory_space<semaphore_mem>>)
    %dma_start3A_590 = arith.constant 11 : i32
    %dma_start3A_591 = arith.constant 0 : i32
    %dma_start3A_592 = arith.constant 11 : i32
    %dma_start3A_593 = arith.constant 0 : i32
    %dma_start3A_594 = tpu.memref_slice %arg17[%dma_start3A_592, %dma_start3A_593] : memref<32x65536xf32, #tpu.memory_space<vmem>> -> memref<1x65536xf32, #tpu.memory_space<vmem>>
    %dma_start3A_595 = tpu.memref_squeeze %dma_start3A_594 : memref<1x65536xf32, #tpu.memory_space<vmem>> -> memref<65536xf32, #tpu.memory_space<vmem>>
    %dma_start3A_596 = tpu.memref_slice %arg4[%dma_start3A_590, %dma_start3A_591, %multiple_of3A_112] : memref<32x1x1000000xf32, #tpu.memory_space<any>> -> memref<1x1x65536xf32, #tpu.memory_space<any>>
    %dma_start3A_597 = tpu.memref_squeeze %dma_start3A_596 : memref<1x1x65536xf32, #tpu.memory_space<any>> -> memref<65536xf32, #tpu.memory_space<any>>
    tpu.enqueue_dma source(%dma_start3A_597 : memref<65536xf32, #tpu.memory_space<any>>) target(%dma_start3A_595 : memref<65536xf32, #tpu.memory_space<vmem>>) target_semaphore(%arg20 : memref<!tpu.dma_semaphore, #tpu.memory_space<semaphore_mem>>)
    %dma_start3A_598 = arith.constant 11 : i32
    %dma_start3A_599 = arith.constant 0 : i32
    %dma_start3A_600 = arith.constant 11 : i32
    %dma_start3A_601 = arith.constant 0 : i32
    %dma_start3A_602 = tpu.memref_slice %arg18[%dma_start3A_600, %dma_start3A_601] : memref<32x192xf32, #tpu.memory_space<vmem>> -> memref<1x192xf32, #tpu.memory_space<vmem>>
    %dma_start3A_603 = tpu.memref_squeeze %dma_start3A_602 : memref<1x192xf32, #tpu.memory_space<vmem>> -> memref<192xf32, #tpu.memory_space<vmem>>
    %dma_start3A_604 = arith.constant 999808 : i32
    %dma_start3A_605 = tpu.memref_slice %arg4[%dma_start3A_598, %dma_start3A_599, %dma_start3A_604] : memref<32x1x1000000xf32, #tpu.memory_space<any>> -> memref<1x1x192xf32, #tpu.memory_space<any>>
    %dma_start3A_606 = tpu.memref_squeeze %dma_start3A_605 : memref<1x1x192xf32, #tpu.memory_space<any>> -> memref<192xf32, #tpu.memory_space<any>>
    tpu.enqueue_dma source(%dma_start3A_606 : memref<192xf32, #tpu.memory_space<any>>) target(%dma_start3A_603 : memref<192xf32, #tpu.memory_space<vmem>>) target_semaphore(%arg20 : memref<!tpu.dma_semaphore, #tpu.memory_space<semaphore_mem>>)
    %dma_start3A_607 = arith.constant 11 : i32
    %dma_start3A_608 = arith.constant 0 : i32
    %dma_start3A_609 = arith.constant 11 : i32
    %dma_start3A_610 = arith.constant 0 : i32
    %dma_start3A_611 = tpu.memref_slice %arg19[%dma_start3A_609, %dma_start3A_610] : memref<32x28672xf32, #tpu.memory_space<vmem>> -> memref<1x28672xf32, #tpu.memory_space<vmem>>
    %dma_start3A_612 = tpu.memref_squeeze %dma_start3A_611 : memref<1x28672xf32, #tpu.memory_space<vmem>> -> memref<28672xf32, #tpu.memory_space<vmem>>
    %dma_start3A_613 = tpu.memref_slice %arg4[%dma_start3A_607, %dma_start3A_608, %multiple_of3A_115] : memref<32x1x1000000xf32, #tpu.memory_space<any>> -> memref<1x1x28672xf32, #tpu.memory_space<any>>
    %dma_start3A_614 = tpu.memref_squeeze %dma_start3A_613 : memref<1x1x28672xf32, #tpu.memory_space<any>> -> memref<28672xf32, #tpu.memory_space<any>>
    tpu.enqueue_dma source(%dma_start3A_614 : memref<28672xf32, #tpu.memory_space<any>>) target(%dma_start3A_612 : memref<28672xf32, #tpu.memory_space<vmem>>) target_semaphore(%arg20 : memref<!tpu.dma_semaphore, #tpu.memory_space<semaphore_mem>>)
    %dma_start3A_615 = arith.constant 12 : i32
    %dma_start3A_616 = arith.constant 0 : i32
    %dma_start3A_617 = arith.constant 12 : i32
    %dma_start3A_618 = arith.constant 0 : i32
    %dma_start3A_619 = tpu.memref_slice %arg17[%dma_start3A_617, %dma_start3A_618] : memref<32x65536xf32, #tpu.memory_space<vmem>> -> memref<1x65536xf32, #tpu.memory_space<vmem>>
    %dma_start3A_620 = tpu.memref_squeeze %dma_start3A_619 : memref<1x65536xf32, #tpu.memory_space<vmem>> -> memref<65536xf32, #tpu.memory_space<vmem>>
    %dma_start3A_621 = tpu.memref_slice %arg4[%dma_start3A_615, %dma_start3A_616, %multiple_of3A_122] : memref<32x1x1000000xf32, #tpu.memory_space<any>> -> memref<1x1x65536xf32, #tpu.memory_space<any>>
    %dma_start3A_622 = tpu.memref_squeeze %dma_start3A_621 : memref<1x1x65536xf32, #tpu.memory_space<any>> -> memref<65536xf32, #tpu.memory_space<any>>
    tpu.enqueue_dma source(%dma_start3A_622 : memref<65536xf32, #tpu.memory_space<any>>) target(%dma_start3A_620 : memref<65536xf32, #tpu.memory_space<vmem>>) target_semaphore(%arg20 : memref<!tpu.dma_semaphore, #tpu.memory_space<semaphore_mem>>)
    %dma_start3A_623 = arith.constant 12 : i32
    %dma_start3A_624 = arith.constant 0 : i32
    %dma_start3A_625 = arith.constant 12 : i32
    %dma_start3A_626 = arith.constant 0 : i32
    %dma_start3A_627 = tpu.memref_slice %arg18[%dma_start3A_625, %dma_start3A_626] : memref<32x192xf32, #tpu.memory_space<vmem>> -> memref<1x192xf32, #tpu.memory_space<vmem>>
    %dma_start3A_628 = tpu.memref_squeeze %dma_start3A_627 : memref<1x192xf32, #tpu.memory_space<vmem>> -> memref<192xf32, #tpu.memory_space<vmem>>
    %dma_start3A_629 = arith.constant 999808 : i32
    %dma_start3A_630 = tpu.memref_slice %arg4[%dma_start3A_623, %dma_start3A_624, %dma_start3A_629] : memref<32x1x1000000xf32, #tpu.memory_space<any>> -> memref<1x1x192xf32, #tpu.memory_space<any>>
    %dma_start3A_631 = tpu.memref_squeeze %dma_start3A_630 : memref<1x1x192xf32, #tpu.memory_space<any>> -> memref<192xf32, #tpu.memory_space<any>>
    tpu.enqueue_dma source(%dma_start3A_631 : memref<192xf32, #tpu.memory_space<any>>) target(%dma_start3A_628 : memref<192xf32, #tpu.memory_space<vmem>>) target_semaphore(%arg20 : memref<!tpu.dma_semaphore, #tpu.memory_space<semaphore_mem>>)
    %dma_start3A_632 = arith.constant 12 : i32
    %dma_start3A_633 = arith.constant 0 : i32
    %dma_start3A_634 = arith.constant 12 : i32
    %dma_start3A_635 = arith.constant 0 : i32
    %dma_start3A_636 = tpu.memref_slice %arg19[%dma_start3A_634, %dma_start3A_635] : memref<32x28672xf32, #tpu.memory_space<vmem>> -> memref<1x28672xf32, #tpu.memory_space<vmem>>
    %dma_start3A_637 = tpu.memref_squeeze %dma_start3A_636 : memref<1x28672xf32, #tpu.memory_space<vmem>> -> memref<28672xf32, #tpu.memory_space<vmem>>
    %dma_start3A_638 = tpu.memref_slice %arg4[%dma_start3A_632, %dma_start3A_633, %multiple_of3A_125] : memref<32x1x1000000xf32, #tpu.memory_space<any>> -> memref<1x1x28672xf32, #tpu.memory_space<any>>
    %dma_start3A_639 = tpu.memref_squeeze %dma_start3A_638 : memref<1x1x28672xf32, #tpu.memory_space<any>> -> memref<28672xf32, #tpu.memory_space<any>>
    tpu.enqueue_dma source(%dma_start3A_639 : memref<28672xf32, #tpu.memory_space<any>>) target(%dma_start3A_637 : memref<28672xf32, #tpu.memory_space<vmem>>) target_semaphore(%arg20 : memref<!tpu.dma_semaphore, #tpu.memory_space<semaphore_mem>>)
    %dma_start3A_640 = arith.constant 13 : i32
    %dma_start3A_641 = arith.constant 0 : i32
    %dma_start3A_642 = arith.constant 13 : i32
    %dma_start3A_643 = arith.constant 0 : i32
    %dma_start3A_644 = tpu.memref_slice %arg17[%dma_start3A_642, %dma_start3A_643] : memref<32x65536xf32, #tpu.memory_space<vmem>> -> memref<1x65536xf32, #tpu.memory_space<vmem>>
    %dma_start3A_645 = tpu.memref_squeeze %dma_start3A_644 : memref<1x65536xf32, #tpu.memory_space<vmem>> -> memref<65536xf32, #tpu.memory_space<vmem>>
    %dma_start3A_646 = tpu.memref_slice %arg4[%dma_start3A_640, %dma_start3A_641, %multiple_of3A_132] : memref<32x1x1000000xf32, #tpu.memory_space<any>> -> memref<1x1x65536xf32, #tpu.memory_space<any>>
    %dma_start3A_647 = tpu.memref_squeeze %dma_start3A_646 : memref<1x1x65536xf32, #tpu.memory_space<any>> -> memref<65536xf32, #tpu.memory_space<any>>
    tpu.enqueue_dma source(%dma_start3A_647 : memref<65536xf32, #tpu.memory_space<any>>) target(%dma_start3A_645 : memref<65536xf32, #tpu.memory_space<vmem>>) target_semaphore(%arg20 : memref<!tpu.dma_semaphore, #tpu.memory_space<semaphore_mem>>)
    %dma_start3A_648 = arith.constant 13 : i32
    %dma_start3A_649 = arith.constant 0 : i32
    %dma_start3A_650 = arith.constant 13 : i32
    %dma_start3A_651 = arith.constant 0 : i32
    %dma_start3A_652 = tpu.memref_slice %arg18[%dma_start3A_650, %dma_start3A_651] : memref<32x192xf32, #tpu.memory_space<vmem>> -> memref<1x192xf32, #tpu.memory_space<vmem>>
    %dma_start3A_653 = tpu.memref_squeeze %dma_start3A_652 : memref<1x192xf32, #tpu.memory_space<vmem>> -> memref<192xf32, #tpu.memory_space<vmem>>
    %dma_start3A_654 = arith.constant 999808 : i32
    %dma_start3A_655 = tpu.memref_slice %arg4[%dma_start3A_648, %dma_start3A_649, %dma_start3A_654] : memref<32x1x1000000xf32, #tpu.memory_space<any>> -> memref<1x1x192xf32, #tpu.memory_space<any>>
    %dma_start3A_656 = tpu.memref_squeeze %dma_start3A_655 : memref<1x1x192xf32, #tpu.memory_space<any>> -> memref<192xf32, #tpu.memory_space<any>>
    tpu.enqueue_dma source(%dma_start3A_656 : memref<192xf32, #tpu.memory_space<any>>) target(%dma_start3A_653 : memref<192xf32, #tpu.memory_space<vmem>>) target_semaphore(%arg20 : memref<!tpu.dma_semaphore, #tpu.memory_space<semaphore_mem>>)
    %dma_start3A_657 = arith.constant 13 : i32
    %dma_start3A_658 = arith.constant 0 : i32
    %dma_start3A_659 = arith.constant 13 : i32
    %dma_start3A_660 = arith.constant 0 : i32
    %dma_start3A_661 = tpu.memref_slice %arg19[%dma_start3A_659, %dma_start3A_660] : memref<32x28672xf32, #tpu.memory_space<vmem>> -> memref<1x28672xf32, #tpu.memory_space<vmem>>
    %dma_start3A_662 = tpu.memref_squeeze %dma_start3A_661 : memref<1x28672xf32, #tpu.memory_space<vmem>> -> memref<28672xf32, #tpu.memory_space<vmem>>
    %dma_start3A_663 = tpu.memref_slice %arg4[%dma_start3A_657, %dma_start3A_658, %multiple_of3A_135] : memref<32x1x1000000xf32, #tpu.memory_space<any>> -> memref<1x1x28672xf32, #tpu.memory_space<any>>
    %dma_start3A_664 = tpu.memref_squeeze %dma_start3A_663 : memref<1x1x28672xf32, #tpu.memory_space<any>> -> memref<28672xf32, #tpu.memory_space<any>>
    tpu.enqueue_dma source(%dma_start3A_664 : memref<28672xf32, #tpu.memory_space<any>>) target(%dma_start3A_662 : memref<28672xf32, #tpu.memory_space<vmem>>) target_semaphore(%arg20 : memref<!tpu.dma_semaphore, #tpu.memory_space<semaphore_mem>>)
    %dma_start3A_665 = arith.constant 14 : i32
    %dma_start3A_666 = arith.constant 0 : i32
    %dma_start3A_667 = arith.constant 14 : i32
    %dma_start3A_668 = arith.constant 0 : i32
    %dma_start3A_669 = tpu.memref_slice %arg17[%dma_start3A_667, %dma_start3A_668] : memref<32x65536xf32, #tpu.memory_space<vmem>> -> memref<1x65536xf32, #tpu.memory_space<vmem>>
    %dma_start3A_670 = tpu.memref_squeeze %dma_start3A_669 : memref<1x65536xf32, #tpu.memory_space<vmem>> -> memref<65536xf32, #tpu.memory_space<vmem>>
    %dma_start3A_671 = tpu.memref_slice %arg4[%dma_start3A_665, %dma_start3A_666, %multiple_of3A_142] : memref<32x1x1000000xf32, #tpu.memory_space<any>> -> memref<1x1x65536xf32, #tpu.memory_space<any>>
    %dma_start3A_672 = tpu.memref_squeeze %dma_start3A_671 : memref<1x1x65536xf32, #tpu.memory_space<any>> -> memref<65536xf32, #tpu.memory_space<any>>
    tpu.enqueue_dma source(%dma_start3A_672 : memref<65536xf32, #tpu.memory_space<any>>) target(%dma_start3A_670 : memref<65536xf32, #tpu.memory_space<vmem>>) target_semaphore(%arg20 : memref<!tpu.dma_semaphore, #tpu.memory_space<semaphore_mem>>)
    %dma_start3A_673 = arith.constant 14 : i32
    %dma_start3A_674 = arith.constant 0 : i32
    %dma_start3A_675 = arith.constant 14 : i32
    %dma_start3A_676 = arith.constant 0 : i32
    %dma_start3A_677 = tpu.memref_slice %arg18[%dma_start3A_675, %dma_start3A_676] : memref<32x192xf32, #tpu.memory_space<vmem>> -> memref<1x192xf32, #tpu.memory_space<vmem>>
    %dma_start3A_678 = tpu.memref_squeeze %dma_start3A_677 : memref<1x192xf32, #tpu.memory_space<vmem>> -> memref<192xf32, #tpu.memory_space<vmem>>
    %dma_start3A_679 = arith.constant 999808 : i32
    %dma_start3A_680 = tpu.memref_slice %arg4[%dma_start3A_673, %dma_start3A_674, %dma_start3A_679] : memref<32x1x1000000xf32, #tpu.memory_space<any>> -> memref<1x1x192xf32, #tpu.memory_space<any>>
    %dma_start3A_681 = tpu.memref_squeeze %dma_start3A_680 : memref<1x1x192xf32, #tpu.memory_space<any>> -> memref<192xf32, #tpu.memory_space<any>>
    tpu.enqueue_dma source(%dma_start3A_681 : memref<192xf32, #tpu.memory_space<any>>) target(%dma_start3A_678 : memref<192xf32, #tpu.memory_space<vmem>>) target_semaphore(%arg20 : memref<!tpu.dma_semaphore, #tpu.memory_space<semaphore_mem>>)
    %dma_start3A_682 = arith.constant 14 : i32
    %dma_start3A_683 = arith.constant 0 : i32
    %dma_start3A_684 = arith.constant 14 : i32
    %dma_start3A_685 = arith.constant 0 : i32
    %dma_start3A_686 = tpu.memref_slice %arg19[%dma_start3A_684, %dma_start3A_685] : memref<32x28672xf32, #tpu.memory_space<vmem>> -> memref<1x28672xf32, #tpu.memory_space<vmem>>
    %dma_start3A_687 = tpu.memref_squeeze %dma_start3A_686 : memref<1x28672xf32, #tpu.memory_space<vmem>> -> memref<28672xf32, #tpu.memory_space<vmem>>
    %dma_start3A_688 = tpu.memref_slice %arg4[%dma_start3A_682, %dma_start3A_683, %multiple_of3A_145] : memref<32x1x1000000xf32, #tpu.memory_space<any>> -> memref<1x1x28672xf32, #tpu.memory_space<any>>
    %dma_start3A_689 = tpu.memref_squeeze %dma_start3A_688 : memref<1x1x28672xf32, #tpu.memory_space<any>> -> memref<28672xf32, #tpu.memory_space<any>>
    tpu.enqueue_dma source(%dma_start3A_689 : memref<28672xf32, #tpu.memory_space<any>>) target(%dma_start3A_687 : memref<28672xf32, #tpu.memory_space<vmem>>) target_semaphore(%arg20 : memref<!tpu.dma_semaphore, #tpu.memory_space<semaphore_mem>>)
    %dma_start3A_690 = arith.constant 15 : i32
    %dma_start3A_691 = arith.constant 0 : i32
    %dma_start3A_692 = arith.constant 15 : i32
    %dma_start3A_693 = arith.constant 0 : i32
    %dma_start3A_694 = tpu.memref_slice %arg17[%dma_start3A_692, %dma_start3A_693] : memref<32x65536xf32, #tpu.memory_space<vmem>> -> memref<1x65536xf32, #tpu.memory_space<vmem>>
    %dma_start3A_695 = tpu.memref_squeeze %dma_start3A_694 : memref<1x65536xf32, #tpu.memory_space<vmem>> -> memref<65536xf32, #tpu.memory_space<vmem>>
    %dma_start3A_696 = tpu.memref_slice %arg4[%dma_start3A_690, %dma_start3A_691, %multiple_of3A_152] : memref<32x1x1000000xf32, #tpu.memory_space<any>> -> memref<1x1x65536xf32, #tpu.memory_space<any>>
    %dma_start3A_697 = tpu.memref_squeeze %dma_start3A_696 : memref<1x1x65536xf32, #tpu.memory_space<any>> -> memref<65536xf32, #tpu.memory_space<any>>
    tpu.enqueue_dma source(%dma_start3A_697 : memref<65536xf32, #tpu.memory_space<any>>) target(%dma_start3A_695 : memref<65536xf32, #tpu.memory_space<vmem>>) target_semaphore(%arg20 : memref<!tpu.dma_semaphore, #tpu.memory_space<semaphore_mem>>)
    %dma_start3A_698 = arith.constant 15 : i32
    %dma_start3A_699 = arith.constant 0 : i32
    %dma_start3A_700 = arith.constant 15 : i32
    %dma_start3A_701 = arith.constant 0 : i32
    %dma_start3A_702 = tpu.memref_slice %arg18[%dma_start3A_700, %dma_start3A_701] : memref<32x192xf32, #tpu.memory_space<vmem>> -> memref<1x192xf32, #tpu.memory_space<vmem>>
    %dma_start3A_703 = tpu.memref_squeeze %dma_start3A_702 : memref<1x192xf32, #tpu.memory_space<vmem>> -> memref<192xf32, #tpu.memory_space<vmem>>
    %dma_start3A_704 = arith.constant 999808 : i32
    %dma_start3A_705 = tpu.memref_slice %arg4[%dma_start3A_698, %dma_start3A_699, %dma_start3A_704] : memref<32x1x1000000xf32, #tpu.memory_space<any>> -> memref<1x1x192xf32, #tpu.memory_space<any>>
    %dma_start3A_706 = tpu.memref_squeeze %dma_start3A_705 : memref<1x1x192xf32, #tpu.memory_space<any>> -> memref<192xf32, #tpu.memory_space<any>>
    tpu.enqueue_dma source(%dma_start3A_706 : memref<192xf32, #tpu.memory_space<any>>) target(%dma_start3A_703 : memref<192xf32, #tpu.memory_space<vmem>>) target_semaphore(%arg20 : memref<!tpu.dma_semaphore, #tpu.memory_space<semaphore_mem>>)
    %dma_start3A_707 = arith.constant 15 : i32
    %dma_start3A_708 = arith.constant 0 : i32
    %dma_start3A_709 = arith.constant 15 : i32
    %dma_start3A_710 = arith.constant 0 : i32
    %dma_start3A_711 = tpu.memref_slice %arg19[%dma_start3A_709, %dma_start3A_710] : memref<32x28672xf32, #tpu.memory_space<vmem>> -> memref<1x28672xf32, #tpu.memory_space<vmem>>
    %dma_start3A_712 = tpu.memref_squeeze %dma_start3A_711 : memref<1x28672xf32, #tpu.memory_space<vmem>> -> memref<28672xf32, #tpu.memory_space<vmem>>
    %dma_start3A_713 = tpu.memref_slice %arg4[%dma_start3A_707, %dma_start3A_708, %multiple_of3A_155] : memref<32x1x1000000xf32, #tpu.memory_space<any>> -> memref<1x1x28672xf32, #tpu.memory_space<any>>
    %dma_start3A_714 = tpu.memref_squeeze %dma_start3A_713 : memref<1x1x28672xf32, #tpu.memory_space<any>> -> memref<28672xf32, #tpu.memory_space<any>>
    tpu.enqueue_dma source(%dma_start3A_714 : memref<28672xf32, #tpu.memory_space<any>>) target(%dma_start3A_712 : memref<28672xf32, #tpu.memory_space<vmem>>) target_semaphore(%arg20 : memref<!tpu.dma_semaphore, #tpu.memory_space<semaphore_mem>>)
    %dma_start3A_715 = arith.constant 16 : i32
    %dma_start3A_716 = arith.constant 0 : i32
    %dma_start3A_717 = arith.constant 16 : i32
    %dma_start3A_718 = arith.constant 0 : i32
    %dma_start3A_719 = tpu.memref_slice %arg17[%dma_start3A_717, %dma_start3A_718] : memref<32x65536xf32, #tpu.memory_space<vmem>> -> memref<1x65536xf32, #tpu.memory_space<vmem>>
    %dma_start3A_720 = tpu.memref_squeeze %dma_start3A_719 : memref<1x65536xf32, #tpu.memory_space<vmem>> -> memref<65536xf32, #tpu.memory_space<vmem>>
    %dma_start3A_721 = tpu.memref_slice %arg4[%dma_start3A_715, %dma_start3A_716, %multiple_of3A_162] : memref<32x1x1000000xf32, #tpu.memory_space<any>> -> memref<1x1x65536xf32, #tpu.memory_space<any>>
    %dma_start3A_722 = tpu.memref_squeeze %dma_start3A_721 : memref<1x1x65536xf32, #tpu.memory_space<any>> -> memref<65536xf32, #tpu.memory_space<any>>
    tpu.enqueue_dma source(%dma_start3A_722 : memref<65536xf32, #tpu.memory_space<any>>) target(%dma_start3A_720 : memref<65536xf32, #tpu.memory_space<vmem>>) target_semaphore(%arg20 : memref<!tpu.dma_semaphore, #tpu.memory_space<semaphore_mem>>)
    %dma_start3A_723 = arith.constant 16 : i32
    %dma_start3A_724 = arith.constant 0 : i32
    %dma_start3A_725 = arith.constant 16 : i32
    %dma_start3A_726 = arith.constant 0 : i32
    %dma_start3A_727 = tpu.memref_slice %arg18[%dma_start3A_725, %dma_start3A_726] : memref<32x192xf32, #tpu.memory_space<vmem>> -> memref<1x192xf32, #tpu.memory_space<vmem>>
    %dma_start3A_728 = tpu.memref_squeeze %dma_start3A_727 : memref<1x192xf32, #tpu.memory_space<vmem>> -> memref<192xf32, #tpu.memory_space<vmem>>
    %dma_start3A_729 = arith.constant 999808 : i32
    %dma_start3A_730 = tpu.memref_slice %arg4[%dma_start3A_723, %dma_start3A_724, %dma_start3A_729] : memref<32x1x1000000xf32, #tpu.memory_space<any>> -> memref<1x1x192xf32, #tpu.memory_space<any>>
    %dma_start3A_731 = tpu.memref_squeeze %dma_start3A_730 : memref<1x1x192xf32, #tpu.memory_space<any>> -> memref<192xf32, #tpu.memory_space<any>>
    tpu.enqueue_dma source(%dma_start3A_731 : memref<192xf32, #tpu.memory_space<any>>) target(%dma_start3A_728 : memref<192xf32, #tpu.memory_space<vmem>>) target_semaphore(%arg20 : memref<!tpu.dma_semaphore, #tpu.memory_space<semaphore_mem>>)
    %dma_start3A_732 = arith.constant 16 : i32
    %dma_start3A_733 = arith.constant 0 : i32
    %dma_start3A_734 = arith.constant 16 : i32
    %dma_start3A_735 = arith.constant 0 : i32
    %dma_start3A_736 = tpu.memref_slice %arg19[%dma_start3A_734, %dma_start3A_735] : memref<32x28672xf32, #tpu.memory_space<vmem>> -> memref<1x28672xf32, #tpu.memory_space<vmem>>
    %dma_start3A_737 = tpu.memref_squeeze %dma_start3A_736 : memref<1x28672xf32, #tpu.memory_space<vmem>> -> memref<28672xf32, #tpu.memory_space<vmem>>
    %dma_start3A_738 = tpu.memref_slice %arg4[%dma_start3A_732, %dma_start3A_733, %multiple_of3A_165] : memref<32x1x1000000xf32, #tpu.memory_space<any>> -> memref<1x1x28672xf32, #tpu.memory_space<any>>
    %dma_start3A_739 = tpu.memref_squeeze %dma_start3A_738 : memref<1x1x28672xf32, #tpu.memory_space<any>> -> memref<28672xf32, #tpu.memory_space<any>>
    tpu.enqueue_dma source(%dma_start3A_739 : memref<28672xf32, #tpu.memory_space<any>>) target(%dma_start3A_737 : memref<28672xf32, #tpu.memory_space<vmem>>) target_semaphore(%arg20 : memref<!tpu.dma_semaphore, #tpu.memory_space<semaphore_mem>>)
    %dma_start3A_740 = arith.constant 17 : i32
    %dma_start3A_741 = arith.constant 0 : i32
    %dma_start3A_742 = arith.constant 17 : i32
    %dma_start3A_743 = arith.constant 0 : i32
    %dma_start3A_744 = tpu.memref_slice %arg17[%dma_start3A_742, %dma_start3A_743] : memref<32x65536xf32, #tpu.memory_space<vmem>> -> memref<1x65536xf32, #tpu.memory_space<vmem>>
    %dma_start3A_745 = tpu.memref_squeeze %dma_start3A_744 : memref<1x65536xf32, #tpu.memory_space<vmem>> -> memref<65536xf32, #tpu.memory_space<vmem>>
    %dma_start3A_746 = tpu.memref_slice %arg4[%dma_start3A_740, %dma_start3A_741, %multiple_of3A_172] : memref<32x1x1000000xf32, #tpu.memory_space<any>> -> memref<1x1x65536xf32, #tpu.memory_space<any>>
    %dma_start3A_747 = tpu.memref_squeeze %dma_start3A_746 : memref<1x1x65536xf32, #tpu.memory_space<any>> -> memref<65536xf32, #tpu.memory_space<any>>
    tpu.enqueue_dma source(%dma_start3A_747 : memref<65536xf32, #tpu.memory_space<any>>) target(%dma_start3A_745 : memref<65536xf32, #tpu.memory_space<vmem>>) target_semaphore(%arg20 : memref<!tpu.dma_semaphore, #tpu.memory_space<semaphore_mem>>)
    %dma_start3A_748 = arith.constant 17 : i32
    %dma_start3A_749 = arith.constant 0 : i32
    %dma_start3A_750 = arith.constant 17 : i32
    %dma_start3A_751 = arith.constant 0 : i32
    %dma_start3A_752 = tpu.memref_slice %arg18[%dma_start3A_750, %dma_start3A_751] : memref<32x192xf32, #tpu.memory_space<vmem>> -> memref<1x192xf32, #tpu.memory_space<vmem>>
    %dma_start3A_753 = tpu.memref_squeeze %dma_start3A_752 : memref<1x192xf32, #tpu.memory_space<vmem>> -> memref<192xf32, #tpu.memory_space<vmem>>
    %dma_start3A_754 = arith.constant 999808 : i32
    %dma_start3A_755 = tpu.memref_slice %arg4[%dma_start3A_748, %dma_start3A_749, %dma_start3A_754] : memref<32x1x1000000xf32, #tpu.memory_space<any>> -> memref<1x1x192xf32, #tpu.memory_space<any>>
    %dma_start3A_756 = tpu.memref_squeeze %dma_start3A_755 : memref<1x1x192xf32, #tpu.memory_space<any>> -> memref<192xf32, #tpu.memory_space<any>>
    tpu.enqueue_dma source(%dma_start3A_756 : memref<192xf32, #tpu.memory_space<any>>) target(%dma_start3A_753 : memref<192xf32, #tpu.memory_space<vmem>>) target_semaphore(%arg20 : memref<!tpu.dma_semaphore, #tpu.memory_space<semaphore_mem>>)
    %dma_start3A_757 = arith.constant 17 : i32
    %dma_start3A_758 = arith.constant 0 : i32
    %dma_start3A_759 = arith.constant 17 : i32
    %dma_start3A_760 = arith.constant 0 : i32
    %dma_start3A_761 = tpu.memref_slice %arg19[%dma_start3A_759, %dma_start3A_760] : memref<32x28672xf32, #tpu.memory_space<vmem>> -> memref<1x28672xf32, #tpu.memory_space<vmem>>
    %dma_start3A_762 = tpu.memref_squeeze %dma_start3A_761 : memref<1x28672xf32, #tpu.memory_space<vmem>> -> memref<28672xf32, #tpu.memory_space<vmem>>
    %dma_start3A_763 = tpu.memref_slice %arg4[%dma_start3A_757, %dma_start3A_758, %multiple_of3A_175] : memref<32x1x1000000xf32, #tpu.memory_space<any>> -> memref<1x1x28672xf32, #tpu.memory_space<any>>
    %dma_start3A_764 = tpu.memref_squeeze %dma_start3A_763 : memref<1x1x28672xf32, #tpu.memory_space<any>> -> memref<28672xf32, #tpu.memory_space<any>>
    tpu.enqueue_dma source(%dma_start3A_764 : memref<28672xf32, #tpu.memory_space<any>>) target(%dma_start3A_762 : memref<28672xf32, #tpu.memory_space<vmem>>) target_semaphore(%arg20 : memref<!tpu.dma_semaphore, #tpu.memory_space<semaphore_mem>>)
    %dma_start3A_765 = arith.constant 18 : i32
    %dma_start3A_766 = arith.constant 0 : i32
    %dma_start3A_767 = arith.constant 18 : i32
    %dma_start3A_768 = arith.constant 0 : i32
    %dma_start3A_769 = tpu.memref_slice %arg17[%dma_start3A_767, %dma_start3A_768] : memref<32x65536xf32, #tpu.memory_space<vmem>> -> memref<1x65536xf32, #tpu.memory_space<vmem>>
    %dma_start3A_770 = tpu.memref_squeeze %dma_start3A_769 : memref<1x65536xf32, #tpu.memory_space<vmem>> -> memref<65536xf32, #tpu.memory_space<vmem>>
    %dma_start3A_771 = tpu.memref_slice %arg4[%dma_start3A_765, %dma_start3A_766, %multiple_of3A_182] : memref<32x1x1000000xf32, #tpu.memory_space<any>> -> memref<1x1x65536xf32, #tpu.memory_space<any>>
    %dma_start3A_772 = tpu.memref_squeeze %dma_start3A_771 : memref<1x1x65536xf32, #tpu.memory_space<any>> -> memref<65536xf32, #tpu.memory_space<any>>
    tpu.enqueue_dma source(%dma_start3A_772 : memref<65536xf32, #tpu.memory_space<any>>) target(%dma_start3A_770 : memref<65536xf32, #tpu.memory_space<vmem>>) target_semaphore(%arg20 : memref<!tpu.dma_semaphore, #tpu.memory_space<semaphore_mem>>)
    %dma_start3A_773 = arith.constant 18 : i32
    %dma_start3A_774 = arith.constant 0 : i32
    %dma_start3A_775 = arith.constant 18 : i32
    %dma_start3A_776 = arith.constant 0 : i32
    %dma_start3A_777 = tpu.memref_slice %arg18[%dma_start3A_775, %dma_start3A_776] : memref<32x192xf32, #tpu.memory_space<vmem>> -> memref<1x192xf32, #tpu.memory_space<vmem>>
    %dma_start3A_778 = tpu.memref_squeeze %dma_start3A_777 : memref<1x192xf32, #tpu.memory_space<vmem>> -> memref<192xf32, #tpu.memory_space<vmem>>
    %dma_start3A_779 = arith.constant 999808 : i32
    %dma_start3A_780 = tpu.memref_slice %arg4[%dma_start3A_773, %dma_start3A_774, %dma_start3A_779] : memref<32x1x1000000xf32, #tpu.memory_space<any>> -> memref<1x1x192xf32, #tpu.memory_space<any>>
    %dma_start3A_781 = tpu.memref_squeeze %dma_start3A_780 : memref<1x1x192xf32, #tpu.memory_space<any>> -> memref<192xf32, #tpu.memory_space<any>>
    tpu.enqueue_dma source(%dma_start3A_781 : memref<192xf32, #tpu.memory_space<any>>) target(%dma_start3A_778 : memref<192xf32, #tpu.memory_space<vmem>>) target_semaphore(%arg20 : memref<!tpu.dma_semaphore, #tpu.memory_space<semaphore_mem>>)
    %dma_start3A_782 = arith.constant 18 : i32
    %dma_start3A_783 = arith.constant 0 : i32
    %dma_start3A_784 = arith.constant 18 : i32
    %dma_start3A_785 = arith.constant 0 : i32
    %dma_start3A_786 = tpu.memref_slice %arg19[%dma_start3A_784, %dma_start3A_785] : memref<32x28672xf32, #tpu.memory_space<vmem>> -> memref<1x28672xf32, #tpu.memory_space<vmem>>
    %dma_start3A_787 = tpu.memref_squeeze %dma_start3A_786 : memref<1x28672xf32, #tpu.memory_space<vmem>> -> memref<28672xf32, #tpu.memory_space<vmem>>
    %dma_start3A_788 = tpu.memref_slice %arg4[%dma_start3A_782, %dma_start3A_783, %multiple_of3A_185] : memref<32x1x1000000xf32, #tpu.memory_space<any>> -> memref<1x1x28672xf32, #tpu.memory_space<any>>
    %dma_start3A_789 = tpu.memref_squeeze %dma_start3A_788 : memref<1x1x28672xf32, #tpu.memory_space<any>> -> memref<28672xf32, #tpu.memory_space<any>>
    tpu.enqueue_dma source(%dma_start3A_789 : memref<28672xf32, #tpu.memory_space<any>>) target(%dma_start3A_787 : memref<28672xf32, #tpu.memory_space<vmem>>) target_semaphore(%arg20 : memref<!tpu.dma_semaphore, #tpu.memory_space<semaphore_mem>>)
    %dma_start3A_790 = arith.constant 19 : i32
    %dma_start3A_791 = arith.constant 0 : i32
    %dma_start3A_792 = arith.constant 19 : i32
    %dma_start3A_793 = arith.constant 0 : i32
    %dma_start3A_794 = tpu.memref_slice %arg17[%dma_start3A_792, %dma_start3A_793] : memref<32x65536xf32, #tpu.memory_space<vmem>> -> memref<1x65536xf32, #tpu.memory_space<vmem>>
    %dma_start3A_795 = tpu.memref_squeeze %dma_start3A_794 : memref<1x65536xf32, #tpu.memory_space<vmem>> -> memref<65536xf32, #tpu.memory_space<vmem>>
    %dma_start3A_796 = tpu.memref_slice %arg4[%dma_start3A_790, %dma_start3A_791, %multiple_of3A_192] : memref<32x1x1000000xf32, #tpu.memory_space<any>> -> memref<1x1x65536xf32, #tpu.memory_space<any>>
    %dma_start3A_797 = tpu.memref_squeeze %dma_start3A_796 : memref<1x1x65536xf32, #tpu.memory_space<any>> -> memref<65536xf32, #tpu.memory_space<any>>
    tpu.enqueue_dma source(%dma_start3A_797 : memref<65536xf32, #tpu.memory_space<any>>) target(%dma_start3A_795 : memref<65536xf32, #tpu.memory_space<vmem>>) target_semaphore(%arg20 : memref<!tpu.dma_semaphore, #tpu.memory_space<semaphore_mem>>)
    %dma_start3A_798 = arith.constant 19 : i32
    %dma_start3A_799 = arith.constant 0 : i32
    %dma_start3A_800 = arith.constant 19 : i32
    %dma_start3A_801 = arith.constant 0 : i32
    %dma_start3A_802 = tpu.memref_slice %arg18[%dma_start3A_800, %dma_start3A_801] : memref<32x192xf32, #tpu.memory_space<vmem>> -> memref<1x192xf32, #tpu.memory_space<vmem>>
    %dma_start3A_803 = tpu.memref_squeeze %dma_start3A_802 : memref<1x192xf32, #tpu.memory_space<vmem>> -> memref<192xf32, #tpu.memory_space<vmem>>
    %dma_start3A_804 = arith.constant 999808 : i32
    %dma_start3A_805 = tpu.memref_slice %arg4[%dma_start3A_798, %dma_start3A_799, %dma_start3A_804] : memref<32x1x1000000xf32, #tpu.memory_space<any>> -> memref<1x1x192xf32, #tpu.memory_space<any>>
    %dma_start3A_806 = tpu.memref_squeeze %dma_start3A_805 : memref<1x1x192xf32, #tpu.memory_space<any>> -> memref<192xf32, #tpu.memory_space<any>>
    tpu.enqueue_dma source(%dma_start3A_806 : memref<192xf32, #tpu.memory_space<any>>) target(%dma_start3A_803 : memref<192xf32, #tpu.memory_space<vmem>>) target_semaphore(%arg20 : memref<!tpu.dma_semaphore, #tpu.memory_space<semaphore_mem>>)
    %dma_start3A_807 = arith.constant 19 : i32
    %dma_start3A_808 = arith.constant 0 : i32
    %dma_start3A_809 = arith.constant 19 : i32
    %dma_start3A_810 = arith.constant 0 : i32
    %dma_start3A_811 = tpu.memref_slice %arg19[%dma_start3A_809, %dma_start3A_810] : memref<32x28672xf32, #tpu.memory_space<vmem>> -> memref<1x28672xf32, #tpu.memory_space<vmem>>
    %dma_start3A_812 = tpu.memref_squeeze %dma_start3A_811 : memref<1x28672xf32, #tpu.memory_space<vmem>> -> memref<28672xf32, #tpu.memory_space<vmem>>
    %dma_start3A_813 = tpu.memref_slice %arg4[%dma_start3A_807, %dma_start3A_808, %multiple_of3A_195] : memref<32x1x1000000xf32, #tpu.memory_space<any>> -> memref<1x1x28672xf32, #tpu.memory_space<any>>
    %dma_start3A_814 = tpu.memref_squeeze %dma_start3A_813 : memref<1x1x28672xf32, #tpu.memory_space<any>> -> memref<28672xf32, #tpu.memory_space<any>>
    tpu.enqueue_dma source(%dma_start3A_814 : memref<28672xf32, #tpu.memory_space<any>>) target(%dma_start3A_812 : memref<28672xf32, #tpu.memory_space<vmem>>) target_semaphore(%arg20 : memref<!tpu.dma_semaphore, #tpu.memory_space<semaphore_mem>>)
    %dma_start3A_815 = arith.constant 20 : i32
    %dma_start3A_816 = arith.constant 0 : i32
    %dma_start3A_817 = arith.constant 20 : i32
    %dma_start3A_818 = arith.constant 0 : i32
    %dma_start3A_819 = tpu.memref_slice %arg17[%dma_start3A_817, %dma_start3A_818] : memref<32x65536xf32, #tpu.memory_space<vmem>> -> memref<1x65536xf32, #tpu.memory_space<vmem>>
    %dma_start3A_820 = tpu.memref_squeeze %dma_start3A_819 : memref<1x65536xf32, #tpu.memory_space<vmem>> -> memref<65536xf32, #tpu.memory_space<vmem>>
    %dma_start3A_821 = tpu.memref_slice %arg4[%dma_start3A_815, %dma_start3A_816, %multiple_of3A_202] : memref<32x1x1000000xf32, #tpu.memory_space<any>> -> memref<1x1x65536xf32, #tpu.memory_space<any>>
    %dma_start3A_822 = tpu.memref_squeeze %dma_start3A_821 : memref<1x1x65536xf32, #tpu.memory_space<any>> -> memref<65536xf32, #tpu.memory_space<any>>
    tpu.enqueue_dma source(%dma_start3A_822 : memref<65536xf32, #tpu.memory_space<any>>) target(%dma_start3A_820 : memref<65536xf32, #tpu.memory_space<vmem>>) target_semaphore(%arg20 : memref<!tpu.dma_semaphore, #tpu.memory_space<semaphore_mem>>)
    %dma_start3A_823 = arith.constant 20 : i32
    %dma_start3A_824 = arith.constant 0 : i32
    %dma_start3A_825 = arith.constant 20 : i32
    %dma_start3A_826 = arith.constant 0 : i32
    %dma_start3A_827 = tpu.memref_slice %arg18[%dma_start3A_825, %dma_start3A_826] : memref<32x192xf32, #tpu.memory_space<vmem>> -> memref<1x192xf32, #tpu.memory_space<vmem>>
    %dma_start3A_828 = tpu.memref_squeeze %dma_start3A_827 : memref<1x192xf32, #tpu.memory_space<vmem>> -> memref<192xf32, #tpu.memory_space<vmem>>
    %dma_start3A_829 = arith.constant 999808 : i32
    %dma_start3A_830 = tpu.memref_slice %arg4[%dma_start3A_823, %dma_start3A_824, %dma_start3A_829] : memref<32x1x1000000xf32, #tpu.memory_space<any>> -> memref<1x1x192xf32, #tpu.memory_space<any>>
    %dma_start3A_831 = tpu.memref_squeeze %dma_start3A_830 : memref<1x1x192xf32, #tpu.memory_space<any>> -> memref<192xf32, #tpu.memory_space<any>>
    tpu.enqueue_dma source(%dma_start3A_831 : memref<192xf32, #tpu.memory_space<any>>) target(%dma_start3A_828 : memref<192xf32, #tpu.memory_space<vmem>>) target_semaphore(%arg20 : memref<!tpu.dma_semaphore, #tpu.memory_space<semaphore_mem>>)
    %dma_start3A_832 = arith.constant 20 : i32
    %dma_start3A_833 = arith.constant 0 : i32
    %dma_start3A_834 = arith.constant 20 : i32
    %dma_start3A_835 = arith.constant 0 : i32
    %dma_start3A_836 = tpu.memref_slice %arg19[%dma_start3A_834, %dma_start3A_835] : memref<32x28672xf32, #tpu.memory_space<vmem>> -> memref<1x28672xf32, #tpu.memory_space<vmem>>
    %dma_start3A_837 = tpu.memref_squeeze %dma_start3A_836 : memref<1x28672xf32, #tpu.memory_space<vmem>> -> memref<28672xf32, #tpu.memory_space<vmem>>
    %dma_start3A_838 = tpu.memref_slice %arg4[%dma_start3A_832, %dma_start3A_833, %multiple_of3A_205] : memref<32x1x1000000xf32, #tpu.memory_space<any>> -> memref<1x1x28672xf32, #tpu.memory_space<any>>
    %dma_start3A_839 = tpu.memref_squeeze %dma_start3A_838 : memref<1x1x28672xf32, #tpu.memory_space<any>> -> memref<28672xf32, #tpu.memory_space<any>>
    tpu.enqueue_dma source(%dma_start3A_839 : memref<28672xf32, #tpu.memory_space<any>>) target(%dma_start3A_837 : memref<28672xf32, #tpu.memory_space<vmem>>) target_semaphore(%arg20 : memref<!tpu.dma_semaphore, #tpu.memory_space<semaphore_mem>>)
    %dma_start3A_840 = arith.constant 21 : i32
    %dma_start3A_841 = arith.constant 0 : i32
    %dma_start3A_842 = arith.constant 21 : i32
    %dma_start3A_843 = arith.constant 0 : i32
    %dma_start3A_844 = tpu.memref_slice %arg17[%dma_start3A_842, %dma_start3A_843] : memref<32x65536xf32, #tpu.memory_space<vmem>> -> memref<1x65536xf32, #tpu.memory_space<vmem>>
    %dma_start3A_845 = tpu.memref_squeeze %dma_start3A_844 : memref<1x65536xf32, #tpu.memory_space<vmem>> -> memref<65536xf32, #tpu.memory_space<vmem>>
    %dma_start3A_846 = tpu.memref_slice %arg4[%dma_start3A_840, %dma_start3A_841, %multiple_of3A_212] : memref<32x1x1000000xf32, #tpu.memory_space<any>> -> memref<1x1x65536xf32, #tpu.memory_space<any>>
    %dma_start3A_847 = tpu.memref_squeeze %dma_start3A_846 : memref<1x1x65536xf32, #tpu.memory_space<any>> -> memref<65536xf32, #tpu.memory_space<any>>
    tpu.enqueue_dma source(%dma_start3A_847 : memref<65536xf32, #tpu.memory_space<any>>) target(%dma_start3A_845 : memref<65536xf32, #tpu.memory_space<vmem>>) target_semaphore(%arg20 : memref<!tpu.dma_semaphore, #tpu.memory_space<semaphore_mem>>)
    %dma_start3A_848 = arith.constant 21 : i32
    %dma_start3A_849 = arith.constant 0 : i32
    %dma_start3A_850 = arith.constant 21 : i32
    %dma_start3A_851 = arith.constant 0 : i32
    %dma_start3A_852 = tpu.memref_slice %arg18[%dma_start3A_850, %dma_start3A_851] : memref<32x192xf32, #tpu.memory_space<vmem>> -> memref<1x192xf32, #tpu.memory_space<vmem>>
    %dma_start3A_853 = tpu.memref_squeeze %dma_start3A_852 : memref<1x192xf32, #tpu.memory_space<vmem>> -> memref<192xf32, #tpu.memory_space<vmem>>
    %dma_start3A_854 = arith.constant 999808 : i32
    %dma_start3A_855 = tpu.memref_slice %arg4[%dma_start3A_848, %dma_start3A_849, %dma_start3A_854] : memref<32x1x1000000xf32, #tpu.memory_space<any>> -> memref<1x1x192xf32, #tpu.memory_space<any>>
    %dma_start3A_856 = tpu.memref_squeeze %dma_start3A_855 : memref<1x1x192xf32, #tpu.memory_space<any>> -> memref<192xf32, #tpu.memory_space<any>>
    tpu.enqueue_dma source(%dma_start3A_856 : memref<192xf32, #tpu.memory_space<any>>) target(%dma_start3A_853 : memref<192xf32, #tpu.memory_space<vmem>>) target_semaphore(%arg20 : memref<!tpu.dma_semaphore, #tpu.memory_space<semaphore_mem>>)
    %dma_start3A_857 = arith.constant 21 : i32
    %dma_start3A_858 = arith.constant 0 : i32
    %dma_start3A_859 = arith.constant 21 : i32
    %dma_start3A_860 = arith.constant 0 : i32
    %dma_start3A_861 = tpu.memref_slice %arg19[%dma_start3A_859, %dma_start3A_860] : memref<32x28672xf32, #tpu.memory_space<vmem>> -> memref<1x28672xf32, #tpu.memory_space<vmem>>
    %dma_start3A_862 = tpu.memref_squeeze %dma_start3A_861 : memref<1x28672xf32, #tpu.memory_space<vmem>> -> memref<28672xf32, #tpu.memory_space<vmem>>
    %dma_start3A_863 = tpu.memref_slice %arg4[%dma_start3A_857, %dma_start3A_858, %multiple_of3A_215] : memref<32x1x1000000xf32, #tpu.memory_space<any>> -> memref<1x1x28672xf32, #tpu.memory_space<any>>
    %dma_start3A_864 = tpu.memref_squeeze %dma_start3A_863 : memref<1x1x28672xf32, #tpu.memory_space<any>> -> memref<28672xf32, #tpu.memory_space<any>>
    tpu.enqueue_dma source(%dma_start3A_864 : memref<28672xf32, #tpu.memory_space<any>>) target(%dma_start3A_862 : memref<28672xf32, #tpu.memory_space<vmem>>) target_semaphore(%arg20 : memref<!tpu.dma_semaphore, #tpu.memory_space<semaphore_mem>>)
    %dma_start3A_865 = arith.constant 22 : i32
    %dma_start3A_866 = arith.constant 0 : i32
    %dma_start3A_867 = arith.constant 22 : i32
    %dma_start3A_868 = arith.constant 0 : i32
    %dma_start3A_869 = tpu.memref_slice %arg17[%dma_start3A_867, %dma_start3A_868] : memref<32x65536xf32, #tpu.memory_space<vmem>> -> memref<1x65536xf32, #tpu.memory_space<vmem>>
    %dma_start3A_870 = tpu.memref_squeeze %dma_start3A_869 : memref<1x65536xf32, #tpu.memory_space<vmem>> -> memref<65536xf32, #tpu.memory_space<vmem>>
    %dma_start3A_871 = tpu.memref_slice %arg4[%dma_start3A_865, %dma_start3A_866, %multiple_of3A_222] : memref<32x1x1000000xf32, #tpu.memory_space<any>> -> memref<1x1x65536xf32, #tpu.memory_space<any>>
    %dma_start3A_872 = tpu.memref_squeeze %dma_start3A_871 : memref<1x1x65536xf32, #tpu.memory_space<any>> -> memref<65536xf32, #tpu.memory_space<any>>
    tpu.enqueue_dma source(%dma_start3A_872 : memref<65536xf32, #tpu.memory_space<any>>) target(%dma_start3A_870 : memref<65536xf32, #tpu.memory_space<vmem>>) target_semaphore(%arg20 : memref<!tpu.dma_semaphore, #tpu.memory_space<semaphore_mem>>)
    %dma_start3A_873 = arith.constant 22 : i32
    %dma_start3A_874 = arith.constant 0 : i32
    %dma_start3A_875 = arith.constant 22 : i32
    %dma_start3A_876 = arith.constant 0 : i32
    %dma_start3A_877 = tpu.memref_slice %arg18[%dma_start3A_875, %dma_start3A_876] : memref<32x192xf32, #tpu.memory_space<vmem>> -> memref<1x192xf32, #tpu.memory_space<vmem>>
    %dma_start3A_878 = tpu.memref_squeeze %dma_start3A_877 : memref<1x192xf32, #tpu.memory_space<vmem>> -> memref<192xf32, #tpu.memory_space<vmem>>
    %dma_start3A_879 = arith.constant 999808 : i32
    %dma_start3A_880 = tpu.memref_slice %arg4[%dma_start3A_873, %dma_start3A_874, %dma_start3A_879] : memref<32x1x1000000xf32, #tpu.memory_space<any>> -> memref<1x1x192xf32, #tpu.memory_space<any>>
    %dma_start3A_881 = tpu.memref_squeeze %dma_start3A_880 : memref<1x1x192xf32, #tpu.memory_space<any>> -> memref<192xf32, #tpu.memory_space<any>>
    tpu.enqueue_dma source(%dma_start3A_881 : memref<192xf32, #tpu.memory_space<any>>) target(%dma_start3A_878 : memref<192xf32, #tpu.memory_space<vmem>>) target_semaphore(%arg20 : memref<!tpu.dma_semaphore, #tpu.memory_space<semaphore_mem>>)
    %dma_start3A_882 = arith.constant 22 : i32
    %dma_start3A_883 = arith.constant 0 : i32
    %dma_start3A_884 = arith.constant 22 : i32
    %dma_start3A_885 = arith.constant 0 : i32
    %dma_start3A_886 = tpu.memref_slice %arg19[%dma_start3A_884, %dma_start3A_885] : memref<32x28672xf32, #tpu.memory_space<vmem>> -> memref<1x28672xf32, #tpu.memory_space<vmem>>
    %dma_start3A_887 = tpu.memref_squeeze %dma_start3A_886 : memref<1x28672xf32, #tpu.memory_space<vmem>> -> memref<28672xf32, #tpu.memory_space<vmem>>
    %dma_start3A_888 = tpu.memref_slice %arg4[%dma_start3A_882, %dma_start3A_883, %multiple_of3A_225] : memref<32x1x1000000xf32, #tpu.memory_space<any>> -> memref<1x1x28672xf32, #tpu.memory_space<any>>
    %dma_start3A_889 = tpu.memref_squeeze %dma_start3A_888 : memref<1x1x28672xf32, #tpu.memory_space<any>> -> memref<28672xf32, #tpu.memory_space<any>>
    tpu.enqueue_dma source(%dma_start3A_889 : memref<28672xf32, #tpu.memory_space<any>>) target(%dma_start3A_887 : memref<28672xf32, #tpu.memory_space<vmem>>) target_semaphore(%arg20 : memref<!tpu.dma_semaphore, #tpu.memory_space<semaphore_mem>>)
    %dma_start3A_890 = arith.constant 23 : i32
    %dma_start3A_891 = arith.constant 0 : i32
    %dma_start3A_892 = arith.constant 23 : i32
    %dma_start3A_893 = arith.constant 0 : i32
    %dma_start3A_894 = tpu.memref_slice %arg17[%dma_start3A_892, %dma_start3A_893] : memref<32x65536xf32, #tpu.memory_space<vmem>> -> memref<1x65536xf32, #tpu.memory_space<vmem>>
    %dma_start3A_895 = tpu.memref_squeeze %dma_start3A_894 : memref<1x65536xf32, #tpu.memory_space<vmem>> -> memref<65536xf32, #tpu.memory_space<vmem>>
    %dma_start3A_896 = tpu.memref_slice %arg4[%dma_start3A_890, %dma_start3A_891, %multiple_of3A_232] : memref<32x1x1000000xf32, #tpu.memory_space<any>> -> memref<1x1x65536xf32, #tpu.memory_space<any>>
    %dma_start3A_897 = tpu.memref_squeeze %dma_start3A_896 : memref<1x1x65536xf32, #tpu.memory_space<any>> -> memref<65536xf32, #tpu.memory_space<any>>
    tpu.enqueue_dma source(%dma_start3A_897 : memref<65536xf32, #tpu.memory_space<any>>) target(%dma_start3A_895 : memref<65536xf32, #tpu.memory_space<vmem>>) target_semaphore(%arg20 : memref<!tpu.dma_semaphore, #tpu.memory_space<semaphore_mem>>)
    %dma_start3A_898 = arith.constant 23 : i32
    %dma_start3A_899 = arith.constant 0 : i32
    %dma_start3A_900 = arith.constant 23 : i32
    %dma_start3A_901 = arith.constant 0 : i32
    %dma_start3A_902 = tpu.memref_slice %arg18[%dma_start3A_900, %dma_start3A_901] : memref<32x192xf32, #tpu.memory_space<vmem>> -> memref<1x192xf32, #tpu.memory_space<vmem>>
    %dma_start3A_903 = tpu.memref_squeeze %dma_start3A_902 : memref<1x192xf32, #tpu.memory_space<vmem>> -> memref<192xf32, #tpu.memory_space<vmem>>
    %dma_start3A_904 = arith.constant 999808 : i32
    %dma_start3A_905 = tpu.memref_slice %arg4[%dma_start3A_898, %dma_start3A_899, %dma_start3A_904] : memref<32x1x1000000xf32, #tpu.memory_space<any>> -> memref<1x1x192xf32, #tpu.memory_space<any>>
    %dma_start3A_906 = tpu.memref_squeeze %dma_start3A_905 : memref<1x1x192xf32, #tpu.memory_space<any>> -> memref<192xf32, #tpu.memory_space<any>>
    tpu.enqueue_dma source(%dma_start3A_906 : memref<192xf32, #tpu.memory_space<any>>) target(%dma_start3A_903 : memref<192xf32, #tpu.memory_space<vmem>>) target_semaphore(%arg20 : memref<!tpu.dma_semaphore, #tpu.memory_space<semaphore_mem>>)
    %dma_start3A_907 = arith.constant 23 : i32
    %dma_start3A_908 = arith.constant 0 : i32
    %dma_start3A_909 = arith.constant 23 : i32
    %dma_start3A_910 = arith.constant 0 : i32
    %dma_start3A_911 = tpu.memref_slice %arg19[%dma_start3A_909, %dma_start3A_910] : memref<32x28672xf32, #tpu.memory_space<vmem>> -> memref<1x28672xf32, #tpu.memory_space<vmem>>
    %dma_start3A_912 = tpu.memref_squeeze %dma_start3A_911 : memref<1x28672xf32, #tpu.memory_space<vmem>> -> memref<28672xf32, #tpu.memory_space<vmem>>
    %dma_start3A_913 = tpu.memref_slice %arg4[%dma_start3A_907, %dma_start3A_908, %multiple_of3A_235] : memref<32x1x1000000xf32, #tpu.memory_space<any>> -> memref<1x1x28672xf32, #tpu.memory_space<any>>
    %dma_start3A_914 = tpu.memref_squeeze %dma_start3A_913 : memref<1x1x28672xf32, #tpu.memory_space<any>> -> memref<28672xf32, #tpu.memory_space<any>>
    tpu.enqueue_dma source(%dma_start3A_914 : memref<28672xf32, #tpu.memory_space<any>>) target(%dma_start3A_912 : memref<28672xf32, #tpu.memory_space<vmem>>) target_semaphore(%arg20 : memref<!tpu.dma_semaphore, #tpu.memory_space<semaphore_mem>>)
    %dma_start3A_915 = arith.constant 24 : i32
    %dma_start3A_916 = arith.constant 0 : i32
    %dma_start3A_917 = arith.constant 24 : i32
    %dma_start3A_918 = arith.constant 0 : i32
    %dma_start3A_919 = tpu.memref_slice %arg17[%dma_start3A_917, %dma_start3A_918] : memref<32x65536xf32, #tpu.memory_space<vmem>> -> memref<1x65536xf32, #tpu.memory_space<vmem>>
    %dma_start3A_920 = tpu.memref_squeeze %dma_start3A_919 : memref<1x65536xf32, #tpu.memory_space<vmem>> -> memref<65536xf32, #tpu.memory_space<vmem>>
    %dma_start3A_921 = tpu.memref_slice %arg4[%dma_start3A_915, %dma_start3A_916, %multiple_of3A_242] : memref<32x1x1000000xf32, #tpu.memory_space<any>> -> memref<1x1x65536xf32, #tpu.memory_space<any>>
    %dma_start3A_922 = tpu.memref_squeeze %dma_start3A_921 : memref<1x1x65536xf32, #tpu.memory_space<any>> -> memref<65536xf32, #tpu.memory_space<any>>
    tpu.enqueue_dma source(%dma_start3A_922 : memref<65536xf32, #tpu.memory_space<any>>) target(%dma_start3A_920 : memref<65536xf32, #tpu.memory_space<vmem>>) target_semaphore(%arg20 : memref<!tpu.dma_semaphore, #tpu.memory_space<semaphore_mem>>)
    %dma_start3A_923 = arith.constant 24 : i32
    %dma_start3A_924 = arith.constant 0 : i32
    %dma_start3A_925 = arith.constant 24 : i32
    %dma_start3A_926 = arith.constant 0 : i32
    %dma_start3A_927 = tpu.memref_slice %arg18[%dma_start3A_925, %dma_start3A_926] : memref<32x192xf32, #tpu.memory_space<vmem>> -> memref<1x192xf32, #tpu.memory_space<vmem>>
    %dma_start3A_928 = tpu.memref_squeeze %dma_start3A_927 : memref<1x192xf32, #tpu.memory_space<vmem>> -> memref<192xf32, #tpu.memory_space<vmem>>
    %dma_start3A_929 = arith.constant 999808 : i32
    %dma_start3A_930 = tpu.memref_slice %arg4[%dma_start3A_923, %dma_start3A_924, %dma_start3A_929] : memref<32x1x1000000xf32, #tpu.memory_space<any>> -> memref<1x1x192xf32, #tpu.memory_space<any>>
    %dma_start3A_931 = tpu.memref_squeeze %dma_start3A_930 : memref<1x1x192xf32, #tpu.memory_space<any>> -> memref<192xf32, #tpu.memory_space<any>>
    tpu.enqueue_dma source(%dma_start3A_931 : memref<192xf32, #tpu.memory_space<any>>) target(%dma_start3A_928 : memref<192xf32, #tpu.memory_space<vmem>>) target_semaphore(%arg20 : memref<!tpu.dma_semaphore, #tpu.memory_space<semaphore_mem>>)
    %dma_start3A_932 = arith.constant 24 : i32
    %dma_start3A_933 = arith.constant 0 : i32
    %dma_start3A_934 = arith.constant 24 : i32
    %dma_start3A_935 = arith.constant 0 : i32
    %dma_start3A_936 = tpu.memref_slice %arg19[%dma_start3A_934, %dma_start3A_935] : memref<32x28672xf32, #tpu.memory_space<vmem>> -> memref<1x28672xf32, #tpu.memory_space<vmem>>
    %dma_start3A_937 = tpu.memref_squeeze %dma_start3A_936 : memref<1x28672xf32, #tpu.memory_space<vmem>> -> memref<28672xf32, #tpu.memory_space<vmem>>
    %dma_start3A_938 = tpu.memref_slice %arg4[%dma_start3A_932, %dma_start3A_933, %multiple_of3A_245] : memref<32x1x1000000xf32, #tpu.memory_space<any>> -> memref<1x1x28672xf32, #tpu.memory_space<any>>
    %dma_start3A_939 = tpu.memref_squeeze %dma_start3A_938 : memref<1x1x28672xf32, #tpu.memory_space<any>> -> memref<28672xf32, #tpu.memory_space<any>>
    tpu.enqueue_dma source(%dma_start3A_939 : memref<28672xf32, #tpu.memory_space<any>>) target(%dma_start3A_937 : memref<28672xf32, #tpu.memory_space<vmem>>) target_semaphore(%arg20 : memref<!tpu.dma_semaphore, #tpu.memory_space<semaphore_mem>>)
    %dma_start3A_940 = arith.constant 25 : i32
    %dma_start3A_941 = arith.constant 0 : i32
    %dma_start3A_942 = arith.constant 25 : i32
    %dma_start3A_943 = arith.constant 0 : i32
    %dma_start3A_944 = tpu.memref_slice %arg17[%dma_start3A_942, %dma_start3A_943] : memref<32x65536xf32, #tpu.memory_space<vmem>> -> memref<1x65536xf32, #tpu.memory_space<vmem>>
    %dma_start3A_945 = tpu.memref_squeeze %dma_start3A_944 : memref<1x65536xf32, #tpu.memory_space<vmem>> -> memref<65536xf32, #tpu.memory_space<vmem>>
    %dma_start3A_946 = tpu.memref_slice %arg4[%dma_start3A_940, %dma_start3A_941, %multiple_of3A_252] : memref<32x1x1000000xf32, #tpu.memory_space<any>> -> memref<1x1x65536xf32, #tpu.memory_space<any>>
    %dma_start3A_947 = tpu.memref_squeeze %dma_start3A_946 : memref<1x1x65536xf32, #tpu.memory_space<any>> -> memref<65536xf32, #tpu.memory_space<any>>
    tpu.enqueue_dma source(%dma_start3A_947 : memref<65536xf32, #tpu.memory_space<any>>) target(%dma_start3A_945 : memref<65536xf32, #tpu.memory_space<vmem>>) target_semaphore(%arg20 : memref<!tpu.dma_semaphore, #tpu.memory_space<semaphore_mem>>)
    %dma_start3A_948 = arith.constant 25 : i32
    %dma_start3A_949 = arith.constant 0 : i32
    %dma_start3A_950 = arith.constant 25 : i32
    %dma_start3A_951 = arith.constant 0 : i32
    %dma_start3A_952 = tpu.memref_slice %arg18[%dma_start3A_950, %dma_start3A_951] : memref<32x192xf32, #tpu.memory_space<vmem>> -> memref<1x192xf32, #tpu.memory_space<vmem>>
    %dma_start3A_953 = tpu.memref_squeeze %dma_start3A_952 : memref<1x192xf32, #tpu.memory_space<vmem>> -> memref<192xf32, #tpu.memory_space<vmem>>
    %dma_start3A_954 = arith.constant 999808 : i32
    %dma_start3A_955 = tpu.memref_slice %arg4[%dma_start3A_948, %dma_start3A_949, %dma_start3A_954] : memref<32x1x1000000xf32, #tpu.memory_space<any>> -> memref<1x1x192xf32, #tpu.memory_space<any>>
    %dma_start3A_956 = tpu.memref_squeeze %dma_start3A_955 : memref<1x1x192xf32, #tpu.memory_space<any>> -> memref<192xf32, #tpu.memory_space<any>>
    tpu.enqueue_dma source(%dma_start3A_956 : memref<192xf32, #tpu.memory_space<any>>) target(%dma_start3A_953 : memref<192xf32, #tpu.memory_space<vmem>>) target_semaphore(%arg20 : memref<!tpu.dma_semaphore, #tpu.memory_space<semaphore_mem>>)
    %dma_start3A_957 = arith.constant 25 : i32
    %dma_start3A_958 = arith.constant 0 : i32
    %dma_start3A_959 = arith.constant 25 : i32
    %dma_start3A_960 = arith.constant 0 : i32
    %dma_start3A_961 = tpu.memref_slice %arg19[%dma_start3A_959, %dma_start3A_960] : memref<32x28672xf32, #tpu.memory_space<vmem>> -> memref<1x28672xf32, #tpu.memory_space<vmem>>
    %dma_start3A_962 = tpu.memref_squeeze %dma_start3A_961 : memref<1x28672xf32, #tpu.memory_space<vmem>> -> memref<28672xf32, #tpu.memory_space<vmem>>
    %dma_start3A_963 = tpu.memref_slice %arg4[%dma_start3A_957, %dma_start3A_958, %multiple_of3A_255] : memref<32x1x1000000xf32, #tpu.memory_space<any>> -> memref<1x1x28672xf32, #tpu.memory_space<any>>
    %dma_start3A_964 = tpu.memref_squeeze %dma_start3A_963 : memref<1x1x28672xf32, #tpu.memory_space<any>> -> memref<28672xf32, #tpu.memory_space<any>>
    tpu.enqueue_dma source(%dma_start3A_964 : memref<28672xf32, #tpu.memory_space<any>>) target(%dma_start3A_962 : memref<28672xf32, #tpu.memory_space<vmem>>) target_semaphore(%arg20 : memref<!tpu.dma_semaphore, #tpu.memory_space<semaphore_mem>>)
    %dma_start3A_965 = arith.constant 26 : i32
    %dma_start3A_966 = arith.constant 0 : i32
    %dma_start3A_967 = arith.constant 26 : i32
    %dma_start3A_968 = arith.constant 0 : i32
    %dma_start3A_969 = tpu.memref_slice %arg17[%dma_start3A_967, %dma_start3A_968] : memref<32x65536xf32, #tpu.memory_space<vmem>> -> memref<1x65536xf32, #tpu.memory_space<vmem>>
    %dma_start3A_970 = tpu.memref_squeeze %dma_start3A_969 : memref<1x65536xf32, #tpu.memory_space<vmem>> -> memref<65536xf32, #tpu.memory_space<vmem>>
    %dma_start3A_971 = tpu.memref_slice %arg4[%dma_start3A_965, %dma_start3A_966, %multiple_of3A_262] : memref<32x1x1000000xf32, #tpu.memory_space<any>> -> memref<1x1x65536xf32, #tpu.memory_space<any>>
    %dma_start3A_972 = tpu.memref_squeeze %dma_start3A_971 : memref<1x1x65536xf32, #tpu.memory_space<any>> -> memref<65536xf32, #tpu.memory_space<any>>
    tpu.enqueue_dma source(%dma_start3A_972 : memref<65536xf32, #tpu.memory_space<any>>) target(%dma_start3A_970 : memref<65536xf32, #tpu.memory_space<vmem>>) target_semaphore(%arg20 : memref<!tpu.dma_semaphore, #tpu.memory_space<semaphore_mem>>)
    %dma_start3A_973 = arith.constant 26 : i32
    %dma_start3A_974 = arith.constant 0 : i32
    %dma_start3A_975 = arith.constant 26 : i32
    %dma_start3A_976 = arith.constant 0 : i32
    %dma_start3A_977 = tpu.memref_slice %arg18[%dma_start3A_975, %dma_start3A_976] : memref<32x192xf32, #tpu.memory_space<vmem>> -> memref<1x192xf32, #tpu.memory_space<vmem>>
    %dma_start3A_978 = tpu.memref_squeeze %dma_start3A_977 : memref<1x192xf32, #tpu.memory_space<vmem>> -> memref<192xf32, #tpu.memory_space<vmem>>
    %dma_start3A_979 = arith.constant 999808 : i32
    %dma_start3A_980 = tpu.memref_slice %arg4[%dma_start3A_973, %dma_start3A_974, %dma_start3A_979] : memref<32x1x1000000xf32, #tpu.memory_space<any>> -> memref<1x1x192xf32, #tpu.memory_space<any>>
    %dma_start3A_981 = tpu.memref_squeeze %dma_start3A_980 : memref<1x1x192xf32, #tpu.memory_space<any>> -> memref<192xf32, #tpu.memory_space<any>>
    tpu.enqueue_dma source(%dma_start3A_981 : memref<192xf32, #tpu.memory_space<any>>) target(%dma_start3A_978 : memref<192xf32, #tpu.memory_space<vmem>>) target_semaphore(%arg20 : memref<!tpu.dma_semaphore, #tpu.memory_space<semaphore_mem>>)
    %dma_start3A_982 = arith.constant 26 : i32
    %dma_start3A_983 = arith.constant 0 : i32
    %dma_start3A_984 = arith.constant 26 : i32
    %dma_start3A_985 = arith.constant 0 : i32
    %dma_start3A_986 = tpu.memref_slice %arg19[%dma_start3A_984, %dma_start3A_985] : memref<32x28672xf32, #tpu.memory_space<vmem>> -> memref<1x28672xf32, #tpu.memory_space<vmem>>
    %dma_start3A_987 = tpu.memref_squeeze %dma_start3A_986 : memref<1x28672xf32, #tpu.memory_space<vmem>> -> memref<28672xf32, #tpu.memory_space<vmem>>
    %dma_start3A_988 = tpu.memref_slice %arg4[%dma_start3A_982, %dma_start3A_983, %multiple_of3A_265] : memref<32x1x1000000xf32, #tpu.memory_space<any>> -> memref<1x1x28672xf32, #tpu.memory_space<any>>
    %dma_start3A_989 = tpu.memref_squeeze %dma_start3A_988 : memref<1x1x28672xf32, #tpu.memory_space<any>> -> memref<28672xf32, #tpu.memory_space<any>>
    tpu.enqueue_dma source(%dma_start3A_989 : memref<28672xf32, #tpu.memory_space<any>>) target(%dma_start3A_987 : memref<28672xf32, #tpu.memory_space<vmem>>) target_semaphore(%arg20 : memref<!tpu.dma_semaphore, #tpu.memory_space<semaphore_mem>>)
    %dma_start3A_990 = arith.constant 27 : i32
    %dma_start3A_991 = arith.constant 0 : i32
    %dma_start3A_992 = arith.constant 27 : i32
    %dma_start3A_993 = arith.constant 0 : i32
    %dma_start3A_994 = tpu.memref_slice %arg17[%dma_start3A_992, %dma_start3A_993] : memref<32x65536xf32, #tpu.memory_space<vmem>> -> memref<1x65536xf32, #tpu.memory_space<vmem>>
    %dma_start3A_995 = tpu.memref_squeeze %dma_start3A_994 : memref<1x65536xf32, #tpu.memory_space<vmem>> -> memref<65536xf32, #tpu.memory_space<vmem>>
    %dma_start3A_996 = tpu.memref_slice %arg4[%dma_start3A_990, %dma_start3A_991, %multiple_of3A_272] : memref<32x1x1000000xf32, #tpu.memory_space<any>> -> memref<1x1x65536xf32, #tpu.memory_space<any>>
    %dma_start3A_997 = tpu.memref_squeeze %dma_start3A_996 : memref<1x1x65536xf32, #tpu.memory_space<any>> -> memref<65536xf32, #tpu.memory_space<any>>
    tpu.enqueue_dma source(%dma_start3A_997 : memref<65536xf32, #tpu.memory_space<any>>) target(%dma_start3A_995 : memref<65536xf32, #tpu.memory_space<vmem>>) target_semaphore(%arg20 : memref<!tpu.dma_semaphore, #tpu.memory_space<semaphore_mem>>)
    %dma_start3A_998 = arith.constant 27 : i32
    %dma_start3A_999 = arith.constant 0 : i32
    %dma_start3A_1000 = arith.constant 27 : i32
    %dma_start3A_1001 = arith.constant 0 : i32
    %dma_start3A_1002 = tpu.memref_slice %arg18[%dma_start3A_1000, %dma_start3A_1001] : memref<32x192xf32, #tpu.memory_space<vmem>> -> memref<1x192xf32, #tpu.memory_space<vmem>>
    %dma_start3A_1003 = tpu.memref_squeeze %dma_start3A_1002 : memref<1x192xf32, #tpu.memory_space<vmem>> -> memref<192xf32, #tpu.memory_space<vmem>>
    %dma_start3A_1004 = arith.constant 999808 : i32
    %dma_start3A_1005 = tpu.memref_slice %arg4[%dma_start3A_998, %dma_start3A_999, %dma_start3A_1004] : memref<32x1x1000000xf32, #tpu.memory_space<any>> -> memref<1x1x192xf32, #tpu.memory_space<any>>
    %dma_start3A_1006 = tpu.memref_squeeze %dma_start3A_1005 : memref<1x1x192xf32, #tpu.memory_space<any>> -> memref<192xf32, #tpu.memory_space<any>>
    tpu.enqueue_dma source(%dma_start3A_1006 : memref<192xf32, #tpu.memory_space<any>>) target(%dma_start3A_1003 : memref<192xf32, #tpu.memory_space<vmem>>) target_semaphore(%arg20 : memref<!tpu.dma_semaphore, #tpu.memory_space<semaphore_mem>>)
    %dma_start3A_1007 = arith.constant 27 : i32
    %dma_start3A_1008 = arith.constant 0 : i32
    %dma_start3A_1009 = arith.constant 27 : i32
    %dma_start3A_1010 = arith.constant 0 : i32
    %dma_start3A_1011 = tpu.memref_slice %arg19[%dma_start3A_1009, %dma_start3A_1010] : memref<32x28672xf32, #tpu.memory_space<vmem>> -> memref<1x28672xf32, #tpu.memory_space<vmem>>
    %dma_start3A_1012 = tpu.memref_squeeze %dma_start3A_1011 : memref<1x28672xf32, #tpu.memory_space<vmem>> -> memref<28672xf32, #tpu.memory_space<vmem>>
    %dma_start3A_1013 = tpu.memref_slice %arg4[%dma_start3A_1007, %dma_start3A_1008, %multiple_of3A_275] : memref<32x1x1000000xf32, #tpu.memory_space<any>> -> memref<1x1x28672xf32, #tpu.memory_space<any>>
    %dma_start3A_1014 = tpu.memref_squeeze %dma_start3A_1013 : memref<1x1x28672xf32, #tpu.memory_space<any>> -> memref<28672xf32, #tpu.memory_space<any>>
    tpu.enqueue_dma source(%dma_start3A_1014 : memref<28672xf32, #tpu.memory_space<any>>) target(%dma_start3A_1012 : memref<28672xf32, #tpu.memory_space<vmem>>) target_semaphore(%arg20 : memref<!tpu.dma_semaphore, #tpu.memory_space<semaphore_mem>>)
    %dma_start3A_1015 = arith.constant 28 : i32
    %dma_start3A_1016 = arith.constant 0 : i32
    %dma_start3A_1017 = arith.constant 28 : i32
    %dma_start3A_1018 = arith.constant 0 : i32
    %dma_start3A_1019 = tpu.memref_slice %arg17[%dma_start3A_1017, %dma_start3A_1018] : memref<32x65536xf32, #tpu.memory_space<vmem>> -> memref<1x65536xf32, #tpu.memory_space<vmem>>
    %dma_start3A_1020 = tpu.memref_squeeze %dma_start3A_1019 : memref<1x65536xf32, #tpu.memory_space<vmem>> -> memref<65536xf32, #tpu.memory_space<vmem>>
    %dma_start3A_1021 = tpu.memref_slice %arg4[%dma_start3A_1015, %dma_start3A_1016, %multiple_of3A_282] : memref<32x1x1000000xf32, #tpu.memory_space<any>> -> memref<1x1x65536xf32, #tpu.memory_space<any>>
    %dma_start3A_1022 = tpu.memref_squeeze %dma_start3A_1021 : memref<1x1x65536xf32, #tpu.memory_space<any>> -> memref<65536xf32, #tpu.memory_space<any>>
    tpu.enqueue_dma source(%dma_start3A_1022 : memref<65536xf32, #tpu.memory_space<any>>) target(%dma_start3A_1020 : memref<65536xf32, #tpu.memory_space<vmem>>) target_semaphore(%arg20 : memref<!tpu.dma_semaphore, #tpu.memory_space<semaphore_mem>>)
    %dma_start3A_1023 = arith.constant 28 : i32
    %dma_start3A_1024 = arith.constant 0 : i32
    %dma_start3A_1025 = arith.constant 28 : i32
    %dma_start3A_1026 = arith.constant 0 : i32
    %dma_start3A_1027 = tpu.memref_slice %arg18[%dma_start3A_1025, %dma_start3A_1026] : memref<32x192xf32, #tpu.memory_space<vmem>> -> memref<1x192xf32, #tpu.memory_space<vmem>>
    %dma_start3A_1028 = tpu.memref_squeeze %dma_start3A_1027 : memref<1x192xf32, #tpu.memory_space<vmem>> -> memref<192xf32, #tpu.memory_space<vmem>>
    %dma_start3A_1029 = arith.constant 999808 : i32
    %dma_start3A_1030 = tpu.memref_slice %arg4[%dma_start3A_1023, %dma_start3A_1024, %dma_start3A_1029] : memref<32x1x1000000xf32, #tpu.memory_space<any>> -> memref<1x1x192xf32, #tpu.memory_space<any>>
    %dma_start3A_1031 = tpu.memref_squeeze %dma_start3A_1030 : memref<1x1x192xf32, #tpu.memory_space<any>> -> memref<192xf32, #tpu.memory_space<any>>
    tpu.enqueue_dma source(%dma_start3A_1031 : memref<192xf32, #tpu.memory_space<any>>) target(%dma_start3A_1028 : memref<192xf32, #tpu.memory_space<vmem>>) target_semaphore(%arg20 : memref<!tpu.dma_semaphore, #tpu.memory_space<semaphore_mem>>)
    %dma_start3A_1032 = arith.constant 28 : i32
    %dma_start3A_1033 = arith.constant 0 : i32
    %dma_start3A_1034 = arith.constant 28 : i32
    %dma_start3A_1035 = arith.constant 0 : i32
    %dma_start3A_1036 = tpu.memref_slice %arg19[%dma_start3A_1034, %dma_start3A_1035] : memref<32x28672xf32, #tpu.memory_space<vmem>> -> memref<1x28672xf32, #tpu.memory_space<vmem>>
    %dma_start3A_1037 = tpu.memref_squeeze %dma_start3A_1036 : memref<1x28672xf32, #tpu.memory_space<vmem>> -> memref<28672xf32, #tpu.memory_space<vmem>>
    %dma_start3A_1038 = tpu.memref_slice %arg4[%dma_start3A_1032, %dma_start3A_1033, %multiple_of3A_285] : memref<32x1x1000000xf32, #tpu.memory_space<any>> -> memref<1x1x28672xf32, #tpu.memory_space<any>>
    %dma_start3A_1039 = tpu.memref_squeeze %dma_start3A_1038 : memref<1x1x28672xf32, #tpu.memory_space<any>> -> memref<28672xf32, #tpu.memory_space<any>>
    tpu.enqueue_dma source(%dma_start3A_1039 : memref<28672xf32, #tpu.memory_space<any>>) target(%dma_start3A_1037 : memref<28672xf32, #tpu.memory_space<vmem>>) target_semaphore(%arg20 : memref<!tpu.dma_semaphore, #tpu.memory_space<semaphore_mem>>)
    %dma_start3A_1040 = arith.constant 29 : i32
    %dma_start3A_1041 = arith.constant 0 : i32
    %dma_start3A_1042 = arith.constant 29 : i32
    %dma_start3A_1043 = arith.constant 0 : i32
    %dma_start3A_1044 = tpu.memref_slice %arg17[%dma_start3A_1042, %dma_start3A_1043] : memref<32x65536xf32, #tpu.memory_space<vmem>> -> memref<1x65536xf32, #tpu.memory_space<vmem>>
    %dma_start3A_1045 = tpu.memref_squeeze %dma_start3A_1044 : memref<1x65536xf32, #tpu.memory_space<vmem>> -> memref<65536xf32, #tpu.memory_space<vmem>>
    %dma_start3A_1046 = tpu.memref_slice %arg4[%dma_start3A_1040, %dma_start3A_1041, %multiple_of3A_292] : memref<32x1x1000000xf32, #tpu.memory_space<any>> -> memref<1x1x65536xf32, #tpu.memory_space<any>>
    %dma_start3A_1047 = tpu.memref_squeeze %dma_start3A_1046 : memref<1x1x65536xf32, #tpu.memory_space<any>> -> memref<65536xf32, #tpu.memory_space<any>>
    tpu.enqueue_dma source(%dma_start3A_1047 : memref<65536xf32, #tpu.memory_space<any>>) target(%dma_start3A_1045 : memref<65536xf32, #tpu.memory_space<vmem>>) target_semaphore(%arg20 : memref<!tpu.dma_semaphore, #tpu.memory_space<semaphore_mem>>)
    %dma_start3A_1048 = arith.constant 29 : i32
    %dma_start3A_1049 = arith.constant 0 : i32
    %dma_start3A_1050 = arith.constant 29 : i32
    %dma_start3A_1051 = arith.constant 0 : i32
    %dma_start3A_1052 = tpu.memref_slice %arg18[%dma_start3A_1050, %dma_start3A_1051] : memref<32x192xf32, #tpu.memory_space<vmem>> -> memref<1x192xf32, #tpu.memory_space<vmem>>
    %dma_start3A_1053 = tpu.memref_squeeze %dma_start3A_1052 : memref<1x192xf32, #tpu.memory_space<vmem>> -> memref<192xf32, #tpu.memory_space<vmem>>
    %dma_start3A_1054 = arith.constant 999808 : i32
    %dma_start3A_1055 = tpu.memref_slice %arg4[%dma_start3A_1048, %dma_start3A_1049, %dma_start3A_1054] : memref<32x1x1000000xf32, #tpu.memory_space<any>> -> memref<1x1x192xf32, #tpu.memory_space<any>>
    %dma_start3A_1056 = tpu.memref_squeeze %dma_start3A_1055 : memref<1x1x192xf32, #tpu.memory_space<any>> -> memref<192xf32, #tpu.memory_space<any>>
    tpu.enqueue_dma source(%dma_start3A_1056 : memref<192xf32, #tpu.memory_space<any>>) target(%dma_start3A_1053 : memref<192xf32, #tpu.memory_space<vmem>>) target_semaphore(%arg20 : memref<!tpu.dma_semaphore, #tpu.memory_space<semaphore_mem>>)
    %dma_start3A_1057 = arith.constant 29 : i32
    %dma_start3A_1058 = arith.constant 0 : i32
    %dma_start3A_1059 = arith.constant 29 : i32
    %dma_start3A_1060 = arith.constant 0 : i32
    %dma_start3A_1061 = tpu.memref_slice %arg19[%dma_start3A_1059, %dma_start3A_1060] : memref<32x28672xf32, #tpu.memory_space<vmem>> -> memref<1x28672xf32, #tpu.memory_space<vmem>>
    %dma_start3A_1062 = tpu.memref_squeeze %dma_start3A_1061 : memref<1x28672xf32, #tpu.memory_space<vmem>> -> memref<28672xf32, #tpu.memory_space<vmem>>
    %dma_start3A_1063 = tpu.memref_slice %arg4[%dma_start3A_1057, %dma_start3A_1058, %multiple_of3A_295] : memref<32x1x1000000xf32, #tpu.memory_space<any>> -> memref<1x1x28672xf32, #tpu.memory_space<any>>
    %dma_start3A_1064 = tpu.memref_squeeze %dma_start3A_1063 : memref<1x1x28672xf32, #tpu.memory_space<any>> -> memref<28672xf32, #tpu.memory_space<any>>
    tpu.enqueue_dma source(%dma_start3A_1064 : memref<28672xf32, #tpu.memory_space<any>>) target(%dma_start3A_1062 : memref<28672xf32, #tpu.memory_space<vmem>>) target_semaphore(%arg20 : memref<!tpu.dma_semaphore, #tpu.memory_space<semaphore_mem>>)
    %dma_start3A_1065 = arith.constant 30 : i32
    %dma_start3A_1066 = arith.constant 0 : i32
    %dma_start3A_1067 = arith.constant 30 : i32
    %dma_start3A_1068 = arith.constant 0 : i32
    %dma_start3A_1069 = tpu.memref_slice %arg17[%dma_start3A_1067, %dma_start3A_1068] : memref<32x65536xf32, #tpu.memory_space<vmem>> -> memref<1x65536xf32, #tpu.memory_space<vmem>>
    %dma_start3A_1070 = tpu.memref_squeeze %dma_start3A_1069 : memref<1x65536xf32, #tpu.memory_space<vmem>> -> memref<65536xf32, #tpu.memory_space<vmem>>
    %dma_start3A_1071 = tpu.memref_slice %arg4[%dma_start3A_1065, %dma_start3A_1066, %multiple_of3A_302] : memref<32x1x1000000xf32, #tpu.memory_space<any>> -> memref<1x1x65536xf32, #tpu.memory_space<any>>
    %dma_start3A_1072 = tpu.memref_squeeze %dma_start3A_1071 : memref<1x1x65536xf32, #tpu.memory_space<any>> -> memref<65536xf32, #tpu.memory_space<any>>
    tpu.enqueue_dma source(%dma_start3A_1072 : memref<65536xf32, #tpu.memory_space<any>>) target(%dma_start3A_1070 : memref<65536xf32, #tpu.memory_space<vmem>>) target_semaphore(%arg20 : memref<!tpu.dma_semaphore, #tpu.memory_space<semaphore_mem>>)
    %dma_start3A_1073 = arith.constant 30 : i32
    %dma_start3A_1074 = arith.constant 0 : i32
    %dma_start3A_1075 = arith.constant 30 : i32
    %dma_start3A_1076 = arith.constant 0 : i32
    %dma_start3A_1077 = tpu.memref_slice %arg18[%dma_start3A_1075, %dma_start3A_1076] : memref<32x192xf32, #tpu.memory_space<vmem>> -> memref<1x192xf32, #tpu.memory_space<vmem>>
    %dma_start3A_1078 = tpu.memref_squeeze %dma_start3A_1077 : memref<1x192xf32, #tpu.memory_space<vmem>> -> memref<192xf32, #tpu.memory_space<vmem>>
    %dma_start3A_1079 = arith.constant 999808 : i32
    %dma_start3A_1080 = tpu.memref_slice %arg4[%dma_start3A_1073, %dma_start3A_1074, %dma_start3A_1079] : memref<32x1x1000000xf32, #tpu.memory_space<any>> -> memref<1x1x192xf32, #tpu.memory_space<any>>
    %dma_start3A_1081 = tpu.memref_squeeze %dma_start3A_1080 : memref<1x1x192xf32, #tpu.memory_space<any>> -> memref<192xf32, #tpu.memory_space<any>>
    tpu.enqueue_dma source(%dma_start3A_1081 : memref<192xf32, #tpu.memory_space<any>>) target(%dma_start3A_1078 : memref<192xf32, #tpu.memory_space<vmem>>) target_semaphore(%arg20 : memref<!tpu.dma_semaphore, #tpu.memory_space<semaphore_mem>>)
    %dma_start3A_1082 = arith.constant 30 : i32
    %dma_start3A_1083 = arith.constant 0 : i32
    %dma_start3A_1084 = arith.constant 30 : i32
    %dma_start3A_1085 = arith.constant 0 : i32
    %dma_start3A_1086 = tpu.memref_slice %arg19[%dma_start3A_1084, %dma_start3A_1085] : memref<32x28672xf32, #tpu.memory_space<vmem>> -> memref<1x28672xf32, #tpu.memory_space<vmem>>
    %dma_start3A_1087 = tpu.memref_squeeze %dma_start3A_1086 : memref<1x28672xf32, #tpu.memory_space<vmem>> -> memref<28672xf32, #tpu.memory_space<vmem>>
    %dma_start3A_1088 = tpu.memref_slice %arg4[%dma_start3A_1082, %dma_start3A_1083, %multiple_of3A_305] : memref<32x1x1000000xf32, #tpu.memory_space<any>> -> memref<1x1x28672xf32, #tpu.memory_space<any>>
    %dma_start3A_1089 = tpu.memref_squeeze %dma_start3A_1088 : memref<1x1x28672xf32, #tpu.memory_space<any>> -> memref<28672xf32, #tpu.memory_space<any>>
    tpu.enqueue_dma source(%dma_start3A_1089 : memref<28672xf32, #tpu.memory_space<any>>) target(%dma_start3A_1087 : memref<28672xf32, #tpu.memory_space<vmem>>) target_semaphore(%arg20 : memref<!tpu.dma_semaphore, #tpu.memory_space<semaphore_mem>>)
    %dma_start3A_1090 = arith.constant 31 : i32
    %dma_start3A_1091 = arith.constant 0 : i32
    %dma_start3A_1092 = arith.constant 31 : i32
    %dma_start3A_1093 = arith.constant 0 : i32
    %dma_start3A_1094 = tpu.memref_slice %arg17[%dma_start3A_1092, %dma_start3A_1093] : memref<32x65536xf32, #tpu.memory_space<vmem>> -> memref<1x65536xf32, #tpu.memory_space<vmem>>
    %dma_start3A_1095 = tpu.memref_squeeze %dma_start3A_1094 : memref<1x65536xf32, #tpu.memory_space<vmem>> -> memref<65536xf32, #tpu.memory_space<vmem>>
    %dma_start3A_1096 = tpu.memref_slice %arg4[%dma_start3A_1090, %dma_start3A_1091, %multiple_of3A_312] : memref<32x1x1000000xf32, #tpu.memory_space<any>> -> memref<1x1x65536xf32, #tpu.memory_space<any>>
    %dma_start3A_1097 = tpu.memref_squeeze %dma_start3A_1096 : memref<1x1x65536xf32, #tpu.memory_space<any>> -> memref<65536xf32, #tpu.memory_space<any>>
    tpu.enqueue_dma source(%dma_start3A_1097 : memref<65536xf32, #tpu.memory_space<any>>) target(%dma_start3A_1095 : memref<65536xf32, #tpu.memory_space<vmem>>) target_semaphore(%arg20 : memref<!tpu.dma_semaphore, #tpu.memory_space<semaphore_mem>>)
    %dma_start3A_1098 = arith.constant 31 : i32
    %dma_start3A_1099 = arith.constant 0 : i32
    %dma_start3A_1100 = arith.constant 31 : i32
    %dma_start3A_1101 = arith.constant 0 : i32
    %dma_start3A_1102 = tpu.memref_slice %arg18[%dma_start3A_1100, %dma_start3A_1101] : memref<32x192xf32, #tpu.memory_space<vmem>> -> memref<1x192xf32, #tpu.memory_space<vmem>>
    %dma_start3A_1103 = tpu.memref_squeeze %dma_start3A_1102 : memref<1x192xf32, #tpu.memory_space<vmem>> -> memref<192xf32, #tpu.memory_space<vmem>>
    %dma_start3A_1104 = arith.constant 999808 : i32
    %dma_start3A_1105 = tpu.memref_slice %arg4[%dma_start3A_1098, %dma_start3A_1099, %dma_start3A_1104] : memref<32x1x1000000xf32, #tpu.memory_space<any>> -> memref<1x1x192xf32, #tpu.memory_space<any>>
    %dma_start3A_1106 = tpu.memref_squeeze %dma_start3A_1105 : memref<1x1x192xf32, #tpu.memory_space<any>> -> memref<192xf32, #tpu.memory_space<any>>
    tpu.enqueue_dma source(%dma_start3A_1106 : memref<192xf32, #tpu.memory_space<any>>) target(%dma_start3A_1103 : memref<192xf32, #tpu.memory_space<vmem>>) target_semaphore(%arg20 : memref<!tpu.dma_semaphore, #tpu.memory_space<semaphore_mem>>)
    %dma_start3A_1107 = arith.constant 31 : i32
    %dma_start3A_1108 = arith.constant 0 : i32
    %dma_start3A_1109 = arith.constant 31 : i32
    %dma_start3A_1110 = arith.constant 0 : i32
    %dma_start3A_1111 = tpu.memref_slice %arg19[%dma_start3A_1109, %dma_start3A_1110] : memref<32x28672xf32, #tpu.memory_space<vmem>> -> memref<1x28672xf32, #tpu.memory_space<vmem>>
    %dma_start3A_1112 = tpu.memref_squeeze %dma_start3A_1111 : memref<1x28672xf32, #tpu.memory_space<vmem>> -> memref<28672xf32, #tpu.memory_space<vmem>>
    %dma_start3A_1113 = tpu.memref_slice %arg4[%dma_start3A_1107, %dma_start3A_1108, %multiple_of3A_315] : memref<32x1x1000000xf32, #tpu.memory_space<any>> -> memref<1x1x28672xf32, #tpu.memory_space<any>>
    %dma_start3A_1114 = tpu.memref_squeeze %dma_start3A_1113 : memref<1x1x28672xf32, #tpu.memory_space<any>> -> memref<28672xf32, #tpu.memory_space<any>>
    tpu.enqueue_dma source(%dma_start3A_1114 : memref<28672xf32, #tpu.memory_space<any>>) target(%dma_start3A_1112 : memref<28672xf32, #tpu.memory_space<vmem>>) target_semaphore(%arg20 : memref<!tpu.dma_semaphore, #tpu.memory_space<semaphore_mem>>)
    %dma_wait3A = arith.constant 0 : i32
    %dma_wait3A_1115 = arith.constant 0 : i32
    %dma_wait3A_1116 = arith.constant 0 : i32
    %dma_wait3A_1117 = arith.constant 0 : i32
    %dma_wait3A_1118 = tpu.memref_slice %arg17[%dma_wait3A_1116, %dma_wait3A_1117] : memref<32x65536xf32, #tpu.memory_space<vmem>> -> memref<1x65536xf32, #tpu.memory_space<vmem>>
    %dma_wait3A_1119 = tpu.memref_squeeze %dma_wait3A_1118 : memref<1x65536xf32, #tpu.memory_space<vmem>> -> memref<65536xf32, #tpu.memory_space<vmem>>
    %dma_wait3A_1120 = tpu.memref_slice %arg4[%dma_wait3A, %dma_wait3A_1115, %multiple_of3A] : memref<32x1x1000000xf32, #tpu.memory_space<any>> -> memref<1x1x65536xf32, #tpu.memory_space<any>>
    %dma_wait3A_1121 = tpu.memref_squeeze %dma_wait3A_1120 : memref<1x1x65536xf32, #tpu.memory_space<any>> -> memref<65536xf32, #tpu.memory_space<any>>
    tpu.wait_dma2 semaphore(%arg20 : memref<!tpu.dma_semaphore, #tpu.memory_space<semaphore_mem>>) src(%dma_wait3A_1121 : memref<65536xf32, #tpu.memory_space<any>>) dst(%dma_wait3A_1119 : memref<65536xf32, #tpu.memory_space<vmem>>)
    %dma_wait3A_1122 = arith.constant 0 : i32
    %dma_wait3A_1123 = arith.constant 0 : i32
    %dma_wait3A_1124 = arith.constant 0 : i32
    %dma_wait3A_1125 = arith.constant 0 : i32
    %dma_wait3A_1126 = tpu.memref_slice %arg18[%dma_wait3A_1124, %dma_wait3A_1125] : memref<32x192xf32, #tpu.memory_space<vmem>> -> memref<1x192xf32, #tpu.memory_space<vmem>>
    %dma_wait3A_1127 = tpu.memref_squeeze %dma_wait3A_1126 : memref<1x192xf32, #tpu.memory_space<vmem>> -> memref<192xf32, #tpu.memory_space<vmem>>
    %dma_wait3A_1128 = arith.constant 999808 : i32
    %dma_wait3A_1129 = tpu.memref_slice %arg4[%dma_wait3A_1122, %dma_wait3A_1123, %dma_wait3A_1128] : memref<32x1x1000000xf32, #tpu.memory_space<any>> -> memref<1x1x192xf32, #tpu.memory_space<any>>
    %dma_wait3A_1130 = tpu.memref_squeeze %dma_wait3A_1129 : memref<1x1x192xf32, #tpu.memory_space<any>> -> memref<192xf32, #tpu.memory_space<any>>
    tpu.wait_dma2 semaphore(%arg20 : memref<!tpu.dma_semaphore, #tpu.memory_space<semaphore_mem>>) src(%dma_wait3A_1130 : memref<192xf32, #tpu.memory_space<any>>) dst(%dma_wait3A_1127 : memref<192xf32, #tpu.memory_space<vmem>>)
    %dma_wait3A_1131 = arith.constant 0 : i32
    %dma_wait3A_1132 = arith.constant 0 : i32
    %dma_wait3A_1133 = arith.constant 0 : i32
    %dma_wait3A_1134 = arith.constant 0 : i32
    %dma_wait3A_1135 = tpu.memref_slice %arg19[%dma_wait3A_1133, %dma_wait3A_1134] : memref<32x28672xf32, #tpu.memory_space<vmem>> -> memref<1x28672xf32, #tpu.memory_space<vmem>>
    %dma_wait3A_1136 = tpu.memref_squeeze %dma_wait3A_1135 : memref<1x28672xf32, #tpu.memory_space<vmem>> -> memref<28672xf32, #tpu.memory_space<vmem>>
    %dma_wait3A_1137 = tpu.memref_slice %arg4[%dma_wait3A_1131, %dma_wait3A_1132, %multiple_of3A_5] : memref<32x1x1000000xf32, #tpu.memory_space<any>> -> memref<1x1x28672xf32, #tpu.memory_space<any>>
    %dma_wait3A_1138 = tpu.memref_squeeze %dma_wait3A_1137 : memref<1x1x28672xf32, #tpu.memory_space<any>> -> memref<28672xf32, #tpu.memory_space<any>>
    tpu.wait_dma2 semaphore(%arg20 : memref<!tpu.dma_semaphore, #tpu.memory_space<semaphore_mem>>) src(%dma_wait3A_1138 : memref<28672xf32, #tpu.memory_space<any>>) dst(%dma_wait3A_1136 : memref<28672xf32, #tpu.memory_space<vmem>>)
    %dma_wait3A_1139 = arith.constant 1 : i32
    %dma_wait3A_1140 = arith.constant 0 : i32
    %dma_wait3A_1141 = arith.constant 1 : i32
    %dma_wait3A_1142 = arith.constant 0 : i32
    %dma_wait3A_1143 = tpu.memref_slice %arg17[%dma_wait3A_1141, %dma_wait3A_1142] : memref<32x65536xf32, #tpu.memory_space<vmem>> -> memref<1x65536xf32, #tpu.memory_space<vmem>>
    %dma_wait3A_1144 = tpu.memref_squeeze %dma_wait3A_1143 : memref<1x65536xf32, #tpu.memory_space<vmem>> -> memref<65536xf32, #tpu.memory_space<vmem>>
    %dma_wait3A_1145 = tpu.memref_slice %arg4[%dma_wait3A_1139, %dma_wait3A_1140, %multiple_of3A_12] : memref<32x1x1000000xf32, #tpu.memory_space<any>> -> memref<1x1x65536xf32, #tpu.memory_space<any>>
    %dma_wait3A_1146 = tpu.memref_squeeze %dma_wait3A_1145 : memref<1x1x65536xf32, #tpu.memory_space<any>> -> memref<65536xf32, #tpu.memory_space<any>>
    tpu.wait_dma2 semaphore(%arg20 : memref<!tpu.dma_semaphore, #tpu.memory_space<semaphore_mem>>) src(%dma_wait3A_1146 : memref<65536xf32, #tpu.memory_space<any>>) dst(%dma_wait3A_1144 : memref<65536xf32, #tpu.memory_space<vmem>>)
    %dma_wait3A_1147 = arith.constant 1 : i32
    %dma_wait3A_1148 = arith.constant 0 : i32
    %dma_wait3A_1149 = arith.constant 1 : i32
    %dma_wait3A_1150 = arith.constant 0 : i32
    %dma_wait3A_1151 = tpu.memref_slice %arg18[%dma_wait3A_1149, %dma_wait3A_1150] : memref<32x192xf32, #tpu.memory_space<vmem>> -> memref<1x192xf32, #tpu.memory_space<vmem>>
    %dma_wait3A_1152 = tpu.memref_squeeze %dma_wait3A_1151 : memref<1x192xf32, #tpu.memory_space<vmem>> -> memref<192xf32, #tpu.memory_space<vmem>>
    %dma_wait3A_1153 = arith.constant 999808 : i32
    %dma_wait3A_1154 = tpu.memref_slice %arg4[%dma_wait3A_1147, %dma_wait3A_1148, %dma_wait3A_1153] : memref<32x1x1000000xf32, #tpu.memory_space<any>> -> memref<1x1x192xf32, #tpu.memory_space<any>>
    %dma_wait3A_1155 = tpu.memref_squeeze %dma_wait3A_1154 : memref<1x1x192xf32, #tpu.memory_space<any>> -> memref<192xf32, #tpu.memory_space<any>>
    tpu.wait_dma2 semaphore(%arg20 : memref<!tpu.dma_semaphore, #tpu.memory_space<semaphore_mem>>) src(%dma_wait3A_1155 : memref<192xf32, #tpu.memory_space<any>>) dst(%dma_wait3A_1152 : memref<192xf32, #tpu.memory_space<vmem>>)
    %dma_wait3A_1156 = arith.constant 1 : i32
    %dma_wait3A_1157 = arith.constant 0 : i32
    %dma_wait3A_1158 = arith.constant 1 : i32
    %dma_wait3A_1159 = arith.constant 0 : i32
    %dma_wait3A_1160 = tpu.memref_slice %arg19[%dma_wait3A_1158, %dma_wait3A_1159] : memref<32x28672xf32, #tpu.memory_space<vmem>> -> memref<1x28672xf32, #tpu.memory_space<vmem>>
    %dma_wait3A_1161 = tpu.memref_squeeze %dma_wait3A_1160 : memref<1x28672xf32, #tpu.memory_space<vmem>> -> memref<28672xf32, #tpu.memory_space<vmem>>
    %dma_wait3A_1162 = tpu.memref_slice %arg4[%dma_wait3A_1156, %dma_wait3A_1157, %multiple_of3A_15] : memref<32x1x1000000xf32, #tpu.memory_space<any>> -> memref<1x1x28672xf32, #tpu.memory_space<any>>
    %dma_wait3A_1163 = tpu.memref_squeeze %dma_wait3A_1162 : memref<1x1x28672xf32, #tpu.memory_space<any>> -> memref<28672xf32, #tpu.memory_space<any>>
    tpu.wait_dma2 semaphore(%arg20 : memref<!tpu.dma_semaphore, #tpu.memory_space<semaphore_mem>>) src(%dma_wait3A_1163 : memref<28672xf32, #tpu.memory_space<any>>) dst(%dma_wait3A_1161 : memref<28672xf32, #tpu.memory_space<vmem>>)
    %dma_wait3A_1164 = arith.constant 2 : i32
    %dma_wait3A_1165 = arith.constant 0 : i32
    %dma_wait3A_1166 = arith.constant 2 : i32
    %dma_wait3A_1167 = arith.constant 0 : i32
    %dma_wait3A_1168 = tpu.memref_slice %arg17[%dma_wait3A_1166, %dma_wait3A_1167] : memref<32x65536xf32, #tpu.memory_space<vmem>> -> memref<1x65536xf32, #tpu.memory_space<vmem>>
    %dma_wait3A_1169 = tpu.memref_squeeze %dma_wait3A_1168 : memref<1x65536xf32, #tpu.memory_space<vmem>> -> memref<65536xf32, #tpu.memory_space<vmem>>
    %dma_wait3A_1170 = tpu.memref_slice %arg4[%dma_wait3A_1164, %dma_wait3A_1165, %multiple_of3A_22] : memref<32x1x1000000xf32, #tpu.memory_space<any>> -> memref<1x1x65536xf32, #tpu.memory_space<any>>
    %dma_wait3A_1171 = tpu.memref_squeeze %dma_wait3A_1170 : memref<1x1x65536xf32, #tpu.memory_space<any>> -> memref<65536xf32, #tpu.memory_space<any>>
    tpu.wait_dma2 semaphore(%arg20 : memref<!tpu.dma_semaphore, #tpu.memory_space<semaphore_mem>>) src(%dma_wait3A_1171 : memref<65536xf32, #tpu.memory_space<any>>) dst(%dma_wait3A_1169 : memref<65536xf32, #tpu.memory_space<vmem>>)
    %dma_wait3A_1172 = arith.constant 2 : i32
    %dma_wait3A_1173 = arith.constant 0 : i32
    %dma_wait3A_1174 = arith.constant 2 : i32
    %dma_wait3A_1175 = arith.constant 0 : i32
    %dma_wait3A_1176 = tpu.memref_slice %arg18[%dma_wait3A_1174, %dma_wait3A_1175] : memref<32x192xf32, #tpu.memory_space<vmem>> -> memref<1x192xf32, #tpu.memory_space<vmem>>
    %dma_wait3A_1177 = tpu.memref_squeeze %dma_wait3A_1176 : memref<1x192xf32, #tpu.memory_space<vmem>> -> memref<192xf32, #tpu.memory_space<vmem>>
    %dma_wait3A_1178 = arith.constant 999808 : i32
    %dma_wait3A_1179 = tpu.memref_slice %arg4[%dma_wait3A_1172, %dma_wait3A_1173, %dma_wait3A_1178] : memref<32x1x1000000xf32, #tpu.memory_space<any>> -> memref<1x1x192xf32, #tpu.memory_space<any>>
    %dma_wait3A_1180 = tpu.memref_squeeze %dma_wait3A_1179 : memref<1x1x192xf32, #tpu.memory_space<any>> -> memref<192xf32, #tpu.memory_space<any>>
    tpu.wait_dma2 semaphore(%arg20 : memref<!tpu.dma_semaphore, #tpu.memory_space<semaphore_mem>>) src(%dma_wait3A_1180 : memref<192xf32, #tpu.memory_space<any>>) dst(%dma_wait3A_1177 : memref<192xf32, #tpu.memory_space<vmem>>)
    %dma_wait3A_1181 = arith.constant 2 : i32
    %dma_wait3A_1182 = arith.constant 0 : i32
    %dma_wait3A_1183 = arith.constant 2 : i32
    %dma_wait3A_1184 = arith.constant 0 : i32
    %dma_wait3A_1185 = tpu.memref_slice %arg19[%dma_wait3A_1183, %dma_wait3A_1184] : memref<32x28672xf32, #tpu.memory_space<vmem>> -> memref<1x28672xf32, #tpu.memory_space<vmem>>
    %dma_wait3A_1186 = tpu.memref_squeeze %dma_wait3A_1185 : memref<1x28672xf32, #tpu.memory_space<vmem>> -> memref<28672xf32, #tpu.memory_space<vmem>>
    %dma_wait3A_1187 = tpu.memref_slice %arg4[%dma_wait3A_1181, %dma_wait3A_1182, %multiple_of3A_25] : memref<32x1x1000000xf32, #tpu.memory_space<any>> -> memref<1x1x28672xf32, #tpu.memory_space<any>>
    %dma_wait3A_1188 = tpu.memref_squeeze %dma_wait3A_1187 : memref<1x1x28672xf32, #tpu.memory_space<any>> -> memref<28672xf32, #tpu.memory_space<any>>
    tpu.wait_dma2 semaphore(%arg20 : memref<!tpu.dma_semaphore, #tpu.memory_space<semaphore_mem>>) src(%dma_wait3A_1188 : memref<28672xf32, #tpu.memory_space<any>>) dst(%dma_wait3A_1186 : memref<28672xf32, #tpu.memory_space<vmem>>)
    %dma_wait3A_1189 = arith.constant 3 : i32
    %dma_wait3A_1190 = arith.constant 0 : i32
    %dma_wait3A_1191 = arith.constant 3 : i32
    %dma_wait3A_1192 = arith.constant 0 : i32
    %dma_wait3A_1193 = tpu.memref_slice %arg17[%dma_wait3A_1191, %dma_wait3A_1192] : memref<32x65536xf32, #tpu.memory_space<vmem>> -> memref<1x65536xf32, #tpu.memory_space<vmem>>
    %dma_wait3A_1194 = tpu.memref_squeeze %dma_wait3A_1193 : memref<1x65536xf32, #tpu.memory_space<vmem>> -> memref<65536xf32, #tpu.memory_space<vmem>>
    %dma_wait3A_1195 = tpu.memref_slice %arg4[%dma_wait3A_1189, %dma_wait3A_1190, %multiple_of3A_32] : memref<32x1x1000000xf32, #tpu.memory_space<any>> -> memref<1x1x65536xf32, #tpu.memory_space<any>>
    %dma_wait3A_1196 = tpu.memref_squeeze %dma_wait3A_1195 : memref<1x1x65536xf32, #tpu.memory_space<any>> -> memref<65536xf32, #tpu.memory_space<any>>
    tpu.wait_dma2 semaphore(%arg20 : memref<!tpu.dma_semaphore, #tpu.memory_space<semaphore_mem>>) src(%dma_wait3A_1196 : memref<65536xf32, #tpu.memory_space<any>>) dst(%dma_wait3A_1194 : memref<65536xf32, #tpu.memory_space<vmem>>)
    %dma_wait3A_1197 = arith.constant 3 : i32
    %dma_wait3A_1198 = arith.constant 0 : i32
    %dma_wait3A_1199 = arith.constant 3 : i32
    %dma_wait3A_1200 = arith.constant 0 : i32
    %dma_wait3A_1201 = tpu.memref_slice %arg18[%dma_wait3A_1199, %dma_wait3A_1200] : memref<32x192xf32, #tpu.memory_space<vmem>> -> memref<1x192xf32, #tpu.memory_space<vmem>>
    %dma_wait3A_1202 = tpu.memref_squeeze %dma_wait3A_1201 : memref<1x192xf32, #tpu.memory_space<vmem>> -> memref<192xf32, #tpu.memory_space<vmem>>
    %dma_wait3A_1203 = arith.constant 999808 : i32
    %dma_wait3A_1204 = tpu.memref_slice %arg4[%dma_wait3A_1197, %dma_wait3A_1198, %dma_wait3A_1203] : memref<32x1x1000000xf32, #tpu.memory_space<any>> -> memref<1x1x192xf32, #tpu.memory_space<any>>
    %dma_wait3A_1205 = tpu.memref_squeeze %dma_wait3A_1204 : memref<1x1x192xf32, #tpu.memory_space<any>> -> memref<192xf32, #tpu.memory_space<any>>
    tpu.wait_dma2 semaphore(%arg20 : memref<!tpu.dma_semaphore, #tpu.memory_space<semaphore_mem>>) src(%dma_wait3A_1205 : memref<192xf32, #tpu.memory_space<any>>) dst(%dma_wait3A_1202 : memref<192xf32, #tpu.memory_space<vmem>>)
    %dma_wait3A_1206 = arith.constant 3 : i32
    %dma_wait3A_1207 = arith.constant 0 : i32
    %dma_wait3A_1208 = arith.constant 3 : i32
    %dma_wait3A_1209 = arith.constant 0 : i32
    %dma_wait3A_1210 = tpu.memref_slice %arg19[%dma_wait3A_1208, %dma_wait3A_1209] : memref<32x28672xf32, #tpu.memory_space<vmem>> -> memref<1x28672xf32, #tpu.memory_space<vmem>>
    %dma_wait3A_1211 = tpu.memref_squeeze %dma_wait3A_1210 : memref<1x28672xf32, #tpu.memory_space<vmem>> -> memref<28672xf32, #tpu.memory_space<vmem>>
    %dma_wait3A_1212 = tpu.memref_slice %arg4[%dma_wait3A_1206, %dma_wait3A_1207, %multiple_of3A_35] : memref<32x1x1000000xf32, #tpu.memory_space<any>> -> memref<1x1x28672xf32, #tpu.memory_space<any>>
    %dma_wait3A_1213 = tpu.memref_squeeze %dma_wait3A_1212 : memref<1x1x28672xf32, #tpu.memory_space<any>> -> memref<28672xf32, #tpu.memory_space<any>>
    tpu.wait_dma2 semaphore(%arg20 : memref<!tpu.dma_semaphore, #tpu.memory_space<semaphore_mem>>) src(%dma_wait3A_1213 : memref<28672xf32, #tpu.memory_space<any>>) dst(%dma_wait3A_1211 : memref<28672xf32, #tpu.memory_space<vmem>>)
    %dma_wait3A_1214 = arith.constant 4 : i32
    %dma_wait3A_1215 = arith.constant 0 : i32
    %dma_wait3A_1216 = arith.constant 4 : i32
    %dma_wait3A_1217 = arith.constant 0 : i32
    %dma_wait3A_1218 = tpu.memref_slice %arg17[%dma_wait3A_1216, %dma_wait3A_1217] : memref<32x65536xf32, #tpu.memory_space<vmem>> -> memref<1x65536xf32, #tpu.memory_space<vmem>>
    %dma_wait3A_1219 = tpu.memref_squeeze %dma_wait3A_1218 : memref<1x65536xf32, #tpu.memory_space<vmem>> -> memref<65536xf32, #tpu.memory_space<vmem>>
    %dma_wait3A_1220 = tpu.memref_slice %arg4[%dma_wait3A_1214, %dma_wait3A_1215, %multiple_of3A_42] : memref<32x1x1000000xf32, #tpu.memory_space<any>> -> memref<1x1x65536xf32, #tpu.memory_space<any>>
    %dma_wait3A_1221 = tpu.memref_squeeze %dma_wait3A_1220 : memref<1x1x65536xf32, #tpu.memory_space<any>> -> memref<65536xf32, #tpu.memory_space<any>>
    tpu.wait_dma2 semaphore(%arg20 : memref<!tpu.dma_semaphore, #tpu.memory_space<semaphore_mem>>) src(%dma_wait3A_1221 : memref<65536xf32, #tpu.memory_space<any>>) dst(%dma_wait3A_1219 : memref<65536xf32, #tpu.memory_space<vmem>>)
    %dma_wait3A_1222 = arith.constant 4 : i32
    %dma_wait3A_1223 = arith.constant 0 : i32
    %dma_wait3A_1224 = arith.constant 4 : i32
    %dma_wait3A_1225 = arith.constant 0 : i32
    %dma_wait3A_1226 = tpu.memref_slice %arg18[%dma_wait3A_1224, %dma_wait3A_1225] : memref<32x192xf32, #tpu.memory_space<vmem>> -> memref<1x192xf32, #tpu.memory_space<vmem>>
    %dma_wait3A_1227 = tpu.memref_squeeze %dma_wait3A_1226 : memref<1x192xf32, #tpu.memory_space<vmem>> -> memref<192xf32, #tpu.memory_space<vmem>>
    %dma_wait3A_1228 = arith.constant 999808 : i32
    %dma_wait3A_1229 = tpu.memref_slice %arg4[%dma_wait3A_1222, %dma_wait3A_1223, %dma_wait3A_1228] : memref<32x1x1000000xf32, #tpu.memory_space<any>> -> memref<1x1x192xf32, #tpu.memory_space<any>>
    %dma_wait3A_1230 = tpu.memref_squeeze %dma_wait3A_1229 : memref<1x1x192xf32, #tpu.memory_space<any>> -> memref<192xf32, #tpu.memory_space<any>>
    tpu.wait_dma2 semaphore(%arg20 : memref<!tpu.dma_semaphore, #tpu.memory_space<semaphore_mem>>) src(%dma_wait3A_1230 : memref<192xf32, #tpu.memory_space<any>>) dst(%dma_wait3A_1227 : memref<192xf32, #tpu.memory_space<vmem>>)
    %dma_wait3A_1231 = arith.constant 4 : i32
    %dma_wait3A_1232 = arith.constant 0 : i32
    %dma_wait3A_1233 = arith.constant 4 : i32
    %dma_wait3A_1234 = arith.constant 0 : i32
    %dma_wait3A_1235 = tpu.memref_slice %arg19[%dma_wait3A_1233, %dma_wait3A_1234] : memref<32x28672xf32, #tpu.memory_space<vmem>> -> memref<1x28672xf32, #tpu.memory_space<vmem>>
    %dma_wait3A_1236 = tpu.memref_squeeze %dma_wait3A_1235 : memref<1x28672xf32, #tpu.memory_space<vmem>> -> memref<28672xf32, #tpu.memory_space<vmem>>
    %dma_wait3A_1237 = tpu.memref_slice %arg4[%dma_wait3A_1231, %dma_wait3A_1232, %multiple_of3A_45] : memref<32x1x1000000xf32, #tpu.memory_space<any>> -> memref<1x1x28672xf32, #tpu.memory_space<any>>
    %dma_wait3A_1238 = tpu.memref_squeeze %dma_wait3A_1237 : memref<1x1x28672xf32, #tpu.memory_space<any>> -> memref<28672xf32, #tpu.memory_space<any>>
    tpu.wait_dma2 semaphore(%arg20 : memref<!tpu.dma_semaphore, #tpu.memory_space<semaphore_mem>>) src(%dma_wait3A_1238 : memref<28672xf32, #tpu.memory_space<any>>) dst(%dma_wait3A_1236 : memref<28672xf32, #tpu.memory_space<vmem>>)
    %dma_wait3A_1239 = arith.constant 5 : i32
    %dma_wait3A_1240 = arith.constant 0 : i32
    %dma_wait3A_1241 = arith.constant 5 : i32
    %dma_wait3A_1242 = arith.constant 0 : i32
    %dma_wait3A_1243 = tpu.memref_slice %arg17[%dma_wait3A_1241, %dma_wait3A_1242] : memref<32x65536xf32, #tpu.memory_space<vmem>> -> memref<1x65536xf32, #tpu.memory_space<vmem>>
    %dma_wait3A_1244 = tpu.memref_squeeze %dma_wait3A_1243 : memref<1x65536xf32, #tpu.memory_space<vmem>> -> memref<65536xf32, #tpu.memory_space<vmem>>
    %dma_wait3A_1245 = tpu.memref_slice %arg4[%dma_wait3A_1239, %dma_wait3A_1240, %multiple_of3A_52] : memref<32x1x1000000xf32, #tpu.memory_space<any>> -> memref<1x1x65536xf32, #tpu.memory_space<any>>
    %dma_wait3A_1246 = tpu.memref_squeeze %dma_wait3A_1245 : memref<1x1x65536xf32, #tpu.memory_space<any>> -> memref<65536xf32, #tpu.memory_space<any>>
    tpu.wait_dma2 semaphore(%arg20 : memref<!tpu.dma_semaphore, #tpu.memory_space<semaphore_mem>>) src(%dma_wait3A_1246 : memref<65536xf32, #tpu.memory_space<any>>) dst(%dma_wait3A_1244 : memref<65536xf32, #tpu.memory_space<vmem>>)
    %dma_wait3A_1247 = arith.constant 5 : i32
    %dma_wait3A_1248 = arith.constant 0 : i32
    %dma_wait3A_1249 = arith.constant 5 : i32
    %dma_wait3A_1250 = arith.constant 0 : i32
    %dma_wait3A_1251 = tpu.memref_slice %arg18[%dma_wait3A_1249, %dma_wait3A_1250] : memref<32x192xf32, #tpu.memory_space<vmem>> -> memref<1x192xf32, #tpu.memory_space<vmem>>
    %dma_wait3A_1252 = tpu.memref_squeeze %dma_wait3A_1251 : memref<1x192xf32, #tpu.memory_space<vmem>> -> memref<192xf32, #tpu.memory_space<vmem>>
    %dma_wait3A_1253 = arith.constant 999808 : i32
    %dma_wait3A_1254 = tpu.memref_slice %arg4[%dma_wait3A_1247, %dma_wait3A_1248, %dma_wait3A_1253] : memref<32x1x1000000xf32, #tpu.memory_space<any>> -> memref<1x1x192xf32, #tpu.memory_space<any>>
    %dma_wait3A_1255 = tpu.memref_squeeze %dma_wait3A_1254 : memref<1x1x192xf32, #tpu.memory_space<any>> -> memref<192xf32, #tpu.memory_space<any>>
    tpu.wait_dma2 semaphore(%arg20 : memref<!tpu.dma_semaphore, #tpu.memory_space<semaphore_mem>>) src(%dma_wait3A_1255 : memref<192xf32, #tpu.memory_space<any>>) dst(%dma_wait3A_1252 : memref<192xf32, #tpu.memory_space<vmem>>)
    %dma_wait3A_1256 = arith.constant 5 : i32
    %dma_wait3A_1257 = arith.constant 0 : i32
    %dma_wait3A_1258 = arith.constant 5 : i32
    %dma_wait3A_1259 = arith.constant 0 : i32
    %dma_wait3A_1260 = tpu.memref_slice %arg19[%dma_wait3A_1258, %dma_wait3A_1259] : memref<32x28672xf32, #tpu.memory_space<vmem>> -> memref<1x28672xf32, #tpu.memory_space<vmem>>
    %dma_wait3A_1261 = tpu.memref_squeeze %dma_wait3A_1260 : memref<1x28672xf32, #tpu.memory_space<vmem>> -> memref<28672xf32, #tpu.memory_space<vmem>>
    %dma_wait3A_1262 = tpu.memref_slice %arg4[%dma_wait3A_1256, %dma_wait3A_1257, %multiple_of3A_55] : memref<32x1x1000000xf32, #tpu.memory_space<any>> -> memref<1x1x28672xf32, #tpu.memory_space<any>>
    %dma_wait3A_1263 = tpu.memref_squeeze %dma_wait3A_1262 : memref<1x1x28672xf32, #tpu.memory_space<any>> -> memref<28672xf32, #tpu.memory_space<any>>
    tpu.wait_dma2 semaphore(%arg20 : memref<!tpu.dma_semaphore, #tpu.memory_space<semaphore_mem>>) src(%dma_wait3A_1263 : memref<28672xf32, #tpu.memory_space<any>>) dst(%dma_wait3A_1261 : memref<28672xf32, #tpu.memory_space<vmem>>)
    %dma_wait3A_1264 = arith.constant 6 : i32
    %dma_wait3A_1265 = arith.constant 0 : i32
    %dma_wait3A_1266 = arith.constant 6 : i32
    %dma_wait3A_1267 = arith.constant 0 : i32
    %dma_wait3A_1268 = tpu.memref_slice %arg17[%dma_wait3A_1266, %dma_wait3A_1267] : memref<32x65536xf32, #tpu.memory_space<vmem>> -> memref<1x65536xf32, #tpu.memory_space<vmem>>
    %dma_wait3A_1269 = tpu.memref_squeeze %dma_wait3A_1268 : memref<1x65536xf32, #tpu.memory_space<vmem>> -> memref<65536xf32, #tpu.memory_space<vmem>>
    %dma_wait3A_1270 = tpu.memref_slice %arg4[%dma_wait3A_1264, %dma_wait3A_1265, %multiple_of3A_62] : memref<32x1x1000000xf32, #tpu.memory_space<any>> -> memref<1x1x65536xf32, #tpu.memory_space<any>>
    %dma_wait3A_1271 = tpu.memref_squeeze %dma_wait3A_1270 : memref<1x1x65536xf32, #tpu.memory_space<any>> -> memref<65536xf32, #tpu.memory_space<any>>
    tpu.wait_dma2 semaphore(%arg20 : memref<!tpu.dma_semaphore, #tpu.memory_space<semaphore_mem>>) src(%dma_wait3A_1271 : memref<65536xf32, #tpu.memory_space<any>>) dst(%dma_wait3A_1269 : memref<65536xf32, #tpu.memory_space<vmem>>)
    %dma_wait3A_1272 = arith.constant 6 : i32
    %dma_wait3A_1273 = arith.constant 0 : i32
    %dma_wait3A_1274 = arith.constant 6 : i32
    %dma_wait3A_1275 = arith.constant 0 : i32
    %dma_wait3A_1276 = tpu.memref_slice %arg18[%dma_wait3A_1274, %dma_wait3A_1275] : memref<32x192xf32, #tpu.memory_space<vmem>> -> memref<1x192xf32, #tpu.memory_space<vmem>>
    %dma_wait3A_1277 = tpu.memref_squeeze %dma_wait3A_1276 : memref<1x192xf32, #tpu.memory_space<vmem>> -> memref<192xf32, #tpu.memory_space<vmem>>
    %dma_wait3A_1278 = arith.constant 999808 : i32
    %dma_wait3A_1279 = tpu.memref_slice %arg4[%dma_wait3A_1272, %dma_wait3A_1273, %dma_wait3A_1278] : memref<32x1x1000000xf32, #tpu.memory_space<any>> -> memref<1x1x192xf32, #tpu.memory_space<any>>
    %dma_wait3A_1280 = tpu.memref_squeeze %dma_wait3A_1279 : memref<1x1x192xf32, #tpu.memory_space<any>> -> memref<192xf32, #tpu.memory_space<any>>
    tpu.wait_dma2 semaphore(%arg20 : memref<!tpu.dma_semaphore, #tpu.memory_space<semaphore_mem>>) src(%dma_wait3A_1280 : memref<192xf32, #tpu.memory_space<any>>) dst(%dma_wait3A_1277 : memref<192xf32, #tpu.memory_space<vmem>>)
    %dma_wait3A_1281 = arith.constant 6 : i32
    %dma_wait3A_1282 = arith.constant 0 : i32
    %dma_wait3A_1283 = arith.constant 6 : i32
    %dma_wait3A_1284 = arith.constant 0 : i32
    %dma_wait3A_1285 = tpu.memref_slice %arg19[%dma_wait3A_1283, %dma_wait3A_1284] : memref<32x28672xf32, #tpu.memory_space<vmem>> -> memref<1x28672xf32, #tpu.memory_space<vmem>>
    %dma_wait3A_1286 = tpu.memref_squeeze %dma_wait3A_1285 : memref<1x28672xf32, #tpu.memory_space<vmem>> -> memref<28672xf32, #tpu.memory_space<vmem>>
    %dma_wait3A_1287 = tpu.memref_slice %arg4[%dma_wait3A_1281, %dma_wait3A_1282, %multiple_of3A_65] : memref<32x1x1000000xf32, #tpu.memory_space<any>> -> memref<1x1x28672xf32, #tpu.memory_space<any>>
    %dma_wait3A_1288 = tpu.memref_squeeze %dma_wait3A_1287 : memref<1x1x28672xf32, #tpu.memory_space<any>> -> memref<28672xf32, #tpu.memory_space<any>>
    tpu.wait_dma2 semaphore(%arg20 : memref<!tpu.dma_semaphore, #tpu.memory_space<semaphore_mem>>) src(%dma_wait3A_1288 : memref<28672xf32, #tpu.memory_space<any>>) dst(%dma_wait3A_1286 : memref<28672xf32, #tpu.memory_space<vmem>>)
    %dma_wait3A_1289 = arith.constant 7 : i32
    %dma_wait3A_1290 = arith.constant 0 : i32
    %dma_wait3A_1291 = arith.constant 7 : i32
    %dma_wait3A_1292 = arith.constant 0 : i32
    %dma_wait3A_1293 = tpu.memref_slice %arg17[%dma_wait3A_1291, %dma_wait3A_1292] : memref<32x65536xf32, #tpu.memory_space<vmem>> -> memref<1x65536xf32, #tpu.memory_space<vmem>>
    %dma_wait3A_1294 = tpu.memref_squeeze %dma_wait3A_1293 : memref<1x65536xf32, #tpu.memory_space<vmem>> -> memref<65536xf32, #tpu.memory_space<vmem>>
    %dma_wait3A_1295 = tpu.memref_slice %arg4[%dma_wait3A_1289, %dma_wait3A_1290, %multiple_of3A_72] : memref<32x1x1000000xf32, #tpu.memory_space<any>> -> memref<1x1x65536xf32, #tpu.memory_space<any>>
    %dma_wait3A_1296 = tpu.memref_squeeze %dma_wait3A_1295 : memref<1x1x65536xf32, #tpu.memory_space<any>> -> memref<65536xf32, #tpu.memory_space<any>>
    tpu.wait_dma2 semaphore(%arg20 : memref<!tpu.dma_semaphore, #tpu.memory_space<semaphore_mem>>) src(%dma_wait3A_1296 : memref<65536xf32, #tpu.memory_space<any>>) dst(%dma_wait3A_1294 : memref<65536xf32, #tpu.memory_space<vmem>>)
    %dma_wait3A_1297 = arith.constant 7 : i32
    %dma_wait3A_1298 = arith.constant 0 : i32
    %dma_wait3A_1299 = arith.constant 7 : i32
    %dma_wait3A_1300 = arith.constant 0 : i32
    %dma_wait3A_1301 = tpu.memref_slice %arg18[%dma_wait3A_1299, %dma_wait3A_1300] : memref<32x192xf32, #tpu.memory_space<vmem>> -> memref<1x192xf32, #tpu.memory_space<vmem>>
    %dma_wait3A_1302 = tpu.memref_squeeze %dma_wait3A_1301 : memref<1x192xf32, #tpu.memory_space<vmem>> -> memref<192xf32, #tpu.memory_space<vmem>>
    %dma_wait3A_1303 = arith.constant 999808 : i32
    %dma_wait3A_1304 = tpu.memref_slice %arg4[%dma_wait3A_1297, %dma_wait3A_1298, %dma_wait3A_1303] : memref<32x1x1000000xf32, #tpu.memory_space<any>> -> memref<1x1x192xf32, #tpu.memory_space<any>>
    %dma_wait3A_1305 = tpu.memref_squeeze %dma_wait3A_1304 : memref<1x1x192xf32, #tpu.memory_space<any>> -> memref<192xf32, #tpu.memory_space<any>>
    tpu.wait_dma2 semaphore(%arg20 : memref<!tpu.dma_semaphore, #tpu.memory_space<semaphore_mem>>) src(%dma_wait3A_1305 : memref<192xf32, #tpu.memory_space<any>>) dst(%dma_wait3A_1302 : memref<192xf32, #tpu.memory_space<vmem>>)
    %dma_wait3A_1306 = arith.constant 7 : i32
    %dma_wait3A_1307 = arith.constant 0 : i32
    %dma_wait3A_1308 = arith.constant 7 : i32
    %dma_wait3A_1309 = arith.constant 0 : i32
    %dma_wait3A_1310 = tpu.memref_slice %arg19[%dma_wait3A_1308, %dma_wait3A_1309] : memref<32x28672xf32, #tpu.memory_space<vmem>> -> memref<1x28672xf32, #tpu.memory_space<vmem>>
    %dma_wait3A_1311 = tpu.memref_squeeze %dma_wait3A_1310 : memref<1x28672xf32, #tpu.memory_space<vmem>> -> memref<28672xf32, #tpu.memory_space<vmem>>
    %dma_wait3A_1312 = tpu.memref_slice %arg4[%dma_wait3A_1306, %dma_wait3A_1307, %multiple_of3A_75] : memref<32x1x1000000xf32, #tpu.memory_space<any>> -> memref<1x1x28672xf32, #tpu.memory_space<any>>
    %dma_wait3A_1313 = tpu.memref_squeeze %dma_wait3A_1312 : memref<1x1x28672xf32, #tpu.memory_space<any>> -> memref<28672xf32, #tpu.memory_space<any>>
    tpu.wait_dma2 semaphore(%arg20 : memref<!tpu.dma_semaphore, #tpu.memory_space<semaphore_mem>>) src(%dma_wait3A_1313 : memref<28672xf32, #tpu.memory_space<any>>) dst(%dma_wait3A_1311 : memref<28672xf32, #tpu.memory_space<vmem>>)
    %dma_wait3A_1314 = arith.constant 8 : i32
    %dma_wait3A_1315 = arith.constant 0 : i32
    %dma_wait3A_1316 = arith.constant 8 : i32
    %dma_wait3A_1317 = arith.constant 0 : i32
    %dma_wait3A_1318 = tpu.memref_slice %arg17[%dma_wait3A_1316, %dma_wait3A_1317] : memref<32x65536xf32, #tpu.memory_space<vmem>> -> memref<1x65536xf32, #tpu.memory_space<vmem>>
    %dma_wait3A_1319 = tpu.memref_squeeze %dma_wait3A_1318 : memref<1x65536xf32, #tpu.memory_space<vmem>> -> memref<65536xf32, #tpu.memory_space<vmem>>
    %dma_wait3A_1320 = tpu.memref_slice %arg4[%dma_wait3A_1314, %dma_wait3A_1315, %multiple_of3A_82] : memref<32x1x1000000xf32, #tpu.memory_space<any>> -> memref<1x1x65536xf32, #tpu.memory_space<any>>
    %dma_wait3A_1321 = tpu.memref_squeeze %dma_wait3A_1320 : memref<1x1x65536xf32, #tpu.memory_space<any>> -> memref<65536xf32, #tpu.memory_space<any>>
    tpu.wait_dma2 semaphore(%arg20 : memref<!tpu.dma_semaphore, #tpu.memory_space<semaphore_mem>>) src(%dma_wait3A_1321 : memref<65536xf32, #tpu.memory_space<any>>) dst(%dma_wait3A_1319 : memref<65536xf32, #tpu.memory_space<vmem>>)
    %dma_wait3A_1322 = arith.constant 8 : i32
    %dma_wait3A_1323 = arith.constant 0 : i32
    %dma_wait3A_1324 = arith.constant 8 : i32
    %dma_wait3A_1325 = arith.constant 0 : i32
    %dma_wait3A_1326 = tpu.memref_slice %arg18[%dma_wait3A_1324, %dma_wait3A_1325] : memref<32x192xf32, #tpu.memory_space<vmem>> -> memref<1x192xf32, #tpu.memory_space<vmem>>
    %dma_wait3A_1327 = tpu.memref_squeeze %dma_wait3A_1326 : memref<1x192xf32, #tpu.memory_space<vmem>> -> memref<192xf32, #tpu.memory_space<vmem>>
    %dma_wait3A_1328 = arith.constant 999808 : i32
    %dma_wait3A_1329 = tpu.memref_slice %arg4[%dma_wait3A_1322, %dma_wait3A_1323, %dma_wait3A_1328] : memref<32x1x1000000xf32, #tpu.memory_space<any>> -> memref<1x1x192xf32, #tpu.memory_space<any>>
    %dma_wait3A_1330 = tpu.memref_squeeze %dma_wait3A_1329 : memref<1x1x192xf32, #tpu.memory_space<any>> -> memref<192xf32, #tpu.memory_space<any>>
    tpu.wait_dma2 semaphore(%arg20 : memref<!tpu.dma_semaphore, #tpu.memory_space<semaphore_mem>>) src(%dma_wait3A_1330 : memref<192xf32, #tpu.memory_space<any>>) dst(%dma_wait3A_1327 : memref<192xf32, #tpu.memory_space<vmem>>)
    %dma_wait3A_1331 = arith.constant 8 : i32
    %dma_wait3A_1332 = arith.constant 0 : i32
    %dma_wait3A_1333 = arith.constant 8 : i32
    %dma_wait3A_1334 = arith.constant 0 : i32
    %dma_wait3A_1335 = tpu.memref_slice %arg19[%dma_wait3A_1333, %dma_wait3A_1334] : memref<32x28672xf32, #tpu.memory_space<vmem>> -> memref<1x28672xf32, #tpu.memory_space<vmem>>
    %dma_wait3A_1336 = tpu.memref_squeeze %dma_wait3A_1335 : memref<1x28672xf32, #tpu.memory_space<vmem>> -> memref<28672xf32, #tpu.memory_space<vmem>>
    %dma_wait3A_1337 = tpu.memref_slice %arg4[%dma_wait3A_1331, %dma_wait3A_1332, %multiple_of3A_85] : memref<32x1x1000000xf32, #tpu.memory_space<any>> -> memref<1x1x28672xf32, #tpu.memory_space<any>>
    %dma_wait3A_1338 = tpu.memref_squeeze %dma_wait3A_1337 : memref<1x1x28672xf32, #tpu.memory_space<any>> -> memref<28672xf32, #tpu.memory_space<any>>
    tpu.wait_dma2 semaphore(%arg20 : memref<!tpu.dma_semaphore, #tpu.memory_space<semaphore_mem>>) src(%dma_wait3A_1338 : memref<28672xf32, #tpu.memory_space<any>>) dst(%dma_wait3A_1336 : memref<28672xf32, #tpu.memory_space<vmem>>)
    %dma_wait3A_1339 = arith.constant 9 : i32
    %dma_wait3A_1340 = arith.constant 0 : i32
    %dma_wait3A_1341 = arith.constant 9 : i32
    %dma_wait3A_1342 = arith.constant 0 : i32
    %dma_wait3A_1343 = tpu.memref_slice %arg17[%dma_wait3A_1341, %dma_wait3A_1342] : memref<32x65536xf32, #tpu.memory_space<vmem>> -> memref<1x65536xf32, #tpu.memory_space<vmem>>
    %dma_wait3A_1344 = tpu.memref_squeeze %dma_wait3A_1343 : memref<1x65536xf32, #tpu.memory_space<vmem>> -> memref<65536xf32, #tpu.memory_space<vmem>>
    %dma_wait3A_1345 = tpu.memref_slice %arg4[%dma_wait3A_1339, %dma_wait3A_1340, %multiple_of3A_92] : memref<32x1x1000000xf32, #tpu.memory_space<any>> -> memref<1x1x65536xf32, #tpu.memory_space<any>>
    %dma_wait3A_1346 = tpu.memref_squeeze %dma_wait3A_1345 : memref<1x1x65536xf32, #tpu.memory_space<any>> -> memref<65536xf32, #tpu.memory_space<any>>
    tpu.wait_dma2 semaphore(%arg20 : memref<!tpu.dma_semaphore, #tpu.memory_space<semaphore_mem>>) src(%dma_wait3A_1346 : memref<65536xf32, #tpu.memory_space<any>>) dst(%dma_wait3A_1344 : memref<65536xf32, #tpu.memory_space<vmem>>)
    %dma_wait3A_1347 = arith.constant 9 : i32
    %dma_wait3A_1348 = arith.constant 0 : i32
    %dma_wait3A_1349 = arith.constant 9 : i32
    %dma_wait3A_1350 = arith.constant 0 : i32
    %dma_wait3A_1351 = tpu.memref_slice %arg18[%dma_wait3A_1349, %dma_wait3A_1350] : memref<32x192xf32, #tpu.memory_space<vmem>> -> memref<1x192xf32, #tpu.memory_space<vmem>>
    %dma_wait3A_1352 = tpu.memref_squeeze %dma_wait3A_1351 : memref<1x192xf32, #tpu.memory_space<vmem>> -> memref<192xf32, #tpu.memory_space<vmem>>
    %dma_wait3A_1353 = arith.constant 999808 : i32
    %dma_wait3A_1354 = tpu.memref_slice %arg4[%dma_wait3A_1347, %dma_wait3A_1348, %dma_wait3A_1353] : memref<32x1x1000000xf32, #tpu.memory_space<any>> -> memref<1x1x192xf32, #tpu.memory_space<any>>
    %dma_wait3A_1355 = tpu.memref_squeeze %dma_wait3A_1354 : memref<1x1x192xf32, #tpu.memory_space<any>> -> memref<192xf32, #tpu.memory_space<any>>
    tpu.wait_dma2 semaphore(%arg20 : memref<!tpu.dma_semaphore, #tpu.memory_space<semaphore_mem>>) src(%dma_wait3A_1355 : memref<192xf32, #tpu.memory_space<any>>) dst(%dma_wait3A_1352 : memref<192xf32, #tpu.memory_space<vmem>>)
    %dma_wait3A_1356 = arith.constant 9 : i32
    %dma_wait3A_1357 = arith.constant 0 : i32
    %dma_wait3A_1358 = arith.constant 9 : i32
    %dma_wait3A_1359 = arith.constant 0 : i32
    %dma_wait3A_1360 = tpu.memref_slice %arg19[%dma_wait3A_1358, %dma_wait3A_1359] : memref<32x28672xf32, #tpu.memory_space<vmem>> -> memref<1x28672xf32, #tpu.memory_space<vmem>>
    %dma_wait3A_1361 = tpu.memref_squeeze %dma_wait3A_1360 : memref<1x28672xf32, #tpu.memory_space<vmem>> -> memref<28672xf32, #tpu.memory_space<vmem>>
    %dma_wait3A_1362 = tpu.memref_slice %arg4[%dma_wait3A_1356, %dma_wait3A_1357, %multiple_of3A_95] : memref<32x1x1000000xf32, #tpu.memory_space<any>> -> memref<1x1x28672xf32, #tpu.memory_space<any>>
    %dma_wait3A_1363 = tpu.memref_squeeze %dma_wait3A_1362 : memref<1x1x28672xf32, #tpu.memory_space<any>> -> memref<28672xf32, #tpu.memory_space<any>>
    tpu.wait_dma2 semaphore(%arg20 : memref<!tpu.dma_semaphore, #tpu.memory_space<semaphore_mem>>) src(%dma_wait3A_1363 : memref<28672xf32, #tpu.memory_space<any>>) dst(%dma_wait3A_1361 : memref<28672xf32, #tpu.memory_space<vmem>>)
    %dma_wait3A_1364 = arith.constant 10 : i32
    %dma_wait3A_1365 = arith.constant 0 : i32
    %dma_wait3A_1366 = arith.constant 10 : i32
    %dma_wait3A_1367 = arith.constant 0 : i32
    %dma_wait3A_1368 = tpu.memref_slice %arg17[%dma_wait3A_1366, %dma_wait3A_1367] : memref<32x65536xf32, #tpu.memory_space<vmem>> -> memref<1x65536xf32, #tpu.memory_space<vmem>>
    %dma_wait3A_1369 = tpu.memref_squeeze %dma_wait3A_1368 : memref<1x65536xf32, #tpu.memory_space<vmem>> -> memref<65536xf32, #tpu.memory_space<vmem>>
    %dma_wait3A_1370 = tpu.memref_slice %arg4[%dma_wait3A_1364, %dma_wait3A_1365, %multiple_of3A_102] : memref<32x1x1000000xf32, #tpu.memory_space<any>> -> memref<1x1x65536xf32, #tpu.memory_space<any>>
    %dma_wait3A_1371 = tpu.memref_squeeze %dma_wait3A_1370 : memref<1x1x65536xf32, #tpu.memory_space<any>> -> memref<65536xf32, #tpu.memory_space<any>>
    tpu.wait_dma2 semaphore(%arg20 : memref<!tpu.dma_semaphore, #tpu.memory_space<semaphore_mem>>) src(%dma_wait3A_1371 : memref<65536xf32, #tpu.memory_space<any>>) dst(%dma_wait3A_1369 : memref<65536xf32, #tpu.memory_space<vmem>>)
    %dma_wait3A_1372 = arith.constant 10 : i32
    %dma_wait3A_1373 = arith.constant 0 : i32
    %dma_wait3A_1374 = arith.constant 10 : i32
    %dma_wait3A_1375 = arith.constant 0 : i32
    %dma_wait3A_1376 = tpu.memref_slice %arg18[%dma_wait3A_1374, %dma_wait3A_1375] : memref<32x192xf32, #tpu.memory_space<vmem>> -> memref<1x192xf32, #tpu.memory_space<vmem>>
    %dma_wait3A_1377 = tpu.memref_squeeze %dma_wait3A_1376 : memref<1x192xf32, #tpu.memory_space<vmem>> -> memref<192xf32, #tpu.memory_space<vmem>>
    %dma_wait3A_1378 = arith.constant 999808 : i32
    %dma_wait3A_1379 = tpu.memref_slice %arg4[%dma_wait3A_1372, %dma_wait3A_1373, %dma_wait3A_1378] : memref<32x1x1000000xf32, #tpu.memory_space<any>> -> memref<1x1x192xf32, #tpu.memory_space<any>>
    %dma_wait3A_1380 = tpu.memref_squeeze %dma_wait3A_1379 : memref<1x1x192xf32, #tpu.memory_space<any>> -> memref<192xf32, #tpu.memory_space<any>>
    tpu.wait_dma2 semaphore(%arg20 : memref<!tpu.dma_semaphore, #tpu.memory_space<semaphore_mem>>) src(%dma_wait3A_1380 : memref<192xf32, #tpu.memory_space<any>>) dst(%dma_wait3A_1377 : memref<192xf32, #tpu.memory_space<vmem>>)
    %dma_wait3A_1381 = arith.constant 10 : i32
    %dma_wait3A_1382 = arith.constant 0 : i32
    %dma_wait3A_1383 = arith.constant 10 : i32
    %dma_wait3A_1384 = arith.constant 0 : i32
    %dma_wait3A_1385 = tpu.memref_slice %arg19[%dma_wait3A_1383, %dma_wait3A_1384] : memref<32x28672xf32, #tpu.memory_space<vmem>> -> memref<1x28672xf32, #tpu.memory_space<vmem>>
    %dma_wait3A_1386 = tpu.memref_squeeze %dma_wait3A_1385 : memref<1x28672xf32, #tpu.memory_space<vmem>> -> memref<28672xf32, #tpu.memory_space<vmem>>
    %dma_wait3A_1387 = tpu.memref_slice %arg4[%dma_wait3A_1381, %dma_wait3A_1382, %multiple_of3A_105] : memref<32x1x1000000xf32, #tpu.memory_space<any>> -> memref<1x1x28672xf32, #tpu.memory_space<any>>
    %dma_wait3A_1388 = tpu.memref_squeeze %dma_wait3A_1387 : memref<1x1x28672xf32, #tpu.memory_space<any>> -> memref<28672xf32, #tpu.memory_space<any>>
    tpu.wait_dma2 semaphore(%arg20 : memref<!tpu.dma_semaphore, #tpu.memory_space<semaphore_mem>>) src(%dma_wait3A_1388 : memref<28672xf32, #tpu.memory_space<any>>) dst(%dma_wait3A_1386 : memref<28672xf32, #tpu.memory_space<vmem>>)
    %dma_wait3A_1389 = arith.constant 11 : i32
    %dma_wait3A_1390 = arith.constant 0 : i32
    %dma_wait3A_1391 = arith.constant 11 : i32
    %dma_wait3A_1392 = arith.constant 0 : i32
    %dma_wait3A_1393 = tpu.memref_slice %arg17[%dma_wait3A_1391, %dma_wait3A_1392] : memref<32x65536xf32, #tpu.memory_space<vmem>> -> memref<1x65536xf32, #tpu.memory_space<vmem>>
    %dma_wait3A_1394 = tpu.memref_squeeze %dma_wait3A_1393 : memref<1x65536xf32, #tpu.memory_space<vmem>> -> memref<65536xf32, #tpu.memory_space<vmem>>
    %dma_wait3A_1395 = tpu.memref_slice %arg4[%dma_wait3A_1389, %dma_wait3A_1390, %multiple_of3A_112] : memref<32x1x1000000xf32, #tpu.memory_space<any>> -> memref<1x1x65536xf32, #tpu.memory_space<any>>
    %dma_wait3A_1396 = tpu.memref_squeeze %dma_wait3A_1395 : memref<1x1x65536xf32, #tpu.memory_space<any>> -> memref<65536xf32, #tpu.memory_space<any>>
    tpu.wait_dma2 semaphore(%arg20 : memref<!tpu.dma_semaphore, #tpu.memory_space<semaphore_mem>>) src(%dma_wait3A_1396 : memref<65536xf32, #tpu.memory_space<any>>) dst(%dma_wait3A_1394 : memref<65536xf32, #tpu.memory_space<vmem>>)
    %dma_wait3A_1397 = arith.constant 11 : i32
    %dma_wait3A_1398 = arith.constant 0 : i32
    %dma_wait3A_1399 = arith.constant 11 : i32
    %dma_wait3A_1400 = arith.constant 0 : i32
    %dma_wait3A_1401 = tpu.memref_slice %arg18[%dma_wait3A_1399, %dma_wait3A_1400] : memref<32x192xf32, #tpu.memory_space<vmem>> -> memref<1x192xf32, #tpu.memory_space<vmem>>
    %dma_wait3A_1402 = tpu.memref_squeeze %dma_wait3A_1401 : memref<1x192xf32, #tpu.memory_space<vmem>> -> memref<192xf32, #tpu.memory_space<vmem>>
    %dma_wait3A_1403 = arith.constant 999808 : i32
    %dma_wait3A_1404 = tpu.memref_slice %arg4[%dma_wait3A_1397, %dma_wait3A_1398, %dma_wait3A_1403] : memref<32x1x1000000xf32, #tpu.memory_space<any>> -> memref<1x1x192xf32, #tpu.memory_space<any>>
    %dma_wait3A_1405 = tpu.memref_squeeze %dma_wait3A_1404 : memref<1x1x192xf32, #tpu.memory_space<any>> -> memref<192xf32, #tpu.memory_space<any>>
    tpu.wait_dma2 semaphore(%arg20 : memref<!tpu.dma_semaphore, #tpu.memory_space<semaphore_mem>>) src(%dma_wait3A_1405 : memref<192xf32, #tpu.memory_space<any>>) dst(%dma_wait3A_1402 : memref<192xf32, #tpu.memory_space<vmem>>)
    %dma_wait3A_1406 = arith.constant 11 : i32
    %dma_wait3A_1407 = arith.constant 0 : i32
    %dma_wait3A_1408 = arith.constant 11 : i32
    %dma_wait3A_1409 = arith.constant 0 : i32
    %dma_wait3A_1410 = tpu.memref_slice %arg19[%dma_wait3A_1408, %dma_wait3A_1409] : memref<32x28672xf32, #tpu.memory_space<vmem>> -> memref<1x28672xf32, #tpu.memory_space<vmem>>
    %dma_wait3A_1411 = tpu.memref_squeeze %dma_wait3A_1410 : memref<1x28672xf32, #tpu.memory_space<vmem>> -> memref<28672xf32, #tpu.memory_space<vmem>>
    %dma_wait3A_1412 = tpu.memref_slice %arg4[%dma_wait3A_1406, %dma_wait3A_1407, %multiple_of3A_115] : memref<32x1x1000000xf32, #tpu.memory_space<any>> -> memref<1x1x28672xf32, #tpu.memory_space<any>>
    %dma_wait3A_1413 = tpu.memref_squeeze %dma_wait3A_1412 : memref<1x1x28672xf32, #tpu.memory_space<any>> -> memref<28672xf32, #tpu.memory_space<any>>
    tpu.wait_dma2 semaphore(%arg20 : memref<!tpu.dma_semaphore, #tpu.memory_space<semaphore_mem>>) src(%dma_wait3A_1413 : memref<28672xf32, #tpu.memory_space<any>>) dst(%dma_wait3A_1411 : memref<28672xf32, #tpu.memory_space<vmem>>)
    %dma_wait3A_1414 = arith.constant 12 : i32
    %dma_wait3A_1415 = arith.constant 0 : i32
    %dma_wait3A_1416 = arith.constant 12 : i32
    %dma_wait3A_1417 = arith.constant 0 : i32
    %dma_wait3A_1418 = tpu.memref_slice %arg17[%dma_wait3A_1416, %dma_wait3A_1417] : memref<32x65536xf32, #tpu.memory_space<vmem>> -> memref<1x65536xf32, #tpu.memory_space<vmem>>
    %dma_wait3A_1419 = tpu.memref_squeeze %dma_wait3A_1418 : memref<1x65536xf32, #tpu.memory_space<vmem>> -> memref<65536xf32, #tpu.memory_space<vmem>>
    %dma_wait3A_1420 = tpu.memref_slice %arg4[%dma_wait3A_1414, %dma_wait3A_1415, %multiple_of3A_122] : memref<32x1x1000000xf32, #tpu.memory_space<any>> -> memref<1x1x65536xf32, #tpu.memory_space<any>>
    %dma_wait3A_1421 = tpu.memref_squeeze %dma_wait3A_1420 : memref<1x1x65536xf32, #tpu.memory_space<any>> -> memref<65536xf32, #tpu.memory_space<any>>
    tpu.wait_dma2 semaphore(%arg20 : memref<!tpu.dma_semaphore, #tpu.memory_space<semaphore_mem>>) src(%dma_wait3A_1421 : memref<65536xf32, #tpu.memory_space<any>>) dst(%dma_wait3A_1419 : memref<65536xf32, #tpu.memory_space<vmem>>)
    %dma_wait3A_1422 = arith.constant 12 : i32
    %dma_wait3A_1423 = arith.constant 0 : i32
    %dma_wait3A_1424 = arith.constant 12 : i32
    %dma_wait3A_1425 = arith.constant 0 : i32
    %dma_wait3A_1426 = tpu.memref_slice %arg18[%dma_wait3A_1424, %dma_wait3A_1425] : memref<32x192xf32, #tpu.memory_space<vmem>> -> memref<1x192xf32, #tpu.memory_space<vmem>>
    %dma_wait3A_1427 = tpu.memref_squeeze %dma_wait3A_1426 : memref<1x192xf32, #tpu.memory_space<vmem>> -> memref<192xf32, #tpu.memory_space<vmem>>
    %dma_wait3A_1428 = arith.constant 999808 : i32
    %dma_wait3A_1429 = tpu.memref_slice %arg4[%dma_wait3A_1422, %dma_wait3A_1423, %dma_wait3A_1428] : memref<32x1x1000000xf32, #tpu.memory_space<any>> -> memref<1x1x192xf32, #tpu.memory_space<any>>
    %dma_wait3A_1430 = tpu.memref_squeeze %dma_wait3A_1429 : memref<1x1x192xf32, #tpu.memory_space<any>> -> memref<192xf32, #tpu.memory_space<any>>
    tpu.wait_dma2 semaphore(%arg20 : memref<!tpu.dma_semaphore, #tpu.memory_space<semaphore_mem>>) src(%dma_wait3A_1430 : memref<192xf32, #tpu.memory_space<any>>) dst(%dma_wait3A_1427 : memref<192xf32, #tpu.memory_space<vmem>>)
    %dma_wait3A_1431 = arith.constant 12 : i32
    %dma_wait3A_1432 = arith.constant 0 : i32
    %dma_wait3A_1433 = arith.constant 12 : i32
    %dma_wait3A_1434 = arith.constant 0 : i32
    %dma_wait3A_1435 = tpu.memref_slice %arg19[%dma_wait3A_1433, %dma_wait3A_1434] : memref<32x28672xf32, #tpu.memory_space<vmem>> -> memref<1x28672xf32, #tpu.memory_space<vmem>>
    %dma_wait3A_1436 = tpu.memref_squeeze %dma_wait3A_1435 : memref<1x28672xf32, #tpu.memory_space<vmem>> -> memref<28672xf32, #tpu.memory_space<vmem>>
    %dma_wait3A_1437 = tpu.memref_slice %arg4[%dma_wait3A_1431, %dma_wait3A_1432, %multiple_of3A_125] : memref<32x1x1000000xf32, #tpu.memory_space<any>> -> memref<1x1x28672xf32, #tpu.memory_space<any>>
    %dma_wait3A_1438 = tpu.memref_squeeze %dma_wait3A_1437 : memref<1x1x28672xf32, #tpu.memory_space<any>> -> memref<28672xf32, #tpu.memory_space<any>>
    tpu.wait_dma2 semaphore(%arg20 : memref<!tpu.dma_semaphore, #tpu.memory_space<semaphore_mem>>) src(%dma_wait3A_1438 : memref<28672xf32, #tpu.memory_space<any>>) dst(%dma_wait3A_1436 : memref<28672xf32, #tpu.memory_space<vmem>>)
    %dma_wait3A_1439 = arith.constant 13 : i32
    %dma_wait3A_1440 = arith.constant 0 : i32
    %dma_wait3A_1441 = arith.constant 13 : i32
    %dma_wait3A_1442 = arith.constant 0 : i32
    %dma_wait3A_1443 = tpu.memref_slice %arg17[%dma_wait3A_1441, %dma_wait3A_1442] : memref<32x65536xf32, #tpu.memory_space<vmem>> -> memref<1x65536xf32, #tpu.memory_space<vmem>>
    %dma_wait3A_1444 = tpu.memref_squeeze %dma_wait3A_1443 : memref<1x65536xf32, #tpu.memory_space<vmem>> -> memref<65536xf32, #tpu.memory_space<vmem>>
    %dma_wait3A_1445 = tpu.memref_slice %arg4[%dma_wait3A_1439, %dma_wait3A_1440, %multiple_of3A_132] : memref<32x1x1000000xf32, #tpu.memory_space<any>> -> memref<1x1x65536xf32, #tpu.memory_space<any>>
    %dma_wait3A_1446 = tpu.memref_squeeze %dma_wait3A_1445 : memref<1x1x65536xf32, #tpu.memory_space<any>> -> memref<65536xf32, #tpu.memory_space<any>>
    tpu.wait_dma2 semaphore(%arg20 : memref<!tpu.dma_semaphore, #tpu.memory_space<semaphore_mem>>) src(%dma_wait3A_1446 : memref<65536xf32, #tpu.memory_space<any>>) dst(%dma_wait3A_1444 : memref<65536xf32, #tpu.memory_space<vmem>>)
    %dma_wait3A_1447 = arith.constant 13 : i32
    %dma_wait3A_1448 = arith.constant 0 : i32
    %dma_wait3A_1449 = arith.constant 13 : i32
    %dma_wait3A_1450 = arith.constant 0 : i32
    %dma_wait3A_1451 = tpu.memref_slice %arg18[%dma_wait3A_1449, %dma_wait3A_1450] : memref<32x192xf32, #tpu.memory_space<vmem>> -> memref<1x192xf32, #tpu.memory_space<vmem>>
    %dma_wait3A_1452 = tpu.memref_squeeze %dma_wait3A_1451 : memref<1x192xf32, #tpu.memory_space<vmem>> -> memref<192xf32, #tpu.memory_space<vmem>>
    %dma_wait3A_1453 = arith.constant 999808 : i32
    %dma_wait3A_1454 = tpu.memref_slice %arg4[%dma_wait3A_1447, %dma_wait3A_1448, %dma_wait3A_1453] : memref<32x1x1000000xf32, #tpu.memory_space<any>> -> memref<1x1x192xf32, #tpu.memory_space<any>>
    %dma_wait3A_1455 = tpu.memref_squeeze %dma_wait3A_1454 : memref<1x1x192xf32, #tpu.memory_space<any>> -> memref<192xf32, #tpu.memory_space<any>>
    tpu.wait_dma2 semaphore(%arg20 : memref<!tpu.dma_semaphore, #tpu.memory_space<semaphore_mem>>) src(%dma_wait3A_1455 : memref<192xf32, #tpu.memory_space<any>>) dst(%dma_wait3A_1452 : memref<192xf32, #tpu.memory_space<vmem>>)
    %dma_wait3A_1456 = arith.constant 13 : i32
    %dma_wait3A_1457 = arith.constant 0 : i32
    %dma_wait3A_1458 = arith.constant 13 : i32
    %dma_wait3A_1459 = arith.constant 0 : i32
    %dma_wait3A_1460 = tpu.memref_slice %arg19[%dma_wait3A_1458, %dma_wait3A_1459] : memref<32x28672xf32, #tpu.memory_space<vmem>> -> memref<1x28672xf32, #tpu.memory_space<vmem>>
    %dma_wait3A_1461 = tpu.memref_squeeze %dma_wait3A_1460 : memref<1x28672xf32, #tpu.memory_space<vmem>> -> memref<28672xf32, #tpu.memory_space<vmem>>
    %dma_wait3A_1462 = tpu.memref_slice %arg4[%dma_wait3A_1456, %dma_wait3A_1457, %multiple_of3A_135] : memref<32x1x1000000xf32, #tpu.memory_space<any>> -> memref<1x1x28672xf32, #tpu.memory_space<any>>
    %dma_wait3A_1463 = tpu.memref_squeeze %dma_wait3A_1462 : memref<1x1x28672xf32, #tpu.memory_space<any>> -> memref<28672xf32, #tpu.memory_space<any>>
    tpu.wait_dma2 semaphore(%arg20 : memref<!tpu.dma_semaphore, #tpu.memory_space<semaphore_mem>>) src(%dma_wait3A_1463 : memref<28672xf32, #tpu.memory_space<any>>) dst(%dma_wait3A_1461 : memref<28672xf32, #tpu.memory_space<vmem>>)
    %dma_wait3A_1464 = arith.constant 14 : i32
    %dma_wait3A_1465 = arith.constant 0 : i32
    %dma_wait3A_1466 = arith.constant 14 : i32
    %dma_wait3A_1467 = arith.constant 0 : i32
    %dma_wait3A_1468 = tpu.memref_slice %arg17[%dma_wait3A_1466, %dma_wait3A_1467] : memref<32x65536xf32, #tpu.memory_space<vmem>> -> memref<1x65536xf32, #tpu.memory_space<vmem>>
    %dma_wait3A_1469 = tpu.memref_squeeze %dma_wait3A_1468 : memref<1x65536xf32, #tpu.memory_space<vmem>> -> memref<65536xf32, #tpu.memory_space<vmem>>
    %dma_wait3A_1470 = tpu.memref_slice %arg4[%dma_wait3A_1464, %dma_wait3A_1465, %multiple_of3A_142] : memref<32x1x1000000xf32, #tpu.memory_space<any>> -> memref<1x1x65536xf32, #tpu.memory_space<any>>
    %dma_wait3A_1471 = tpu.memref_squeeze %dma_wait3A_1470 : memref<1x1x65536xf32, #tpu.memory_space<any>> -> memref<65536xf32, #tpu.memory_space<any>>
    tpu.wait_dma2 semaphore(%arg20 : memref<!tpu.dma_semaphore, #tpu.memory_space<semaphore_mem>>) src(%dma_wait3A_1471 : memref<65536xf32, #tpu.memory_space<any>>) dst(%dma_wait3A_1469 : memref<65536xf32, #tpu.memory_space<vmem>>)
    %dma_wait3A_1472 = arith.constant 14 : i32
    %dma_wait3A_1473 = arith.constant 0 : i32
    %dma_wait3A_1474 = arith.constant 14 : i32
    %dma_wait3A_1475 = arith.constant 0 : i32
    %dma_wait3A_1476 = tpu.memref_slice %arg18[%dma_wait3A_1474, %dma_wait3A_1475] : memref<32x192xf32, #tpu.memory_space<vmem>> -> memref<1x192xf32, #tpu.memory_space<vmem>>
    %dma_wait3A_1477 = tpu.memref_squeeze %dma_wait3A_1476 : memref<1x192xf32, #tpu.memory_space<vmem>> -> memref<192xf32, #tpu.memory_space<vmem>>
    %dma_wait3A_1478 = arith.constant 999808 : i32
    %dma_wait3A_1479 = tpu.memref_slice %arg4[%dma_wait3A_1472, %dma_wait3A_1473, %dma_wait3A_1478] : memref<32x1x1000000xf32, #tpu.memory_space<any>> -> memref<1x1x192xf32, #tpu.memory_space<any>>
    %dma_wait3A_1480 = tpu.memref_squeeze %dma_wait3A_1479 : memref<1x1x192xf32, #tpu.memory_space<any>> -> memref<192xf32, #tpu.memory_space<any>>
    tpu.wait_dma2 semaphore(%arg20 : memref<!tpu.dma_semaphore, #tpu.memory_space<semaphore_mem>>) src(%dma_wait3A_1480 : memref<192xf32, #tpu.memory_space<any>>) dst(%dma_wait3A_1477 : memref<192xf32, #tpu.memory_space<vmem>>)
    %dma_wait3A_1481 = arith.constant 14 : i32
    %dma_wait3A_1482 = arith.constant 0 : i32
    %dma_wait3A_1483 = arith.constant 14 : i32
    %dma_wait3A_1484 = arith.constant 0 : i32
    %dma_wait3A_1485 = tpu.memref_slice %arg19[%dma_wait3A_1483, %dma_wait3A_1484] : memref<32x28672xf32, #tpu.memory_space<vmem>> -> memref<1x28672xf32, #tpu.memory_space<vmem>>
    %dma_wait3A_1486 = tpu.memref_squeeze %dma_wait3A_1485 : memref<1x28672xf32, #tpu.memory_space<vmem>> -> memref<28672xf32, #tpu.memory_space<vmem>>
    %dma_wait3A_1487 = tpu.memref_slice %arg4[%dma_wait3A_1481, %dma_wait3A_1482, %multiple_of3A_145] : memref<32x1x1000000xf32, #tpu.memory_space<any>> -> memref<1x1x28672xf32, #tpu.memory_space<any>>
    %dma_wait3A_1488 = tpu.memref_squeeze %dma_wait3A_1487 : memref<1x1x28672xf32, #tpu.memory_space<any>> -> memref<28672xf32, #tpu.memory_space<any>>
    tpu.wait_dma2 semaphore(%arg20 : memref<!tpu.dma_semaphore, #tpu.memory_space<semaphore_mem>>) src(%dma_wait3A_1488 : memref<28672xf32, #tpu.memory_space<any>>) dst(%dma_wait3A_1486 : memref<28672xf32, #tpu.memory_space<vmem>>)
    %dma_wait3A_1489 = arith.constant 15 : i32
    %dma_wait3A_1490 = arith.constant 0 : i32
    %dma_wait3A_1491 = arith.constant 15 : i32
    %dma_wait3A_1492 = arith.constant 0 : i32
    %dma_wait3A_1493 = tpu.memref_slice %arg17[%dma_wait3A_1491, %dma_wait3A_1492] : memref<32x65536xf32, #tpu.memory_space<vmem>> -> memref<1x65536xf32, #tpu.memory_space<vmem>>
    %dma_wait3A_1494 = tpu.memref_squeeze %dma_wait3A_1493 : memref<1x65536xf32, #tpu.memory_space<vmem>> -> memref<65536xf32, #tpu.memory_space<vmem>>
    %dma_wait3A_1495 = tpu.memref_slice %arg4[%dma_wait3A_1489, %dma_wait3A_1490, %multiple_of3A_152] : memref<32x1x1000000xf32, #tpu.memory_space<any>> -> memref<1x1x65536xf32, #tpu.memory_space<any>>
    %dma_wait3A_1496 = tpu.memref_squeeze %dma_wait3A_1495 : memref<1x1x65536xf32, #tpu.memory_space<any>> -> memref<65536xf32, #tpu.memory_space<any>>
    tpu.wait_dma2 semaphore(%arg20 : memref<!tpu.dma_semaphore, #tpu.memory_space<semaphore_mem>>) src(%dma_wait3A_1496 : memref<65536xf32, #tpu.memory_space<any>>) dst(%dma_wait3A_1494 : memref<65536xf32, #tpu.memory_space<vmem>>)
    %dma_wait3A_1497 = arith.constant 15 : i32
    %dma_wait3A_1498 = arith.constant 0 : i32
    %dma_wait3A_1499 = arith.constant 15 : i32
    %dma_wait3A_1500 = arith.constant 0 : i32
    %dma_wait3A_1501 = tpu.memref_slice %arg18[%dma_wait3A_1499, %dma_wait3A_1500] : memref<32x192xf32, #tpu.memory_space<vmem>> -> memref<1x192xf32, #tpu.memory_space<vmem>>
    %dma_wait3A_1502 = tpu.memref_squeeze %dma_wait3A_1501 : memref<1x192xf32, #tpu.memory_space<vmem>> -> memref<192xf32, #tpu.memory_space<vmem>>
    %dma_wait3A_1503 = arith.constant 999808 : i32
    %dma_wait3A_1504 = tpu.memref_slice %arg4[%dma_wait3A_1497, %dma_wait3A_1498, %dma_wait3A_1503] : memref<32x1x1000000xf32, #tpu.memory_space<any>> -> memref<1x1x192xf32, #tpu.memory_space<any>>
    %dma_wait3A_1505 = tpu.memref_squeeze %dma_wait3A_1504 : memref<1x1x192xf32, #tpu.memory_space<any>> -> memref<192xf32, #tpu.memory_space<any>>
    tpu.wait_dma2 semaphore(%arg20 : memref<!tpu.dma_semaphore, #tpu.memory_space<semaphore_mem>>) src(%dma_wait3A_1505 : memref<192xf32, #tpu.memory_space<any>>) dst(%dma_wait3A_1502 : memref<192xf32, #tpu.memory_space<vmem>>)
    %dma_wait3A_1506 = arith.constant 15 : i32
    %dma_wait3A_1507 = arith.constant 0 : i32
    %dma_wait3A_1508 = arith.constant 15 : i32
    %dma_wait3A_1509 = arith.constant 0 : i32
    %dma_wait3A_1510 = tpu.memref_slice %arg19[%dma_wait3A_1508, %dma_wait3A_1509] : memref<32x28672xf32, #tpu.memory_space<vmem>> -> memref<1x28672xf32, #tpu.memory_space<vmem>>
    %dma_wait3A_1511 = tpu.memref_squeeze %dma_wait3A_1510 : memref<1x28672xf32, #tpu.memory_space<vmem>> -> memref<28672xf32, #tpu.memory_space<vmem>>
    %dma_wait3A_1512 = tpu.memref_slice %arg4[%dma_wait3A_1506, %dma_wait3A_1507, %multiple_of3A_155] : memref<32x1x1000000xf32, #tpu.memory_space<any>> -> memref<1x1x28672xf32, #tpu.memory_space<any>>
    %dma_wait3A_1513 = tpu.memref_squeeze %dma_wait3A_1512 : memref<1x1x28672xf32, #tpu.memory_space<any>> -> memref<28672xf32, #tpu.memory_space<any>>
    tpu.wait_dma2 semaphore(%arg20 : memref<!tpu.dma_semaphore, #tpu.memory_space<semaphore_mem>>) src(%dma_wait3A_1513 : memref<28672xf32, #tpu.memory_space<any>>) dst(%dma_wait3A_1511 : memref<28672xf32, #tpu.memory_space<vmem>>)
    %dma_wait3A_1514 = arith.constant 16 : i32
    %dma_wait3A_1515 = arith.constant 0 : i32
    %dma_wait3A_1516 = arith.constant 16 : i32
    %dma_wait3A_1517 = arith.constant 0 : i32
    %dma_wait3A_1518 = tpu.memref_slice %arg17[%dma_wait3A_1516, %dma_wait3A_1517] : memref<32x65536xf32, #tpu.memory_space<vmem>> -> memref<1x65536xf32, #tpu.memory_space<vmem>>
    %dma_wait3A_1519 = tpu.memref_squeeze %dma_wait3A_1518 : memref<1x65536xf32, #tpu.memory_space<vmem>> -> memref<65536xf32, #tpu.memory_space<vmem>>
    %dma_wait3A_1520 = tpu.memref_slice %arg4[%dma_wait3A_1514, %dma_wait3A_1515, %multiple_of3A_162] : memref<32x1x1000000xf32, #tpu.memory_space<any>> -> memref<1x1x65536xf32, #tpu.memory_space<any>>
    %dma_wait3A_1521 = tpu.memref_squeeze %dma_wait3A_1520 : memref<1x1x65536xf32, #tpu.memory_space<any>> -> memref<65536xf32, #tpu.memory_space<any>>
    tpu.wait_dma2 semaphore(%arg20 : memref<!tpu.dma_semaphore, #tpu.memory_space<semaphore_mem>>) src(%dma_wait3A_1521 : memref<65536xf32, #tpu.memory_space<any>>) dst(%dma_wait3A_1519 : memref<65536xf32, #tpu.memory_space<vmem>>)
    %dma_wait3A_1522 = arith.constant 16 : i32
    %dma_wait3A_1523 = arith.constant 0 : i32
    %dma_wait3A_1524 = arith.constant 16 : i32
    %dma_wait3A_1525 = arith.constant 0 : i32
    %dma_wait3A_1526 = tpu.memref_slice %arg18[%dma_wait3A_1524, %dma_wait3A_1525] : memref<32x192xf32, #tpu.memory_space<vmem>> -> memref<1x192xf32, #tpu.memory_space<vmem>>
    %dma_wait3A_1527 = tpu.memref_squeeze %dma_wait3A_1526 : memref<1x192xf32, #tpu.memory_space<vmem>> -> memref<192xf32, #tpu.memory_space<vmem>>
    %dma_wait3A_1528 = arith.constant 999808 : i32
    %dma_wait3A_1529 = tpu.memref_slice %arg4[%dma_wait3A_1522, %dma_wait3A_1523, %dma_wait3A_1528] : memref<32x1x1000000xf32, #tpu.memory_space<any>> -> memref<1x1x192xf32, #tpu.memory_space<any>>
    %dma_wait3A_1530 = tpu.memref_squeeze %dma_wait3A_1529 : memref<1x1x192xf32, #tpu.memory_space<any>> -> memref<192xf32, #tpu.memory_space<any>>
    tpu.wait_dma2 semaphore(%arg20 : memref<!tpu.dma_semaphore, #tpu.memory_space<semaphore_mem>>) src(%dma_wait3A_1530 : memref<192xf32, #tpu.memory_space<any>>) dst(%dma_wait3A_1527 : memref<192xf32, #tpu.memory_space<vmem>>)
    %dma_wait3A_1531 = arith.constant 16 : i32
    %dma_wait3A_1532 = arith.constant 0 : i32
    %dma_wait3A_1533 = arith.constant 16 : i32
    %dma_wait3A_1534 = arith.constant 0 : i32
    %dma_wait3A_1535 = tpu.memref_slice %arg19[%dma_wait3A_1533, %dma_wait3A_1534] : memref<32x28672xf32, #tpu.memory_space<vmem>> -> memref<1x28672xf32, #tpu.memory_space<vmem>>
    %dma_wait3A_1536 = tpu.memref_squeeze %dma_wait3A_1535 : memref<1x28672xf32, #tpu.memory_space<vmem>> -> memref<28672xf32, #tpu.memory_space<vmem>>
    %dma_wait3A_1537 = tpu.memref_slice %arg4[%dma_wait3A_1531, %dma_wait3A_1532, %multiple_of3A_165] : memref<32x1x1000000xf32, #tpu.memory_space<any>> -> memref<1x1x28672xf32, #tpu.memory_space<any>>
    %dma_wait3A_1538 = tpu.memref_squeeze %dma_wait3A_1537 : memref<1x1x28672xf32, #tpu.memory_space<any>> -> memref<28672xf32, #tpu.memory_space<any>>
    tpu.wait_dma2 semaphore(%arg20 : memref<!tpu.dma_semaphore, #tpu.memory_space<semaphore_mem>>) src(%dma_wait3A_1538 : memref<28672xf32, #tpu.memory_space<any>>) dst(%dma_wait3A_1536 : memref<28672xf32, #tpu.memory_space<vmem>>)
    %dma_wait3A_1539 = arith.constant 17 : i32
    %dma_wait3A_1540 = arith.constant 0 : i32
    %dma_wait3A_1541 = arith.constant 17 : i32
    %dma_wait3A_1542 = arith.constant 0 : i32
    %dma_wait3A_1543 = tpu.memref_slice %arg17[%dma_wait3A_1541, %dma_wait3A_1542] : memref<32x65536xf32, #tpu.memory_space<vmem>> -> memref<1x65536xf32, #tpu.memory_space<vmem>>
    %dma_wait3A_1544 = tpu.memref_squeeze %dma_wait3A_1543 : memref<1x65536xf32, #tpu.memory_space<vmem>> -> memref<65536xf32, #tpu.memory_space<vmem>>
    %dma_wait3A_1545 = tpu.memref_slice %arg4[%dma_wait3A_1539, %dma_wait3A_1540, %multiple_of3A_172] : memref<32x1x1000000xf32, #tpu.memory_space<any>> -> memref<1x1x65536xf32, #tpu.memory_space<any>>
    %dma_wait3A_1546 = tpu.memref_squeeze %dma_wait3A_1545 : memref<1x1x65536xf32, #tpu.memory_space<any>> -> memref<65536xf32, #tpu.memory_space<any>>
    tpu.wait_dma2 semaphore(%arg20 : memref<!tpu.dma_semaphore, #tpu.memory_space<semaphore_mem>>) src(%dma_wait3A_1546 : memref<65536xf32, #tpu.memory_space<any>>) dst(%dma_wait3A_1544 : memref<65536xf32, #tpu.memory_space<vmem>>)
    %dma_wait3A_1547 = arith.constant 17 : i32
    %dma_wait3A_1548 = arith.constant 0 : i32
    %dma_wait3A_1549 = arith.constant 17 : i32
    %dma_wait3A_1550 = arith.constant 0 : i32
    %dma_wait3A_1551 = tpu.memref_slice %arg18[%dma_wait3A_1549, %dma_wait3A_1550] : memref<32x192xf32, #tpu.memory_space<vmem>> -> memref<1x192xf32, #tpu.memory_space<vmem>>
    %dma_wait3A_1552 = tpu.memref_squeeze %dma_wait3A_1551 : memref<1x192xf32, #tpu.memory_space<vmem>> -> memref<192xf32, #tpu.memory_space<vmem>>
    %dma_wait3A_1553 = arith.constant 999808 : i32
    %dma_wait3A_1554 = tpu.memref_slice %arg4[%dma_wait3A_1547, %dma_wait3A_1548, %dma_wait3A_1553] : memref<32x1x1000000xf32, #tpu.memory_space<any>> -> memref<1x1x192xf32, #tpu.memory_space<any>>
    %dma_wait3A_1555 = tpu.memref_squeeze %dma_wait3A_1554 : memref<1x1x192xf32, #tpu.memory_space<any>> -> memref<192xf32, #tpu.memory_space<any>>
    tpu.wait_dma2 semaphore(%arg20 : memref<!tpu.dma_semaphore, #tpu.memory_space<semaphore_mem>>) src(%dma_wait3A_1555 : memref<192xf32, #tpu.memory_space<any>>) dst(%dma_wait3A_1552 : memref<192xf32, #tpu.memory_space<vmem>>)
    %dma_wait3A_1556 = arith.constant 17 : i32
    %dma_wait3A_1557 = arith.constant 0 : i32
    %dma_wait3A_1558 = arith.constant 17 : i32
    %dma_wait3A_1559 = arith.constant 0 : i32
    %dma_wait3A_1560 = tpu.memref_slice %arg19[%dma_wait3A_1558, %dma_wait3A_1559] : memref<32x28672xf32, #tpu.memory_space<vmem>> -> memref<1x28672xf32, #tpu.memory_space<vmem>>
    %dma_wait3A_1561 = tpu.memref_squeeze %dma_wait3A_1560 : memref<1x28672xf32, #tpu.memory_space<vmem>> -> memref<28672xf32, #tpu.memory_space<vmem>>
    %dma_wait3A_1562 = tpu.memref_slice %arg4[%dma_wait3A_1556, %dma_wait3A_1557, %multiple_of3A_175] : memref<32x1x1000000xf32, #tpu.memory_space<any>> -> memref<1x1x28672xf32, #tpu.memory_space<any>>
    %dma_wait3A_1563 = tpu.memref_squeeze %dma_wait3A_1562 : memref<1x1x28672xf32, #tpu.memory_space<any>> -> memref<28672xf32, #tpu.memory_space<any>>
    tpu.wait_dma2 semaphore(%arg20 : memref<!tpu.dma_semaphore, #tpu.memory_space<semaphore_mem>>) src(%dma_wait3A_1563 : memref<28672xf32, #tpu.memory_space<any>>) dst(%dma_wait3A_1561 : memref<28672xf32, #tpu.memory_space<vmem>>)
    %dma_wait3A_1564 = arith.constant 18 : i32
    %dma_wait3A_1565 = arith.constant 0 : i32
    %dma_wait3A_1566 = arith.constant 18 : i32
    %dma_wait3A_1567 = arith.constant 0 : i32
    %dma_wait3A_1568 = tpu.memref_slice %arg17[%dma_wait3A_1566, %dma_wait3A_1567] : memref<32x65536xf32, #tpu.memory_space<vmem>> -> memref<1x65536xf32, #tpu.memory_space<vmem>>
    %dma_wait3A_1569 = tpu.memref_squeeze %dma_wait3A_1568 : memref<1x65536xf32, #tpu.memory_space<vmem>> -> memref<65536xf32, #tpu.memory_space<vmem>>
    %dma_wait3A_1570 = tpu.memref_slice %arg4[%dma_wait3A_1564, %dma_wait3A_1565, %multiple_of3A_182] : memref<32x1x1000000xf32, #tpu.memory_space<any>> -> memref<1x1x65536xf32, #tpu.memory_space<any>>
    %dma_wait3A_1571 = tpu.memref_squeeze %dma_wait3A_1570 : memref<1x1x65536xf32, #tpu.memory_space<any>> -> memref<65536xf32, #tpu.memory_space<any>>
    tpu.wait_dma2 semaphore(%arg20 : memref<!tpu.dma_semaphore, #tpu.memory_space<semaphore_mem>>) src(%dma_wait3A_1571 : memref<65536xf32, #tpu.memory_space<any>>) dst(%dma_wait3A_1569 : memref<65536xf32, #tpu.memory_space<vmem>>)
    %dma_wait3A_1572 = arith.constant 18 : i32
    %dma_wait3A_1573 = arith.constant 0 : i32
    %dma_wait3A_1574 = arith.constant 18 : i32
    %dma_wait3A_1575 = arith.constant 0 : i32
    %dma_wait3A_1576 = tpu.memref_slice %arg18[%dma_wait3A_1574, %dma_wait3A_1575] : memref<32x192xf32, #tpu.memory_space<vmem>> -> memref<1x192xf32, #tpu.memory_space<vmem>>
    %dma_wait3A_1577 = tpu.memref_squeeze %dma_wait3A_1576 : memref<1x192xf32, #tpu.memory_space<vmem>> -> memref<192xf32, #tpu.memory_space<vmem>>
    %dma_wait3A_1578 = arith.constant 999808 : i32
    %dma_wait3A_1579 = tpu.memref_slice %arg4[%dma_wait3A_1572, %dma_wait3A_1573, %dma_wait3A_1578] : memref<32x1x1000000xf32, #tpu.memory_space<any>> -> memref<1x1x192xf32, #tpu.memory_space<any>>
    %dma_wait3A_1580 = tpu.memref_squeeze %dma_wait3A_1579 : memref<1x1x192xf32, #tpu.memory_space<any>> -> memref<192xf32, #tpu.memory_space<any>>
    tpu.wait_dma2 semaphore(%arg20 : memref<!tpu.dma_semaphore, #tpu.memory_space<semaphore_mem>>) src(%dma_wait3A_1580 : memref<192xf32, #tpu.memory_space<any>>) dst(%dma_wait3A_1577 : memref<192xf32, #tpu.memory_space<vmem>>)
    %dma_wait3A_1581 = arith.constant 18 : i32
    %dma_wait3A_1582 = arith.constant 0 : i32
    %dma_wait3A_1583 = arith.constant 18 : i32
    %dma_wait3A_1584 = arith.constant 0 : i32
    %dma_wait3A_1585 = tpu.memref_slice %arg19[%dma_wait3A_1583, %dma_wait3A_1584] : memref<32x28672xf32, #tpu.memory_space<vmem>> -> memref<1x28672xf32, #tpu.memory_space<vmem>>
    %dma_wait3A_1586 = tpu.memref_squeeze %dma_wait3A_1585 : memref<1x28672xf32, #tpu.memory_space<vmem>> -> memref<28672xf32, #tpu.memory_space<vmem>>
    %dma_wait3A_1587 = tpu.memref_slice %arg4[%dma_wait3A_1581, %dma_wait3A_1582, %multiple_of3A_185] : memref<32x1x1000000xf32, #tpu.memory_space<any>> -> memref<1x1x28672xf32, #tpu.memory_space<any>>
    %dma_wait3A_1588 = tpu.memref_squeeze %dma_wait3A_1587 : memref<1x1x28672xf32, #tpu.memory_space<any>> -> memref<28672xf32, #tpu.memory_space<any>>
    tpu.wait_dma2 semaphore(%arg20 : memref<!tpu.dma_semaphore, #tpu.memory_space<semaphore_mem>>) src(%dma_wait3A_1588 : memref<28672xf32, #tpu.memory_space<any>>) dst(%dma_wait3A_1586 : memref<28672xf32, #tpu.memory_space<vmem>>)
    %dma_wait3A_1589 = arith.constant 19 : i32
    %dma_wait3A_1590 = arith.constant 0 : i32
    %dma_wait3A_1591 = arith.constant 19 : i32
    %dma_wait3A_1592 = arith.constant 0 : i32
    %dma_wait3A_1593 = tpu.memref_slice %arg17[%dma_wait3A_1591, %dma_wait3A_1592] : memref<32x65536xf32, #tpu.memory_space<vmem>> -> memref<1x65536xf32, #tpu.memory_space<vmem>>
    %dma_wait3A_1594 = tpu.memref_squeeze %dma_wait3A_1593 : memref<1x65536xf32, #tpu.memory_space<vmem>> -> memref<65536xf32, #tpu.memory_space<vmem>>
    %dma_wait3A_1595 = tpu.memref_slice %arg4[%dma_wait3A_1589, %dma_wait3A_1590, %multiple_of3A_192] : memref<32x1x1000000xf32, #tpu.memory_space<any>> -> memref<1x1x65536xf32, #tpu.memory_space<any>>
    %dma_wait3A_1596 = tpu.memref_squeeze %dma_wait3A_1595 : memref<1x1x65536xf32, #tpu.memory_space<any>> -> memref<65536xf32, #tpu.memory_space<any>>
    tpu.wait_dma2 semaphore(%arg20 : memref<!tpu.dma_semaphore, #tpu.memory_space<semaphore_mem>>) src(%dma_wait3A_1596 : memref<65536xf32, #tpu.memory_space<any>>) dst(%dma_wait3A_1594 : memref<65536xf32, #tpu.memory_space<vmem>>)
    %dma_wait3A_1597 = arith.constant 19 : i32
    %dma_wait3A_1598 = arith.constant 0 : i32
    %dma_wait3A_1599 = arith.constant 19 : i32
    %dma_wait3A_1600 = arith.constant 0 : i32
    %dma_wait3A_1601 = tpu.memref_slice %arg18[%dma_wait3A_1599, %dma_wait3A_1600] : memref<32x192xf32, #tpu.memory_space<vmem>> -> memref<1x192xf32, #tpu.memory_space<vmem>>
    %dma_wait3A_1602 = tpu.memref_squeeze %dma_wait3A_1601 : memref<1x192xf32, #tpu.memory_space<vmem>> -> memref<192xf32, #tpu.memory_space<vmem>>
    %dma_wait3A_1603 = arith.constant 999808 : i32
    %dma_wait3A_1604 = tpu.memref_slice %arg4[%dma_wait3A_1597, %dma_wait3A_1598, %dma_wait3A_1603] : memref<32x1x1000000xf32, #tpu.memory_space<any>> -> memref<1x1x192xf32, #tpu.memory_space<any>>
    %dma_wait3A_1605 = tpu.memref_squeeze %dma_wait3A_1604 : memref<1x1x192xf32, #tpu.memory_space<any>> -> memref<192xf32, #tpu.memory_space<any>>
    tpu.wait_dma2 semaphore(%arg20 : memref<!tpu.dma_semaphore, #tpu.memory_space<semaphore_mem>>) src(%dma_wait3A_1605 : memref<192xf32, #tpu.memory_space<any>>) dst(%dma_wait3A_1602 : memref<192xf32, #tpu.memory_space<vmem>>)
    %dma_wait3A_1606 = arith.constant 19 : i32
    %dma_wait3A_1607 = arith.constant 0 : i32
    %dma_wait3A_1608 = arith.constant 19 : i32
    %dma_wait3A_1609 = arith.constant 0 : i32
    %dma_wait3A_1610 = tpu.memref_slice %arg19[%dma_wait3A_1608, %dma_wait3A_1609] : memref<32x28672xf32, #tpu.memory_space<vmem>> -> memref<1x28672xf32, #tpu.memory_space<vmem>>
    %dma_wait3A_1611 = tpu.memref_squeeze %dma_wait3A_1610 : memref<1x28672xf32, #tpu.memory_space<vmem>> -> memref<28672xf32, #tpu.memory_space<vmem>>
    %dma_wait3A_1612 = tpu.memref_slice %arg4[%dma_wait3A_1606, %dma_wait3A_1607, %multiple_of3A_195] : memref<32x1x1000000xf32, #tpu.memory_space<any>> -> memref<1x1x28672xf32, #tpu.memory_space<any>>
    %dma_wait3A_1613 = tpu.memref_squeeze %dma_wait3A_1612 : memref<1x1x28672xf32, #tpu.memory_space<any>> -> memref<28672xf32, #tpu.memory_space<any>>
    tpu.wait_dma2 semaphore(%arg20 : memref<!tpu.dma_semaphore, #tpu.memory_space<semaphore_mem>>) src(%dma_wait3A_1613 : memref<28672xf32, #tpu.memory_space<any>>) dst(%dma_wait3A_1611 : memref<28672xf32, #tpu.memory_space<vmem>>)
    %dma_wait3A_1614 = arith.constant 20 : i32
    %dma_wait3A_1615 = arith.constant 0 : i32
    %dma_wait3A_1616 = arith.constant 20 : i32
    %dma_wait3A_1617 = arith.constant 0 : i32
    %dma_wait3A_1618 = tpu.memref_slice %arg17[%dma_wait3A_1616, %dma_wait3A_1617] : memref<32x65536xf32, #tpu.memory_space<vmem>> -> memref<1x65536xf32, #tpu.memory_space<vmem>>
    %dma_wait3A_1619 = tpu.memref_squeeze %dma_wait3A_1618 : memref<1x65536xf32, #tpu.memory_space<vmem>> -> memref<65536xf32, #tpu.memory_space<vmem>>
    %dma_wait3A_1620 = tpu.memref_slice %arg4[%dma_wait3A_1614, %dma_wait3A_1615, %multiple_of3A_202] : memref<32x1x1000000xf32, #tpu.memory_space<any>> -> memref<1x1x65536xf32, #tpu.memory_space<any>>
    %dma_wait3A_1621 = tpu.memref_squeeze %dma_wait3A_1620 : memref<1x1x65536xf32, #tpu.memory_space<any>> -> memref<65536xf32, #tpu.memory_space<any>>
    tpu.wait_dma2 semaphore(%arg20 : memref<!tpu.dma_semaphore, #tpu.memory_space<semaphore_mem>>) src(%dma_wait3A_1621 : memref<65536xf32, #tpu.memory_space<any>>) dst(%dma_wait3A_1619 : memref<65536xf32, #tpu.memory_space<vmem>>)
    %dma_wait3A_1622 = arith.constant 20 : i32
    %dma_wait3A_1623 = arith.constant 0 : i32
    %dma_wait3A_1624 = arith.constant 20 : i32
    %dma_wait3A_1625 = arith.constant 0 : i32
    %dma_wait3A_1626 = tpu.memref_slice %arg18[%dma_wait3A_1624, %dma_wait3A_1625] : memref<32x192xf32, #tpu.memory_space<vmem>> -> memref<1x192xf32, #tpu.memory_space<vmem>>
    %dma_wait3A_1627 = tpu.memref_squeeze %dma_wait3A_1626 : memref<1x192xf32, #tpu.memory_space<vmem>> -> memref<192xf32, #tpu.memory_space<vmem>>
    %dma_wait3A_1628 = arith.constant 999808 : i32
    %dma_wait3A_1629 = tpu.memref_slice %arg4[%dma_wait3A_1622, %dma_wait3A_1623, %dma_wait3A_1628] : memref<32x1x1000000xf32, #tpu.memory_space<any>> -> memref<1x1x192xf32, #tpu.memory_space<any>>
    %dma_wait3A_1630 = tpu.memref_squeeze %dma_wait3A_1629 : memref<1x1x192xf32, #tpu.memory_space<any>> -> memref<192xf32, #tpu.memory_space<any>>
    tpu.wait_dma2 semaphore(%arg20 : memref<!tpu.dma_semaphore, #tpu.memory_space<semaphore_mem>>) src(%dma_wait3A_1630 : memref<192xf32, #tpu.memory_space<any>>) dst(%dma_wait3A_1627 : memref<192xf32, #tpu.memory_space<vmem>>)
    %dma_wait3A_1631 = arith.constant 20 : i32
    %dma_wait3A_1632 = arith.constant 0 : i32
    %dma_wait3A_1633 = arith.constant 20 : i32
    %dma_wait3A_1634 = arith.constant 0 : i32
    %dma_wait3A_1635 = tpu.memref_slice %arg19[%dma_wait3A_1633, %dma_wait3A_1634] : memref<32x28672xf32, #tpu.memory_space<vmem>> -> memref<1x28672xf32, #tpu.memory_space<vmem>>
    %dma_wait3A_1636 = tpu.memref_squeeze %dma_wait3A_1635 : memref<1x28672xf32, #tpu.memory_space<vmem>> -> memref<28672xf32, #tpu.memory_space<vmem>>
    %dma_wait3A_1637 = tpu.memref_slice %arg4[%dma_wait3A_1631, %dma_wait3A_1632, %multiple_of3A_205] : memref<32x1x1000000xf32, #tpu.memory_space<any>> -> memref<1x1x28672xf32, #tpu.memory_space<any>>
    %dma_wait3A_1638 = tpu.memref_squeeze %dma_wait3A_1637 : memref<1x1x28672xf32, #tpu.memory_space<any>> -> memref<28672xf32, #tpu.memory_space<any>>
    tpu.wait_dma2 semaphore(%arg20 : memref<!tpu.dma_semaphore, #tpu.memory_space<semaphore_mem>>) src(%dma_wait3A_1638 : memref<28672xf32, #tpu.memory_space<any>>) dst(%dma_wait3A_1636 : memref<28672xf32, #tpu.memory_space<vmem>>)
    %dma_wait3A_1639 = arith.constant 21 : i32
    %dma_wait3A_1640 = arith.constant 0 : i32
    %dma_wait3A_1641 = arith.constant 21 : i32
    %dma_wait3A_1642 = arith.constant 0 : i32
    %dma_wait3A_1643 = tpu.memref_slice %arg17[%dma_wait3A_1641, %dma_wait3A_1642] : memref<32x65536xf32, #tpu.memory_space<vmem>> -> memref<1x65536xf32, #tpu.memory_space<vmem>>
    %dma_wait3A_1644 = tpu.memref_squeeze %dma_wait3A_1643 : memref<1x65536xf32, #tpu.memory_space<vmem>> -> memref<65536xf32, #tpu.memory_space<vmem>>
    %dma_wait3A_1645 = tpu.memref_slice %arg4[%dma_wait3A_1639, %dma_wait3A_1640, %multiple_of3A_212] : memref<32x1x1000000xf32, #tpu.memory_space<any>> -> memref<1x1x65536xf32, #tpu.memory_space<any>>
    %dma_wait3A_1646 = tpu.memref_squeeze %dma_wait3A_1645 : memref<1x1x65536xf32, #tpu.memory_space<any>> -> memref<65536xf32, #tpu.memory_space<any>>
    tpu.wait_dma2 semaphore(%arg20 : memref<!tpu.dma_semaphore, #tpu.memory_space<semaphore_mem>>) src(%dma_wait3A_1646 : memref<65536xf32, #tpu.memory_space<any>>) dst(%dma_wait3A_1644 : memref<65536xf32, #tpu.memory_space<vmem>>)
    %dma_wait3A_1647 = arith.constant 21 : i32
    %dma_wait3A_1648 = arith.constant 0 : i32
    %dma_wait3A_1649 = arith.constant 21 : i32
    %dma_wait3A_1650 = arith.constant 0 : i32
    %dma_wait3A_1651 = tpu.memref_slice %arg18[%dma_wait3A_1649, %dma_wait3A_1650] : memref<32x192xf32, #tpu.memory_space<vmem>> -> memref<1x192xf32, #tpu.memory_space<vmem>>
    %dma_wait3A_1652 = tpu.memref_squeeze %dma_wait3A_1651 : memref<1x192xf32, #tpu.memory_space<vmem>> -> memref<192xf32, #tpu.memory_space<vmem>>
    %dma_wait3A_1653 = arith.constant 999808 : i32
    %dma_wait3A_1654 = tpu.memref_slice %arg4[%dma_wait3A_1647, %dma_wait3A_1648, %dma_wait3A_1653] : memref<32x1x1000000xf32, #tpu.memory_space<any>> -> memref<1x1x192xf32, #tpu.memory_space<any>>
    %dma_wait3A_1655 = tpu.memref_squeeze %dma_wait3A_1654 : memref<1x1x192xf32, #tpu.memory_space<any>> -> memref<192xf32, #tpu.memory_space<any>>
    tpu.wait_dma2 semaphore(%arg20 : memref<!tpu.dma_semaphore, #tpu.memory_space<semaphore_mem>>) src(%dma_wait3A_1655 : memref<192xf32, #tpu.memory_space<any>>) dst(%dma_wait3A_1652 : memref<192xf32, #tpu.memory_space<vmem>>)
    %dma_wait3A_1656 = arith.constant 21 : i32
    %dma_wait3A_1657 = arith.constant 0 : i32
    %dma_wait3A_1658 = arith.constant 21 : i32
    %dma_wait3A_1659 = arith.constant 0 : i32
    %dma_wait3A_1660 = tpu.memref_slice %arg19[%dma_wait3A_1658, %dma_wait3A_1659] : memref<32x28672xf32, #tpu.memory_space<vmem>> -> memref<1x28672xf32, #tpu.memory_space<vmem>>
    %dma_wait3A_1661 = tpu.memref_squeeze %dma_wait3A_1660 : memref<1x28672xf32, #tpu.memory_space<vmem>> -> memref<28672xf32, #tpu.memory_space<vmem>>
    %dma_wait3A_1662 = tpu.memref_slice %arg4[%dma_wait3A_1656, %dma_wait3A_1657, %multiple_of3A_215] : memref<32x1x1000000xf32, #tpu.memory_space<any>> -> memref<1x1x28672xf32, #tpu.memory_space<any>>
    %dma_wait3A_1663 = tpu.memref_squeeze %dma_wait3A_1662 : memref<1x1x28672xf32, #tpu.memory_space<any>> -> memref<28672xf32, #tpu.memory_space<any>>
    tpu.wait_dma2 semaphore(%arg20 : memref<!tpu.dma_semaphore, #tpu.memory_space<semaphore_mem>>) src(%dma_wait3A_1663 : memref<28672xf32, #tpu.memory_space<any>>) dst(%dma_wait3A_1661 : memref<28672xf32, #tpu.memory_space<vmem>>)
    %dma_wait3A_1664 = arith.constant 22 : i32
    %dma_wait3A_1665 = arith.constant 0 : i32
    %dma_wait3A_1666 = arith.constant 22 : i32
    %dma_wait3A_1667 = arith.constant 0 : i32
    %dma_wait3A_1668 = tpu.memref_slice %arg17[%dma_wait3A_1666, %dma_wait3A_1667] : memref<32x65536xf32, #tpu.memory_space<vmem>> -> memref<1x65536xf32, #tpu.memory_space<vmem>>
    %dma_wait3A_1669 = tpu.memref_squeeze %dma_wait3A_1668 : memref<1x65536xf32, #tpu.memory_space<vmem>> -> memref<65536xf32, #tpu.memory_space<vmem>>
    %dma_wait3A_1670 = tpu.memref_slice %arg4[%dma_wait3A_1664, %dma_wait3A_1665, %multiple_of3A_222] : memref<32x1x1000000xf32, #tpu.memory_space<any>> -> memref<1x1x65536xf32, #tpu.memory_space<any>>
    %dma_wait3A_1671 = tpu.memref_squeeze %dma_wait3A_1670 : memref<1x1x65536xf32, #tpu.memory_space<any>> -> memref<65536xf32, #tpu.memory_space<any>>
    tpu.wait_dma2 semaphore(%arg20 : memref<!tpu.dma_semaphore, #tpu.memory_space<semaphore_mem>>) src(%dma_wait3A_1671 : memref<65536xf32, #tpu.memory_space<any>>) dst(%dma_wait3A_1669 : memref<65536xf32, #tpu.memory_space<vmem>>)
    %dma_wait3A_1672 = arith.constant 22 : i32
    %dma_wait3A_1673 = arith.constant 0 : i32
    %dma_wait3A_1674 = arith.constant 22 : i32
    %dma_wait3A_1675 = arith.constant 0 : i32
    %dma_wait3A_1676 = tpu.memref_slice %arg18[%dma_wait3A_1674, %dma_wait3A_1675] : memref<32x192xf32, #tpu.memory_space<vmem>> -> memref<1x192xf32, #tpu.memory_space<vmem>>
    %dma_wait3A_1677 = tpu.memref_squeeze %dma_wait3A_1676 : memref<1x192xf32, #tpu.memory_space<vmem>> -> memref<192xf32, #tpu.memory_space<vmem>>
    %dma_wait3A_1678 = arith.constant 999808 : i32
    %dma_wait3A_1679 = tpu.memref_slice %arg4[%dma_wait3A_1672, %dma_wait3A_1673, %dma_wait3A_1678] : memref<32x1x1000000xf32, #tpu.memory_space<any>> -> memref<1x1x192xf32, #tpu.memory_space<any>>
    %dma_wait3A_1680 = tpu.memref_squeeze %dma_wait3A_1679 : memref<1x1x192xf32, #tpu.memory_space<any>> -> memref<192xf32, #tpu.memory_space<any>>
    tpu.wait_dma2 semaphore(%arg20 : memref<!tpu.dma_semaphore, #tpu.memory_space<semaphore_mem>>) src(%dma_wait3A_1680 : memref<192xf32, #tpu.memory_space<any>>) dst(%dma_wait3A_1677 : memref<192xf32, #tpu.memory_space<vmem>>)
    %dma_wait3A_1681 = arith.constant 22 : i32
    %dma_wait3A_1682 = arith.constant 0 : i32
    %dma_wait3A_1683 = arith.constant 22 : i32
    %dma_wait3A_1684 = arith.constant 0 : i32
    %dma_wait3A_1685 = tpu.memref_slice %arg19[%dma_wait3A_1683, %dma_wait3A_1684] : memref<32x28672xf32, #tpu.memory_space<vmem>> -> memref<1x28672xf32, #tpu.memory_space<vmem>>
    %dma_wait3A_1686 = tpu.memref_squeeze %dma_wait3A_1685 : memref<1x28672xf32, #tpu.memory_space<vmem>> -> memref<28672xf32, #tpu.memory_space<vmem>>
    %dma_wait3A_1687 = tpu.memref_slice %arg4[%dma_wait3A_1681, %dma_wait3A_1682, %multiple_of3A_225] : memref<32x1x1000000xf32, #tpu.memory_space<any>> -> memref<1x1x28672xf32, #tpu.memory_space<any>>
    %dma_wait3A_1688 = tpu.memref_squeeze %dma_wait3A_1687 : memref<1x1x28672xf32, #tpu.memory_space<any>> -> memref<28672xf32, #tpu.memory_space<any>>
    tpu.wait_dma2 semaphore(%arg20 : memref<!tpu.dma_semaphore, #tpu.memory_space<semaphore_mem>>) src(%dma_wait3A_1688 : memref<28672xf32, #tpu.memory_space<any>>) dst(%dma_wait3A_1686 : memref<28672xf32, #tpu.memory_space<vmem>>)
    %dma_wait3A_1689 = arith.constant 23 : i32
    %dma_wait3A_1690 = arith.constant 0 : i32
    %dma_wait3A_1691 = arith.constant 23 : i32
    %dma_wait3A_1692 = arith.constant 0 : i32
    %dma_wait3A_1693 = tpu.memref_slice %arg17[%dma_wait3A_1691, %dma_wait3A_1692] : memref<32x65536xf32, #tpu.memory_space<vmem>> -> memref<1x65536xf32, #tpu.memory_space<vmem>>
    %dma_wait3A_1694 = tpu.memref_squeeze %dma_wait3A_1693 : memref<1x65536xf32, #tpu.memory_space<vmem>> -> memref<65536xf32, #tpu.memory_space<vmem>>
    %dma_wait3A_1695 = tpu.memref_slice %arg4[%dma_wait3A_1689, %dma_wait3A_1690, %multiple_of3A_232] : memref<32x1x1000000xf32, #tpu.memory_space<any>> -> memref<1x1x65536xf32, #tpu.memory_space<any>>
    %dma_wait3A_1696 = tpu.memref_squeeze %dma_wait3A_1695 : memref<1x1x65536xf32, #tpu.memory_space<any>> -> memref<65536xf32, #tpu.memory_space<any>>
    tpu.wait_dma2 semaphore(%arg20 : memref<!tpu.dma_semaphore, #tpu.memory_space<semaphore_mem>>) src(%dma_wait3A_1696 : memref<65536xf32, #tpu.memory_space<any>>) dst(%dma_wait3A_1694 : memref<65536xf32, #tpu.memory_space<vmem>>)
    %dma_wait3A_1697 = arith.constant 23 : i32
    %dma_wait3A_1698 = arith.constant 0 : i32
    %dma_wait3A_1699 = arith.constant 23 : i32
    %dma_wait3A_1700 = arith.constant 0 : i32
    %dma_wait3A_1701 = tpu.memref_slice %arg18[%dma_wait3A_1699, %dma_wait3A_1700] : memref<32x192xf32, #tpu.memory_space<vmem>> -> memref<1x192xf32, #tpu.memory_space<vmem>>
    %dma_wait3A_1702 = tpu.memref_squeeze %dma_wait3A_1701 : memref<1x192xf32, #tpu.memory_space<vmem>> -> memref<192xf32, #tpu.memory_space<vmem>>
    %dma_wait3A_1703 = arith.constant 999808 : i32
    %dma_wait3A_1704 = tpu.memref_slice %arg4[%dma_wait3A_1697, %dma_wait3A_1698, %dma_wait3A_1703] : memref<32x1x1000000xf32, #tpu.memory_space<any>> -> memref<1x1x192xf32, #tpu.memory_space<any>>
    %dma_wait3A_1705 = tpu.memref_squeeze %dma_wait3A_1704 : memref<1x1x192xf32, #tpu.memory_space<any>> -> memref<192xf32, #tpu.memory_space<any>>
    tpu.wait_dma2 semaphore(%arg20 : memref<!tpu.dma_semaphore, #tpu.memory_space<semaphore_mem>>) src(%dma_wait3A_1705 : memref<192xf32, #tpu.memory_space<any>>) dst(%dma_wait3A_1702 : memref<192xf32, #tpu.memory_space<vmem>>)
    %dma_wait3A_1706 = arith.constant 23 : i32
    %dma_wait3A_1707 = arith.constant 0 : i32
    %dma_wait3A_1708 = arith.constant 23 : i32
    %dma_wait3A_1709 = arith.constant 0 : i32
    %dma_wait3A_1710 = tpu.memref_slice %arg19[%dma_wait3A_1708, %dma_wait3A_1709] : memref<32x28672xf32, #tpu.memory_space<vmem>> -> memref<1x28672xf32, #tpu.memory_space<vmem>>
    %dma_wait3A_1711 = tpu.memref_squeeze %dma_wait3A_1710 : memref<1x28672xf32, #tpu.memory_space<vmem>> -> memref<28672xf32, #tpu.memory_space<vmem>>
    %dma_wait3A_1712 = tpu.memref_slice %arg4[%dma_wait3A_1706, %dma_wait3A_1707, %multiple_of3A_235] : memref<32x1x1000000xf32, #tpu.memory_space<any>> -> memref<1x1x28672xf32, #tpu.memory_space<any>>
    %dma_wait3A_1713 = tpu.memref_squeeze %dma_wait3A_1712 : memref<1x1x28672xf32, #tpu.memory_space<any>> -> memref<28672xf32, #tpu.memory_space<any>>
    tpu.wait_dma2 semaphore(%arg20 : memref<!tpu.dma_semaphore, #tpu.memory_space<semaphore_mem>>) src(%dma_wait3A_1713 : memref<28672xf32, #tpu.memory_space<any>>) dst(%dma_wait3A_1711 : memref<28672xf32, #tpu.memory_space<vmem>>)
    %dma_wait3A_1714 = arith.constant 24 : i32
    %dma_wait3A_1715 = arith.constant 0 : i32
    %dma_wait3A_1716 = arith.constant 24 : i32
    %dma_wait3A_1717 = arith.constant 0 : i32
    %dma_wait3A_1718 = tpu.memref_slice %arg17[%dma_wait3A_1716, %dma_wait3A_1717] : memref<32x65536xf32, #tpu.memory_space<vmem>> -> memref<1x65536xf32, #tpu.memory_space<vmem>>
    %dma_wait3A_1719 = tpu.memref_squeeze %dma_wait3A_1718 : memref<1x65536xf32, #tpu.memory_space<vmem>> -> memref<65536xf32, #tpu.memory_space<vmem>>
    %dma_wait3A_1720 = tpu.memref_slice %arg4[%dma_wait3A_1714, %dma_wait3A_1715, %multiple_of3A_242] : memref<32x1x1000000xf32, #tpu.memory_space<any>> -> memref<1x1x65536xf32, #tpu.memory_space<any>>
    %dma_wait3A_1721 = tpu.memref_squeeze %dma_wait3A_1720 : memref<1x1x65536xf32, #tpu.memory_space<any>> -> memref<65536xf32, #tpu.memory_space<any>>
    tpu.wait_dma2 semaphore(%arg20 : memref<!tpu.dma_semaphore, #tpu.memory_space<semaphore_mem>>) src(%dma_wait3A_1721 : memref<65536xf32, #tpu.memory_space<any>>) dst(%dma_wait3A_1719 : memref<65536xf32, #tpu.memory_space<vmem>>)
    %dma_wait3A_1722 = arith.constant 24 : i32
    %dma_wait3A_1723 = arith.constant 0 : i32
    %dma_wait3A_1724 = arith.constant 24 : i32
    %dma_wait3A_1725 = arith.constant 0 : i32
    %dma_wait3A_1726 = tpu.memref_slice %arg18[%dma_wait3A_1724, %dma_wait3A_1725] : memref<32x192xf32, #tpu.memory_space<vmem>> -> memref<1x192xf32, #tpu.memory_space<vmem>>
    %dma_wait3A_1727 = tpu.memref_squeeze %dma_wait3A_1726 : memref<1x192xf32, #tpu.memory_space<vmem>> -> memref<192xf32, #tpu.memory_space<vmem>>
    %dma_wait3A_1728 = arith.constant 999808 : i32
    %dma_wait3A_1729 = tpu.memref_slice %arg4[%dma_wait3A_1722, %dma_wait3A_1723, %dma_wait3A_1728] : memref<32x1x1000000xf32, #tpu.memory_space<any>> -> memref<1x1x192xf32, #tpu.memory_space<any>>
    %dma_wait3A_1730 = tpu.memref_squeeze %dma_wait3A_1729 : memref<1x1x192xf32, #tpu.memory_space<any>> -> memref<192xf32, #tpu.memory_space<any>>
    tpu.wait_dma2 semaphore(%arg20 : memref<!tpu.dma_semaphore, #tpu.memory_space<semaphore_mem>>) src(%dma_wait3A_1730 : memref<192xf32, #tpu.memory_space<any>>) dst(%dma_wait3A_1727 : memref<192xf32, #tpu.memory_space<vmem>>)
    %dma_wait3A_1731 = arith.constant 24 : i32
    %dma_wait3A_1732 = arith.constant 0 : i32
    %dma_wait3A_1733 = arith.constant 24 : i32
    %dma_wait3A_1734 = arith.constant 0 : i32
    %dma_wait3A_1735 = tpu.memref_slice %arg19[%dma_wait3A_1733, %dma_wait3A_1734] : memref<32x28672xf32, #tpu.memory_space<vmem>> -> memref<1x28672xf32, #tpu.memory_space<vmem>>
    %dma_wait3A_1736 = tpu.memref_squeeze %dma_wait3A_1735 : memref<1x28672xf32, #tpu.memory_space<vmem>> -> memref<28672xf32, #tpu.memory_space<vmem>>
    %dma_wait3A_1737 = tpu.memref_slice %arg4[%dma_wait3A_1731, %dma_wait3A_1732, %multiple_of3A_245] : memref<32x1x1000000xf32, #tpu.memory_space<any>> -> memref<1x1x28672xf32, #tpu.memory_space<any>>
    %dma_wait3A_1738 = tpu.memref_squeeze %dma_wait3A_1737 : memref<1x1x28672xf32, #tpu.memory_space<any>> -> memref<28672xf32, #tpu.memory_space<any>>
    tpu.wait_dma2 semaphore(%arg20 : memref<!tpu.dma_semaphore, #tpu.memory_space<semaphore_mem>>) src(%dma_wait3A_1738 : memref<28672xf32, #tpu.memory_space<any>>) dst(%dma_wait3A_1736 : memref<28672xf32, #tpu.memory_space<vmem>>)
    %dma_wait3A_1739 = arith.constant 25 : i32
    %dma_wait3A_1740 = arith.constant 0 : i32
    %dma_wait3A_1741 = arith.constant 25 : i32
    %dma_wait3A_1742 = arith.constant 0 : i32
    %dma_wait3A_1743 = tpu.memref_slice %arg17[%dma_wait3A_1741, %dma_wait3A_1742] : memref<32x65536xf32, #tpu.memory_space<vmem>> -> memref<1x65536xf32, #tpu.memory_space<vmem>>
    %dma_wait3A_1744 = tpu.memref_squeeze %dma_wait3A_1743 : memref<1x65536xf32, #tpu.memory_space<vmem>> -> memref<65536xf32, #tpu.memory_space<vmem>>
    %dma_wait3A_1745 = tpu.memref_slice %arg4[%dma_wait3A_1739, %dma_wait3A_1740, %multiple_of3A_252] : memref<32x1x1000000xf32, #tpu.memory_space<any>> -> memref<1x1x65536xf32, #tpu.memory_space<any>>
    %dma_wait3A_1746 = tpu.memref_squeeze %dma_wait3A_1745 : memref<1x1x65536xf32, #tpu.memory_space<any>> -> memref<65536xf32, #tpu.memory_space<any>>
    tpu.wait_dma2 semaphore(%arg20 : memref<!tpu.dma_semaphore, #tpu.memory_space<semaphore_mem>>) src(%dma_wait3A_1746 : memref<65536xf32, #tpu.memory_space<any>>) dst(%dma_wait3A_1744 : memref<65536xf32, #tpu.memory_space<vmem>>)
    %dma_wait3A_1747 = arith.constant 25 : i32
    %dma_wait3A_1748 = arith.constant 0 : i32
    %dma_wait3A_1749 = arith.constant 25 : i32
    %dma_wait3A_1750 = arith.constant 0 : i32
    %dma_wait3A_1751 = tpu.memref_slice %arg18[%dma_wait3A_1749, %dma_wait3A_1750] : memref<32x192xf32, #tpu.memory_space<vmem>> -> memref<1x192xf32, #tpu.memory_space<vmem>>
    %dma_wait3A_1752 = tpu.memref_squeeze %dma_wait3A_1751 : memref<1x192xf32, #tpu.memory_space<vmem>> -> memref<192xf32, #tpu.memory_space<vmem>>
    %dma_wait3A_1753 = arith.constant 999808 : i32
    %dma_wait3A_1754 = tpu.memref_slice %arg4[%dma_wait3A_1747, %dma_wait3A_1748, %dma_wait3A_1753] : memref<32x1x1000000xf32, #tpu.memory_space<any>> -> memref<1x1x192xf32, #tpu.memory_space<any>>
    %dma_wait3A_1755 = tpu.memref_squeeze %dma_wait3A_1754 : memref<1x1x192xf32, #tpu.memory_space<any>> -> memref<192xf32, #tpu.memory_space<any>>
    tpu.wait_dma2 semaphore(%arg20 : memref<!tpu.dma_semaphore, #tpu.memory_space<semaphore_mem>>) src(%dma_wait3A_1755 : memref<192xf32, #tpu.memory_space<any>>) dst(%dma_wait3A_1752 : memref<192xf32, #tpu.memory_space<vmem>>)
    %dma_wait3A_1756 = arith.constant 25 : i32
    %dma_wait3A_1757 = arith.constant 0 : i32
    %dma_wait3A_1758 = arith.constant 25 : i32
    %dma_wait3A_1759 = arith.constant 0 : i32
    %dma_wait3A_1760 = tpu.memref_slice %arg19[%dma_wait3A_1758, %dma_wait3A_1759] : memref<32x28672xf32, #tpu.memory_space<vmem>> -> memref<1x28672xf32, #tpu.memory_space<vmem>>
    %dma_wait3A_1761 = tpu.memref_squeeze %dma_wait3A_1760 : memref<1x28672xf32, #tpu.memory_space<vmem>> -> memref<28672xf32, #tpu.memory_space<vmem>>
    %dma_wait3A_1762 = tpu.memref_slice %arg4[%dma_wait3A_1756, %dma_wait3A_1757, %multiple_of3A_255] : memref<32x1x1000000xf32, #tpu.memory_space<any>> -> memref<1x1x28672xf32, #tpu.memory_space<any>>
    %dma_wait3A_1763 = tpu.memref_squeeze %dma_wait3A_1762 : memref<1x1x28672xf32, #tpu.memory_space<any>> -> memref<28672xf32, #tpu.memory_space<any>>
    tpu.wait_dma2 semaphore(%arg20 : memref<!tpu.dma_semaphore, #tpu.memory_space<semaphore_mem>>) src(%dma_wait3A_1763 : memref<28672xf32, #tpu.memory_space<any>>) dst(%dma_wait3A_1761 : memref<28672xf32, #tpu.memory_space<vmem>>)
    %dma_wait3A_1764 = arith.constant 26 : i32
    %dma_wait3A_1765 = arith.constant 0 : i32
    %dma_wait3A_1766 = arith.constant 26 : i32
    %dma_wait3A_1767 = arith.constant 0 : i32
    %dma_wait3A_1768 = tpu.memref_slice %arg17[%dma_wait3A_1766, %dma_wait3A_1767] : memref<32x65536xf32, #tpu.memory_space<vmem>> -> memref<1x65536xf32, #tpu.memory_space<vmem>>
    %dma_wait3A_1769 = tpu.memref_squeeze %dma_wait3A_1768 : memref<1x65536xf32, #tpu.memory_space<vmem>> -> memref<65536xf32, #tpu.memory_space<vmem>>
    %dma_wait3A_1770 = tpu.memref_slice %arg4[%dma_wait3A_1764, %dma_wait3A_1765, %multiple_of3A_262] : memref<32x1x1000000xf32, #tpu.memory_space<any>> -> memref<1x1x65536xf32, #tpu.memory_space<any>>
    %dma_wait3A_1771 = tpu.memref_squeeze %dma_wait3A_1770 : memref<1x1x65536xf32, #tpu.memory_space<any>> -> memref<65536xf32, #tpu.memory_space<any>>
    tpu.wait_dma2 semaphore(%arg20 : memref<!tpu.dma_semaphore, #tpu.memory_space<semaphore_mem>>) src(%dma_wait3A_1771 : memref<65536xf32, #tpu.memory_space<any>>) dst(%dma_wait3A_1769 : memref<65536xf32, #tpu.memory_space<vmem>>)
    %dma_wait3A_1772 = arith.constant 26 : i32
    %dma_wait3A_1773 = arith.constant 0 : i32
    %dma_wait3A_1774 = arith.constant 26 : i32
    %dma_wait3A_1775 = arith.constant 0 : i32
    %dma_wait3A_1776 = tpu.memref_slice %arg18[%dma_wait3A_1774, %dma_wait3A_1775] : memref<32x192xf32, #tpu.memory_space<vmem>> -> memref<1x192xf32, #tpu.memory_space<vmem>>
    %dma_wait3A_1777 = tpu.memref_squeeze %dma_wait3A_1776 : memref<1x192xf32, #tpu.memory_space<vmem>> -> memref<192xf32, #tpu.memory_space<vmem>>
    %dma_wait3A_1778 = arith.constant 999808 : i32
    %dma_wait3A_1779 = tpu.memref_slice %arg4[%dma_wait3A_1772, %dma_wait3A_1773, %dma_wait3A_1778] : memref<32x1x1000000xf32, #tpu.memory_space<any>> -> memref<1x1x192xf32, #tpu.memory_space<any>>
    %dma_wait3A_1780 = tpu.memref_squeeze %dma_wait3A_1779 : memref<1x1x192xf32, #tpu.memory_space<any>> -> memref<192xf32, #tpu.memory_space<any>>
    tpu.wait_dma2 semaphore(%arg20 : memref<!tpu.dma_semaphore, #tpu.memory_space<semaphore_mem>>) src(%dma_wait3A_1780 : memref<192xf32, #tpu.memory_space<any>>) dst(%dma_wait3A_1777 : memref<192xf32, #tpu.memory_space<vmem>>)
    %dma_wait3A_1781 = arith.constant 26 : i32
    %dma_wait3A_1782 = arith.constant 0 : i32
    %dma_wait3A_1783 = arith.constant 26 : i32
    %dma_wait3A_1784 = arith.constant 0 : i32
    %dma_wait3A_1785 = tpu.memref_slice %arg19[%dma_wait3A_1783, %dma_wait3A_1784] : memref<32x28672xf32, #tpu.memory_space<vmem>> -> memref<1x28672xf32, #tpu.memory_space<vmem>>
    %dma_wait3A_1786 = tpu.memref_squeeze %dma_wait3A_1785 : memref<1x28672xf32, #tpu.memory_space<vmem>> -> memref<28672xf32, #tpu.memory_space<vmem>>
    %dma_wait3A_1787 = tpu.memref_slice %arg4[%dma_wait3A_1781, %dma_wait3A_1782, %multiple_of3A_265] : memref<32x1x1000000xf32, #tpu.memory_space<any>> -> memref<1x1x28672xf32, #tpu.memory_space<any>>
    %dma_wait3A_1788 = tpu.memref_squeeze %dma_wait3A_1787 : memref<1x1x28672xf32, #tpu.memory_space<any>> -> memref<28672xf32, #tpu.memory_space<any>>
    tpu.wait_dma2 semaphore(%arg20 : memref<!tpu.dma_semaphore, #tpu.memory_space<semaphore_mem>>) src(%dma_wait3A_1788 : memref<28672xf32, #tpu.memory_space<any>>) dst(%dma_wait3A_1786 : memref<28672xf32, #tpu.memory_space<vmem>>)
    %dma_wait3A_1789 = arith.constant 27 : i32
    %dma_wait3A_1790 = arith.constant 0 : i32
    %dma_wait3A_1791 = arith.constant 27 : i32
    %dma_wait3A_1792 = arith.constant 0 : i32
    %dma_wait3A_1793 = tpu.memref_slice %arg17[%dma_wait3A_1791, %dma_wait3A_1792] : memref<32x65536xf32, #tpu.memory_space<vmem>> -> memref<1x65536xf32, #tpu.memory_space<vmem>>
    %dma_wait3A_1794 = tpu.memref_squeeze %dma_wait3A_1793 : memref<1x65536xf32, #tpu.memory_space<vmem>> -> memref<65536xf32, #tpu.memory_space<vmem>>
    %dma_wait3A_1795 = tpu.memref_slice %arg4[%dma_wait3A_1789, %dma_wait3A_1790, %multiple_of3A_272] : memref<32x1x1000000xf32, #tpu.memory_space<any>> -> memref<1x1x65536xf32, #tpu.memory_space<any>>
    %dma_wait3A_1796 = tpu.memref_squeeze %dma_wait3A_1795 : memref<1x1x65536xf32, #tpu.memory_space<any>> -> memref<65536xf32, #tpu.memory_space<any>>
    tpu.wait_dma2 semaphore(%arg20 : memref<!tpu.dma_semaphore, #tpu.memory_space<semaphore_mem>>) src(%dma_wait3A_1796 : memref<65536xf32, #tpu.memory_space<any>>) dst(%dma_wait3A_1794 : memref<65536xf32, #tpu.memory_space<vmem>>)
    %dma_wait3A_1797 = arith.constant 27 : i32
    %dma_wait3A_1798 = arith.constant 0 : i32
    %dma_wait3A_1799 = arith.constant 27 : i32
    %dma_wait3A_1800 = arith.constant 0 : i32
    %dma_wait3A_1801 = tpu.memref_slice %arg18[%dma_wait3A_1799, %dma_wait3A_1800] : memref<32x192xf32, #tpu.memory_space<vmem>> -> memref<1x192xf32, #tpu.memory_space<vmem>>
    %dma_wait3A_1802 = tpu.memref_squeeze %dma_wait3A_1801 : memref<1x192xf32, #tpu.memory_space<vmem>> -> memref<192xf32, #tpu.memory_space<vmem>>
    %dma_wait3A_1803 = arith.constant 999808 : i32
    %dma_wait3A_1804 = tpu.memref_slice %arg4[%dma_wait3A_1797, %dma_wait3A_1798, %dma_wait3A_1803] : memref<32x1x1000000xf32, #tpu.memory_space<any>> -> memref<1x1x192xf32, #tpu.memory_space<any>>
    %dma_wait3A_1805 = tpu.memref_squeeze %dma_wait3A_1804 : memref<1x1x192xf32, #tpu.memory_space<any>> -> memref<192xf32, #tpu.memory_space<any>>
    tpu.wait_dma2 semaphore(%arg20 : memref<!tpu.dma_semaphore, #tpu.memory_space<semaphore_mem>>) src(%dma_wait3A_1805 : memref<192xf32, #tpu.memory_space<any>>) dst(%dma_wait3A_1802 : memref<192xf32, #tpu.memory_space<vmem>>)
    %dma_wait3A_1806 = arith.constant 27 : i32
    %dma_wait3A_1807 = arith.constant 0 : i32
    %dma_wait3A_1808 = arith.constant 27 : i32
    %dma_wait3A_1809 = arith.constant 0 : i32
    %dma_wait3A_1810 = tpu.memref_slice %arg19[%dma_wait3A_1808, %dma_wait3A_1809] : memref<32x28672xf32, #tpu.memory_space<vmem>> -> memref<1x28672xf32, #tpu.memory_space<vmem>>
    %dma_wait3A_1811 = tpu.memref_squeeze %dma_wait3A_1810 : memref<1x28672xf32, #tpu.memory_space<vmem>> -> memref<28672xf32, #tpu.memory_space<vmem>>
    %dma_wait3A_1812 = tpu.memref_slice %arg4[%dma_wait3A_1806, %dma_wait3A_1807, %multiple_of3A_275] : memref<32x1x1000000xf32, #tpu.memory_space<any>> -> memref<1x1x28672xf32, #tpu.memory_space<any>>
    %dma_wait3A_1813 = tpu.memref_squeeze %dma_wait3A_1812 : memref<1x1x28672xf32, #tpu.memory_space<any>> -> memref<28672xf32, #tpu.memory_space<any>>
    tpu.wait_dma2 semaphore(%arg20 : memref<!tpu.dma_semaphore, #tpu.memory_space<semaphore_mem>>) src(%dma_wait3A_1813 : memref<28672xf32, #tpu.memory_space<any>>) dst(%dma_wait3A_1811 : memref<28672xf32, #tpu.memory_space<vmem>>)
    %dma_wait3A_1814 = arith.constant 28 : i32
    %dma_wait3A_1815 = arith.constant 0 : i32
    %dma_wait3A_1816 = arith.constant 28 : i32
    %dma_wait3A_1817 = arith.constant 0 : i32
    %dma_wait3A_1818 = tpu.memref_slice %arg17[%dma_wait3A_1816, %dma_wait3A_1817] : memref<32x65536xf32, #tpu.memory_space<vmem>> -> memref<1x65536xf32, #tpu.memory_space<vmem>>
    %dma_wait3A_1819 = tpu.memref_squeeze %dma_wait3A_1818 : memref<1x65536xf32, #tpu.memory_space<vmem>> -> memref<65536xf32, #tpu.memory_space<vmem>>
    %dma_wait3A_1820 = tpu.memref_slice %arg4[%dma_wait3A_1814, %dma_wait3A_1815, %multiple_of3A_282] : memref<32x1x1000000xf32, #tpu.memory_space<any>> -> memref<1x1x65536xf32, #tpu.memory_space<any>>
    %dma_wait3A_1821 = tpu.memref_squeeze %dma_wait3A_1820 : memref<1x1x65536xf32, #tpu.memory_space<any>> -> memref<65536xf32, #tpu.memory_space<any>>
    tpu.wait_dma2 semaphore(%arg20 : memref<!tpu.dma_semaphore, #tpu.memory_space<semaphore_mem>>) src(%dma_wait3A_1821 : memref<65536xf32, #tpu.memory_space<any>>) dst(%dma_wait3A_1819 : memref<65536xf32, #tpu.memory_space<vmem>>)
    %dma_wait3A_1822 = arith.constant 28 : i32
    %dma_wait3A_1823 = arith.constant 0 : i32
    %dma_wait3A_1824 = arith.constant 28 : i32
    %dma_wait3A_1825 = arith.constant 0 : i32
    %dma_wait3A_1826 = tpu.memref_slice %arg18[%dma_wait3A_1824, %dma_wait3A_1825] : memref<32x192xf32, #tpu.memory_space<vmem>> -> memref<1x192xf32, #tpu.memory_space<vmem>>
    %dma_wait3A_1827 = tpu.memref_squeeze %dma_wait3A_1826 : memref<1x192xf32, #tpu.memory_space<vmem>> -> memref<192xf32, #tpu.memory_space<vmem>>
    %dma_wait3A_1828 = arith.constant 999808 : i32
    %dma_wait3A_1829 = tpu.memref_slice %arg4[%dma_wait3A_1822, %dma_wait3A_1823, %dma_wait3A_1828] : memref<32x1x1000000xf32, #tpu.memory_space<any>> -> memref<1x1x192xf32, #tpu.memory_space<any>>
    %dma_wait3A_1830 = tpu.memref_squeeze %dma_wait3A_1829 : memref<1x1x192xf32, #tpu.memory_space<any>> -> memref<192xf32, #tpu.memory_space<any>>
    tpu.wait_dma2 semaphore(%arg20 : memref<!tpu.dma_semaphore, #tpu.memory_space<semaphore_mem>>) src(%dma_wait3A_1830 : memref<192xf32, #tpu.memory_space<any>>) dst(%dma_wait3A_1827 : memref<192xf32, #tpu.memory_space<vmem>>)
    %dma_wait3A_1831 = arith.constant 28 : i32
    %dma_wait3A_1832 = arith.constant 0 : i32
    %dma_wait3A_1833 = arith.constant 28 : i32
    %dma_wait3A_1834 = arith.constant 0 : i32
    %dma_wait3A_1835 = tpu.memref_slice %arg19[%dma_wait3A_1833, %dma_wait3A_1834] : memref<32x28672xf32, #tpu.memory_space<vmem>> -> memref<1x28672xf32, #tpu.memory_space<vmem>>
    %dma_wait3A_1836 = tpu.memref_squeeze %dma_wait3A_1835 : memref<1x28672xf32, #tpu.memory_space<vmem>> -> memref<28672xf32, #tpu.memory_space<vmem>>
    %dma_wait3A_1837 = tpu.memref_slice %arg4[%dma_wait3A_1831, %dma_wait3A_1832, %multiple_of3A_285] : memref<32x1x1000000xf32, #tpu.memory_space<any>> -> memref<1x1x28672xf32, #tpu.memory_space<any>>
    %dma_wait3A_1838 = tpu.memref_squeeze %dma_wait3A_1837 : memref<1x1x28672xf32, #tpu.memory_space<any>> -> memref<28672xf32, #tpu.memory_space<any>>
    tpu.wait_dma2 semaphore(%arg20 : memref<!tpu.dma_semaphore, #tpu.memory_space<semaphore_mem>>) src(%dma_wait3A_1838 : memref<28672xf32, #tpu.memory_space<any>>) dst(%dma_wait3A_1836 : memref<28672xf32, #tpu.memory_space<vmem>>)
    %dma_wait3A_1839 = arith.constant 29 : i32
    %dma_wait3A_1840 = arith.constant 0 : i32
    %dma_wait3A_1841 = arith.constant 29 : i32
    %dma_wait3A_1842 = arith.constant 0 : i32
    %dma_wait3A_1843 = tpu.memref_slice %arg17[%dma_wait3A_1841, %dma_wait3A_1842] : memref<32x65536xf32, #tpu.memory_space<vmem>> -> memref<1x65536xf32, #tpu.memory_space<vmem>>
    %dma_wait3A_1844 = tpu.memref_squeeze %dma_wait3A_1843 : memref<1x65536xf32, #tpu.memory_space<vmem>> -> memref<65536xf32, #tpu.memory_space<vmem>>
    %dma_wait3A_1845 = tpu.memref_slice %arg4[%dma_wait3A_1839, %dma_wait3A_1840, %multiple_of3A_292] : memref<32x1x1000000xf32, #tpu.memory_space<any>> -> memref<1x1x65536xf32, #tpu.memory_space<any>>
    %dma_wait3A_1846 = tpu.memref_squeeze %dma_wait3A_1845 : memref<1x1x65536xf32, #tpu.memory_space<any>> -> memref<65536xf32, #tpu.memory_space<any>>
    tpu.wait_dma2 semaphore(%arg20 : memref<!tpu.dma_semaphore, #tpu.memory_space<semaphore_mem>>) src(%dma_wait3A_1846 : memref<65536xf32, #tpu.memory_space<any>>) dst(%dma_wait3A_1844 : memref<65536xf32, #tpu.memory_space<vmem>>)
    %dma_wait3A_1847 = arith.constant 29 : i32
    %dma_wait3A_1848 = arith.constant 0 : i32
    %dma_wait3A_1849 = arith.constant 29 : i32
    %dma_wait3A_1850 = arith.constant 0 : i32
    %dma_wait3A_1851 = tpu.memref_slice %arg18[%dma_wait3A_1849, %dma_wait3A_1850] : memref<32x192xf32, #tpu.memory_space<vmem>> -> memref<1x192xf32, #tpu.memory_space<vmem>>
    %dma_wait3A_1852 = tpu.memref_squeeze %dma_wait3A_1851 : memref<1x192xf32, #tpu.memory_space<vmem>> -> memref<192xf32, #tpu.memory_space<vmem>>
    %dma_wait3A_1853 = arith.constant 999808 : i32
    %dma_wait3A_1854 = tpu.memref_slice %arg4[%dma_wait3A_1847, %dma_wait3A_1848, %dma_wait3A_1853] : memref<32x1x1000000xf32, #tpu.memory_space<any>> -> memref<1x1x192xf32, #tpu.memory_space<any>>
    %dma_wait3A_1855 = tpu.memref_squeeze %dma_wait3A_1854 : memref<1x1x192xf32, #tpu.memory_space<any>> -> memref<192xf32, #tpu.memory_space<any>>
    tpu.wait_dma2 semaphore(%arg20 : memref<!tpu.dma_semaphore, #tpu.memory_space<semaphore_mem>>) src(%dma_wait3A_1855 : memref<192xf32, #tpu.memory_space<any>>) dst(%dma_wait3A_1852 : memref<192xf32, #tpu.memory_space<vmem>>)
    %dma_wait3A_1856 = arith.constant 29 : i32
    %dma_wait3A_1857 = arith.constant 0 : i32
    %dma_wait3A_1858 = arith.constant 29 : i32
    %dma_wait3A_1859 = arith.constant 0 : i32
    %dma_wait3A_1860 = tpu.memref_slice %arg19[%dma_wait3A_1858, %dma_wait3A_1859] : memref<32x28672xf32, #tpu.memory_space<vmem>> -> memref<1x28672xf32, #tpu.memory_space<vmem>>
    %dma_wait3A_1861 = tpu.memref_squeeze %dma_wait3A_1860 : memref<1x28672xf32, #tpu.memory_space<vmem>> -> memref<28672xf32, #tpu.memory_space<vmem>>
    %dma_wait3A_1862 = tpu.memref_slice %arg4[%dma_wait3A_1856, %dma_wait3A_1857, %multiple_of3A_295] : memref<32x1x1000000xf32, #tpu.memory_space<any>> -> memref<1x1x28672xf32, #tpu.memory_space<any>>
    %dma_wait3A_1863 = tpu.memref_squeeze %dma_wait3A_1862 : memref<1x1x28672xf32, #tpu.memory_space<any>> -> memref<28672xf32, #tpu.memory_space<any>>
    tpu.wait_dma2 semaphore(%arg20 : memref<!tpu.dma_semaphore, #tpu.memory_space<semaphore_mem>>) src(%dma_wait3A_1863 : memref<28672xf32, #tpu.memory_space<any>>) dst(%dma_wait3A_1861 : memref<28672xf32, #tpu.memory_space<vmem>>)
    %dma_wait3A_1864 = arith.constant 30 : i32
    %dma_wait3A_1865 = arith.constant 0 : i32
    %dma_wait3A_1866 = arith.constant 30 : i32
    %dma_wait3A_1867 = arith.constant 0 : i32
    %dma_wait3A_1868 = tpu.memref_slice %arg17[%dma_wait3A_1866, %dma_wait3A_1867] : memref<32x65536xf32, #tpu.memory_space<vmem>> -> memref<1x65536xf32, #tpu.memory_space<vmem>>
    %dma_wait3A_1869 = tpu.memref_squeeze %dma_wait3A_1868 : memref<1x65536xf32, #tpu.memory_space<vmem>> -> memref<65536xf32, #tpu.memory_space<vmem>>
    %dma_wait3A_1870 = tpu.memref_slice %arg4[%dma_wait3A_1864, %dma_wait3A_1865, %multiple_of3A_302] : memref<32x1x1000000xf32, #tpu.memory_space<any>> -> memref<1x1x65536xf32, #tpu.memory_space<any>>
    %dma_wait3A_1871 = tpu.memref_squeeze %dma_wait3A_1870 : memref<1x1x65536xf32, #tpu.memory_space<any>> -> memref<65536xf32, #tpu.memory_space<any>>
    tpu.wait_dma2 semaphore(%arg20 : memref<!tpu.dma_semaphore, #tpu.memory_space<semaphore_mem>>) src(%dma_wait3A_1871 : memref<65536xf32, #tpu.memory_space<any>>) dst(%dma_wait3A_1869 : memref<65536xf32, #tpu.memory_space<vmem>>)
    %dma_wait3A_1872 = arith.constant 30 : i32
    %dma_wait3A_1873 = arith.constant 0 : i32
    %dma_wait3A_1874 = arith.constant 30 : i32
    %dma_wait3A_1875 = arith.constant 0 : i32
    %dma_wait3A_1876 = tpu.memref_slice %arg18[%dma_wait3A_1874, %dma_wait3A_1875] : memref<32x192xf32, #tpu.memory_space<vmem>> -> memref<1x192xf32, #tpu.memory_space<vmem>>
    %dma_wait3A_1877 = tpu.memref_squeeze %dma_wait3A_1876 : memref<1x192xf32, #tpu.memory_space<vmem>> -> memref<192xf32, #tpu.memory_space<vmem>>
    %dma_wait3A_1878 = arith.constant 999808 : i32
    %dma_wait3A_1879 = tpu.memref_slice %arg4[%dma_wait3A_1872, %dma_wait3A_1873, %dma_wait3A_1878] : memref<32x1x1000000xf32, #tpu.memory_space<any>> -> memref<1x1x192xf32, #tpu.memory_space<any>>
    %dma_wait3A_1880 = tpu.memref_squeeze %dma_wait3A_1879 : memref<1x1x192xf32, #tpu.memory_space<any>> -> memref<192xf32, #tpu.memory_space<any>>
    tpu.wait_dma2 semaphore(%arg20 : memref<!tpu.dma_semaphore, #tpu.memory_space<semaphore_mem>>) src(%dma_wait3A_1880 : memref<192xf32, #tpu.memory_space<any>>) dst(%dma_wait3A_1877 : memref<192xf32, #tpu.memory_space<vmem>>)
    %dma_wait3A_1881 = arith.constant 30 : i32
    %dma_wait3A_1882 = arith.constant 0 : i32
    %dma_wait3A_1883 = arith.constant 30 : i32
    %dma_wait3A_1884 = arith.constant 0 : i32
    %dma_wait3A_1885 = tpu.memref_slice %arg19[%dma_wait3A_1883, %dma_wait3A_1884] : memref<32x28672xf32, #tpu.memory_space<vmem>> -> memref<1x28672xf32, #tpu.memory_space<vmem>>
    %dma_wait3A_1886 = tpu.memref_squeeze %dma_wait3A_1885 : memref<1x28672xf32, #tpu.memory_space<vmem>> -> memref<28672xf32, #tpu.memory_space<vmem>>
    %dma_wait3A_1887 = tpu.memref_slice %arg4[%dma_wait3A_1881, %dma_wait3A_1882, %multiple_of3A_305] : memref<32x1x1000000xf32, #tpu.memory_space<any>> -> memref<1x1x28672xf32, #tpu.memory_space<any>>
    %dma_wait3A_1888 = tpu.memref_squeeze %dma_wait3A_1887 : memref<1x1x28672xf32, #tpu.memory_space<any>> -> memref<28672xf32, #tpu.memory_space<any>>
    tpu.wait_dma2 semaphore(%arg20 : memref<!tpu.dma_semaphore, #tpu.memory_space<semaphore_mem>>) src(%dma_wait3A_1888 : memref<28672xf32, #tpu.memory_space<any>>) dst(%dma_wait3A_1886 : memref<28672xf32, #tpu.memory_space<vmem>>)
    %dma_wait3A_1889 = arith.constant 31 : i32
    %dma_wait3A_1890 = arith.constant 0 : i32
    %dma_wait3A_1891 = arith.constant 31 : i32
    %dma_wait3A_1892 = arith.constant 0 : i32
    %dma_wait3A_1893 = tpu.memref_slice %arg17[%dma_wait3A_1891, %dma_wait3A_1892] : memref<32x65536xf32, #tpu.memory_space<vmem>> -> memref<1x65536xf32, #tpu.memory_space<vmem>>
    %dma_wait3A_1894 = tpu.memref_squeeze %dma_wait3A_1893 : memref<1x65536xf32, #tpu.memory_space<vmem>> -> memref<65536xf32, #tpu.memory_space<vmem>>
    %dma_wait3A_1895 = tpu.memref_slice %arg4[%dma_wait3A_1889, %dma_wait3A_1890, %multiple_of3A_312] : memref<32x1x1000000xf32, #tpu.memory_space<any>> -> memref<1x1x65536xf32, #tpu.memory_space<any>>
    %dma_wait3A_1896 = tpu.memref_squeeze %dma_wait3A_1895 : memref<1x1x65536xf32, #tpu.memory_space<any>> -> memref<65536xf32, #tpu.memory_space<any>>
    tpu.wait_dma2 semaphore(%arg20 : memref<!tpu.dma_semaphore, #tpu.memory_space<semaphore_mem>>) src(%dma_wait3A_1896 : memref<65536xf32, #tpu.memory_space<any>>) dst(%dma_wait3A_1894 : memref<65536xf32, #tpu.memory_space<vmem>>)
    %dma_wait3A_1897 = arith.constant 31 : i32
    %dma_wait3A_1898 = arith.constant 0 : i32
    %dma_wait3A_1899 = arith.constant 31 : i32
    %dma_wait3A_1900 = arith.constant 0 : i32
    %dma_wait3A_1901 = tpu.memref_slice %arg18[%dma_wait3A_1899, %dma_wait3A_1900] : memref<32x192xf32, #tpu.memory_space<vmem>> -> memref<1x192xf32, #tpu.memory_space<vmem>>
    %dma_wait3A_1902 = tpu.memref_squeeze %dma_wait3A_1901 : memref<1x192xf32, #tpu.memory_space<vmem>> -> memref<192xf32, #tpu.memory_space<vmem>>
    %dma_wait3A_1903 = arith.constant 999808 : i32
    %dma_wait3A_1904 = tpu.memref_slice %arg4[%dma_wait3A_1897, %dma_wait3A_1898, %dma_wait3A_1903] : memref<32x1x1000000xf32, #tpu.memory_space<any>> -> memref<1x1x192xf32, #tpu.memory_space<any>>
    %dma_wait3A_1905 = tpu.memref_squeeze %dma_wait3A_1904 : memref<1x1x192xf32, #tpu.memory_space<any>> -> memref<192xf32, #tpu.memory_space<any>>
    tpu.wait_dma2 semaphore(%arg20 : memref<!tpu.dma_semaphore, #tpu.memory_space<semaphore_mem>>) src(%dma_wait3A_1905 : memref<192xf32, #tpu.memory_space<any>>) dst(%dma_wait3A_1902 : memref<192xf32, #tpu.memory_space<vmem>>)
    %dma_wait3A_1906 = arith.constant 31 : i32
    %dma_wait3A_1907 = arith.constant 0 : i32
    %dma_wait3A_1908 = arith.constant 31 : i32
    %dma_wait3A_1909 = arith.constant 0 : i32
    %dma_wait3A_1910 = tpu.memref_slice %arg19[%dma_wait3A_1908, %dma_wait3A_1909] : memref<32x28672xf32, #tpu.memory_space<vmem>> -> memref<1x28672xf32, #tpu.memory_space<vmem>>
    %dma_wait3A_1911 = tpu.memref_squeeze %dma_wait3A_1910 : memref<1x28672xf32, #tpu.memory_space<vmem>> -> memref<28672xf32, #tpu.memory_space<vmem>>
    %dma_wait3A_1912 = tpu.memref_slice %arg4[%dma_wait3A_1906, %dma_wait3A_1907, %multiple_of3A_315] : memref<32x1x1000000xf32, #tpu.memory_space<any>> -> memref<1x1x28672xf32, #tpu.memory_space<any>>
    %dma_wait3A_1913 = tpu.memref_squeeze %dma_wait3A_1912 : memref<1x1x28672xf32, #tpu.memory_space<any>> -> memref<28672xf32, #tpu.memory_space<any>>
    tpu.wait_dma2 semaphore(%arg20 : memref<!tpu.dma_semaphore, #tpu.memory_space<semaphore_mem>>) src(%dma_wait3A_1913 : memref<28672xf32, #tpu.memory_space<any>>) dst(%dma_wait3A_1911 : memref<28672xf32, #tpu.memory_space<vmem>>)
    %get3A_1914 = arith.constant 0 : index
    %get3A_1915 = arith.constant 0 : index
    %get3A_1916 = vector.load %arg17[%get3A_1914, %get3A_1915] : memref<32x65536xf32, #tpu.memory_space<vmem>>, vector<32x65536xf32>
    %get3A_1917 = arith.constant 0 : index
    %get3A_1918 = arith.constant 0 : index
    %get3A_1919 = vector.load %arg5[%get3A_1917, %get3A_1918] : memref<32x1xi32, #tpu.memory_space<vmem>>, vector<32x1xi32>
    %mul3A_1920 = arith.constant 65536 : i32
    %mul3A_1921 = vector.broadcast %mul3A_1920 : i32 to vector<32x1xi32>
    %mul3A_1922 = arith.muli %get3A_1919, %mul3A_1921 : vector<32x1xi32>
    %min3A_1923 = arith.constant 934400 : i32
    %min3A_1924 = vector.broadcast %min3A_1923 : i32 to vector<32x1xi32>
    %min3A_1925 = arith.minsi %mul3A_1922, %min3A_1924 : vector<32x1xi32>
    %iota3A = tpu.iota {dimensions = array<i32: 1>} : vector<32x65536xi32>
    %get3A_1926 = arith.constant 0 : index
    %get3A_1927 = arith.constant 0 : index
    %get3A_1928 = vector.load %arg6[%get3A_1926, %get3A_1927] : memref<32x1xf32, #tpu.memory_space<vmem>>, vector<32x1xf32>
    %eq3A = vector.broadcast %get3A_1928 : vector<32x1xf32> to vector<32x65536xf32>
    %eq3A_1929 = arith.cmpf oeq, %get3A_1916, %eq3A : vector<32x65536xf32>
    %add3A = vector.broadcast %min3A_1925 : vector<32x1xi32> to vector<32x65536xi32>
    %add3A_1930 = arith.addi %iota3A, %add3A : vector<32x65536xi32>
    %jit3A = arith.constant 2147483647 : i32
    %broadcast_in_dim3A = vector.broadcast %jit3A : i32 to vector<32x65536xi32>
    %select_n3A = arith.select %eq3A_1929, %add3A_1930, %broadcast_in_dim3A : vector<32x65536xi1>, vector<32x65536xi32>
    %reduce_min3A = arith.constant dense<2147483647> : vector<32xi32>
    %reduce_min3A_1931 = vector.multi_reduction <minsi>, %select_n3A, %reduce_min3A [1] : vector<32x65536xi32> to vector<32xi32>
    %broadcast_in_dim3A_1932 = vector.shape_cast %reduce_min3A_1931 : vector<32xi32> to vector<32x1xi32>
    %get3A_1933 = arith.constant 0 : index
    %get3A_1934 = arith.constant 0 : index
    %get3A_1935 = vector.load %arg18[%get3A_1933, %get3A_1934] : memref<32x192xf32, #tpu.memory_space<vmem>>, vector<32x192xf32>
    %reduce_max3A = arith.constant dense<0xFF800000> : vector<32xf32>
    %reduce_max3A_1936 = vector.multi_reduction <maximumf>, %get3A_1935, %reduce_max3A [1] : vector<32x192xf32> to vector<32xf32>
    %broadcast_in_dim3A_1937 = vector.shape_cast %reduce_max3A_1936 : vector<32xf32> to vector<32x1xf32>
    %iota3A_1938 = tpu.iota {dimensions = array<i32: 1>} : vector<32x192xi32>
    %add3A_1939 = arith.constant 999808 : i32
    %add3A_1940 = vector.broadcast %add3A_1939 : i32 to vector<32x192xi32>
    %add3A_1941 = arith.addi %iota3A_1938, %add3A_1940 : vector<32x192xi32>
    %eq3A_1942 = vector.broadcast %broadcast_in_dim3A_1937 : vector<32x1xf32> to vector<32x192xf32>
    %eq3A_1943 = arith.cmpf oeq, %get3A_1935, %eq3A_1942 : vector<32x192xf32>
    %jit3A_1944 = arith.constant 2147483647 : i32
    %broadcast_in_dim3A_1945 = vector.broadcast %jit3A_1944 : i32 to vector<32x192xi32>
    %select_n3A_1946 = arith.select %eq3A_1943, %add3A_1941, %broadcast_in_dim3A_1945 : vector<32x192xi1>, vector<32x192xi32>
    %reduce_min3A_1947 = arith.constant dense<2147483647> : vector<32xi32>
    %reduce_min3A_1948 = vector.multi_reduction <minsi>, %select_n3A_1946, %reduce_min3A_1947 [1] : vector<32x192xi32> to vector<32xi32>
    %broadcast_in_dim3A_1949 = vector.shape_cast %reduce_min3A_1948 : vector<32xi32> to vector<32x1xi32>
    %get3A_1950 = arith.constant 0 : index
    %get3A_1951 = arith.constant 0 : index
    %get3A_1952 = vector.load %arg10[%get3A_1950, %get3A_1951] : memref<32x16xf32, #tpu.memory_space<vmem>>, vector<32x16xf32>
    %reduce_max3A_1953 = arith.constant dense<0xFF800000> : vector<32xf32>
    %reduce_max3A_1954 = vector.multi_reduction <maximumf>, %get3A_1952, %reduce_max3A_1953 [1] : vector<32x16xf32> to vector<32xf32>
    %broadcast_in_dim3A_1955 = vector.shape_cast %reduce_max3A_1954 : vector<32xf32> to vector<32x1xf32>
    %get3A_1956 = arith.constant 0 : index
    %get3A_1957 = arith.constant 0 : index
    %get3A_1958 = vector.load %arg19[%get3A_1956, %get3A_1957] : memref<32x28672xf32, #tpu.memory_space<vmem>>, vector<32x28672xf32>
    %iota3A_1959 = tpu.iota {dimensions = array<i32: 1>} : vector<32x28672xi32>
    %get3A_1960 = arith.constant 0 : index
    %get3A_1961 = arith.constant 0 : index
    %get3A_1962 = vector.load %arg11[%get3A_1960, %get3A_1961] : memref<32x1xi32, #tpu.memory_space<vmem>>, vector<32x1xi32>
    %add3A_1963 = vector.broadcast %get3A_1962 : vector<32x1xi32> to vector<32x28672xi32>
    %add3A_1964 = arith.addi %iota3A_1959, %add3A_1963 : vector<32x28672xi32>
    %eq3A_1965 = vector.broadcast %broadcast_in_dim3A_1955 : vector<32x1xf32> to vector<32x28672xf32>
    %eq3A_1966 = arith.cmpf oeq, %get3A_1958, %eq3A_1965 : vector<32x28672xf32>
    %jit3A_1967 = arith.constant 2147483647 : i32
    %broadcast_in_dim3A_1968 = vector.broadcast %jit3A_1967 : i32 to vector<32x28672xi32>
    %select_n3A_1969 = arith.select %eq3A_1966, %add3A_1964, %broadcast_in_dim3A_1968 : vector<32x28672xi1>, vector<32x28672xi32>
    %reduce_min3A_1970 = arith.constant dense<2147483647> : vector<32xi32>
    %reduce_min3A_1971 = vector.multi_reduction <minsi>, %select_n3A_1969, %reduce_min3A_1970 [1] : vector<32x28672xi32> to vector<32xi32>
    %broadcast_in_dim3A_1972 = vector.shape_cast %reduce_min3A_1971 : vector<32xi32> to vector<32x1xi32>
    %get3A_1973 = arith.constant 0 : index
    %get3A_1974 = arith.constant 0 : index
    %get3A_1975 = vector.load %arg6[%get3A_1973, %get3A_1974] : memref<32x1xf32, #tpu.memory_space<vmem>>, vector<32x1xf32>
    %max3A = arith.maximumf %get3A_1975, %broadcast_in_dim3A_1955 : vector<32x1xf32>
    %get3A_1976 = arith.constant 0 : index
    %get3A_1977 = arith.constant 0 : index
    %get3A_1978 = vector.load %arg6[%get3A_1976, %get3A_1977] : memref<32x1xf32, #tpu.memory_space<vmem>>, vector<32x1xf32>
    %ge3A = arith.cmpf oge, %get3A_1978, %broadcast_in_dim3A_1955 : vector<32x1xf32>
    %select_n3A_1979 = arith.select %ge3A, %broadcast_in_dim3A_1932, %broadcast_in_dim3A_1972 : vector<32x1xi1>, vector<32x1xi32>
    %ge3A_1980 = arith.cmpf oge, %max3A, %broadcast_in_dim3A_1937 : vector<32x1xf32>
    %select_n3A_1981 = arith.select %ge3A_1980, %select_n3A_1979, %broadcast_in_dim3A_1949 : vector<32x1xi1>, vector<32x1xi32>
    %swap3A = arith.constant 0 : index
    %swap3A_1982 = arith.constant 0 : index
    %swap3A_1983 = vector.load %arg12[%swap3A, %swap3A_1982] : memref<32x1xi32, #tpu.memory_space<vmem>>, vector<32x1xi32>
    tpu.vector_store %arg12[%swap3A, %swap3A_1982], %select_n3A_1981 {strides = array<i32>} : memref<32x1xi32, #tpu.memory_space<vmem>>, vector<32x1xi32>,
    %get3A_1984 = arith.constant 0 : index
    %get3A_1985 = arith.constant 0 : index
    %get3A_1986 = vector.load %arg7[%get3A_1984, %get3A_1985] : memref<32x1xi32, #tpu.memory_space<vmem>>, vector<32x1xi32>
    %add3A_1987 = arith.constant 1 : i32
    %add3A_1988 = vector.broadcast %add3A_1987 : i32 to vector<32x1xi32>
    %add3A_1989 = arith.addi %get3A_1986, %add3A_1988 : vector<32x1xi32>
    %min3A_1990 = arith.constant 8191 : i32
    %min3A_1991 = vector.broadcast %min3A_1990 : i32 to vector<32x1xi32>
    %min3A_1992 = arith.minsi %add3A_1989, %min3A_1991 : vector<32x1xi32>
    %swap3A_1993 = arith.constant 0 : index
    %swap3A_1994 = arith.constant 0 : index
    %swap3A_1995 = vector.load %arg13[%swap3A_1993, %swap3A_1994] : memref<32x1xi32, #tpu.memory_space<vmem>>, vector<32x1xi32>
    tpu.vector_store %arg13[%swap3A_1993, %swap3A_1994], %min3A_1992 {strides = array<i32>} : memref<32x1xi32, #tpu.memory_space<vmem>>, vector<32x1xi32>,
    %iota3A_1996 = tpu.iota {dimensions = array<i32: 1>} : vector<32x8192xi32>
    %eq3A_1997 = vector.broadcast %min3A_1992 : vector<32x1xi32> to vector<32x8192xi32>
    %eq3A_1998 = arith.cmpi eq, %iota3A_1996, %eq3A_1997 : vector<32x8192xi32>
    %get3A_1999 = arith.constant 0 : index
    %get3A_2000 = arith.constant 0 : index
    %get3A_2001 = vector.load %arg8[%get3A_1999, %get3A_2000] : memref<32x8192xi32, #tpu.memory_space<vmem>>, vector<32x8192xi32>
    %jit3A_2002 = arith.constant 1 : i32
    %broadcast_in_dim3A_2003 = vector.broadcast %jit3A_2002 : i32 to vector<32x8192xi32>
    %select_n3A_2004 = arith.select %eq3A_1998, %broadcast_in_dim3A_2003, %get3A_2001 : vector<32x8192xi1>, vector<32x8192xi32>
    %swap3A_2005 = arith.constant 0 : index
    %swap3A_2006 = arith.constant 0 : index
    %swap3A_2007 = vector.load %arg14[%swap3A_2005, %swap3A_2006] : memref<32x8192xi32, #tpu.memory_space<vmem>>, vector<32x8192xi32>
    tpu.vector_store %arg14[%swap3A_2005, %swap3A_2006], %select_n3A_2004 {strides = array<i32>} : memref<32x8192xi32, #tpu.memory_space<vmem>>, vector<32x8192xi32>,
    %get3A_2008 = arith.constant 0 : index
    %get3A_2009 = memref.load %arg3[%get3A_2008] : memref<1xi32, #tpu.memory_space<smem>>
    %eq3A_2010 = vector.broadcast %get3A_2009 : i32 to vector<32x8192xi32>
    %eq3A_2011 = arith.cmpi eq, %iota3A_1996, %eq3A_2010 : vector<32x8192xi32>
    %get3A_2012 = arith.constant 0 : index
    %get3A_2013 = arith.constant 0 : index
    %get3A_2014 = vector.load %arg9[%get3A_2012, %get3A_2013] : memref<32x8192xi32, #tpu.memory_space<vmem>>, vector<32x8192xi32>
    %broadcast_in_dim3A_2015 = vector.shape_cast %select_n3A_1981 : vector<32x1xi32> to vector<32x1xi32>
    %broadcast_in_dim3A_2016 = vector.broadcast %broadcast_in_dim3A_2015 : vector<32x1xi32> to vector<32x8192xi32>
    %select_n3A_2017 = arith.select %eq3A_2011, %broadcast_in_dim3A_2016, %get3A_2014 : vector<32x8192xi1>, vector<32x8192xi32>
    %swap3A_2018 = arith.constant 0 : index
    %swap3A_2019 = arith.constant 0 : index
    %swap3A_2020 = vector.load %arg15[%swap3A_2018, %swap3A_2019] : memref<32x8192xi32, #tpu.memory_space<vmem>>, vector<32x8192xi32>
    tpu.vector_store %arg15[%swap3A_2018, %swap3A_2019], %select_n3A_2017 {strides = array<i32>} : memref<32x8192xi32, #tpu.memory_space<vmem>>, vector<32x8192xi32>,
    %add3A_2021 = arith.constant 1 : i32
    %add3A_2022 = arith.addi %get3A_2009, %add3A_2021 : i32
    %min3A_2023 = arith.constant 8191 : i32
    %min3A_2024 = arith.minsi %add3A_2022, %min3A_2023 : i32
    %swap3A_2025 = arith.constant 0 : index
    %swap3A_2026 = memref.load %arg16[%swap3A_2025] : memref<1xi32, #tpu.memory_space<smem>>
    memref.store %min3A_2024, %arg16[%swap3A_2025] : memref<1xi32, #tpu.memory_space<smem>>
    return
  }
  func.func @transform_1(%arg0: i32, %arg1: memref<32xi32, #tpu.memory_space<smem>>, %arg2: memref<32xi32, #tpu.memory_space<smem>>, %arg3: memref<1xi32, #tpu.memory_space<smem>>) -> (i32, i32) {
    %c0_i32 = arith.constant 0 : i32
    %c0_i32_0 = arith.constant 0 : i32
    %c0_i32_1 = arith.constant 0 : i32
    return %c0_i32, %c0_i32_0 : i32, i32
  }
  func.func @transform_2(%arg0: i32, %arg1: memref<32xi32, #tpu.memory_space<smem>>, %arg2: memref<32xi32, #tpu.memory_space<smem>>, %arg3: memref<1xi32, #tpu.memory_space<smem>>) -> (i32, i32) {
    %c0_i32 = arith.constant 0 : i32
    %c0_i32_0 = arith.constant 0 : i32
    %c0_i32_1 = arith.constant 0 : i32
    return %c0_i32, %c0_i32_0 : i32, i32
  }
  func.func @transform_3(%arg0: i32, %arg1: memref<32xi32, #tpu.memory_space<smem>>, %arg2: memref<32xi32, #tpu.memory_space<smem>>, %arg3: memref<1xi32, #tpu.memory_space<smem>>) -> (i32, i32) {
    %c0_i32 = arith.constant 0 : i32
    %c0_i32_0 = arith.constant 0 : i32
    %c0_i32_1 = arith.constant 0 : i32
    return %c0_i32, %c0_i32_0 : i32, i32
  }
  func.func @transform_4(%arg0: i32, %arg1: memref<32xi32, #tpu.memory_space<smem>>, %arg2: memref<32xi32, #tpu.memory_space<smem>>, %arg3: memref<1xi32, #tpu.memory_space<smem>>) -> (i32, i32) {
    %c0_i32 = arith.constant 0 : i32
    %c0_i32_0 = arith.constant 0 : i32
    %c0_i32_1 = arith.constant 0 : i32
    return %c0_i32, %c0_i32_0 : i32, i32
  }
  func.func @transform_5(%arg0: i32, %arg1: memref<32xi32, #tpu.memory_space<smem>>, %arg2: memref<32xi32, #tpu.memory_space<smem>>, %arg3: memref<1xi32, #tpu.memory_space<smem>>) -> (i32, i32) {
    %c0_i32 = arith.constant 0 : i32
    %c0_i32_0 = arith.constant 0 : i32
    %c0_i32_1 = arith.constant 0 : i32
    return %c0_i32, %c0_i32_0 : i32, i32
  }
  func.func @transform_6(%arg0: i32, %arg1: memref<32xi32, #tpu.memory_space<smem>>, %arg2: memref<32xi32, #tpu.memory_space<smem>>, %arg3: memref<1xi32, #tpu.memory_space<smem>>) -> (i32, i32) {
    %c0_i32 = arith.constant 0 : i32
    %c0_i32_0 = arith.constant 0 : i32
    %c0_i32_1 = arith.constant 0 : i32
    return %c0_i32, %c0_i32_0 : i32, i32
  }
  func.func @transform_7(%arg0: i32, %arg1: memref<32xi32, #tpu.memory_space<smem>>, %arg2: memref<32xi32, #tpu.memory_space<smem>>, %arg3: memref<1xi32, #tpu.memory_space<smem>>) -> (i32, i32) {
    %c0_i32 = arith.constant 0 : i32
    %c0_i32_0 = arith.constant 0 : i32
    %c0_i32_1 = arith.constant 0 : i32
    return %c0_i32, %c0_i32_0 : i32, i32
  }
  func.func @transform_8(%arg0: i32, %arg1: memref<32xi32, #tpu.memory_space<smem>>, %arg2: memref<32xi32, #tpu.memory_space<smem>>, %arg3: memref<1xi32, #tpu.memory_space<smem>>) -> (i32, i32) {
    %c0_i32 = arith.constant 0 : i32
    %c0_i32_0 = arith.constant 0 : i32
    %c0_i32_1 = arith.constant 0 : i32
    return %c0_i32, %c0_i32_0 : i32, i32
  }
  func.func @transform_9(%arg0: i32, %arg1: memref<32xi32, #tpu.memory_space<smem>>, %arg2: memref<32xi32, #tpu.memory_space<smem>>, %arg3: memref<1xi32, #tpu.memory_space<smem>>) -> (i32, i32) {
    %c0_i32 = arith.constant 0 : i32
    %c0_i32_0 = arith.constant 0 : i32
    %c0_i32_1 = arith.constant 0 : i32
    return %c0_i32, %c0_i32_0 : i32, i32
  }
  func.func @transform_10(%arg0: i32, %arg1: memref<32xi32, #tpu.memory_space<smem>>, %arg2: memref<32xi32, #tpu.memory_space<smem>>, %arg3: memref<1xi32, #tpu.memory_space<smem>>) -> (i32, i32) {
    %c0_i32 = arith.constant 0 : i32
    %c0_i32_0 = arith.constant 0 : i32
    %c0_i32_1 = arith.constant 0 : i32
    return %c0_i32, %c0_i32_0 : i32, i32
  }
  func.func @transform_11(%arg0: i32, %arg1: memref<32xi32, #tpu.memory_space<smem>>, %arg2: memref<32xi32, #tpu.memory_space<smem>>, %arg3: memref<1xi32, #tpu.memory_space<smem>>) -> (i32, i32) {
    %c0_i32 = arith.constant 0 : i32
    %c0_i32_0 = arith.constant 0 : i32
    %c0_i32_1 = arith.constant 0 : i32
    return %c0_i32, %c0_i32_0 : i32, i32
  }
  func.func @transform_12(%arg0: i32, %arg1: memref<32xi32, #tpu.memory_space<smem>>, %arg2: memref<32xi32, #tpu.memory_space<smem>>, %arg3: memref<1xi32, #tpu.memory_space<smem>>) -> i32 {
    %c0_i32 = arith.constant 0 : i32
    %c0_i32_0 = arith.constant 0 : i32
    return %c0_i32 : i32
  }
}

</mosaic_0001>

<sc_bundles>
// kernel: kernel.6.cloned.1.call-start
scs
__scs_entry_jumppad:
0x0: {  	(pc) =	sbr.rel $0x88, $3  }
0x1: {  	(tag) =	ssettag $0x0;
	lr =	simm.s32 $0x1  }
0x2: {  	[smem:$0x3F9C] =	sst lr;
	_ =	strace $0xD0000000  }
0x3: {  	_ = 	snop  }
0x4: {  	_ = 	snop  }
0x5: {  	_ = 	snop  }
0x6: {  	_ = 	snop  }
0x7: {  	_ = 	snop  }
__scs_overlays_trampoline_lowered:
0x8: {  	[smem:$0x3FAB] =	sst s0  }
0x9: {  	[smem:$0x3FAC] =	sst s1  }
0xa: {  	[smem:$0x3FAD] =	sst s2  }
0xb: {  	[smem:$0x3FAE] =	sst s3  }
0xc: {  	[smem:$0x3FAF] =	sst s4  }
0xd: {  	[smem:$0x3FB0] =	sst s5  }
0xe: {  	[smem:$0x3FB1] =	sst s6  }
0xf: {  	[smem:$0x3FB2] =	sst s7  }
0x10: {  	[smem:$0x3FB3] =	sst s8  }
0x11: {  	[smem:$0x3FB4] =	sst s9;
	s0 =	simm.s32 @!p0 $0x0  }
0x12: {  	s1 =	sld [smem:$0x3F9A];
	s0 =	simm.s32 @p0 $0x1  }
0x13: {  	[smem:$0x3FB5] =	sst s0;
	s0 =	simm.s32 @!p1 $0x0  }
0x14: {  	s2 =	sld [smem:$0x3F99];
	s0 =	simm.s32 @p1 $0x1  }
0x15: {  	[smem:$0x3FB6] =	sst s0;
	s0 =	simm.s32 @!p2 $0x0  }
0x16: {  	s3 =	sld [smem:$0x3FDB];
	s0 =	simm.s32 @p2 $0x1  }
0x17: {  	s4 =	simm.s32 $0x1BF5;
	[smem:$0x3FB8] =	sst s0  }
0x18: {  	s0 =	sld [smem:$0x3F9B];
	_ =	swait.ge [sflag:s4], $0x0  }
0x19: {  	s7 =	sld [smem:$0x3F9C]  }
0x1a: {  	s8 =	sadd.s32 $0xFFFFE003, lr  }
0x1b: {  	s9 =	sadd.s32 $0xFFFFFEF7, lr;
	s5 =	simm.s32 $0xFFFFFFFF;
	p2 =	slt.u32 s8, $0xFFFFF086  }
0x1c: {  	p1 =	slt.u32 s9, $0xF7A;
	s5 =	simm.s32 @!p2 $0x0  }
0x1d: {  	s5 =	simm.s32 @p1 $0x1;
	p0 =	seq.s32 s7, s2  }
0x1e: {  	s7 =	smul.u32 @!p0 $0xF7A, s2;
	p2 =	seq.s32 @!p0 s5, $0x0  }
0x1f: {  	s9 =	smul.u32 $0xF7A, s1;
	s8 =	simm.s32 @!p0 $0x1BF5;
	p2 =	por !p2, p0  }
0x20: {  	[sflag:s8] =	ssyncset.s32 @!p0 $0xFFFFF086;
	s6 =	sadd.s32 @!p0 s3, s7;
	s7 =	simm.s32 @!p0 $0x108  }
0x21: {  	s3 =	sadd.s32 s3, s9;
	s6 =	sadd.s32 @!p0 $0x88, s6;
	s7 =	simm.s32 @p2 $0x1082  }
0x22: {  	[simem:s7], [sflag:s8] =	dma.local @!p0 [hbm:s6], $0xF7A  }
0x23: {  	s9 =	sor.u32 $0xD0000000, s2;
	s6 =	simm.s32 $0x108;
	_ =	swait.ge @!p0 [sflag:s8], $0x0  }
0x24: {  	s3 =	sadd.s32 $0x88, s3;
	s6 =	simm.s32 @!p1 $0x1082;
	[sflag:s4] =	ssyncset.s32 $0xFFFFF086  }
0x25: {  	[simem:s6], [sflag:s4] =	dma.local [hbm:s3], $0xF7A  }
0x26: {  	[smem:$0x3F9C] =	sst s1;
	(tag) =	ssettag s2;
	_ =	strace s9  }
0x27: {  	s1 =	sld [smem:$0x3FAC]  }
0x28: {  	s2 =	sld [smem:$0x3FAD]  }
0x29: {  	s4 =	sld [smem:$0x3FAF]  }
0x2a: {  	p0 =	seq.s32 s5, $0x0;
	s5 =	sld [smem:$0x3FB0]  }
0x2b: {  	s6 =	sld [smem:$0x3FB1]  }
0x2c: {  	s7 =	sld [smem:$0x3FB2]  }
0x2d: {  	s3 =	simm.s32 $0x108;
	s8 =	sld [smem:$0x3FB3]  }
0x2e: {  	s3 =	simm.s32 @!p0 $0x1082;
	s9 =	sld [smem:$0x3FB4]  }
0x2f: {  	lr =	sadd.s32 s0, s3;
	s0 =	sld [smem:$0x3FAB]  }
0x30: {  	s3 =	sld [smem:$0x3FAE]  }
0x31: {  	[smem:$0x3FB7] =	sst s10  }
0x32: {  	s10 =	sld [smem:$0x3FB5];
	_ =	sdelay $0x3  }
0x33: {  	p0 =	seq.s32 s10, $0x1;
	s10 =	sld [smem:$0x3FB7];
	_ =	sdelay $0x3  }
0x34: {  	[smem:$0x3FB7] =	sst s10  }
0x35: {  	s10 =	sld [smem:$0x3FB6];
	_ =	sdelay $0x3  }
0x36: {  	p1 =	seq.s32 s10, $0x1;
	s10 =	sld [smem:$0x3FB7];
	_ =	sdelay $0x3  }
0x37: {  	[smem:$0x3FB7] =	sst s10  }
0x38: {  	s10 =	sld [smem:$0x3FB8]  }
0x39: {  	_ = 	snop;
	(pc) =	sbr.ind lr, $3  }
0x3a: {  	_ = 	snop  }
0x3b: {  	_ = 	snop  }
0x3c: {  	p2 =	seq.s32 s10, $0x1;
	s10 =	sld [smem:$0x3FB7]  }
0x3d: {  	_ =	shalt  }
0x3e: {  	_ =	shalt  }
0x3f: {  	_ =	shalt  }
0x40: {  	_ =	shalt  }
0x41: {  	_ =	shalt  }
0x42: {  	_ =	shalt  }
0x43: {  	_ =	shalt  }
0x44: {  	_ =	shalt  }
0x45: {  	_ =	shalt  }
0x46: {  	_ =	shalt  }
0x47: {  	_ =	shalt  }
0x48: {  	_ =	shalt  }
0x49: {  	_ =	shalt  }
0x4a: {  	_ =	shalt  }
0x4b: {  	_ =	shalt  }
0x4c: {  	_ =	shalt  }
0x4d: {  	_ =	shalt  }
0x4e: {  	_ =	shalt  }
0x4f: {  	_ =	shalt  }
0x50: {  	_ =	shalt  }
0x51: {  	_ =	shalt  }
0x52: {  	_ =	shalt  }
0x53: {  	_ =	shalt  }
0x54: {  	_ =	shalt  }
0x55: {  	_ =	shalt  }
0x56: {  	_ =	shalt  }
0x57: {  	_ =	shalt  }
0x58: {  	_ =	shalt  }
0x59: {  	_ =	shalt  }
0x5a: {  	_ =	shalt  }
0x5b: {  	_ =	shalt  }
0x5c: {  	_ =	shalt  }
0x5d: {  	_ =	shalt  }
0x5e: {  	_ =	shalt  }
0x5f: {  	_ =	shalt  }
0x60: {  	_ =	shalt  }
0x61: {  	_ =	shalt  }
0x62: {  	_ =	shalt  }
0x63: {  	_ =	shalt  }
0x64: {  	_ =	shalt  }
0x65: {  	_ =	shalt  }
0x66: {  	_ =	shalt  }
0x67: {  	_ =	shalt  }
0x68: {  	_ =	shalt  }
0x69: {  	_ =	shalt  }
0x6a: {  	_ =	shalt  }
0x6b: {  	_ =	shalt  }
0x6c: {  	_ =	shalt  }
0x6d: {  	_ =	shalt  }
0x6e: {  	_ =	shalt  }
0x6f: {  	_ =	shalt  }
0x70: {  	_ =	shalt  }
0x71: {  	_ =	shalt  }
0x72: {  	_ =	shalt  }
0x73: {  	_ =	shalt  }
0x74: {  	_ =	shalt  }
0x75: {  	_ =	shalt  }
0x76: {  	_ =	shalt  }
0x77: {  	_ =	shalt  }
0x78: {  	_ =	shalt  }
0x79: {  	_ =	shalt  }
0x7a: {  	_ =	shalt  }
0x7b: {  	_ =	shalt  }
0x7c: {  	_ =	shalt  }
0x7d: {  	_ =	shalt  }
0x7e: {  	_ =	shalt  }
0x7f: {  	_ =	shalt  }
0x80: {  	_ =	shalt  }
0x81: {  	_ =	shalt  }
0x82: {  	_ =	shalt  }
0x83: {  	_ =	shalt  }
0x84: {  	_ =	shalt  }
0x85: {  	_ =	shalt  }
0x86: {  	_ =	shalt  }
0x87: {  	_ =	shalt  }
.Lfunc_end0:
.L_simem_size_0:
called_computation_lowered:
.L_overlay_start_0:
0x88: {  	s2 =	sld [smem:$0x3FD9]  }
0x89: {  	s3 =	sld [smem:$0x3FFE];
	_ =	sdelay $0x1  }
0x8a: {  	s1 =	srdreg.scid  }
0x8b: {  	s0 =	sand.u32 $0x1, s1  }
0x8c: {  	s15 =	sshll.u32 s0, $0xA;
	s2 =	sadd.s32 s3, s2  }
0x8d: {  	s2 =	sadd.s32 s2, s15  }
0x8e: {  	[smem:$0x3FC3] =	sst s2  }
0x8f: {  	_ = 	snop  }
0x90: {  	s2 =	sld [smem:$0x3FD0];
	_ =	sdelay $0x2  }
0x91: {  	s4 =	simm.s32 $0xA;
	s5 =	simm.s32 $0x10;
	s16 =	sld [smem:$0x3FC9]  }
0x92: {  	[smem:s5], [sflag:s4] =	dma.local [hbm:s2], $0x1  }
0x93: {  	_ =	swait.eq [sflag:s4], $0x1  }
0x94: {  	[sflag:s4] =	ssyncset.done $0x0  }
0x95: {  	s17 =	sld [smem:$0x12];
	[sflag:s4] =	ssyncadd.s32 $0xFFFFFFFF  }
0x96: {  	s18 =	sld [smem:$0x13];
	(tm) =	ssettm $0x1  }
0x97: {  	s19 =	sld [smem:$0x3FFB];
	_ =	sdelay $0x3  }
0x98: {  	_ =	strace s19  }
0x99: {  	s5 =	sld [smem:$0x3FFC];
	_ =	sdelay $0x3  }
0x9a: {  	_ =	strace s5  }
0x9b: {  	s5 =	sld [smem:$0x3FFD];
	_ =	sdelay $0x3  }
0x9c: {  	_ =	strace s5  }
0x9d: {  	_ =	strace $0x8FFFFFFF  }
0x9e: {  	s20 =	sld [smem:$0x3FDB];
	_ =	sdelay $0x1  }
0x9f: {  	s6 =	simm.s32 $_scs_section_size  }
0xa0: {  	s7 =	simm.s32 $_size__tile_overlayer_lowered;
	s8 =	simm.s32 $_tile_overlayer_lowered  }
0xa1: {  	s23 =	simm.s32 $0x1BFF;
	s22 =	sshll.u32 s8, $0x1;
	s5 =	sadd.s32 s6, s20  }
0xa2: {  	s9 =	simm.s32 $0x0;
	s21 =	sshll.u32 s7, $0x1;
	s7 =	sadd.s32 s22, s5  }
0xa3: {  	[timem:s9], [sflag:s23] =	dma.local [hbm:s7], s21  }
0xa4: {  	_ =	swait.ge [sflag:s23], s21  }
0xa5: {  	s6 =	ssub.s32 $0x0, s21;
	[sflag:s23] =	ssyncset.done $0x0  }
0xa6: {  	[sflag:s23] =	ssyncadd.s32 s6;
	_ =	sdelay $0x1  }
0xa7: {  	s24 =	simm.s32 $0x1B8B  }
0xa8: {  	_ =	swait.ge [sflag:s24], $0x1  }
0xa9: {  	[sflag:s24] =	ssyncset.done $0x0  }
0xaa: {  	s25 =	simm.s32 $0x1B8E;
	[sflag:s24] =	ssyncadd.s32 $0xFFFFFFFF  }
0xab: {  	s26 =	simm.s32 $execute0_lowered;
	[smem:$0x3FD2] =	sst s25  }
0xac: {  	s6 =	sshll.u32 s26, $0x1;
	_ =	strace $0x80000046;
	[dreg:$0x1] =	wrdreg $0xFFFFFFFF  }
0xad: {  	s28 =	simm.s32 $_size_execute0_lowered;
	s5 =	sadd.s32 s5, s6;
	[dreg:$0x0] =	wrdreg $0x0  }
0xae: {  	s6 =	sshll.u32 s28, $0x1;
	[dreg:$0x2] =	wrdreg s5  }
0xaf: {  	[dreg:$0x3] =	wrdreg s6  }
0xb0: {  	[dreg:$0x4] =	wrdreg $0xC0  }
0xb1: {  	_ =	task [dreg:s9], $0x5FFFF  }
0xb2: {  	[dreg:$0x1] =	wrdreg $0xFFFFFFFF  }
0xb3: {  	[dreg:$0x0] =	wrdreg $0x60  }
0xb4: {  	[dreg:$0x2] =	wrdreg s16  }
0xb5: {  	[dreg:$0x3] =	wrdreg s18  }
0xb6: {  	[dreg:$0x4] =	wrdreg s17  }
0xb7: {  	[dreg:$0x5] =	wrdreg $0x9  }
0xb8: {  	_ =	task.clear_ibuf [dreg:s9], $0x6FFFF;
	_ =	strace $0x90000046  }
0xb9: {  	s29 =	simm.s32 $0x9;
	_ =	strace $0x80000048  }
0xba: {  	_ =	swait.ge [sflag:s29], $0x1  }
0xbb: {  	[sflag:s29] =	ssyncadd.s32 $0xFFFFFFFF  }
0xbc: {  	_ =	strace $0x90000048  }
0xbd: {  	_ =	sfence  }
0xbe: {  	s30 =	sld [smem:$0x0];
	_ =	sdelay $0x2  }
0xbf: {  	s31 =	sshll.u32 s1, $0xD;
	s1 =	sshrl.u32 s1, $0x2  }
0xc0: {  	s3 =	sand.u32 $0x4000, s31;
	s1 =	sadd.s32 s1, s30  }
0xc1: {  	s0 =	sor.u32 s3, s0;
	s1 =	sshll.u32 s1, $0x11  }
0xc2: {  	s0 =	sor.u32 s1, s0  }
0xc3: {  	s0 =	sadd.s32 $0x8F2B, s0  }
0xc4: {  	[sflag:s0] =	ssyncadd.remote.s32 $0x1  }
0xc5: {  	_ =	sfence.sel $0xFFFF  }
0xc6: {  	[dreg:$0x0] =	wrdreg $0xFFFFFFFF;
	(pc) =	sbr.abs _section_cstart, $3  }
0xc7: {  	[dreg:$0x1] =	wrdreg $0xFFFFFFFF  }
0xc8: {  	_ =	task.clear_ibuf [dreg:s9], $0x2FFFF;
	_ =	strace $0x9FFFFFFF  }
0xc9: {  	(tm) =	ssettm $0x7FFFFFFF  }
tec
execute0_lowered:
.L_overlay_start_1:
0x0: {  	(tag) =	ssettag $0x1  }
0x1: {  	s3 =	rddreg [dreg:$0x0]  }
0x2: {  	s1 =	srdreg.scid;
	s9 =	rddreg [dreg:$0x1]  }
0x3: {  	s0 =	stileid.u32;
	s10 =	rddreg [dreg:$0x2]  }
0x4: {  	s2 =	simm.s32 $0x0;
	s13 =	simm.s32 $0x1;
	s14 =	simm.s32 $0x2  }
0x5: {  	s15 =	simm.s32 $0xE000;
	s16 =	simm.s32 $0x3;
	s17 =	simm.s32 $0xE080  }
0x6: {  	s18 =	simm.s32 $0x0;
	s4 =	sand.u32 $0x1, s1;
	s31 =	sshll.u32 s0, $0x1  }
0x7: {  	s1 =	rddreg [dreg:$0x3];
	s7 =	sor.u32 s4, s31;
	s4 =	ssub.s32 $0x2, s4  }
0x8: {  	[smem:$0x7FF] =	sst s2;
	s5 =	smul.u32 $0xF4280, s7;
	s6 =	sshrl.u32 s4, $0x1  }
0x9: {  	_ =	strace $0x80000047;
	s12 =	sshll.u32 s7, $0x4;
	s11 =	ssub.s32 s4, s6  }
0xa: {  	s9 =	sadd.s32 s9, s12;
	s10 =	sadd.s32 s10, s12;
	s5 =	sshrl.u32 s5, $0x3  }
0xb: {  	s12 =	simm.s32 $0x7000;
	s11 =	smax.u32 s11, $0x1;
	s8 =	sadd.s32 s3, s5  }
0xc: {  	s3 =	sadd.s32 $0x1A000, s8;
	s4 =	sadd.s32 $0x1AE00, s8;
	s5 =	sadd.s32 $0x1BC00, s8  }
0xd: {  	s6 =	sadd.s32 $0x1CA00, s8;
	s7 =	sadd.s32 $0x1D800, s8;
	s8 =	sadd.s32 $0x1E600, s8  }
.LBB2_1:
0xe: {  	[tilespmem:s2], [sflag:$0x1] =	stream.linear.gather [hbm4b:s3+s2], $0x7000, $0x38;
	[tilespmem:$0xE100] =	vst v63  }
0xf: {  	_ = 	snop  }
0x10: {  	[tilespmem:s12], [sflag:$0x2] =	stream.linear.gather [hbm4b:s4+s2], $0x7000, $0x38;
	[tilespmem:$0xE100] =	vst v63  }
0x11: {  	_ =	swait.ge [sflag:s13], $0x7000  }
0x12: {  	[sflag:s13] =	ssyncset.done $0x0  }
0x13: {  	s21 =	simm.s32 $0x0;
	[sflag:s13] =	ssyncadd.s32 $0xFFFF9000  }
0x14: {  	v0 =	vld [tilespmem:s21+$0xF0]  }
0x15: {  	v1 =	vld [tilespmem:s21+$0x0]  }
0x16: {  	v2 =	vld [tilespmem:s21+$0x10]  }
0x17: {  	v5 =	vld [tilespmem:s21+$0x20]  }
0x18: {  	v6 =	vld [tilespmem:s21+$0x30]  }
0x19: {  	v7 =	vld [tilespmem:s21+$0x40]  }
0x1a: {  	v8 =	vld [tilespmem:s21+$0x50]  }
0x1b: {  	v9 =	vld [tilespmem:s21+$0x60]  }
0x1c: {  	v10 =	vld [tilespmem:s21+$0x70]  }
0x1d: {  	v12 =	vld [tilespmem:s21+$0x80]  }
0x1e: {  	v11 =	vimm.f32 $-Inf;
	v13 =	vld [tilespmem:s21+$0x90]  }
0x1f: {  	v14 =	vimm.f32 $-Inf;
	v15 =	vimm.f32 $-Inf;
	v16 =	vld [tilespmem:s21+$0xA0];
	v3 =	vmax.f32 v11, v0  }
0x20: {  	v17 =	vld [tilespmem:s21+$0xB0];
	v4 =	vmax.f32 v11, v1;
	v0 =	vmax.f32 v11, v2;
	v5 =	vmax.f32 v11, v5  }
0x21: {  	v18 =	vld [tilespmem:s21+$0xC0];
	v6 =	vmax.f32 v11, v6;
	v1 =	vmax.f32 v11, v7;
	v7 =	vmax.f32 v11, v8  }
0x22: {  	v19 =	vld [tilespmem:s21+$0xD0];
	v8 =	vmax.f32 v11, v9;
	v2 =	vmax.f32 v11, v10;
	v9 =	vmax.f32 v11, v12  }
0x23: {  	s19 =	simm.s32 $0x100;
	s20 =	simm.s32 $0x800;
	v20 =	vld [tilespmem:s21+$0xE0];
	v10 =	vmax.f32 v11, v13;
	v12 =	vimm.f32 $-Inf;
	v13 =	vimm.f32 $-Inf  }
.LBB2_2:
0x24: {  	p0 =	sne.s32 s20, $0x1BC00;
	v21 =	vld [tilespmem:s19+$0xF0];
	v11 =	vmax.f32 v11, v16  }
0x25: {  	v16 =	vld [tilespmem:s19+$0x0];
	v12 =	vmax.f32 v12, v17  }
0x26: {  	v17 =	vld [tilespmem:s19+$0x10];
	v14 =	vmax.f32 v14, v18  }
0x27: {  	v18 =	vld [tilespmem:s19+$0x20];
	v15 =	vmax.f32 v15, v19  }
0x28: {  	v19 =	vld [tilespmem:s19+$0x30];
	v13 =	vmax.f32 v13, v20  }
0x29: {  	v20 =	vld [tilespmem:s19+$0x40];
	v3 =	vmax.f32 v3, v21  }
0x2a: {  	v4 =	vmax.f32 v4, v16;
	v16 =	vld [tilespmem:s19+$0x50]  }
0x2b: {  	v0 =	vmax.f32 v0, v17;
	v17 =	vld [tilespmem:s19+$0x60]  }
0x2c: {  	v5 =	vmax.f32 v5, v18;
	v18 =	vld [tilespmem:s19+$0x70]  }
0x2d: {  	v6 =	vmax.f32 v6, v19;
	v19 =	vld [tilespmem:s19+$0x80]  }
0x2e: {  	v1 =	vmax.f32 v1, v20;
	v20 =	vld [tilespmem:s19+$0x90]  }
.Ltmp0:
0x2f: {  	v7 =	vmax.f32 v7, v16;
	v16 =	vld [tilespmem:s19+$0xA0];
	(pc) =	sbr.rel @p0 .LBB2_2-.Ltmp0, $4  }
0x30: {  	v8 =	vmax.f32 v8, v17;
	v17 =	vld [tilespmem:s19+$0xB0]  }
0x31: {  	v2 =	vmax.f32 v2, v18;
	v18 =	vld [tilespmem:s19+$0xC0]  }
0x32: {  	v9 =	vmax.f32 v9, v19;
	v19 =	vld [tilespmem:s19+$0xD0]  }
0x33: {  	v10 =	vmax.f32 v10, v20;
	v20 =	vld [tilespmem:s19+$0xE0];
	s19 =	sshra.s32 s20, $0x2;
	s20 =	sadd.s32 $0x400, s20  }
0x34: {  	v21 =	vld [tilespmem:s19+$0xF0]  }
0x35: {  	v22 =	vld [tilespmem:s19+$0x0]  }
0x36: {  	v23 =	vld [tilespmem:s19+$0x10]  }
0x37: {  	v24 =	vld [tilespmem:s19+$0x20]  }
0x38: {  	v25 =	vld [tilespmem:s19+$0x30]  }
0x39: {  	v26 =	vld [tilespmem:s19+$0x40]  }
0x3a: {  	v27 =	vld [tilespmem:s19+$0x50]  }
0x3b: {  	v28 =	vld [tilespmem:s19+$0x60]  }
0x3c: {  	v29 =	vld [tilespmem:s19+$0x70]  }
0x3d: {  	v30 =	vld [tilespmem:s19+$0x80]  }
0x3e: {  	v31 =	vld [tilespmem:s19+$0x90]  }
0x3f: {  	v32 =	vld [tilespmem:s19+$0xA0]  }
0x40: {  	v33 =	vld [tilespmem:s19+$0xB0]  }
0x41: {  	v34 =	vld [tilespmem:s19+$0xC0]  }
0x42: {  	v35 =	vld [tilespmem:s19+$0xD0];
	s31 =	simm.s32 $0x0  }
0x43: {  	v36 =	vld [tilespmem:s19+$0xE0];
	[tilespmem:s31], [sflag:$0x1] =	stream.linear.gather [hbm4b:s5+s31], $0x7000, $0x38  }
0x44: {  	_ =	swait.ge [sflag:s14], $0x7000  }
0x45: {  	[sflag:s14] =	ssyncset.done $0x0;
	v3 =	vmax.f32 v3, v21  }
0x46: {  	s21 =	simm.s32 $0x0;
	[sflag:s14] =	ssyncadd.s32 $0xFFFF9000;
	v0 =	vmax.f32 v0, v23;
	[tilespmem:$0x1FF00] =	vst v3  }
0x47: {  	v37 =	vld [tilespmem:s21+$0x70F0];
	[tilespmem:$0x1FF20] =	vst v0;
	v0 =	vmax.f32 v5, v24  }
0x48: {  	v38 =	vld [tilespmem:s21+$0x7000];
	[tilespmem:$0x1FF30] =	vst v0;
	v0 =	vmax.f32 v6, v25  }
0x49: {  	v40 =	vld [tilespmem:s21+$0x7020];
	[tilespmem:$0x1FF40] =	vst v0;
	v0 =	vmax.f32 v1, v26  }
0x4a: {  	v41 =	vld [tilespmem:s21+$0x7030];
	[tilespmem:$0x1FF50] =	vst v0;
	v0 =	vmax.f32 v7, v27  }
0x4b: {  	v12 =	vmax.f32 v12, v17;
	v17 =	vld [tilespmem:s21+$0x7040];
	[tilespmem:$0x1FF60] =	vst v0;
	v0 =	vmax.f32 v8, v28  }
0x4c: {  	v14 =	vmax.f32 v14, v18;
	v18 =	vld [tilespmem:s21+$0x7050];
	[tilespmem:$0x1FF70] =	vst v0;
	v0 =	vmax.f32 v2, v29  }
0x4d: {  	v15 =	vmax.f32 v15, v19;
	v19 =	vld [tilespmem:s21+$0x7060];
	[tilespmem:$0x1FF80] =	vst v0;
	v0 =	vmax.f32 v9, v30  }
0x4e: {  	v11 =	vmax.f32 v11, v16;
	v13 =	vmax.f32 v13, v20;
	v20 =	vld [tilespmem:s21+$0x7070];
	[tilespmem:$0x1FF90] =	vst v0;
	v0 =	vmax.f32 v10, v31  }
0x4f: {  	v39 =	vld [tilespmem:s21+$0x7010];
	[tilespmem:$0x1FFA0] =	vst v0;
	v0 =	vmax.f32 v11, v32  }
0x50: {  	v3 =	vmax.f32 v4, v22;
	v9 =	vld [tilespmem:s21+$0x7080];
	v11 =	vimm.f32 $-Inf;
	[tilespmem:$0x1FFB0] =	vst v0;
	v0 =	vmax.f32 v12, v33  }
0x51: {  	[tilespmem:$0x1FF10] =	vst v3;
	v10 =	vld [tilespmem:s21+$0x7090];
	v3 =	vmax.f32 v11, v37;
	v4 =	vmax.f32 v11, v38;
	v5 =	vmax.f32 v11, v40  }
0x52: {  	v16 =	vld [tilespmem:s21+$0x70A0];
	v6 =	vmax.f32 v11, v41;
	v1 =	vmax.f32 v11, v17;
	v7 =	vmax.f32 v11, v18  }
0x53: {  	v17 =	vld [tilespmem:s21+$0x70B0];
	v8 =	vmax.f32 v11, v19;
	v2 =	vmax.f32 v11, v20;
	[tilespmem:$0x1FFC0] =	vst v0;
	v0 =	vmax.f32 v14, v34  }
0x54: {  	v18 =	vld [tilespmem:s21+$0x70C0];
	v12 =	vimm.f32 $-Inf;
	v14 =	vimm.f32 $-Inf;
	[tilespmem:$0x1FFD0] =	vst v0;
	v0 =	vmax.f32 v15, v35  }
0x55: {  	v19 =	vld [tilespmem:s21+$0x70D0];
	v9 =	vmax.f32 v11, v9;
	v15 =	vimm.f32 $-Inf;
	[tilespmem:$0x1FFE0] =	vst v0;
	v0 =	vmax.f32 v13, v36  }
0x56: {  	s19 =	simm.s32 $0x100;
	s20 =	simm.s32 $0x800;
	v20 =	vld [tilespmem:s21+$0x70E0];
	v10 =	vmax.f32 v11, v10;
	v13 =	vimm.f32 $-Inf;
	[tilespmem:$0x1FFF0] =	vst v0;
	v0 =	vmax.f32 v11, v39  }
.LBB2_4:
0x57: {  	p0 =	sne.s32 s20, $0x1BC00;
	v21 =	vld [tilespmem:s19+$0x70F0];
	v11 =	vmax.f32 v11, v16  }
0x58: {  	v16 =	vld [tilespmem:s19+$0x7000];
	v12 =	vmax.f32 v12, v17  }
0x59: {  	v17 =	vld [tilespmem:s19+$0x7010];
	v14 =	vmax.f32 v14, v18  }
0x5a: {  	v18 =	vld [tilespmem:s19+$0x7020];
	v15 =	vmax.f32 v15, v19  }
0x5b: {  	v19 =	vld [tilespmem:s19+$0x7030];
	v13 =	vmax.f32 v13, v20  }
0x5c: {  	v20 =	vld [tilespmem:s19+$0x7040];
	v3 =	vmax.f32 v3, v21  }
0x5d: {  	v4 =	vmax.f32 v4, v16;
	v16 =	vld [tilespmem:s19+$0x7050]  }
0x5e: {  	v0 =	vmax.f32 v0, v17;
	v17 =	vld [tilespmem:s19+$0x7060]  }
0x5f: {  	v5 =	vmax.f32 v5, v18;
	v18 =	vld [tilespmem:s19+$0x7070]  }
0x60: {  	v6 =	vmax.f32 v6, v19;
	v19 =	vld [tilespmem:s19+$0x7080]  }
0x61: {  	v1 =	vmax.f32 v1, v20;
	v20 =	vld [tilespmem:s19+$0x7090]  }
.Ltmp1:
0x62: {  	v7 =	vmax.f32 v7, v16;
	v16 =	vld [tilespmem:s19+$0x70A0];
	(pc) =	sbr.rel @p0 .LBB2_4-.Ltmp1, $4  }
0x63: {  	v8 =	vmax.f32 v8, v17;
	v17 =	vld [tilespmem:s19+$0x70B0]  }
0x64: {  	v2 =	vmax.f32 v2, v18;
	v18 =	vld [tilespmem:s19+$0x70C0]  }
0x65: {  	v9 =	vmax.f32 v9, v19;
	v19 =	vld [tilespmem:s19+$0x70D0]  }
0x66: {  	v10 =	vmax.f32 v10, v20;
	v20 =	vld [tilespmem:s19+$0x70E0];
	s19 =	sshra.s32 s20, $0x2;
	s20 =	sadd.s32 $0x400, s20  }
0x67: {  	v21 =	vld [tilespmem:s19+$0x70F0]  }
0x68: {  	v22 =	vld [tilespmem:s19+$0x7000]  }
0x69: {  	v23 =	vld [tilespmem:s19+$0x7010]  }
0x6a: {  	v24 =	vld [tilespmem:s19+$0x7020]  }
0x6b: {  	v25 =	vld [tilespmem:s19+$0x7030]  }
0x6c: {  	v26 =	vld [tilespmem:s19+$0x7040]  }
0x6d: {  	v27 =	vld [tilespmem:s19+$0x7050]  }
0x6e: {  	v28 =	vld [tilespmem:s19+$0x7060]  }
0x6f: {  	v29 =	vld [tilespmem:s19+$0x7070]  }
0x70: {  	v30 =	vld [tilespmem:s19+$0x7080]  }
0x71: {  	v31 =	vld [tilespmem:s19+$0x7090]  }
0x72: {  	v32 =	vld [tilespmem:s19+$0x70A0]  }
0x73: {  	v33 =	vld [tilespmem:s19+$0x70B0]  }
0x74: {  	v34 =	vld [tilespmem:s19+$0x70C0]  }
0x75: {  	v35 =	vld [tilespmem:s19+$0x70D0];
	s31 =	simm.s32 $0x0  }
0x76: {  	v36 =	vld [tilespmem:s19+$0x70E0];
	[tilespmem:s12], [sflag:$0x2] =	stream.linear.gather [hbm4b:s6+s31], $0x7000, $0x38  }
0x77: {  	_ =	swait.ge [sflag:s13], $0x7000  }
0x78: {  	[sflag:s13] =	ssyncset.done $0x0;
	v3 =	vmax.f32 v3, v21  }
0x79: {  	s21 =	simm.s32 $0x0;
	[sflag:s13] =	ssyncadd.s32 $0xFFFF9000;
	v0 =	vmax.f32 v0, v23;
	[tilespmem:$0x1FE00] =	vst v3  }
0x7a: {  	v37 =	vld [tilespmem:s21+$0xF0];
	[tilespmem:$0x1FE20] =	vst v0;
	v0 =	vmax.f32 v5, v24  }
0x7b: {  	v38 =	vld [tilespmem:s21+$0x0];
	[tilespmem:$0x1FE30] =	vst v0;
	v0 =	vmax.f32 v6, v25  }
0x7c: {  	v40 =	vld [tilespmem:s21+$0x20];
	[tilespmem:$0x1FE40] =	vst v0;
	v0 =	vmax.f32 v1, v26  }
0x7d: {  	v41 =	vld [tilespmem:s21+$0x30];
	[tilespmem:$0x1FE50] =	vst v0;
	v0 =	vmax.f32 v7, v27  }
0x7e: {  	v12 =	vmax.f32 v12, v17;
	v17 =	vld [tilespmem:s21+$0x40];
	[tilespmem:$0x1FE60] =	vst v0;
	v0 =	vmax.f32 v8, v28  }
0x7f: {  	v14 =	vmax.f32 v14, v18;
	v18 =	vld [tilespmem:s21+$0x50];
	[tilespmem:$0x1FE70] =	vst v0;
	v0 =	vmax.f32 v2, v29  }
0x80: {  	v15 =	vmax.f32 v15, v19;
	v19 =	vld [tilespmem:s21+$0x60];
	[tilespmem:$0x1FE80] =	vst v0;
	v0 =	vmax.f32 v9, v30  }
0x81: {  	v11 =	vmax.f32 v11, v16;
	v13 =	vmax.f32 v13, v20;
	v20 =	vld [tilespmem:s21+$0x70];
	[tilespmem:$0x1FE90] =	vst v0;
	v0 =	vmax.f32 v10, v31  }
0x82: {  	v39 =	vld [tilespmem:s21+$0x10];
	[tilespmem:$0x1FEA0] =	vst v0;
	v0 =	vmax.f32 v11, v32  }
0x83: {  	v3 =	vmax.f32 v4, v22;
	v9 =	vld [tilespmem:s21+$0x80];
	v11 =	vimm.f32 $-Inf;
	[tilespmem:$0x1FEB0] =	vst v0;
	v0 =	vmax.f32 v12, v33  }
0x84: {  	[tilespmem:$0x1FE10] =	vst v3;
	v10 =	vld [tilespmem:s21+$0x90];
	v3 =	vmax.f32 v11, v37;
	v4 =	vmax.f32 v11, v38;
	v5 =	vmax.f32 v11, v40  }
0x85: {  	v16 =	vld [tilespmem:s21+$0xA0];
	v6 =	vmax.f32 v11, v41;
	v1 =	vmax.f32 v11, v17;
	v7 =	vmax.f32 v11, v18  }
0x86: {  	v17 =	vld [tilespmem:s21+$0xB0];
	v8 =	vmax.f32 v11, v19;
	v2 =	vmax.f32 v11, v20;
	[tilespmem:$0x1FEC0] =	vst v0;
	v0 =	vmax.f32 v14, v34  }
0x87: {  	v18 =	vld [tilespmem:s21+$0xC0];
	v12 =	vimm.f32 $-Inf;
	v14 =	vimm.f32 $-Inf;
	[tilespmem:$0x1FED0] =	vst v0;
	v0 =	vmax.f32 v15, v35  }
0x88: {  	v19 =	vld [tilespmem:s21+$0xD0];
	v9 =	vmax.f32 v11, v9;
	v15 =	vimm.f32 $-Inf;
	[tilespmem:$0x1FEE0] =	vst v0;
	v0 =	vmax.f32 v13, v36  }
0x89: {  	s19 =	simm.s32 $0x100;
	s20 =	simm.s32 $0x800;
	v20 =	vld [tilespmem:s21+$0xE0];
	v10 =	vmax.f32 v11, v10;
	v13 =	vimm.f32 $-Inf;
	[tilespmem:$0x1FEF0] =	vst v0;
	v0 =	vmax.f32 v11, v39  }
.LBB2_6:
0x8a: {  	p0 =	sne.s32 s20, $0x1BC00;
	v21 =	vld [tilespmem:s19+$0xF0];
	v11 =	vmax.f32 v11, v16  }
0x8b: {  	v16 =	vld [tilespmem:s19+$0x0];
	v12 =	vmax.f32 v12, v17  }
0x8c: {  	v17 =	vld [tilespmem:s19+$0x10];
	v14 =	vmax.f32 v14, v18  }
0x8d: {  	v18 =	vld [tilespmem:s19+$0x20];
	v15 =	vmax.f32 v15, v19  }
0x8e: {  	v19 =	vld [tilespmem:s19+$0x30];
	v13 =	vmax.f32 v13, v20  }
0x8f: {  	v20 =	vld [tilespmem:s19+$0x40];
	v3 =	vmax.f32 v3, v21  }
0x90: {  	v4 =	vmax.f32 v4, v16;
	v16 =	vld [tilespmem:s19+$0x50]  }
0x91: {  	v0 =	vmax.f32 v0, v17;
	v17 =	vld [tilespmem:s19+$0x60]  }
0x92: {  	v5 =	vmax.f32 v5, v18;
	v18 =	vld [tilespmem:s19+$0x70]  }
0x93: {  	v6 =	vmax.f32 v6, v19;
	v19 =	vld [tilespmem:s19+$0x80]  }
0x94: {  	v1 =	vmax.f32 v1, v20;
	v20 =	vld [tilespmem:s19+$0x90]  }
.Ltmp2:
0x95: {  	v7 =	vmax.f32 v7, v16;
	v16 =	vld [tilespmem:s19+$0xA0];
	(pc) =	sbr.rel @p0 .LBB2_6-.Ltmp2, $4  }
0x96: {  	v8 =	vmax.f32 v8, v17;
	v17 =	vld [tilespmem:s19+$0xB0]  }
0x97: {  	v2 =	vmax.f32 v2, v18;
	v18 =	vld [tilespmem:s19+$0xC0]  }
0x98: {  	v9 =	vmax.f32 v9, v19;
	v19 =	vld [tilespmem:s19+$0xD0]  }
0x99: {  	v10 =	vmax.f32 v10, v20;
	v20 =	vld [tilespmem:s19+$0xE0];
	s19 =	sshra.s32 s20, $0x2;
	s20 =	sadd.s32 $0x400, s20  }
0x9a: {  	v21 =	vld [tilespmem:s19+$0xF0]  }
0x9b: {  	v22 =	vld [tilespmem:s19+$0x0]  }
0x9c: {  	v23 =	vld [tilespmem:s19+$0x10]  }
0x9d: {  	v24 =	vld [tilespmem:s19+$0x20]  }
0x9e: {  	v25 =	vld [tilespmem:s19+$0x30]  }
0x9f: {  	v26 =	vld [tilespmem:s19+$0x40]  }
0xa0: {  	v27 =	vld [tilespmem:s19+$0x50]  }
0xa1: {  	v28 =	vld [tilespmem:s19+$0x60]  }
0xa2: {  	v29 =	vld [tilespmem:s19+$0x70]  }
0xa3: {  	v30 =	vld [tilespmem:s19+$0x80]  }
0xa4: {  	v31 =	vld [tilespmem:s19+$0x90]  }
0xa5: {  	v32 =	vld [tilespmem:s19+$0xA0]  }
0xa6: {  	v33 =	vld [tilespmem:s19+$0xB0]  }
0xa7: {  	v34 =	vld [tilespmem:s19+$0xC0]  }
0xa8: {  	v35 =	vld [tilespmem:s19+$0xD0];
	s31 =	simm.s32 $0x0  }
0xa9: {  	v36 =	vld [tilespmem:s19+$0xE0];
	[tilespmem:s31], [sflag:$0x1] =	stream.linear.gather [hbm4b:s7+s31], $0x7000, $0x38  }
0xaa: {  	_ =	swait.ge [sflag:s14], $0x7000  }
0xab: {  	[sflag:s14] =	ssyncset.done $0x0;
	v3 =	vmax.f32 v3, v21  }
0xac: {  	s21 =	simm.s32 $0x0;
	[sflag:s14] =	ssyncadd.s32 $0xFFFF9000;
	v0 =	vmax.f32 v0, v23;
	[tilespmem:$0x1FD00] =	vst v3  }
0xad: {  	v37 =	vld [tilespmem:s21+$0x70F0];
	[tilespmem:$0x1FD20] =	vst v0;
	v0 =	vmax.f32 v5, v24  }
0xae: {  	v49 =	vld [tilespmem:s21+$0x7000];
	[tilespmem:$0x1FD30] =	vst v0;
	v0 =	vmax.f32 v6, v25  }
0xaf: {  	v51 =	vld [tilespmem:s21+$0x7020];
	[tilespmem:$0x1FD40] =	vst v0;
	v0 =	vmax.f32 v1, v26  }
0xb0: {  	v52 =	vld [tilespmem:s21+$0x7030];
	[tilespmem:$0x1FD50] =	vst v0;
	v0 =	vmax.f32 v7, v27  }
0xb1: {  	v12 =	vmax.f32 v12, v17;
	v17 =	vld [tilespmem:s21+$0x7040];
	[tilespmem:$0x1FD60] =	vst v0;
	v0 =	vmax.f32 v8, v28  }
0xb2: {  	v14 =	vmax.f32 v14, v18;
	v18 =	vld [tilespmem:s21+$0x7050];
	[tilespmem:$0x1FD70] =	vst v0;
	v0 =	vmax.f32 v2, v29  }
0xb3: {  	v15 =	vmax.f32 v15, v19;
	v19 =	vld [tilespmem:s21+$0x7060];
	[tilespmem:$0x1FD80] =	vst v0;
	v0 =	vmax.f32 v9, v30  }
0xb4: {  	v11 =	vmax.f32 v11, v16;
	v13 =	vmax.f32 v13, v20;
	v20 =	vld [tilespmem:s21+$0x7070];
	[tilespmem:$0x1FD90] =	vst v0;
	v0 =	vmax.f32 v10, v31  }
0xb5: {  	v50 =	vld [tilespmem:s21+$0x7010];
	[tilespmem:$0x1FDA0] =	vst v0;
	v0 =	vmax.f32 v11, v32  }
0xb6: {  	v3 =	vmax.f32 v4, v22;
	v9 =	vld [tilespmem:s21+$0x7080];
	v11 =	vimm.f32 $-Inf;
	[tilespmem:$0x1FDB0] =	vst v0;
	v0 =	vmax.f32 v12, v33  }
0xb7: {  	[tilespmem:$0x1FD10] =	vst v3;
	v10 =	vld [tilespmem:s21+$0x7090];
	v3 =	vmax.f32 v11, v37;
	v4 =	vmax.f32 v11, v49;
	v5 =	vmax.f32 v11, v51  }
0xb8: {  	v16 =	vld [tilespmem:s21+$0x70A0];
	v6 =	vmax.f32 v11, v52;
	v1 =	vmax.f32 v11, v17;
	v7 =	vmax.f32 v11, v18  }
0xb9: {  	v17 =	vld [tilespmem:s21+$0x70B0];
	v8 =	vmax.f32 v11, v19;
	v2 =	vmax.f32 v11, v20;
	[tilespmem:$0x1FDC0] =	vst v0;
	v0 =	vmax.f32 v14, v34  }
0xba: {  	v18 =	vld [tilespmem:s21+$0x70C0];
	v12 =	vimm.f32 $-Inf;
	v14 =	vimm.f32 $-Inf;
	[tilespmem:$0x1FDD0] =	vst v0;
	v0 =	vmax.f32 v15, v35  }
0xbb: {  	v19 =	vld [tilespmem:s21+$0x70D0];
	v9 =	vmax.f32 v11, v9;
	v15 =	vimm.f32 $-Inf;
	[tilespmem:$0x1FDE0] =	vst v0;
	v0 =	vmax.f32 v13, v36  }
0xbc: {  	s19 =	simm.s32 $0x100;
	s20 =	simm.s32 $0x800;
	v20 =	vld [tilespmem:s21+$0x70E0];
	v10 =	vmax.f32 v11, v10;
	v13 =	vimm.f32 $-Inf;
	[tilespmem:$0x1FDF0] =	vst v0;
	v0 =	vmax.f32 v11, v50  }
.LBB2_8:
0xbd: {  	p0 =	sne.s32 s20, $0x1BC00;
	v21 =	vld [tilespmem:s19+$0x70F0];
	v11 =	vmax.f32 v11, v16  }
0xbe: {  	v16 =	vld [tilespmem:s19+$0x7000];
	v12 =	vmax.f32 v12, v17  }
0xbf: {  	v17 =	vld [tilespmem:s19+$0x7010];
	v14 =	vmax.f32 v14, v18  }
0xc0: {  	v18 =	vld [tilespmem:s19+$0x7020];
	v15 =	vmax.f32 v15, v19  }
0xc1: {  	v19 =	vld [tilespmem:s19+$0x7030];
	v13 =	vmax.f32 v13, v20  }
0xc2: {  	v20 =	vld [tilespmem:s19+$0x7040];
	v3 =	vmax.f32 v3, v21  }
0xc3: {  	v4 =	vmax.f32 v4, v16;
	v16 =	vld [tilespmem:s19+$0x7050]  }
0xc4: {  	v0 =	vmax.f32 v0, v17;
	v17 =	vld [tilespmem:s19+$0x7060]  }
0xc5: {  	v5 =	vmax.f32 v5, v18;
	v18 =	vld [tilespmem:s19+$0x7070]  }
0xc6: {  	v6 =	vmax.f32 v6, v19;
	v19 =	vld [tilespmem:s19+$0x7080]  }
0xc7: {  	v1 =	vmax.f32 v1, v20;
	v20 =	vld [tilespmem:s19+$0x7090]  }
.Ltmp3:
0xc8: {  	v7 =	vmax.f32 v7, v16;
	v16 =	vld [tilespmem:s19+$0x70A0];
	(pc) =	sbr.rel @p0 .LBB2_8-.Ltmp3, $4  }
0xc9: {  	v8 =	vmax.f32 v8, v17;
	v17 =	vld [tilespmem:s19+$0x70B0]  }
0xca: {  	v2 =	vmax.f32 v2, v18;
	v18 =	vld [tilespmem:s19+$0x70C0]  }
0xcb: {  	v9 =	vmax.f32 v9, v19;
	v19 =	vld [tilespmem:s19+$0x70D0]  }
0xcc: {  	v10 =	vmax.f32 v10, v20;
	v20 =	vld [tilespmem:s19+$0x70E0];
	s19 =	sshra.s32 s20, $0x2;
	s20 =	sadd.s32 $0x400, s20  }
0xcd: {  	v21 =	vld [tilespmem:s19+$0x70F0]  }
0xce: {  	v22 =	vld [tilespmem:s19+$0x7000]  }
0xcf: {  	v23 =	vld [tilespmem:s19+$0x7010]  }
0xd0: {  	v24 =	vld [tilespmem:s19+$0x7020]  }
0xd1: {  	v25 =	vld [tilespmem:s19+$0x7030]  }
0xd2: {  	v26 =	vld [tilespmem:s19+$0x7040]  }
0xd3: {  	v27 =	vld [tilespmem:s19+$0x7050]  }
0xd4: {  	v28 =	vld [tilespmem:s19+$0x7060]  }
0xd5: {  	v29 =	vld [tilespmem:s19+$0x7070]  }
0xd6: {  	v30 =	vld [tilespmem:s19+$0x7080]  }
0xd7: {  	v31 =	vld [tilespmem:s19+$0x7090]  }
0xd8: {  	v32 =	vld [tilespmem:s19+$0x70A0]  }
0xd9: {  	v33 =	vld [tilespmem:s19+$0x70B0]  }
0xda: {  	v34 =	vld [tilespmem:s19+$0x70C0]  }
0xdb: {  	v35 =	vld [tilespmem:s19+$0x70D0];
	s31 =	simm.s32 $0x0  }
0xdc: {  	v36 =	vld [tilespmem:s19+$0x70E0];
	[tilespmem:s12], [sflag:$0x2] =	stream.linear.gather [hbm4b:s8+s31], $0x1200, $0x38  }
0xdd: {  	_ =	swait.ge [sflag:s13], $0x7000  }
0xde: {  	[sflag:s13] =	ssyncset.done $0x0  }
0xdf: {  	s21 =	simm.s32 $0x0;
	[sflag:s13] =	ssyncadd.s32 $0xFFFF9000  }
0xe0: {  	v37 =	vld [tilespmem:s21+$0xF0]  }
0xe1: {  	v38 =	vld [tilespmem:s21+$0x0]  }
0xe2: {  	v39 =	vld [tilespmem:s21+$0x10]  }
0xe3: {  	v11 =	vmax.f32 v11, v16;
	v40 =	vld [tilespmem:s21+$0x20]  }
0xe4: {  	v12 =	vmax.f32 v12, v17;
	v14 =	vmax.f32 v14, v18;
	v15 =	vmax.f32 v15, v19;
	v16 =	vld [tilespmem:s21+$0x30]  }
0xe5: {  	v13 =	vmax.f32 v13, v20;
	v17 =	vld [tilespmem:s21+$0x40];
	v3 =	vmax.f32 v3, v21;
	v62 =	vmax.f32 v4, v22  }
0xe6: {  	v4 =	vld [tilespmem:s21+$0x50];
	v0 =	vmax.f32 v0, v23;
	v63 =	vmax.f32 v5, v24;
	v60 =	vmax.f32 v6, v25  }
0xe7: {  	v18 =	vld [tilespmem:s21+$0x60];
	v61 =	vmax.f32 v1, v26;
	v59 =	vmax.f32 v7, v27;
	v58 =	vmax.f32 v8, v28  }
0xe8: {  	v19 =	vld [tilespmem:s21+$0x70];
	v57 =	vmax.f32 v2, v29;
	v56 =	vmax.f32 v9, v30;
	v55 =	vmax.f32 v10, v31  }
0xe9: {  	v20 =	vld [tilespmem:s21+$0x80];
	v54 =	vmax.f32 v11, v32;
	v53 =	vmax.f32 v12, v33;
	v52 =	vmax.f32 v14, v34  }
0xea: {  	v11 =	vld [tilespmem:s21+$0x90];
	v51 =	vmax.f32 v15, v35;
	v50 =	vmax.f32 v13, v36;
	v10 =	vimm.f32 $-Inf  }
0xeb: {  	v15 =	vld [tilespmem:s21+$0xA0];
	v13 =	vimm.f32 $-Inf;
	v14 =	vimm.f32 $-Inf;
	v12 =	vimm.f32 $-Inf  }
0xec: {  	v1 =	vmax.f32 v10, v37;
	v5 =	vmax.f32 v10, v38;
	v7 =	vmax.f32 v10, v16;
	v16 =	vld [tilespmem:s21+$0xB0]  }
0xed: {  	v2 =	vmax.f32 v10, v39;
	v8 =	vmax.f32 v10, v4;
	v4 =	vmax.f32 v10, v19;
	v19 =	vld [tilespmem:s21+$0xC0]  }
0xee: {  	[tilespmem:$0x1FCF0] =	vst v3;
	v6 =	vmax.f32 v10, v40;
	v3 =	vmax.f32 v10, v17;
	v17 =	vmax.f32 v10, v20;
	v20 =	vld [tilespmem:s21+$0xD0]  }
0xef: {  	s19 =	simm.s32 $0x100;
	s20 =	simm.s32 $0x800;
	v21 =	vld [tilespmem:s21+$0xE0];
	v9 =	vmax.f32 v10, v18;
	v18 =	vmax.f32 v10, v11;
	v11 =	vimm.f32 $-Inf  }
.LBB2_10:
0xf0: {  	p0 =	sne.s32 s20, $0x1BC00;
	v22 =	vld [tilespmem:s19+$0xF0];
	v10 =	vmax.f32 v10, v15  }
0xf1: {  	v15 =	vld [tilespmem:s19+$0x0];
	v11 =	vmax.f32 v11, v16  }
0xf2: {  	v16 =	vld [tilespmem:s19+$0x10];
	v13 =	vmax.f32 v13, v19  }
0xf3: {  	v19 =	vld [tilespmem:s19+$0x20];
	v14 =	vmax.f32 v14, v20  }
0xf4: {  	v20 =	vld [tilespmem:s19+$0x30];
	v12 =	vmax.f32 v12, v21  }
0xf5: {  	v21 =	vld [tilespmem:s19+$0x40];
	v1 =	vmax.f32 v1, v22  }
0xf6: {  	v5 =	vmax.f32 v5, v15;
	v15 =	vld [tilespmem:s19+$0x50]  }
0xf7: {  	v2 =	vmax.f32 v2, v16;
	v16 =	vld [tilespmem:s19+$0x60]  }
0xf8: {  	v6 =	vmax.f32 v6, v19;
	v19 =	vld [tilespmem:s19+$0x70]  }
0xf9: {  	v7 =	vmax.f32 v7, v20;
	v20 =	vld [tilespmem:s19+$0x80]  }
0xfa: {  	v3 =	vmax.f32 v3, v21;
	v21 =	vld [tilespmem:s19+$0x90]  }
.Ltmp4:
0xfb: {  	v8 =	vmax.f32 v8, v15;
	v15 =	vld [tilespmem:s19+$0xA0];
	(pc) =	sbr.rel @p0 .LBB2_10-.Ltmp4, $4  }
0xfc: {  	v9 =	vmax.f32 v9, v16;
	v16 =	vld [tilespmem:s19+$0xB0]  }
0xfd: {  	v4 =	vmax.f32 v4, v19;
	v19 =	vld [tilespmem:s19+$0xC0]  }
0xfe: {  	v17 =	vmax.f32 v17, v20;
	v20 =	vld [tilespmem:s19+$0xD0]  }
0xff: {  	v18 =	vmax.f32 v18, v21;
	v21 =	vld [tilespmem:s19+$0xE0];
	s19 =	sshra.s32 s20, $0x2;
	s20 =	sadd.s32 $0x400, s20  }
0x100: {  	v22 =	vld [tilespmem:s19+$0xF0]  }
0x101: {  	v23 =	vld [tilespmem:s19+$0x0]  }
0x102: {  	v24 =	vld [tilespmem:s19+$0x10]  }
0x103: {  	v25 =	vld [tilespmem:s19+$0x20]  }
0x104: {  	v26 =	vld [tilespmem:s19+$0x30]  }
0x105: {  	v27 =	vld [tilespmem:s19+$0x40]  }
0x106: {  	v28 =	vld [tilespmem:s19+$0x50]  }
0x107: {  	v29 =	vld [tilespmem:s19+$0x60]  }
0x108: {  	v30 =	vld [tilespmem:s19+$0x70]  }
0x109: {  	v31 =	vld [tilespmem:s19+$0x80]  }
0x10a: {  	v32 =	vld [tilespmem:s19+$0x90]  }
0x10b: {  	v33 =	vld [tilespmem:s19+$0xA0]  }
0x10c: {  	v34 =	vld [tilespmem:s19+$0xB0]  }
0x10d: {  	v35 =	vld [tilespmem:s19+$0xC0]  }
0x10e: {  	v36 =	vld [tilespmem:s19+$0xD0]  }
0x10f: {  	v37 =	vld [tilespmem:s19+$0xE0];
	_ =	swait.ge [sflag:s14], $0x1200  }
0x110: {  	[sflag:s14] =	ssyncset.done $0x0  }
0x111: {  	s21 =	simm.s32 $0x0;
	[sflag:s14] =	ssyncadd.s32 $0xFFFFEE00  }
0x112: {  	v38 =	vld [tilespmem:s21+$0x70F0]  }
0x113: {  	v39 =	vld [tilespmem:s21+$0x7000]  }
0x114: {  	v40 =	vld [tilespmem:s21+$0x7010]  }
0x115: {  	v42 =	vmax.f32 v10, v15;
	v41 =	vld [tilespmem:s21+$0x7020]  }
0x116: {  	v44 =	vmax.f32 v11, v16;
	v19 =	vmax.f32 v13, v19;
	v43 =	vld [tilespmem:s21+$0x7030];
	v20 =	vmax.f32 v14, v20  }
0x117: {  	v45 =	vld [tilespmem:s21+$0x7040];
	v21 =	vmax.f32 v12, v21;
	v1 =	vmax.f32 v1, v22;
	v15 =	vmax.f32 v5, v23  }
0x118: {  	v23 =	vld [tilespmem:s21+$0x7050];
	v16 =	vmax.f32 v2, v24;
	v14 =	vmax.f32 v6, v25;
	v13 =	vmax.f32 v7, v26  }
0x119: {  	v24 =	vld [tilespmem:s21+$0x7060];
	v12 =	vmax.f32 v3, v27;
	v11 =	vmax.f32 v8, v28;
	v10 =	vmax.f32 v9, v29  }
0x11a: {  	v25 =	vld [tilespmem:s21+$0x7070];
	v9 =	vmax.f32 v4, v30;
	v8 =	vmax.f32 v17, v31;
	v7 =	vmax.f32 v18, v32  }
0x11b: {  	v26 =	vld [tilespmem:s21+$0x7080];
	v6 =	vmax.f32 v42, v33;
	v5 =	vmax.f32 v44, v34;
	v3 =	vmax.f32 v19, v35  }
0x11c: {  	v27 =	vld [tilespmem:s21+$0x7090];
	v4 =	vmax.f32 v20, v36;
	v2 =	vmax.f32 v21, v37;
	v28 =	vimm.f32 $-Inf  }
0x11d: {  	v33 =	vld [tilespmem:s21+$0x70A0];
	v29 =	vimm.f32 $-Inf;
	v30 =	vimm.f32 $-Inf;
	v31 =	vimm.f32 $-Inf  }
0x11e: {  	v34 =	vld [tilespmem:s21+$0x70B0];
	v32 =	vimm.f32 $-Inf;
	v17 =	vmax.f32 v28, v38;
	v18 =	vmax.f32 v28, v39  }
0x11f: {  	v35 =	vld [tilespmem:s21+$0x70C0];
	v19 =	vmax.f32 v28, v40;
	v20 =	vmax.f32 v28, v41;
	v21 =	vmax.f32 v28, v43  }
0x120: {  	v36 =	vld [tilespmem:s21+$0x70D0];
	v22 =	vmax.f32 v28, v45;
	v23 =	vmax.f32 v28, v23;
	v24 =	vmax.f32 v28, v24  }
0x121: {  	s19 =	simm.s32 $0x100;
	s20 =	simm.s32 $0x800;
	v37 =	vld [tilespmem:s21+$0x70E0];
	v25 =	vmax.f32 v28, v25;
	v26 =	vmax.f32 v28, v26;
	v27 =	vmax.f32 v28, v27  }
.LBB2_12:
0x122: {  	p0 =	sne.s32 s20, $0x4400;
	v38 =	vld [tilespmem:s19+$0x70F0];
	v28 =	vmax.f32 v28, v33  }
0x123: {  	v33 =	vld [tilespmem:s19+$0x7000];
	v29 =	vmax.f32 v29, v34  }
0x124: {  	v34 =	vld [tilespmem:s19+$0x7010];
	v30 =	vmax.f32 v30, v35  }
0x125: {  	v35 =	vld [tilespmem:s19+$0x7020];
	v31 =	vmax.f32 v31, v36  }
0x126: {  	v36 =	vld [tilespmem:s19+$0x7030];
	v32 =	vmax.f32 v32, v37  }
0x127: {  	v37 =	vld [tilespmem:s19+$0x7040];
	v17 =	vmax.f32 v17, v38  }
0x128: {  	v18 =	vmax.f32 v18, v33;
	v33 =	vld [tilespmem:s19+$0x7050]  }
0x129: {  	v19 =	vmax.f32 v19, v34;
	v34 =	vld [tilespmem:s19+$0x7060]  }
0x12a: {  	v20 =	vmax.f32 v20, v35;
	v35 =	vld [tilespmem:s19+$0x7070]  }
0x12b: {  	v21 =	vmax.f32 v21, v36;
	v36 =	vld [tilespmem:s19+$0x7080]  }
0x12c: {  	v22 =	vmax.f32 v22, v37;
	v37 =	vld [tilespmem:s19+$0x7090]  }
.Ltmp5:
0x12d: {  	v23 =	vmax.f32 v23, v33;
	v33 =	vld [tilespmem:s19+$0x70A0];
	(pc) =	sbr.rel @p0 .LBB2_12-.Ltmp5, $4  }
0x12e: {  	v24 =	vmax.f32 v24, v34;
	v34 =	vld [tilespmem:s19+$0x70B0]  }
0x12f: {  	v25 =	vmax.f32 v25, v35;
	v35 =	vld [tilespmem:s19+$0x70C0]  }
0x130: {  	v26 =	vmax.f32 v26, v36;
	v36 =	vld [tilespmem:s19+$0x70D0]  }
0x131: {  	v27 =	vmax.f32 v27, v37;
	v37 =	vld [tilespmem:s19+$0x70E0];
	s19 =	sshra.s32 s20, $0x2;
	s20 =	sadd.s32 $0x400, s20  }
0x132: {  	v38 =	vld [tilespmem:s19+$0x70F0]  }
0x133: {  	v39 =	vld [tilespmem:s19+$0x7000]  }
0x134: {  	v40 =	vld [tilespmem:s19+$0x7010]  }
0x135: {  	v41 =	vld [tilespmem:s19+$0x7020]  }
0x136: {  	v42 =	vld [tilespmem:s19+$0x7030]  }
0x137: {  	v43 =	vld [tilespmem:s19+$0x7040]  }
0x138: {  	v44 =	vld [tilespmem:s19+$0x7050]  }
0x139: {  	v45 =	vld [tilespmem:s19+$0x7060]  }
0x13a: {  	v46 =	vld [tilespmem:s19+$0x7070]  }
0x13b: {  	v47 =	vld [tilespmem:s19+$0x7080]  }
0x13c: {  	v48 =	vld [tilespmem:s19+$0x7090]  }
0x13d: {  	v49 =	vld [tilespmem:s19+$0x70A0]  }
0x13e: {  	v28 =	vmax.f32 v28, v33;
	v33 =	vld [tilespmem:s19+$0x70B0]  }
0x13f: {  	v29 =	vmax.f32 v29, v34;
	v34 =	vld [tilespmem:s19+$0x70C0]  }
0x140: {  	v32 =	vmax.f32 v32, v37;
	v37 =	vld [tilespmem:$0x1FE10]  }
0x141: {  	v19 =	vmax.f32 v19, v40;
	v40 =	vld [tilespmem:s19+$0x70D0]  }
0x142: {  	v22 =	vmax.f32 v22, v43;
	v43 =	vld [tilespmem:s19+$0x70E0]  }
0x143: {  	v26 =	vmax.f32 v26, v47;
	v47 =	vld [tilespmem:$0x1FF10]  }
0x144: {  	v27 =	vmax.f32 v27, v48;
	v48 =	vld [tilespmem:$0x1FF20]  }
0x145: {  	v28 =	vmax.f32 v28, v49;
	v49 =	vld [tilespmem:$0x1FF30]  }
0x146: {  	v17 =	vmax.f32 v17, v38;
	v38 =	vld [tilespmem:$0x1FE20]  }
0x147: {  	v18 =	vmax.f32 v18, v39;
	v39 =	vld [tilespmem:$0x1FF40]  }
0x148: {  	v20 =	vmax.f32 v20, v41;
	v41 =	vld [tilespmem:$0x1FF50]  }
0x149: {  	v21 =	vmax.f32 v21, v42;
	v42 =	vld [tilespmem:$0x1FE40]  }
0x14a: {  	v23 =	vmax.f32 v23, v44;
	v44 =	vld [tilespmem:$0x1FD20]  }
0x14b: {  	v24 =	vmax.f32 v24, v45;
	v45 =	vld [tilespmem:$0x1FF60]  }
0x14c: {  	v31 =	vmax.f32 v31, v36;
	v25 =	vmax.f32 v25, v46;
	v46 =	vld [tilespmem:$0x1FE50]  }
0x14d: {  	v31 =	vmax.f32 v31, v40;
	v40 =	vld [tilespmem:$0x1FE30]  }
0x14e: {  	v32 =	vmax.f32 v32, v43;
	v43 =	vld [tilespmem:$0x1FD10]  }
0x14f: {  	v29 =	vmax.f32 v29, v33;
	v33 =	vmax.f32 v47, v48;
	v47 =	vld [tilespmem:$0x1FD30]  }
0x150: {  	v48 =	vld [tilespmem:$0x1FF70];
	v33 =	vmax.f32 v33, v49  }
0x151: {  	v49 =	vld [tilespmem:$0x1FE60];
	v33 =	vmax.f32 v33, v39  }
0x152: {  	v30 =	vmax.f32 v30, v35;
	v33 =	vmax.f32 v33, v41;
	v41 =	vld [tilespmem:$0x1FF80]  }
0x153: {  	v30 =	vmax.f32 v30, v34;
	v34 =	vmax.f32 v37, v38;
	v33 =	vmax.f32 v33, v45;
	v45 =	vld [tilespmem:$0x1FE80]  }
0x154: {  	v34 =	vmax.f32 v34, v40;
	v40 =	vld [tilespmem:$0x1FD40]  }
0x155: {  	v35 =	vmax.f32 v43, v44;
	v43 =	vld [tilespmem:$0x1FD50]  }
0x156: {  	v44 =	vld [tilespmem:$0x1FF90]  }
0x157: {  	v33 =	vmax.f32 v33, v48;
	v48 =	vld [tilespmem:$0x1FE90]  }
0x158: {  	v34 =	vmax.f32 v34, v42;
	v42 =	vld [tilespmem:$0x1FE70]  }
0x159: {  	v35 =	vmax.f32 v35, v47;
	v47 =	vld [tilespmem:$0x1FFA0]  }
0x15a: {  	v34 =	vmax.f32 v34, v46;
	v46 =	vld [tilespmem:$0x1FD60]  }
0x15b: {  	v34 =	vmax.f32 v34, v49;
	v49 =	vld [tilespmem:$0x1FD70]  }
0x15c: {  	v33 =	vmax.f32 v33, v41;
	v41 =	vld [tilespmem:$0x1FEA0]  }
0x15d: {  	v35 =	vmax.f32 v35, v40;
	v40 =	vld [tilespmem:$0x1FFB0]  }
0x15e: {  	v33 =	vmax.f32 v33, v44;
	v44 =	vld [tilespmem:$0x1FEB0]  }
0x15f: {  	v34 =	vmax.f32 v34, v42;
	v42 =	vld [tilespmem:$0x1FD80]  }
0x160: {  	v35 =	vmax.f32 v35, v43;
	v43 =	vld [tilespmem:$0x1FFC0]  }
0x161: {  	v0 =	vmax.f32 v62, v0;
	v15 =	vmax.f32 v15, v16;
	v33 =	vmax.f32 v33, v47;
	v47 =	vld [tilespmem:$0x1FEC0]  }
0x162: {  	v0 =	vmax.f32 v0, v63;
	v14 =	vmax.f32 v15, v14;
	v34 =	vmax.f32 v34, v45;
	v45 =	vld [tilespmem:$0x1FD90]  }
0x163: {  	v0 =	vmax.f32 v0, v60;
	v13 =	vmax.f32 v14, v13;
	v35 =	vmax.f32 v35, v46;
	v46 =	vld [tilespmem:$0x1FFD0]  }
0x164: {  	v0 =	vmax.f32 v0, v61;
	v12 =	vmax.f32 v13, v12;
	v34 =	vmax.f32 v34, v48;
	v48 =	vld [tilespmem:$0x1FDA0]  }
0x165: {  	v0 =	vmax.f32 v0, v59;
	v11 =	vmax.f32 v12, v11;
	v35 =	vmax.f32 v35, v49;
	v49 =	vld [tilespmem:$0x1FFE0]  }
0x166: {  	v59 =	vimm.s32 $0xD0000;
	v0 =	vmax.f32 v0, v58;
	v34 =	vmax.f32 v34, v41;
	v41 =	vld [tilespmem:$0x1FDB0]  }
0x167: {  	v10 =	vmax.f32 v11, v10;
	v0 =	vmax.f32 v0, v57;
	v33 =	vmax.f32 v33, v40;
	v40 =	vld [tilespmem:$0x1FED0]  }
0x168: {  	v9 =	vmax.f32 v10, v9;
	v0 =	vmax.f32 v0, v56;
	v34 =	vmax.f32 v34, v44;
	v44 =	vld [tilespmem:$0x1FDC0]  }
0x169: {  	v8 =	vmax.f32 v9, v8;
	v0 =	vmax.f32 v0, v55;
	v33 =	vmax.f32 v33, v43;
	v43 =	vld [tilespmem:$0x1FEE0]  }
0x16a: {  	v7 =	vmax.f32 v8, v7;
	v0 =	vmax.f32 v0, v54;
	v35 =	vmax.f32 v35, v42;
	v42 =	vld [tilespmem:$0x1FFF0]  }
0x16b: {  	v6 =	vmax.f32 v7, v6;
	v0 =	vmax.f32 v0, v53;
	v35 =	vmax.f32 v35, v45;
	v45 =	vld [tilespmem:$0x1FF00]  }
0x16c: {  	v5 =	vmax.f32 v6, v5;
	v34 =	vmax.f32 v34, v47;
	v33 =	vmax.f32 v33, v46;
	v46 =	vld [tilespmem:$0x1FEF0]  }
0x16d: {  	v47 =	vld [tilespmem:$0x1FDD0];
	v35 =	vmax.f32 v35, v48;
	v33 =	vmax.f32 v33, v49;
	v34 =	vmax.f32 v34, v40  }
0x16e: {  	v48 =	vld [tilespmem:$0x1FE00];
	v35 =	vmax.f32 v35, v41;
	v34 =	vmax.f32 v34, v43;
	v43 =	vmax.f32 v18, v19  }
0x16f: {  	v49 =	vld [tilespmem:$0x1FDE0];
	v35 =	vmax.f32 v35, v44;
	v33 =	vmax.f32 v33, v42;
	v44 =	vmax.f32 v43, v20  }
0x170: {  	v54 =	vld [tilespmem:$0x1FCF0];
	v0 =	vmax.f32 v0, v52;
	v33 =	vmax.f32 v33, v45;
	v45 =	vmax.f32 v44, v21  }
0x171: {  	v3 =	vmax.f32 v5, v3;
	v34 =	vmax.f32 v34, v46;
	v46 =	vmax.f32 v45, v22  }
0x172: {  	v0 =	vmax.f32 v0, v51;
	v40 =	vld [tilespmem:$0x1FDF0];
	v35 =	vmax.f32 v35, v47;
	v47 =	vmax.f32 v46, v23  }
0x173: {  	v3 =	vmax.f32 v3, v4;
	v41 =	vld [tilespmem:$0x1FD00];
	v34 =	vmax.f32 v34, v48;
	v48 =	vmax.f32 v47, v24  }
0x174: {  	v0 =	vmax.f32 v0, v50;
	v35 =	vmax.f32 v35, v49;
	v49 =	vmax.f32 v48, v25  }
0x175: {  	v2 =	vmax.f32 v3, v2;
	v0 =	vmax.f32 v0, v54;
	v52 =	vmax.f32 v49, v26  }
0x176: {  	v1 =	vmax.f32 v2, v1;
	vm0 =	vgt.f32 v34, v33;
	v53 =	vmax.f32 v52, v27  }
0x177: {  	v33 =	vmax.f32 v33, v34;
	v35 =	vmax.f32 v35, v40;
	v55 =	vmax.f32 v53, v28  }
0x178: {  	v3 =	vsel vm0, $0xD7000, v59;
	v34 =	vmax.f32 v35, v41;
	v56 =	vmax.f32 v55, v29  }
0x179: {  	vm1 =	vgt.f32 v34, v33;
	v42 =	vmax.f32 v33, v34;
	v57 =	vmax.f32 v56, v30  }
0x17a: {  	vm2 =	vgt.f32 v0, v42;
	v0 =	vmax.f32 v42, v0;
	v58 =	vmax.f32 v57, v31  }
0x17b: {  	v3 =	vsel vm1, $0xDE000, v3;
	vm14 =	vgt.f32 v1, v0;
	v2 =	vmax.f32 v58, v32  }
0x17c: {  	v0 =	vmax.f32 v0, v1;
	v61 =	vsel vm2, $0xE5000, v3;
	v60 =	vmax.f32 v2, v17  }
0x17d: {  	v62 =	vsel vm14, $0xEC000, v61;
	vm15 =	vgt.f32 v60, v0;
	v0 =	vmax.f32 v0, v60  }
0x17e: {  	[tilespmem:$0xE000] =	vst v0;
	v63 =	vsel vm15, $0xF3000, v62  }
0x17f: {  	[tilespmem:$0xE080] =	vst v63  }
0x180: {  	[hbm4b:s9+s2] =	stream.linear.scatter [tilespmem:s15], [sflag:$0x3], $0x80, $0x38;
	[tilespmem:$0xE100] =	vst v63  }
0x181: {  	s18 =	sadd.s32 $0x1, s18;
	_ =	swait.ge [sflag:s16], $0x80  }
0x182: {  	p0 =	sne.s32 s18, s11;
	[sflag:s16] =	ssyncset.done $0x0  }
.Ltmp6:
0x183: {  	[sflag:s16] =	ssyncadd.s32 $0xFFFFFF80;
	(pc) =	sbr.rel @p0 .LBB2_1-.Ltmp6, $4  }
0x184: {  	[hbm4b:s10+s2] =	stream.linear.scatter [tilespmem:s17], [sflag:$0x3], $0x80, $0x38;
	[tilespmem:$0xE100] =	vst v63  }
0x185: {  	_ =	swait.ge [sflag:s16], $0x80  }
0x186: {  	[sflag:s16] =	ssyncset.done $0x0  }
0x187: {  	[sflag:s16] =	ssyncadd.s32 $0xFFFFFF80  }
0x188: {  	_ =	sfence.sel $0x180000  }
0x189: {  	[bflag:$0x0] =	sbarrier.arrive $0xFFFF  }
0x18a: {  	p0 =	sne.s32 s0, $0x0;
	_ =	strace $0x90000047  }
0x18b: {  	s0 =	sadd.s32 @!p0 $0x100000, s1;
	[bflag:$0x2] =	sbarrier.arrive $0xFFFF  }
0x18c: {  	[sflag:s0] =	ssyncadd.tile.s32 @!p0 $0x1;
	_ =	shalt  }
.Lfunc_end2:
_tile_overlayer_lowered:
.L_overlay_start_2:
0x18d: {  	(tag) =	ssettag $0x2  }
0x18e: {  	s0 =	rddreg [dreg:$0x0];
	s2 =	stileid.u32  }
0x18f: {  	s1 =	rddreg [dreg:$0x1];
	p0 =	sne.s32 s2, $0x0  }
0x190: {  	s3 =	rddreg [dreg:$0x2];
	[bflag:$0x3] =	sbarrier.arrive $0xFFFF;
	s2 =	simm.s32 @!p0 $0x1C03  }
0x191: {  	[timem:s3], [sflag:s2] =	dma.local @!p0 [hbm:s0], s1  }
0x192: {  	s0 =	simm.s32 @!p0 $0x3  }
0x193: {  	_ =	swait.ge @!p0 [sflag:s0], s1  }
0x194: {  	s1 =	ssub.s32 @!p0 $0x0, s1;
	[sflag:s0] =	ssyncset.done @!p0 $0x0  }
0x195: {  	[sflag:s0] =	ssyncadd.s32 @!p0 s1  }
0x196: {  	[bflag:$0x3] =	sbarrier.arrive $0xFFFF  }
0x197: {  	_ =	shalt  }

</sc_bundles>
